<compile_context>
chip_gen: v7x
topology: tpu7x:2x2x1
jax: 0.10.2.dev20260603
libtpu: 0.0.44.dev20260713+nightly
codegen_flags: <defaults>
</compile_context>

<pallas_src>
import jax
import jax.numpy as jnp
from jax import lax
from jax.experimental import pallas as pl
from jax.experimental.pallas import tpu as pltpu
from jax.experimental.pallas import tpu_sc as plsc

_N = 10000
_D = 128
_DH = _D // 2
_NC = 2
_NS = 16
_CHUNK = 128
_N_PAD = 10112
_RPT = _N_PAD // _NS

_SC_PARAMS = pltpu.CompilerParams(use_tc_tiling_on_sc=False)


def _make_mp(cpt):
    mesh = plsc.VectorSubcoreMesh(core_axis_name="c", subcore_axis_name="s")
    nbuf = 6
    pref = 5
    assert cpt >= nbuf
    out_type = [jax.ShapeDtypeStruct((_N_PAD, _D), jnp.float32)]
    scratch = [
        pltpu.VMEM((cpt, _CHUNK), jnp.int32),
        pltpu.VMEM((cpt, _CHUNK), jnp.int32),
        [pltpu.VMEM((_CHUNK, _DH), jnp.float32)] * nbuf,
        pltpu.VMEM_SHARED((_N_PAD, _DH), jnp.float32),
        [pltpu.SemaphoreType.DMA] * nbuf,
        [pltpu.SemaphoreType.DMA] * nbuf,
    ]

    def body(h2_hbm, src_hbm, dst_hbm, zrow_hbm,
             agg_out, src_v, dst_v, bufs, agg_sh, gsem, ssem):
        c = lax.axis_index("c")
        s = lax.axis_index("s")
        pltpu.sync_copy(src_hbm.at[pl.ds(s * cpt, cpt)], src_v)
        pltpu.sync_copy(dst_hbm.at[pl.ds(s * cpt, cpt)], dst_v)
        pltpu.sync_copy(zrow_hbm, agg_sh.at[pl.ds(s * _RPT, _RPT)])
        @pl.when(c == 1)
        def _():
            def fix(j, _):
                for k in range(_CHUNK // 16):
                    src_v[j, pl.ds(k * 16, 16)] = (
                        src_v[j, pl.ds(k * 16, 16)] + 1)
                return 0
            lax.fori_loop(0, cpt, fix, 0)
        plsc.subcore_barrier()

        for k in range(pref):
            pltpu.async_copy(h2_hbm.at[src_v.at[k]], bufs[k], gsem[k])

        def step(j, _):
            for b in range(nbuf):
                @pl.when(lax.rem(j, nbuf) == b)
                def _():
                    pltpu.make_async_copy(
                        h2_hbm.at[src_v.at[j]], bufs[b], gsem[b]).wait()
                    pltpu.async_copy(bufs[b], agg_sh.at[dst_v.at[j]],
                                     ssem[b], add=True)
                    bp = (b + pref) % nbuf

                    @pl.when(j + pref < cpt)
                    def _():
                        @pl.when(j + pref >= nbuf)
                        def _():
                            pltpu.make_async_copy(
                                bufs[bp], agg_sh.at[dst_v.at[0]],
                                ssem[bp]).wait()
                        pltpu.async_copy(h2_hbm.at[src_v.at[j + pref]],
                                         bufs[bp], gsem[bp])
            return 0

        lax.fori_loop(0, cpt, step, 0)
        for b in range(nbuf):
            pltpu.make_async_copy(bufs[b], agg_sh.at[dst_v.at[0]],
                                  ssem[b]).wait()
        plsc.subcore_barrier()
        pltpu.sync_copy(agg_sh.at[pl.ds(s * _RPT, _RPT)],
                        agg_out.at[pl.ds(s * _RPT, _RPT),
                                   pl.ds(c * _DH, _DH)])

    return pl.kernel(body, out_type=out_type, mesh=mesh,
                     scratch_types=scratch, compiler_params=_SC_PARAMS)


def _make_deg(cpt):
    mesh = plsc.VectorSubcoreMesh(core_axis_name="c", subcore_axis_name="s")
    out_type = [jax.ShapeDtypeStruct((_NC, _N_PAD, 16), jnp.float32)]
    scratch = [
        pltpu.VMEM((cpt, _CHUNK), jnp.int32),
        pltpu.VMEM((_CHUNK, 16), jnp.float32),
        pltpu.VMEM_SHARED((_N_PAD, 16), jnp.float32),
        [pltpu.SemaphoreType.DMA] * 2,
    ]
    half = -(-cpt // 2)

    def body(dst_hbm, zcol_hbm, ones_hbm, deg_out, dst_v, ones_v, deg_sh,
             dsem):
        c = lax.axis_index("c")
        s = lax.axis_index("s")
        pltpu.sync_copy(dst_hbm.at[pl.ds(s * cpt, cpt)], dst_v)
        pltpu.sync_copy(ones_hbm, ones_v)
        pltpu.sync_copy(zcol_hbm, deg_sh.at[pl.ds(s * _RPT, _RPT)])
        plsc.subcore_barrier()

        def step(i, _):
            j = 2 * i + c
            for p in range(2):
                @pl.when(lax.rem(i, 2) == p)
                def _():
                    @pl.when(j < cpt)
                    def _():
                        @pl.when(i >= 2)
                        def _():
                            pltpu.make_async_copy(
                                ones_v, deg_sh.at[dst_v.at[0]],
                                dsem[p]).wait()
                        pltpu.async_copy(ones_v, deg_sh.at[dst_v.at[j]],
                                         dsem[p], add=True)
            return 0

        lax.fori_loop(0, half, step, 0)
        for p in range(2):
            pltpu.make_async_copy(ones_v, deg_sh.at[dst_v.at[0]],
                                  dsem[p]).wait()
        plsc.subcore_barrier()
        pltpu.sync_copy(deg_sh.at[pl.ds(s * _RPT, _RPT)],
                        deg_out.at[c, pl.ds(s * _RPT, _RPT)])

    return pl.kernel(body, out_type=out_type, mesh=mesh,
                     scratch_types=scratch, compiler_params=_SC_PARAMS)


def _tc_layer(first, last):

    def body(agg_ref, deg_ref, w_ref, gamma_ref, beta_ref, alpha_ref,
             out_ref, *maybe_degc):
        agg = agg_ref[:_N, :]
        if first:
            deg = jnp.maximum(deg_ref[0, :_N, 0:1] + deg_ref[1, :_N, 0:1],
                              1.0)
            maybe_degc[0][...] = deg
        else:
            deg = deg_ref[...]
        t = agg / deg
        g = jnp.dot(t, w_ref[...], preferred_element_type=jnp.float32)
        mean = jnp.mean(g, axis=0, keepdims=True)
        shifted = g - alpha_ref[...] * mean
        var = jnp.mean(shifted * shifted, axis=0, keepdims=True)
        h = shifted * lax.rsqrt(var + 1e-5) * gamma_ref[...] + beta_ref[...]
        h = jnp.maximum(h, 0.0)
        if last:
            nrm = jnp.sqrt(jnp.sum(h * h, axis=1, keepdims=True))
            h = h / jnp.maximum(nrm, 1e-12)
        out_ref[...] = h

    out_shape = [jax.ShapeDtypeStruct((_N, _D), jnp.float32)]
    if first:
        out_shape.append(jax.ShapeDtypeStruct((_N, 1), jnp.float32))
    return pl.pallas_call(body, out_shape=out_shape)


def kernel(x, edge_index, Ws, gammas, betas, alphas):
    e = edge_index.shape[1]
    cpt = -(-e // (_NS * _CHUNK))
    e_pad = _NS * cpt * _CHUNK
    src = jnp.concatenate(
        [edge_index[0] * 2, jnp.zeros((e_pad - e,), jnp.int32)]
    ).reshape(_NS * cpt, _CHUNK)
    dst = jnp.concatenate(
        [edge_index[1], jnp.full((e_pad - e,), _N, jnp.int32)]
    ).reshape(_NS * cpt, _CHUNK)
    zrow = jnp.zeros((_RPT, _DH), jnp.float32)
    zcol = jnp.zeros((_RPT, 16), jnp.float32)
    ones = jnp.ones((_CHUNK, 16), jnp.float32)

    mp = _make_mp(cpt)

    (degp,) = _make_deg(cpt)(dst, zcol, ones)
    (agg,) = mp(x.reshape(2 * _N, _DH), src, dst, zrow)
    h, degc = _tc_layer(True, False)(
        agg, degp, Ws[0], gammas[0][None, :], betas[0][None, :],
        alphas[0][None, :])
    (agg,) = mp(h.reshape(2 * _N, _DH), src, dst, zrow)
    (h,) = _tc_layer(False, False)(
        agg, degc, Ws[1], gammas[1][None, :], betas[1][None, :],
        alphas[1][None, :])
    (agg,) = mp(h.reshape(2 * _N, _DH), src, dst, zrow)
    (h,) = _tc_layer(False, True)(
        agg, degc, Ws[2], gammas[2][None, :], betas[2][None, :],
        alphas[2][None, :])
    return h

# --- scband reference (transcript-rebuilt; emitter-appended) ---
"""Pipeline reference for scband-gnnstack-stage-50955491999825 (READ-ONLY COPY).

The authoritative reference and input builder live on the scoring server;
editing this copy changes nothing except your own understanding.
"""

import jax, jax.numpy as jnp
import numpy as np

N = 10000
E = 320000
D = 128
L = 3


def setup_inputs(seed: int = 0) -> dict:
    key = jax.random.key(seed)
    k1, k2, k3 = jax.random.split(key, 3)
    x = jax.random.normal(k1, (N, D), dtype=jnp.float32)
    edge_index = jax.random.randint(k2, (2, E), 0, N, dtype=jnp.int32)
    # stacked per-layer linear weights (no bias, since GraphNorm is present)
    Ws = jax.random.normal(k3, (L, D, D), dtype=jnp.float32) * (1.0 / np.sqrt(D))
    # GraphNorm learnable params per layer: gamma (scale), beta (shift), alpha (mean-scale)
    gammas = jnp.ones((L, D), dtype=jnp.float32)
    betas = jnp.zeros((L, D), dtype=jnp.float32)
    alphas = jnp.ones((L, D), dtype=jnp.float32)
    return {"x": x, "edge_index": edge_index, "Ws": Ws, "gammas": gammas, "betas": betas, "alphas": alphas}


def reference(x, edge_index, Ws, gammas, betas, alphas):
    # GNNStackStage with stage_type='stack_gn': num_layers of (GCN-style mean-agg conv -> linear
    # -> GraphNorm -> ReLU), then final L2 normalization (cfg.gnn.l2norm=True).
    src = edge_index[0]
    dst = edge_index[1]
    deg = jax.ops.segment_sum(jnp.ones((E,), dtype=x.dtype), dst, num_segments=N)
    deg = jnp.clip(deg, 1.0)[:, None]
    h = x
    for i in range(L):
        # message passing: gather source features, scatter-add to destination, mean-normalize
        msg = jnp.take(h, src, axis=0)
        agg = jax.ops.segment_sum(msg, dst, num_segments=N)
        h = agg / deg
        # linear transform (no bias)
        h = h @ Ws[i]
        # GraphNorm over the (single) graph: normalize across nodes per feature
        mean = jnp.mean(h, axis=0, keepdims=True)
        shifted = h - alphas[i][None, :] * mean
        var = jnp.mean(shifted ** 2, axis=0, keepdims=True)
        h = shifted / jnp.sqrt(var + 1e-5) * gammas[i][None, :] + betas[i][None, :]
        # activation
        h = jax.nn.relu(h)
    # final L2 norm over feature dim
    h = h / jnp.clip(jnp.linalg.norm(h, axis=-1, keepdims=True), 1e-12)
    return h

if __name__ == "__main__":
    import jax
    _d = setup_inputs()
    print(jax.jit(kernel)(*tuple(_d.values())))

</pallas_src>

<mosaic_0001>
#map = affine_map<(d0, d1) -> (0, 0)>
#map1 = affine_map<(d0, d1) -> (0, 0, 0)>
module attributes {stable_mosaic.version = 14 : i64} {
  func.func @body(%arg0: i32, %arg1: i32, %arg2: memref<2512x128xi32, #tpu.memory_space<hbm>>, %arg3: memref<632x16xf32, #tpu.memory_space<hbm>>, %arg4: memref<128x16xf32, #tpu.memory_space<hbm>>, %arg5: memref<2x10112x16xf32, #tpu.memory_space<hbm>>, %arg6: memref<157x128xi32, #tpu.memory_space<vmem>>, %arg7: memref<128x16xf32, #tpu.memory_space<vmem>>, %arg8: memref<10112x16xf32, #tpu.memory_space<vmem_shared>>, %arg9: memref<!tpu.dma_semaphore, #tpu.memory_space<semaphore_mem>>, %arg10: memref<!tpu.dma_semaphore, #tpu.memory_space<semaphore_mem>>) attributes {dimension_semantics = [#tpu.dimension_semantics<core_parallel>, #tpu.dimension_semantics<subcore_parallel>], iteration_bounds = array<i64: 2, 16>, scalar_prefetch = 0 : i64, scratch_operands = 5 : i64, tpu.core_type = #tpu.core_type<sc_vector_subcore>, window_params = [{transform_indices = #map}, {transform_indices = #map}, {transform_indices = #map}, {transform_indices = #map1}]} {
    %mul3A = arith.constant 157 : i32
    %mul3A_0 = arith.muli %arg1, %mul3A : i32
    "tpu.region"() ({
      %run_scoped3A = tpu.sem_alloc : memref<!tpu.dma_semaphore, #tpu.memory_space<semaphore_mem>>
      %dma_start3A = arith.constant 0 : i32
      %dma_start3A_27 = tpu.memref_slice %arg2[%mul3A_0, %dma_start3A] : memref<2512x128xi32, #tpu.memory_space<hbm>> -> memref<157x128xi32, #tpu.memory_space<hbm>>
      %dma_start3A_28 = arith.constant 0 : i32
      %dma_start3A_29 = tpu.memref_slice %arg2[%mul3A_0, %dma_start3A_28] : memref<2512x128xi32, #tpu.memory_space<hbm>> -> memref<157x128xi32, #tpu.memory_space<hbm>>
      tpu.enqueue_dma source(%dma_start3A_29 : memref<157x128xi32, #tpu.memory_space<hbm>>) target(%arg6 : memref<157x128xi32, #tpu.memory_space<vmem>>) target_semaphore(%run_scoped3A : memref<!tpu.dma_semaphore, #tpu.memory_space<semaphore_mem>>)
      %dma_wait3A_30 = arith.constant 0 : i32
      %dma_wait3A_31 = tpu.memref_slice %arg2[%mul3A_0, %dma_wait3A_30] : memref<2512x128xi32, #tpu.memory_space<hbm>> -> memref<157x128xi32, #tpu.memory_space<hbm>>
      %dma_wait3A_32 = arith.constant 0 : i32
      %dma_wait3A_33 = tpu.memref_slice %arg2[%mul3A_0, %dma_wait3A_32] : memref<2512x128xi32, #tpu.memory_space<hbm>> -> memref<157x128xi32, #tpu.memory_space<hbm>>
      tpu.wait_dma2 semaphore(%run_scoped3A : memref<!tpu.dma_semaphore, #tpu.memory_space<semaphore_mem>>) src(%dma_wait3A_33 : memref<157x128xi32, #tpu.memory_space<hbm>>) dst(%arg6 : memref<157x128xi32, #tpu.memory_space<vmem>>)
      tpu.yield
    }) : () -> ()
    "tpu.region"() ({
      %run_scoped3A = tpu.sem_alloc : memref<!tpu.dma_semaphore, #tpu.memory_space<semaphore_mem>>
      tpu.enqueue_dma source(%arg4 : memref<128x16xf32, #tpu.memory_space<hbm>>) target(%arg7 : memref<128x16xf32, #tpu.memory_space<vmem>>) target_semaphore(%run_scoped3A : memref<!tpu.dma_semaphore, #tpu.memory_space<semaphore_mem>>)
      tpu.wait_dma2 semaphore(%run_scoped3A : memref<!tpu.dma_semaphore, #tpu.memory_space<semaphore_mem>>) src(%arg4 : memref<128x16xf32, #tpu.memory_space<hbm>>) dst(%arg7 : memref<128x16xf32, #tpu.memory_space<vmem>>)
      tpu.yield
    }) : () -> ()
    %mul3A_1 = arith.constant 632 : i32
    %mul3A_2 = arith.muli %arg1, %mul3A_1 : i32
    "tpu.region"() ({
      %run_scoped3A = tpu.sem_alloc : memref<!tpu.dma_semaphore, #tpu.memory_space<semaphore_mem>>
      %dma_start3A = arith.constant 0 : i32
      %dma_start3A_27 = tpu.memref_slice %arg8[%mul3A_2, %dma_start3A] : memref<10112x16xf32, #tpu.memory_space<vmem_shared>> -> memref<632x16xf32, #tpu.memory_space<vmem_shared>>
      tpu.enqueue_dma source(%arg3 : memref<632x16xf32, #tpu.memory_space<hbm>>) target(%dma_start3A_27 : memref<632x16xf32, #tpu.memory_space<vmem_shared>>) target_semaphore(%run_scoped3A : memref<!tpu.dma_semaphore, #tpu.memory_space<semaphore_mem>>)
      %dma_wait3A_28 = arith.constant 0 : i32
      %dma_wait3A_29 = tpu.memref_slice %arg8[%mul3A_2, %dma_wait3A_28] : memref<10112x16xf32, #tpu.memory_space<vmem_shared>> -> memref<632x16xf32, #tpu.memory_space<vmem_shared>>
      tpu.wait_dma2 semaphore(%run_scoped3A : memref<!tpu.dma_semaphore, #tpu.memory_space<semaphore_mem>>) src(%arg3 : memref<632x16xf32, #tpu.memory_space<hbm>>) dst(%dma_wait3A_29 : memref<632x16xf32, #tpu.memory_space<vmem_shared>>)
      tpu.yield
    }) : () -> ()
    %barrier3A = arith.constant 0 : index
    tpu.barrier barrier_id(%barrier3A)
    %scan3A = arith.constant 0 : i32
    %scan3A_3 = arith.constant 0 : i32
    %scan3A_4 = arith.constant 79 : i32
    %scan3A_5 = arith.addi %scan3A_3, %scan3A_4 : i32
    %scan3A_6 = arith.constant 1 : i32
    %scan3A_7 = scf.for %scan3A_27 = %scan3A_3 to %scan3A_5 step %scan3A_6 iter_args(%scan3A_28 = %scan3A) -> (i32)  : i32 {
      %mul3A_29 = arith.constant 2 : i32
      %mul3A_30 = arith.muli %mul3A_29, %scan3A_27 : i32
      %add3A = arith.addi %mul3A_30, %arg0 : i32
      %rem3A = arith.constant 2 : i32
      %rem3A_31 = arith.remsi %scan3A_27, %rem3A : i32
      %eq3A = arith.constant 0 : i32
      %eq3A_32 = arith.cmpi eq, %rem3A_31, %eq3A : i32
      %convert_element_type3A = arith.extui %eq3A_32 : i1 to i32
      %cond3A = arith.constant 0 : i32
      %cond3A_33 = arith.cmpi ne, %convert_element_type3A, %cond3A : i32
      scf.if %cond3A_33 {
        %lt3A = arith.constant 157 : i32
        %lt3A_42 = arith.cmpi slt, %add3A, %lt3A : i32
        %convert_element_type3A_43 = arith.extui %lt3A_42 : i1 to i32
        %cond3A_44 = arith.constant 0 : i32
        %cond3A_45 = arith.cmpi ne, %convert_element_type3A_43, %cond3A_44 : i32
        scf.if %cond3A_45 {
          %ge3A = arith.constant 2 : i32
          %ge3A_46 = arith.cmpi sge, %scan3A_27, %ge3A : i32
          %convert_element_type3A_47 = arith.extui %ge3A_46 : i1 to i32
          %cond3A_48 = arith.constant 0 : i32
          %cond3A_49 = arith.cmpi ne, %convert_element_type3A_47, %cond3A_48 : i32
          scf.if %cond3A_49 {
            %dma_wait3A_55 = arith.constant 0 : i32
            %dma_wait3A_56 = arith.constant 0 : i32
            %dma_wait3A_57 = tpu.memref_slice %arg6[%dma_wait3A_55, %dma_wait3A_56] : memref<157x128xi32, #tpu.memory_space<vmem>> -> memref<1x128xi32, #tpu.memory_space<vmem>>
            %dma_wait3A_58 = tpu.memref_squeeze %dma_wait3A_57 : memref<1x128xi32, #tpu.memory_space<vmem>> -> memref<128xi32, #tpu.memory_space<vmem>>
            %dma_wait3A_59 = arith.constant 0 : i32
            %dma_wait3A_60 = arith.constant 0 : i32
            %dma_wait3A_61 = tpu.memref_slice %arg8[%dma_wait3A_59, %dma_wait3A_60] : memref<10112x16xf32, #tpu.memory_space<vmem_shared>> -> memref<10112x16xf32, #tpu.memory_space<vmem_shared>>
            tpu.wait_indirect_dma semaphore(%arg9 : memref<!tpu.dma_semaphore, #tpu.memory_space<semaphore_mem>>) src(%arg7 : memref<128x16xf32, #tpu.memory_space<vmem>>) dst(%dma_wait3A_61 : memref<10112x16xf32, #tpu.memory_space<vmem_shared>>)
          } else {
          }
          %dma_start3A = arith.constant 0 : i32
          %dma_start3A_50 = tpu.memref_slice %arg6[%add3A, %dma_start3A] : memref<157x128xi32, #tpu.memory_space<vmem>> -> memref<1x128xi32, #tpu.memory_space<vmem>>
          %dma_start3A_51 = tpu.memref_squeeze %dma_start3A_50 : memref<1x128xi32, #tpu.memory_space<vmem>> -> memref<128xi32, #tpu.memory_space<vmem>>
          %dma_start3A_52 = arith.constant 0 : i32
          %dma_start3A_53 = arith.constant 0 : i32
          %dma_start3A_54 = tpu.memref_slice %arg8[%dma_start3A_52, %dma_start3A_53] : memref<10112x16xf32, #tpu.memory_space<vmem_shared>> -> memref<10112x16xf32, #tpu.memory_space<vmem_shared>>
          tpu.enqueue_indirect_dma source(%arg7 : memref<128x16xf32, #tpu.memory_space<vmem>>) target(%dma_start3A_54 : memref<10112x16xf32, #tpu.memory_space<vmem_shared>>) offsets(%dma_start3A_51 : memref<128xi32, #tpu.memory_space<vmem>>) semaphore(%arg9 : memref<!tpu.dma_semaphore, #tpu.memory_space<semaphore_mem>>) {add = true}
        } else {
        }
      } else {
      }
      %rem3A_34 = arith.constant 2 : i32
      %rem3A_35 = arith.remsi %scan3A_27, %rem3A_34 : i32
      %eq3A_36 = arith.constant 1 : i32
      %eq3A_37 = arith.cmpi eq, %rem3A_35, %eq3A_36 : i32
      %convert_element_type3A_38 = arith.extui %eq3A_37 : i1 to i32
      %cond3A_39 = arith.constant 0 : i32
      %cond3A_40 = arith.cmpi ne, %convert_element_type3A_38, %cond3A_39 : i32
      scf.if %cond3A_40 {
        %lt3A = arith.constant 157 : i32
        %lt3A_42 = arith.cmpi slt, %add3A, %lt3A : i32
        %convert_element_type3A_43 = arith.extui %lt3A_42 : i1 to i32
        %cond3A_44 = arith.constant 0 : i32
        %cond3A_45 = arith.cmpi ne, %convert_element_type3A_43, %cond3A_44 : i32
        scf.if %cond3A_45 {
          %ge3A = arith.constant 2 : i32
          %ge3A_46 = arith.cmpi sge, %scan3A_27, %ge3A : i32
          %convert_element_type3A_47 = arith.extui %ge3A_46 : i1 to i32
          %cond3A_48 = arith.constant 0 : i32
          %cond3A_49 = arith.cmpi ne, %convert_element_type3A_47, %cond3A_48 : i32
          scf.if %cond3A_49 {
            %dma_wait3A_55 = arith.constant 0 : i32
            %dma_wait3A_56 = arith.constant 0 : i32
            %dma_wait3A_57 = tpu.memref_slice %arg6[%dma_wait3A_55, %dma_wait3A_56] : memref<157x128xi32, #tpu.memory_space<vmem>> -> memref<1x128xi32, #tpu.memory_space<vmem>>
            %dma_wait3A_58 = tpu.memref_squeeze %dma_wait3A_57 : memref<1x128xi32, #tpu.memory_space<vmem>> -> memref<128xi32, #tpu.memory_space<vmem>>
            %dma_wait3A_59 = arith.constant 0 : i32
            %dma_wait3A_60 = arith.constant 0 : i32
            %dma_wait3A_61 = tpu.memref_slice %arg8[%dma_wait3A_59, %dma_wait3A_60] : memref<10112x16xf32, #tpu.memory_space<vmem_shared>> -> memref<10112x16xf32, #tpu.memory_space<vmem_shared>>
            tpu.wait_indirect_dma semaphore(%arg10 : memref<!tpu.dma_semaphore, #tpu.memory_space<semaphore_mem>>) src(%arg7 : memref<128x16xf32, #tpu.memory_space<vmem>>) dst(%dma_wait3A_61 : memref<10112x16xf32, #tpu.memory_space<vmem_shared>>)
          } else {
          }
          %dma_start3A = arith.constant 0 : i32
          %dma_start3A_50 = tpu.memref_slice %arg6[%add3A, %dma_start3A] : memref<157x128xi32, #tpu.memory_space<vmem>> -> memref<1x128xi32, #tpu.memory_space<vmem>>
          %dma_start3A_51 = tpu.memref_squeeze %dma_start3A_50 : memref<1x128xi32, #tpu.memory_space<vmem>> -> memref<128xi32, #tpu.memory_space<vmem>>
          %dma_start3A_52 = arith.constant 0 : i32
          %dma_start3A_53 = arith.constant 0 : i32
          %dma_start3A_54 = tpu.memref_slice %arg8[%dma_start3A_52, %dma_start3A_53] : memref<10112x16xf32, #tpu.memory_space<vmem_shared>> -> memref<10112x16xf32, #tpu.memory_space<vmem_shared>>
          tpu.enqueue_indirect_dma source(%arg7 : memref<128x16xf32, #tpu.memory_space<vmem>>) target(%dma_start3A_54 : memref<10112x16xf32, #tpu.memory_space<vmem_shared>>) offsets(%dma_start3A_51 : memref<128xi32, #tpu.memory_space<vmem>>) semaphore(%arg10 : memref<!tpu.dma_semaphore, #tpu.memory_space<semaphore_mem>>) {add = true}
        } else {
        }
      } else {
      }
      %scan3A_41 = arith.constant 0 : i32
      scf.yield %scan3A_41 : i32
    }
    %scan3A_8 = arith.constant 79 : i32
    %dma_wait3A = arith.constant 0 : i32
    %dma_wait3A_9 = arith.constant 0 : i32
    %dma_wait3A_10 = tpu.memref_slice %arg6[%dma_wait3A, %dma_wait3A_9] : memref<157x128xi32, #tpu.memory_space<vmem>> -> memref<1x128xi32, #tpu.memory_space<vmem>>
    %dma_wait3A_11 = tpu.memref_squeeze %dma_wait3A_10 : memref<1x128xi32, #tpu.memory_space<vmem>> -> memref<128xi32, #tpu.memory_space<vmem>>
    %dma_wait3A_12 = arith.constant 0 : i32
    %dma_wait3A_13 = arith.constant 0 : i32
    %dma_wait3A_14 = tpu.memref_slice %arg8[%dma_wait3A_12, %dma_wait3A_13] : memref<10112x16xf32, #tpu.memory_space<vmem_shared>> -> memref<10112x16xf32, #tpu.memory_space<vmem_shared>>
    tpu.wait_indirect_dma semaphore(%arg9 : memref<!tpu.dma_semaphore, #tpu.memory_space<semaphore_mem>>) src(%arg7 : memref<128x16xf32, #tpu.memory_space<vmem>>) dst(%dma_wait3A_14 : memref<10112x16xf32, #tpu.memory_space<vmem_shared>>)
    %dma_wait3A_15 = arith.constant 0 : i32
    %dma_wait3A_16 = arith.constant 0 : i32
    %dma_wait3A_17 = tpu.memref_slice %arg6[%dma_wait3A_15, %dma_wait3A_16] : memref<157x128xi32, #tpu.memory_space<vmem>> -> memref<1x128xi32, #tpu.memory_space<vmem>>
    %dma_wait3A_18 = tpu.memref_squeeze %dma_wait3A_17 : memref<1x128xi32, #tpu.memory_space<vmem>> -> memref<128xi32, #tpu.memory_space<vmem>>
    %dma_wait3A_19 = arith.constant 0 : i32
    %dma_wait3A_20 = arith.constant 0 : i32
    %dma_wait3A_21 = tpu.memref_slice %arg8[%dma_wait3A_19, %dma_wait3A_20] : memref<10112x16xf32, #tpu.memory_space<vmem_shared>> -> memref<10112x16xf32, #tpu.memory_space<vmem_shared>>
    tpu.wait_indirect_dma semaphore(%arg10 : memref<!tpu.dma_semaphore, #tpu.memory_space<semaphore_mem>>) src(%arg7 : memref<128x16xf32, #tpu.memory_space<vmem>>) dst(%dma_wait3A_21 : memref<10112x16xf32, #tpu.memory_space<vmem_shared>>)
    %barrier3A_22 = arith.constant 0 : index
    tpu.barrier barrier_id(%barrier3A_22)
    %mul3A_23 = arith.constant 632 : i32
    %mul3A_24 = arith.muli %arg1, %mul3A_23 : i32
    %mul3A_25 = arith.constant 632 : i32
    %mul3A_26 = arith.muli %arg1, %mul3A_25 : i32
    "tpu.region"() ({
      %run_scoped3A = tpu.sem_alloc : memref<!tpu.dma_semaphore, #tpu.memory_space<semaphore_mem>>
      %dma_start3A = arith.constant 0 : i32
      %dma_start3A_27 = tpu.memref_slice %arg5[%arg0, %mul3A_26, %dma_start3A] : memref<2x10112x16xf32, #tpu.memory_space<hbm>> -> memref<1x632x16xf32, #tpu.memory_space<hbm>>
      %dma_start3A_28 = tpu.memref_squeeze %dma_start3A_27 : memref<1x632x16xf32, #tpu.memory_space<hbm>> -> memref<632x16xf32, #tpu.memory_space<hbm>>
      %dma_start3A_29 = arith.constant 0 : i32
      %dma_start3A_30 = tpu.memref_slice %arg8[%mul3A_24, %dma_start3A_29] : memref<10112x16xf32, #tpu.memory_space<vmem_shared>> -> memref<632x16xf32, #tpu.memory_space<vmem_shared>>
      tpu.enqueue_dma source(%dma_start3A_30 : memref<632x16xf32, #tpu.memory_space<vmem_shared>>) target(%dma_start3A_28 : memref<632x16xf32, #tpu.memory_space<hbm>>) target_semaphore(%run_scoped3A : memref<!tpu.dma_semaphore, #tpu.memory_space<semaphore_mem>>)
      %dma_wait3A_31 = arith.constant 0 : i32
      %dma_wait3A_32 = tpu.memref_slice %arg5[%arg0, %mul3A_26, %dma_wait3A_31] : memref<2x10112x16xf32, #tpu.memory_space<hbm>> -> memref<1x632x16xf32, #tpu.memory_space<hbm>>
      %dma_wait3A_33 = tpu.memref_squeeze %dma_wait3A_32 : memref<1x632x16xf32, #tpu.memory_space<hbm>> -> memref<632x16xf32, #tpu.memory_space<hbm>>
      %dma_wait3A_34 = arith.constant 0 : i32
      %dma_wait3A_35 = tpu.memref_slice %arg8[%mul3A_24, %dma_wait3A_34] : memref<10112x16xf32, #tpu.memory_space<vmem_shared>> -> memref<632x16xf32, #tpu.memory_space<vmem_shared>>
      tpu.wait_dma2 semaphore(%run_scoped3A : memref<!tpu.dma_semaphore, #tpu.memory_space<semaphore_mem>>) src(%dma_wait3A_35 : memref<632x16xf32, #tpu.memory_space<vmem_shared>>) dst(%dma_wait3A_33 : memref<632x16xf32, #tpu.memory_space<hbm>>)
      tpu.yield
    }) : () -> ()
    return
  }
}

#map = affine_map<(d0, d1) -> (0, 0)>
module attributes {stable_mosaic.version = 14 : i64} {
  func.func @body(%arg0: i32, %arg1: i32, %arg2: memref<20000x64xf32, #tpu.memory_space<hbm>>, %arg3: memref<2512x128xi32, #tpu.memory_space<hbm>>, %arg4: memref<2512x128xi32, #tpu.memory_space<hbm>>, %arg5: memref<632x64xf32, #tpu.memory_space<hbm>>, %arg6: memref<10112x128xf32, #tpu.memory_space<hbm>>, %arg7: memref<157x128xi32, #tpu.memory_space<vmem>>, %arg8: memref<157x128xi32, #tpu.memory_space<vmem>>, %arg9: memref<128x64xf32, #tpu.memory_space<vmem>>, %arg10: memref<128x64xf32, #tpu.memory_space<vmem>>, %arg11: memref<128x64xf32, #tpu.memory_space<vmem>>, %arg12: memref<128x64xf32, #tpu.memory_space<vmem>>, %arg13: memref<128x64xf32, #tpu.memory_space<vmem>>, %arg14: memref<128x64xf32, #tpu.memory_space<vmem>>, %arg15: memref<10112x64xf32, #tpu.memory_space<vmem_shared>>, %arg16: memref<!tpu.dma_semaphore, #tpu.memory_space<semaphore_mem>>, %arg17: memref<!tpu.dma_semaphore, #tpu.memory_space<semaphore_mem>>, %arg18: memref<!tpu.dma_semaphore, #tpu.memory_space<semaphore_mem>>, %arg19: memref<!tpu.dma_semaphore, #tpu.memory_space<semaphore_mem>>, %arg20: memref<!tpu.dma_semaphore, #tpu.memory_space<semaphore_mem>>, %arg21: memref<!tpu.dma_semaphore, #tpu.memory_space<semaphore_mem>>, %arg22: memref<!tpu.dma_semaphore, #tpu.memory_space<semaphore_mem>>, %arg23: memref<!tpu.dma_semaphore, #tpu.memory_space<semaphore_mem>>, %arg24: memref<!tpu.dma_semaphore, #tpu.memory_space<semaphore_mem>>, %arg25: memref<!tpu.dma_semaphore, #tpu.memory_space<semaphore_mem>>, %arg26: memref<!tpu.dma_semaphore, #tpu.memory_space<semaphore_mem>>, %arg27: memref<!tpu.dma_semaphore, #tpu.memory_space<semaphore_mem>>) attributes {dimension_semantics = [#tpu.dimension_semantics<core_parallel>, #tpu.dimension_semantics<subcore_parallel>], iteration_bounds = array<i64: 2, 16>, scalar_prefetch = 0 : i64, scratch_operands = 21 : i64, tpu.core_type = #tpu.core_type<sc_vector_subcore>, window_params = [{transform_indices = #map}, {transform_indices = #map}, {transform_indices = #map}, {transform_indices = #map}, {transform_indices = #map}]} {
    %mul3A = arith.constant 157 : i32
    %mul3A_0 = arith.muli %arg1, %mul3A : i32
    "tpu.region"() ({
      %run_scoped3A = tpu.sem_alloc : memref<!tpu.dma_semaphore, #tpu.memory_space<semaphore_mem>>
      %dma_start3A_95 = arith.constant 0 : i32
      %dma_start3A_96 = tpu.memref_slice %arg3[%mul3A_0, %dma_start3A_95] : memref<2512x128xi32, #tpu.memory_space<hbm>> -> memref<157x128xi32, #tpu.memory_space<hbm>>
      %dma_start3A_97 = arith.constant 0 : i32
      %dma_start3A_98 = tpu.memref_slice %arg3[%mul3A_0, %dma_start3A_97] : memref<2512x128xi32, #tpu.memory_space<hbm>> -> memref<157x128xi32, #tpu.memory_space<hbm>>
      tpu.enqueue_dma source(%dma_start3A_98 : memref<157x128xi32, #tpu.memory_space<hbm>>) target(%arg7 : memref<157x128xi32, #tpu.memory_space<vmem>>) target_semaphore(%run_scoped3A : memref<!tpu.dma_semaphore, #tpu.memory_space<semaphore_mem>>)
      %dma_wait3A_99 = arith.constant 0 : i32
      %dma_wait3A_100 = tpu.memref_slice %arg3[%mul3A_0, %dma_wait3A_99] : memref<2512x128xi32, #tpu.memory_space<hbm>> -> memref<157x128xi32, #tpu.memory_space<hbm>>
      %dma_wait3A_101 = arith.constant 0 : i32
      %dma_wait3A_102 = tpu.memref_slice %arg3[%mul3A_0, %dma_wait3A_101] : memref<2512x128xi32, #tpu.memory_space<hbm>> -> memref<157x128xi32, #tpu.memory_space<hbm>>
      tpu.wait_dma2 semaphore(%run_scoped3A : memref<!tpu.dma_semaphore, #tpu.memory_space<semaphore_mem>>) src(%dma_wait3A_102 : memref<157x128xi32, #tpu.memory_space<hbm>>) dst(%arg7 : memref<157x128xi32, #tpu.memory_space<vmem>>)
      tpu.yield
    }) : () -> ()
    %mul3A_1 = arith.constant 157 : i32
    %mul3A_2 = arith.muli %arg1, %mul3A_1 : i32
    "tpu.region"() ({
      %run_scoped3A = tpu.sem_alloc : memref<!tpu.dma_semaphore, #tpu.memory_space<semaphore_mem>>
      %dma_start3A_95 = arith.constant 0 : i32
      %dma_start3A_96 = tpu.memref_slice %arg4[%mul3A_2, %dma_start3A_95] : memref<2512x128xi32, #tpu.memory_space<hbm>> -> memref<157x128xi32, #tpu.memory_space<hbm>>
      %dma_start3A_97 = arith.constant 0 : i32
      %dma_start3A_98 = tpu.memref_slice %arg4[%mul3A_2, %dma_start3A_97] : memref<2512x128xi32, #tpu.memory_space<hbm>> -> memref<157x128xi32, #tpu.memory_space<hbm>>
      tpu.enqueue_dma source(%dma_start3A_98 : memref<157x128xi32, #tpu.memory_space<hbm>>) target(%arg8 : memref<157x128xi32, #tpu.memory_space<vmem>>) target_semaphore(%run_scoped3A : memref<!tpu.dma_semaphore, #tpu.memory_space<semaphore_mem>>)
      %dma_wait3A_99 = arith.constant 0 : i32
      %dma_wait3A_100 = tpu.memref_slice %arg4[%mul3A_2, %dma_wait3A_99] : memref<2512x128xi32, #tpu.memory_space<hbm>> -> memref<157x128xi32, #tpu.memory_space<hbm>>
      %dma_wait3A_101 = arith.constant 0 : i32
      %dma_wait3A_102 = tpu.memref_slice %arg4[%mul3A_2, %dma_wait3A_101] : memref<2512x128xi32, #tpu.memory_space<hbm>> -> memref<157x128xi32, #tpu.memory_space<hbm>>
      tpu.wait_dma2 semaphore(%run_scoped3A : memref<!tpu.dma_semaphore, #tpu.memory_space<semaphore_mem>>) src(%dma_wait3A_102 : memref<157x128xi32, #tpu.memory_space<hbm>>) dst(%arg8 : memref<157x128xi32, #tpu.memory_space<vmem>>)
      tpu.yield
    }) : () -> ()
    %mul3A_3 = arith.constant 632 : i32
    %mul3A_4 = arith.muli %arg1, %mul3A_3 : i32
    "tpu.region"() ({
      %run_scoped3A = tpu.sem_alloc : memref<!tpu.dma_semaphore, #tpu.memory_space<semaphore_mem>>
      %dma_start3A_95 = arith.constant 0 : i32
      %dma_start3A_96 = tpu.memref_slice %arg15[%mul3A_4, %dma_start3A_95] : memref<10112x64xf32, #tpu.memory_space<vmem_shared>> -> memref<632x64xf32, #tpu.memory_space<vmem_shared>>
      tpu.enqueue_dma source(%arg5 : memref<632x64xf32, #tpu.memory_space<hbm>>) target(%dma_start3A_96 : memref<632x64xf32, #tpu.memory_space<vmem_shared>>) target_semaphore(%run_scoped3A : memref<!tpu.dma_semaphore, #tpu.memory_space<semaphore_mem>>)
      %dma_wait3A_97 = arith.constant 0 : i32
      %dma_wait3A_98 = tpu.memref_slice %arg15[%mul3A_4, %dma_wait3A_97] : memref<10112x64xf32, #tpu.memory_space<vmem_shared>> -> memref<632x64xf32, #tpu.memory_space<vmem_shared>>
      tpu.wait_dma2 semaphore(%run_scoped3A : memref<!tpu.dma_semaphore, #tpu.memory_space<semaphore_mem>>) src(%arg5 : memref<632x64xf32, #tpu.memory_space<hbm>>) dst(%dma_wait3A_98 : memref<632x64xf32, #tpu.memory_space<vmem_shared>>)
      tpu.yield
    }) : () -> ()
    %eq3A = arith.constant 1 : i32
    %eq3A_5 = arith.cmpi eq, %arg0, %eq3A : i32
    %convert_element_type3A = arith.extui %eq3A_5 : i1 to i32
    %cond3A = arith.constant 0 : i32
    %cond3A_6 = arith.cmpi ne, %convert_element_type3A, %cond3A : i32
    scf.if %cond3A_6 {
      %scan3A_95 = arith.constant 0 : i32
      %scan3A_96 = arith.constant 0 : i32
      %scan3A_97 = arith.constant 157 : i32
      %scan3A_98 = arith.addi %scan3A_96, %scan3A_97 : i32
      %scan3A_99 = arith.constant 1 : i32
      %scan3A_100 = scf.for %scan3A_102 = %scan3A_96 to %scan3A_98 step %scan3A_99 iter_args(%scan3A_103 = %scan3A_95) -> (i32)  : i32 {
        %get3A = arith.index_cast %scan3A_102 : i32 to index
        %get3A_104 = arith.constant 0 : index
        %get3A_105 = tpu.vector_load %arg7[%get3A, %get3A_104] {strides = array<i32>} : memref<157x128xi32, #tpu.memory_space<vmem>>, vector<1x16xi32>,
        %get3A_106 = vector.shape_cast %get3A_105 : vector<1x16xi32> to vector<16xi32>
        %add3A = arith.constant 1 : i32
        %add3A_107 = vector.broadcast %add3A : i32 to vector<16xi32>
        %add3A_108 = arith.addi %get3A_106, %add3A_107 : vector<16xi32>
        %swap3A = arith.index_cast %scan3A_102 : i32 to index
        %swap3A_109 = arith.constant 0 : index
        %swap3A_110 = tpu.vector_load %arg7[%swap3A, %swap3A_109] {strides = array<i32>} : memref<157x128xi32, #tpu.memory_space<vmem>>, vector<1x16xi32>,
        %swap3A_111 = vector.shape_cast %swap3A_110 : vector<1x16xi32> to vector<16xi32>
        %swap3A_112 = vector.shape_cast %add3A_108 : vector<16xi32> to vector<1x16xi32>
        tpu.vector_store %arg7[%swap3A, %swap3A_109], %swap3A_112 {strides = array<i32>} : memref<157x128xi32, #tpu.memory_space<vmem>>, vector<1x16xi32>,
        %get3A_113 = arith.index_cast %scan3A_102 : i32 to index
        %get3A_114 = arith.constant 16 : index
        %get3A_115 = tpu.vector_load %arg7[%get3A_113, %get3A_114] {strides = array<i32>} : memref<157x128xi32, #tpu.memory_space<vmem>>, vector<1x16xi32>,
        %get3A_116 = vector.shape_cast %get3A_115 : vector<1x16xi32> to vector<16xi32>
        %add3A_117 = arith.constant 1 : i32
        %add3A_118 = vector.broadcast %add3A_117 : i32 to vector<16xi32>
        %add3A_119 = arith.addi %get3A_116, %add3A_118 : vector<16xi32>
        %swap3A_120 = arith.index_cast %scan3A_102 : i32 to index
        %swap3A_121 = arith.constant 16 : index
        %swap3A_122 = tpu.vector_load %arg7[%swap3A_120, %swap3A_121] {strides = array<i32>} : memref<157x128xi32, #tpu.memory_space<vmem>>, vector<1x16xi32>,
        %swap3A_123 = vector.shape_cast %swap3A_122 : vector<1x16xi32> to vector<16xi32>
        %swap3A_124 = vector.shape_cast %add3A_119 : vector<16xi32> to vector<1x16xi32>
        tpu.vector_store %arg7[%swap3A_120, %swap3A_121], %swap3A_124 {strides = array<i32>} : memref<157x128xi32, #tpu.memory_space<vmem>>, vector<1x16xi32>,
        %get3A_125 = arith.index_cast %scan3A_102 : i32 to index
        %get3A_126 = arith.constant 32 : index
        %get3A_127 = tpu.vector_load %arg7[%get3A_125, %get3A_126] {strides = array<i32>} : memref<157x128xi32, #tpu.memory_space<vmem>>, vector<1x16xi32>,
        %get3A_128 = vector.shape_cast %get3A_127 : vector<1x16xi32> to vector<16xi32>
        %add3A_129 = arith.constant 1 : i32
        %add3A_130 = vector.broadcast %add3A_129 : i32 to vector<16xi32>
        %add3A_131 = arith.addi %get3A_128, %add3A_130 : vector<16xi32>
        %swap3A_132 = arith.index_cast %scan3A_102 : i32 to index
        %swap3A_133 = arith.constant 32 : index
        %swap3A_134 = tpu.vector_load %arg7[%swap3A_132, %swap3A_133] {strides = array<i32>} : memref<157x128xi32, #tpu.memory_space<vmem>>, vector<1x16xi32>,
        %swap3A_135 = vector.shape_cast %swap3A_134 : vector<1x16xi32> to vector<16xi32>
        %swap3A_136 = vector.shape_cast %add3A_131 : vector<16xi32> to vector<1x16xi32>
        tpu.vector_store %arg7[%swap3A_132, %swap3A_133], %swap3A_136 {strides = array<i32>} : memref<157x128xi32, #tpu.memory_space<vmem>>, vector<1x16xi32>,
        %get3A_137 = arith.index_cast %scan3A_102 : i32 to index
        %get3A_138 = arith.constant 48 : index
        %get3A_139 = tpu.vector_load %arg7[%get3A_137, %get3A_138] {strides = array<i32>} : memref<157x128xi32, #tpu.memory_space<vmem>>, vector<1x16xi32>,
        %get3A_140 = vector.shape_cast %get3A_139 : vector<1x16xi32> to vector<16xi32>
        %add3A_141 = arith.constant 1 : i32
        %add3A_142 = vector.broadcast %add3A_141 : i32 to vector<16xi32>
        %add3A_143 = arith.addi %get3A_140, %add3A_142 : vector<16xi32>
        %swap3A_144 = arith.index_cast %scan3A_102 : i32 to index
        %swap3A_145 = arith.constant 48 : index
        %swap3A_146 = tpu.vector_load %arg7[%swap3A_144, %swap3A_145] {strides = array<i32>} : memref<157x128xi32, #tpu.memory_space<vmem>>, vector<1x16xi32>,
        %swap3A_147 = vector.shape_cast %swap3A_146 : vector<1x16xi32> to vector<16xi32>
        %swap3A_148 = vector.shape_cast %add3A_143 : vector<16xi32> to vector<1x16xi32>
        tpu.vector_store %arg7[%swap3A_144, %swap3A_145], %swap3A_148 {strides = array<i32>} : memref<157x128xi32, #tpu.memory_space<vmem>>, vector<1x16xi32>,
        %get3A_149 = arith.index_cast %scan3A_102 : i32 to index
        %get3A_150 = arith.constant 64 : index
        %get3A_151 = tpu.vector_load %arg7[%get3A_149, %get3A_150] {strides = array<i32>} : memref<157x128xi32, #tpu.memory_space<vmem>>, vector<1x16xi32>,
        %get3A_152 = vector.shape_cast %get3A_151 : vector<1x16xi32> to vector<16xi32>
        %add3A_153 = arith.constant 1 : i32
        %add3A_154 = vector.broadcast %add3A_153 : i32 to vector<16xi32>
        %add3A_155 = arith.addi %get3A_152, %add3A_154 : vector<16xi32>
        %swap3A_156 = arith.index_cast %scan3A_102 : i32 to index
        %swap3A_157 = arith.constant 64 : index
        %swap3A_158 = tpu.vector_load %arg7[%swap3A_156, %swap3A_157] {strides = array<i32>} : memref<157x128xi32, #tpu.memory_space<vmem>>, vector<1x16xi32>,
        %swap3A_159 = vector.shape_cast %swap3A_158 : vector<1x16xi32> to vector<16xi32>
        %swap3A_160 = vector.shape_cast %add3A_155 : vector<16xi32> to vector<1x16xi32>
        tpu.vector_store %arg7[%swap3A_156, %swap3A_157], %swap3A_160 {strides = array<i32>} : memref<157x128xi32, #tpu.memory_space<vmem>>, vector<1x16xi32>,
        %get3A_161 = arith.index_cast %scan3A_102 : i32 to index
        %get3A_162 = arith.constant 80 : index
        %get3A_163 = tpu.vector_load %arg7[%get3A_161, %get3A_162] {strides = array<i32>} : memref<157x128xi32, #tpu.memory_space<vmem>>, vector<1x16xi32>,
        %get3A_164 = vector.shape_cast %get3A_163 : vector<1x16xi32> to vector<16xi32>
        %add3A_165 = arith.constant 1 : i32
        %add3A_166 = vector.broadcast %add3A_165 : i32 to vector<16xi32>
        %add3A_167 = arith.addi %get3A_164, %add3A_166 : vector<16xi32>
        %swap3A_168 = arith.index_cast %scan3A_102 : i32 to index
        %swap3A_169 = arith.constant 80 : index
        %swap3A_170 = tpu.vector_load %arg7[%swap3A_168, %swap3A_169] {strides = array<i32>} : memref<157x128xi32, #tpu.memory_space<vmem>>, vector<1x16xi32>,
        %swap3A_171 = vector.shape_cast %swap3A_170 : vector<1x16xi32> to vector<16xi32>
        %swap3A_172 = vector.shape_cast %add3A_167 : vector<16xi32> to vector<1x16xi32>
        tpu.vector_store %arg7[%swap3A_168, %swap3A_169], %swap3A_172 {strides = array<i32>} : memref<157x128xi32, #tpu.memory_space<vmem>>, vector<1x16xi32>,
        %get3A_173 = arith.index_cast %scan3A_102 : i32 to index
        %get3A_174 = arith.constant 96 : index
        %get3A_175 = tpu.vector_load %arg7[%get3A_173, %get3A_174] {strides = array<i32>} : memref<157x128xi32, #tpu.memory_space<vmem>>, vector<1x16xi32>,
        %get3A_176 = vector.shape_cast %get3A_175 : vector<1x16xi32> to vector<16xi32>
        %add3A_177 = arith.constant 1 : i32
        %add3A_178 = vector.broadcast %add3A_177 : i32 to vector<16xi32>
        %add3A_179 = arith.addi %get3A_176, %add3A_178 : vector<16xi32>
        %swap3A_180 = arith.index_cast %scan3A_102 : i32 to index
        %swap3A_181 = arith.constant 96 : index
        %swap3A_182 = tpu.vector_load %arg7[%swap3A_180, %swap3A_181] {strides = array<i32>} : memref<157x128xi32, #tpu.memory_space<vmem>>, vector<1x16xi32>,
        %swap3A_183 = vector.shape_cast %swap3A_182 : vector<1x16xi32> to vector<16xi32>
        %swap3A_184 = vector.shape_cast %add3A_179 : vector<16xi32> to vector<1x16xi32>
        tpu.vector_store %arg7[%swap3A_180, %swap3A_181], %swap3A_184 {strides = array<i32>} : memref<157x128xi32, #tpu.memory_space<vmem>>, vector<1x16xi32>,
        %get3A_185 = arith.index_cast %scan3A_102 : i32 to index
        %get3A_186 = arith.constant 112 : index
        %get3A_187 = tpu.vector_load %arg7[%get3A_185, %get3A_186] {strides = array<i32>} : memref<157x128xi32, #tpu.memory_space<vmem>>, vector<1x16xi32>,
        %get3A_188 = vector.shape_cast %get3A_187 : vector<1x16xi32> to vector<16xi32>
        %add3A_189 = arith.constant 1 : i32
        %add3A_190 = vector.broadcast %add3A_189 : i32 to vector<16xi32>
        %add3A_191 = arith.addi %get3A_188, %add3A_190 : vector<16xi32>
        %swap3A_192 = arith.index_cast %scan3A_102 : i32 to index
        %swap3A_193 = arith.constant 112 : index
        %swap3A_194 = tpu.vector_load %arg7[%swap3A_192, %swap3A_193] {strides = array<i32>} : memref<157x128xi32, #tpu.memory_space<vmem>>, vector<1x16xi32>,
        %swap3A_195 = vector.shape_cast %swap3A_194 : vector<1x16xi32> to vector<16xi32>
        %swap3A_196 = vector.shape_cast %add3A_191 : vector<16xi32> to vector<1x16xi32>
        tpu.vector_store %arg7[%swap3A_192, %swap3A_193], %swap3A_196 {strides = array<i32>} : memref<157x128xi32, #tpu.memory_space<vmem>>, vector<1x16xi32>,
        %scan3A_197 = arith.constant 0 : i32
        scf.yield %scan3A_197 : i32
      }
      %scan3A_101 = arith.constant 157 : i32
    } else {
    }
    %barrier3A = arith.constant 0 : index
    tpu.barrier barrier_id(%barrier3A)
    %dma_start3A = arith.constant 0 : i32
    %dma_start3A_7 = arith.constant 0 : i32
    %dma_start3A_8 = tpu.memref_slice %arg7[%dma_start3A, %dma_start3A_7] : memref<157x128xi32, #tpu.memory_space<vmem>> -> memref<1x128xi32, #tpu.memory_space<vmem>>
    %dma_start3A_9 = tpu.memref_squeeze %dma_start3A_8 : memref<1x128xi32, #tpu.memory_space<vmem>> -> memref<128xi32, #tpu.memory_space<vmem>>
    %dma_start3A_10 = arith.constant 0 : i32
    %dma_start3A_11 = arith.constant 0 : i32
    %dma_start3A_12 = tpu.memref_slice %arg2[%dma_start3A_10, %dma_start3A_11] : memref<20000x64xf32, #tpu.memory_space<hbm>> -> memref<20000x64xf32, #tpu.memory_space<hbm>>
    tpu.enqueue_indirect_dma source(%dma_start3A_12 : memref<20000x64xf32, #tpu.memory_space<hbm>>) target(%arg9 : memref<128x64xf32, #tpu.memory_space<vmem>>) offsets(%dma_start3A_9 : memref<128xi32, #tpu.memory_space<vmem>>) semaphore(%arg16 : memref<!tpu.dma_semaphore, #tpu.memory_space<semaphore_mem>>)
    %dma_start3A_13 = arith.constant 1 : i32
    %dma_start3A_14 = arith.constant 0 : i32
    %dma_start3A_15 = tpu.memref_slice %arg7[%dma_start3A_13, %dma_start3A_14] : memref<157x128xi32, #tpu.memory_space<vmem>> -> memref<1x128xi32, #tpu.memory_space<vmem>>
    %dma_start3A_16 = tpu.memref_squeeze %dma_start3A_15 : memref<1x128xi32, #tpu.memory_space<vmem>> -> memref<128xi32, #tpu.memory_space<vmem>>
    %dma_start3A_17 = arith.constant 0 : i32
    %dma_start3A_18 = arith.constant 0 : i32
    %dma_start3A_19 = tpu.memref_slice %arg2[%dma_start3A_17, %dma_start3A_18] : memref<20000x64xf32, #tpu.memory_space<hbm>> -> memref<20000x64xf32, #tpu.memory_space<hbm>>
    tpu.enqueue_indirect_dma source(%dma_start3A_19 : memref<20000x64xf32, #tpu.memory_space<hbm>>) target(%arg10 : memref<128x64xf32, #tpu.memory_space<vmem>>) offsets(%dma_start3A_16 : memref<128xi32, #tpu.memory_space<vmem>>) semaphore(%arg17 : memref<!tpu.dma_semaphore, #tpu.memory_space<semaphore_mem>>)
    %dma_start3A_20 = arith.constant 2 : i32
    %dma_start3A_21 = arith.constant 0 : i32
    %dma_start3A_22 = tpu.memref_slice %arg7[%dma_start3A_20, %dma_start3A_21] : memref<157x128xi32, #tpu.memory_space<vmem>> -> memref<1x128xi32, #tpu.memory_space<vmem>>
    %dma_start3A_23 = tpu.memref_squeeze %dma_start3A_22 : memref<1x128xi32, #tpu.memory_space<vmem>> -> memref<128xi32, #tpu.memory_space<vmem>>
    %dma_start3A_24 = arith.constant 0 : i32
    %dma_start3A_25 = arith.constant 0 : i32
    %dma_start3A_26 = tpu.memref_slice %arg2[%dma_start3A_24, %dma_start3A_25] : memref<20000x64xf32, #tpu.memory_space<hbm>> -> memref<20000x64xf32, #tpu.memory_space<hbm>>
    tpu.enqueue_indirect_dma source(%dma_start3A_26 : memref<20000x64xf32, #tpu.memory_space<hbm>>) target(%arg11 : memref<128x64xf32, #tpu.memory_space<vmem>>) offsets(%dma_start3A_23 : memref<128xi32, #tpu.memory_space<vmem>>) semaphore(%arg18 : memref<!tpu.dma_semaphore, #tpu.memory_space<semaphore_mem>>)
    %dma_start3A_27 = arith.constant 3 : i32
    %dma_start3A_28 = arith.constant 0 : i32
    %dma_start3A_29 = tpu.memref_slice %arg7[%dma_start3A_27, %dma_start3A_28] : memref<157x128xi32, #tpu.memory_space<vmem>> -> memref<1x128xi32, #tpu.memory_space<vmem>>
    %dma_start3A_30 = tpu.memref_squeeze %dma_start3A_29 : memref<1x128xi32, #tpu.memory_space<vmem>> -> memref<128xi32, #tpu.memory_space<vmem>>
    %dma_start3A_31 = arith.constant 0 : i32
    %dma_start3A_32 = arith.constant 0 : i32
    %dma_start3A_33 = tpu.memref_slice %arg2[%dma_start3A_31, %dma_start3A_32] : memref<20000x64xf32, #tpu.memory_space<hbm>> -> memref<20000x64xf32, #tpu.memory_space<hbm>>
    tpu.enqueue_indirect_dma source(%dma_start3A_33 : memref<20000x64xf32, #tpu.memory_space<hbm>>) target(%arg12 : memref<128x64xf32, #tpu.memory_space<vmem>>) offsets(%dma_start3A_30 : memref<128xi32, #tpu.memory_space<vmem>>) semaphore(%arg19 : memref<!tpu.dma_semaphore, #tpu.memory_space<semaphore_mem>>)
    %dma_start3A_34 = arith.constant 4 : i32
    %dma_start3A_35 = arith.constant 0 : i32
    %dma_start3A_36 = tpu.memref_slice %arg7[%dma_start3A_34, %dma_start3A_35] : memref<157x128xi32, #tpu.memory_space<vmem>> -> memref<1x128xi32, #tpu.memory_space<vmem>>
    %dma_start3A_37 = tpu.memref_squeeze %dma_start3A_36 : memref<1x128xi32, #tpu.memory_space<vmem>> -> memref<128xi32, #tpu.memory_space<vmem>>
    %dma_start3A_38 = arith.constant 0 : i32
    %dma_start3A_39 = arith.constant 0 : i32
    %dma_start3A_40 = tpu.memref_slice %arg2[%dma_start3A_38, %dma_start3A_39] : memref<20000x64xf32, #tpu.memory_space<hbm>> -> memref<20000x64xf32, #tpu.memory_space<hbm>>
    tpu.enqueue_indirect_dma source(%dma_start3A_40 : memref<20000x64xf32, #tpu.memory_space<hbm>>) target(%arg13 : memref<128x64xf32, #tpu.memory_space<vmem>>) offsets(%dma_start3A_37 : memref<128xi32, #tpu.memory_space<vmem>>) semaphore(%arg20 : memref<!tpu.dma_semaphore, #tpu.memory_space<semaphore_mem>>)
    %scan3A = arith.constant 0 : i32
    %scan3A_41 = arith.constant 0 : i32
    %scan3A_42 = arith.constant 157 : i32
    %scan3A_43 = arith.addi %scan3A_41, %scan3A_42 : i32
    %scan3A_44 = arith.constant 1 : i32
    %scan3A_45 = scf.for %scan3A_95 = %scan3A_41 to %scan3A_43 step %scan3A_44 iter_args(%scan3A_96 = %scan3A) -> (i32)  : i32 {
      %rem3A = arith.constant 6 : i32
      %rem3A_97 = arith.remsi %scan3A_95, %rem3A : i32
      %eq3A_98 = arith.constant 0 : i32
      %eq3A_99 = arith.cmpi eq, %rem3A_97, %eq3A_98 : i32
      %convert_element_type3A_100 = arith.extui %eq3A_99 : i1 to i32
      %cond3A_101 = arith.constant 0 : i32
      %cond3A_102 = arith.cmpi ne, %convert_element_type3A_100, %cond3A_101 : i32
      scf.if %cond3A_102 {
        %dma_wait3A_139 = arith.constant 0 : i32
        %dma_wait3A_140 = tpu.memref_slice %arg7[%scan3A_95, %dma_wait3A_139] : memref<157x128xi32, #tpu.memory_space<vmem>> -> memref<1x128xi32, #tpu.memory_space<vmem>>
        %dma_wait3A_141 = tpu.memref_squeeze %dma_wait3A_140 : memref<1x128xi32, #tpu.memory_space<vmem>> -> memref<128xi32, #tpu.memory_space<vmem>>
        %dma_wait3A_142 = arith.constant 0 : i32
        %dma_wait3A_143 = arith.constant 0 : i32
        %dma_wait3A_144 = tpu.memref_slice %arg2[%dma_wait3A_142, %dma_wait3A_143] : memref<20000x64xf32, #tpu.memory_space<hbm>> -> memref<20000x64xf32, #tpu.memory_space<hbm>>
        tpu.wait_indirect_dma semaphore(%arg16 : memref<!tpu.dma_semaphore, #tpu.memory_space<semaphore_mem>>) src(%dma_wait3A_144 : memref<20000x64xf32, #tpu.memory_space<hbm>>) dst(%arg9 : memref<128x64xf32, #tpu.memory_space<vmem>>)
        %dma_start3A_145 = arith.constant 0 : i32
        %dma_start3A_146 = tpu.memref_slice %arg8[%scan3A_95, %dma_start3A_145] : memref<157x128xi32, #tpu.memory_space<vmem>> -> memref<1x128xi32, #tpu.memory_space<vmem>>
        %dma_start3A_147 = tpu.memref_squeeze %dma_start3A_146 : memref<1x128xi32, #tpu.memory_space<vmem>> -> memref<128xi32, #tpu.memory_space<vmem>>
        %dma_start3A_148 = arith.constant 0 : i32
        %dma_start3A_149 = arith.constant 0 : i32
        %dma_start3A_150 = tpu.memref_slice %arg15[%dma_start3A_148, %dma_start3A_149] : memref<10112x64xf32, #tpu.memory_space<vmem_shared>> -> memref<10112x64xf32, #tpu.memory_space<vmem_shared>>
        tpu.enqueue_indirect_dma source(%arg9 : memref<128x64xf32, #tpu.memory_space<vmem>>) target(%dma_start3A_150 : memref<10112x64xf32, #tpu.memory_space<vmem_shared>>) offsets(%dma_start3A_147 : memref<128xi32, #tpu.memory_space<vmem>>) semaphore(%arg22 : memref<!tpu.dma_semaphore, #tpu.memory_space<semaphore_mem>>) {add = true}
        %add3A = arith.constant 5 : i32
        %add3A_151 = arith.addi %scan3A_95, %add3A : i32
        %lt3A = arith.constant 157 : i32
        %lt3A_152 = arith.cmpi slt, %add3A_151, %lt3A : i32
        %convert_element_type3A_153 = arith.extui %lt3A_152 : i1 to i32
        %cond3A_154 = arith.constant 0 : i32
        %cond3A_155 = arith.cmpi ne, %convert_element_type3A_153, %cond3A_154 : i32
        scf.if %cond3A_155 {
          %add3A_156 = arith.constant 5 : i32
          %add3A_157 = arith.addi %scan3A_95, %add3A_156 : i32
          %ge3A = arith.constant 6 : i32
          %ge3A_158 = arith.cmpi sge, %add3A_157, %ge3A : i32
          %convert_element_type3A_159 = arith.extui %ge3A_158 : i1 to i32
          %cond3A_160 = arith.constant 0 : i32
          %cond3A_161 = arith.cmpi ne, %convert_element_type3A_159, %cond3A_160 : i32
          scf.if %cond3A_161 {
            %dma_wait3A_170 = arith.constant 0 : i32
            %dma_wait3A_171 = arith.constant 0 : i32
            %dma_wait3A_172 = tpu.memref_slice %arg8[%dma_wait3A_170, %dma_wait3A_171] : memref<157x128xi32, #tpu.memory_space<vmem>> -> memref<1x128xi32, #tpu.memory_space<vmem>>
            %dma_wait3A_173 = tpu.memref_squeeze %dma_wait3A_172 : memref<1x128xi32, #tpu.memory_space<vmem>> -> memref<128xi32, #tpu.memory_space<vmem>>
            %dma_wait3A_174 = arith.constant 0 : i32
            %dma_wait3A_175 = arith.constant 0 : i32
            %dma_wait3A_176 = tpu.memref_slice %arg15[%dma_wait3A_174, %dma_wait3A_175] : memref<10112x64xf32, #tpu.memory_space<vmem_shared>> -> memref<10112x64xf32, #tpu.memory_space<vmem_shared>>
            tpu.wait_indirect_dma semaphore(%arg27 : memref<!tpu.dma_semaphore, #tpu.memory_space<semaphore_mem>>) src(%arg14 : memref<128x64xf32, #tpu.memory_space<vmem>>) dst(%dma_wait3A_176 : memref<10112x64xf32, #tpu.memory_space<vmem_shared>>)
          } else {
          }
          %add3A_162 = arith.constant 5 : i32
          %add3A_163 = arith.addi %scan3A_95, %add3A_162 : i32
          %dma_start3A_164 = arith.constant 0 : i32
          %dma_start3A_165 = tpu.memref_slice %arg7[%add3A_163, %dma_start3A_164] : memref<157x128xi32, #tpu.memory_space<vmem>> -> memref<1x128xi32, #tpu.memory_space<vmem>>
          %dma_start3A_166 = tpu.memref_squeeze %dma_start3A_165 : memref<1x128xi32, #tpu.memory_space<vmem>> -> memref<128xi32, #tpu.memory_space<vmem>>
          %dma_start3A_167 = arith.constant 0 : i32
          %dma_start3A_168 = arith.constant 0 : i32
          %dma_start3A_169 = tpu.memref_slice %arg2[%dma_start3A_167, %dma_start3A_168] : memref<20000x64xf32, #tpu.memory_space<hbm>> -> memref<20000x64xf32, #tpu.memory_space<hbm>>
          tpu.enqueue_indirect_dma source(%dma_start3A_169 : memref<20000x64xf32, #tpu.memory_space<hbm>>) target(%arg14 : memref<128x64xf32, #tpu.memory_space<vmem>>) offsets(%dma_start3A_166 : memref<128xi32, #tpu.memory_space<vmem>>) semaphore(%arg21 : memref<!tpu.dma_semaphore, #tpu.memory_space<semaphore_mem>>)
        } else {
        }
      } else {
      }
      %rem3A_103 = arith.constant 6 : i32
      %rem3A_104 = arith.remsi %scan3A_95, %rem3A_103 : i32
      %eq3A_105 = arith.constant 1 : i32
      %eq3A_106 = arith.cmpi eq, %rem3A_104, %eq3A_105 : i32
      %convert_element_type3A_107 = arith.extui %eq3A_106 : i1 to i32
      %cond3A_108 = arith.constant 0 : i32
      %cond3A_109 = arith.cmpi ne, %convert_element_type3A_107, %cond3A_108 : i32
      scf.if %cond3A_109 {
        %dma_wait3A_139 = arith.constant 0 : i32
        %dma_wait3A_140 = tpu.memref_slice %arg7[%scan3A_95, %dma_wait3A_139] : memref<157x128xi32, #tpu.memory_space<vmem>> -> memref<1x128xi32, #tpu.memory_space<vmem>>
        %dma_wait3A_141 = tpu.memref_squeeze %dma_wait3A_140 : memref<1x128xi32, #tpu.memory_space<vmem>> -> memref<128xi32, #tpu.memory_space<vmem>>
        %dma_wait3A_142 = arith.constant 0 : i32
        %dma_wait3A_143 = arith.constant 0 : i32
        %dma_wait3A_144 = tpu.memref_slice %arg2[%dma_wait3A_142, %dma_wait3A_143] : memref<20000x64xf32, #tpu.memory_space<hbm>> -> memref<20000x64xf32, #tpu.memory_space<hbm>>
        tpu.wait_indirect_dma semaphore(%arg17 : memref<!tpu.dma_semaphore, #tpu.memory_space<semaphore_mem>>) src(%dma_wait3A_144 : memref<20000x64xf32, #tpu.memory_space<hbm>>) dst(%arg10 : memref<128x64xf32, #tpu.memory_space<vmem>>)
        %dma_start3A_145 = arith.constant 0 : i32
        %dma_start3A_146 = tpu.memref_slice %arg8[%scan3A_95, %dma_start3A_145] : memref<157x128xi32, #tpu.memory_space<vmem>> -> memref<1x128xi32, #tpu.memory_space<vmem>>
        %dma_start3A_147 = tpu.memref_squeeze %dma_start3A_146 : memref<1x128xi32, #tpu.memory_space<vmem>> -> memref<128xi32, #tpu.memory_space<vmem>>
        %dma_start3A_148 = arith.constant 0 : i32
        %dma_start3A_149 = arith.constant 0 : i32
        %dma_start3A_150 = tpu.memref_slice %arg15[%dma_start3A_148, %dma_start3A_149] : memref<10112x64xf32, #tpu.memory_space<vmem_shared>> -> memref<10112x64xf32, #tpu.memory_space<vmem_shared>>
        tpu.enqueue_indirect_dma source(%arg10 : memref<128x64xf32, #tpu.memory_space<vmem>>) target(%dma_start3A_150 : memref<10112x64xf32, #tpu.memory_space<vmem_shared>>) offsets(%dma_start3A_147 : memref<128xi32, #tpu.memory_space<vmem>>) semaphore(%arg23 : memref<!tpu.dma_semaphore, #tpu.memory_space<semaphore_mem>>) {add = true}
        %add3A = arith.constant 5 : i32
        %add3A_151 = arith.addi %scan3A_95, %add3A : i32
        %lt3A = arith.constant 157 : i32
        %lt3A_152 = arith.cmpi slt, %add3A_151, %lt3A : i32
        %convert_element_type3A_153 = arith.extui %lt3A_152 : i1 to i32
        %cond3A_154 = arith.constant 0 : i32
        %cond3A_155 = arith.cmpi ne, %convert_element_type3A_153, %cond3A_154 : i32
        scf.if %cond3A_155 {
          %add3A_156 = arith.constant 5 : i32
          %add3A_157 = arith.addi %scan3A_95, %add3A_156 : i32
          %ge3A = arith.constant 6 : i32
          %ge3A_158 = arith.cmpi sge, %add3A_157, %ge3A : i32
          %convert_element_type3A_159 = arith.extui %ge3A_158 : i1 to i32
          %cond3A_160 = arith.constant 0 : i32
          %cond3A_161 = arith.cmpi ne, %convert_element_type3A_159, %cond3A_160 : i32
          scf.if %cond3A_161 {
            %dma_wait3A_170 = arith.constant 0 : i32
            %dma_wait3A_171 = arith.constant 0 : i32
            %dma_wait3A_172 = tpu.memref_slice %arg8[%dma_wait3A_170, %dma_wait3A_171] : memref<157x128xi32, #tpu.memory_space<vmem>> -> memref<1x128xi32, #tpu.memory_space<vmem>>
            %dma_wait3A_173 = tpu.memref_squeeze %dma_wait3A_172 : memref<1x128xi32, #tpu.memory_space<vmem>> -> memref<128xi32, #tpu.memory_space<vmem>>
            %dma_wait3A_174 = arith.constant 0 : i32
            %dma_wait3A_175 = arith.constant 0 : i32
            %dma_wait3A_176 = tpu.memref_slice %arg15[%dma_wait3A_174, %dma_wait3A_175] : memref<10112x64xf32, #tpu.memory_space<vmem_shared>> -> memref<10112x64xf32, #tpu.memory_space<vmem_shared>>
            tpu.wait_indirect_dma semaphore(%arg22 : memref<!tpu.dma_semaphore, #tpu.memory_space<semaphore_mem>>) src(%arg9 : memref<128x64xf32, #tpu.memory_space<vmem>>) dst(%dma_wait3A_176 : memref<10112x64xf32, #tpu.memory_space<vmem_shared>>)
          } else {
          }
          %add3A_162 = arith.constant 5 : i32
          %add3A_163 = arith.addi %scan3A_95, %add3A_162 : i32
          %dma_start3A_164 = arith.constant 0 : i32
          %dma_start3A_165 = tpu.memref_slice %arg7[%add3A_163, %dma_start3A_164] : memref<157x128xi32, #tpu.memory_space<vmem>> -> memref<1x128xi32, #tpu.memory_space<vmem>>
          %dma_start3A_166 = tpu.memref_squeeze %dma_start3A_165 : memref<1x128xi32, #tpu.memory_space<vmem>> -> memref<128xi32, #tpu.memory_space<vmem>>
          %dma_start3A_167 = arith.constant 0 : i32
          %dma_start3A_168 = arith.constant 0 : i32
          %dma_start3A_169 = tpu.memref_slice %arg2[%dma_start3A_167, %dma_start3A_168] : memref<20000x64xf32, #tpu.memory_space<hbm>> -> memref<20000x64xf32, #tpu.memory_space<hbm>>
          tpu.enqueue_indirect_dma source(%dma_start3A_169 : memref<20000x64xf32, #tpu.memory_space<hbm>>) target(%arg9 : memref<128x64xf32, #tpu.memory_space<vmem>>) offsets(%dma_start3A_166 : memref<128xi32, #tpu.memory_space<vmem>>) semaphore(%arg16 : memref<!tpu.dma_semaphore, #tpu.memory_space<semaphore_mem>>)
        } else {
        }
      } else {
      }
      %rem3A_110 = arith.constant 6 : i32
      %rem3A_111 = arith.remsi %scan3A_95, %rem3A_110 : i32
      %eq3A_112 = arith.constant 2 : i32
      %eq3A_113 = arith.cmpi eq, %rem3A_111, %eq3A_112 : i32
      %convert_element_type3A_114 = arith.extui %eq3A_113 : i1 to i32
      %cond3A_115 = arith.constant 0 : i32
      %cond3A_116 = arith.cmpi ne, %convert_element_type3A_114, %cond3A_115 : i32
      scf.if %cond3A_116 {
        %dma_wait3A_139 = arith.constant 0 : i32
        %dma_wait3A_140 = tpu.memref_slice %arg7[%scan3A_95, %dma_wait3A_139] : memref<157x128xi32, #tpu.memory_space<vmem>> -> memref<1x128xi32, #tpu.memory_space<vmem>>
        %dma_wait3A_141 = tpu.memref_squeeze %dma_wait3A_140 : memref<1x128xi32, #tpu.memory_space<vmem>> -> memref<128xi32, #tpu.memory_space<vmem>>
        %dma_wait3A_142 = arith.constant 0 : i32
        %dma_wait3A_143 = arith.constant 0 : i32
        %dma_wait3A_144 = tpu.memref_slice %arg2[%dma_wait3A_142, %dma_wait3A_143] : memref<20000x64xf32, #tpu.memory_space<hbm>> -> memref<20000x64xf32, #tpu.memory_space<hbm>>
        tpu.wait_indirect_dma semaphore(%arg18 : memref<!tpu.dma_semaphore, #tpu.memory_space<semaphore_mem>>) src(%dma_wait3A_144 : memref<20000x64xf32, #tpu.memory_space<hbm>>) dst(%arg11 : memref<128x64xf32, #tpu.memory_space<vmem>>)
        %dma_start3A_145 = arith.constant 0 : i32
        %dma_start3A_146 = tpu.memref_slice %arg8[%scan3A_95, %dma_start3A_145] : memref<157x128xi32, #tpu.memory_space<vmem>> -> memref<1x128xi32, #tpu.memory_space<vmem>>
        %dma_start3A_147 = tpu.memref_squeeze %dma_start3A_146 : memref<1x128xi32, #tpu.memory_space<vmem>> -> memref<128xi32, #tpu.memory_space<vmem>>
        %dma_start3A_148 = arith.constant 0 : i32
        %dma_start3A_149 = arith.constant 0 : i32
        %dma_start3A_150 = tpu.memref_slice %arg15[%dma_start3A_148, %dma_start3A_149] : memref<10112x64xf32, #tpu.memory_space<vmem_shared>> -> memref<10112x64xf32, #tpu.memory_space<vmem_shared>>
        tpu.enqueue_indirect_dma source(%arg11 : memref<128x64xf32, #tpu.memory_space<vmem>>) target(%dma_start3A_150 : memref<10112x64xf32, #tpu.memory_space<vmem_shared>>) offsets(%dma_start3A_147 : memref<128xi32, #tpu.memory_space<vmem>>) semaphore(%arg24 : memref<!tpu.dma_semaphore, #tpu.memory_space<semaphore_mem>>) {add = true}
        %add3A = arith.constant 5 : i32
        %add3A_151 = arith.addi %scan3A_95, %add3A : i32
        %lt3A = arith.constant 157 : i32
        %lt3A_152 = arith.cmpi slt, %add3A_151, %lt3A : i32
        %convert_element_type3A_153 = arith.extui %lt3A_152 : i1 to i32
        %cond3A_154 = arith.constant 0 : i32
        %cond3A_155 = arith.cmpi ne, %convert_element_type3A_153, %cond3A_154 : i32
        scf.if %cond3A_155 {
          %add3A_156 = arith.constant 5 : i32
          %add3A_157 = arith.addi %scan3A_95, %add3A_156 : i32
          %ge3A = arith.constant 6 : i32
          %ge3A_158 = arith.cmpi sge, %add3A_157, %ge3A : i32
          %convert_element_type3A_159 = arith.extui %ge3A_158 : i1 to i32
          %cond3A_160 = arith.constant 0 : i32
          %cond3A_161 = arith.cmpi ne, %convert_element_type3A_159, %cond3A_160 : i32
          scf.if %cond3A_161 {
            %dma_wait3A_170 = arith.constant 0 : i32
            %dma_wait3A_171 = arith.constant 0 : i32
            %dma_wait3A_172 = tpu.memref_slice %arg8[%dma_wait3A_170, %dma_wait3A_171] : memref<157x128xi32, #tpu.memory_space<vmem>> -> memref<1x128xi32, #tpu.memory_space<vmem>>
            %dma_wait3A_173 = tpu.memref_squeeze %dma_wait3A_172 : memref<1x128xi32, #tpu.memory_space<vmem>> -> memref<128xi32, #tpu.memory_space<vmem>>
            %dma_wait3A_174 = arith.constant 0 : i32
            %dma_wait3A_175 = arith.constant 0 : i32
            %dma_wait3A_176 = tpu.memref_slice %arg15[%dma_wait3A_174, %dma_wait3A_175] : memref<10112x64xf32, #tpu.memory_space<vmem_shared>> -> memref<10112x64xf32, #tpu.memory_space<vmem_shared>>
            tpu.wait_indirect_dma semaphore(%arg23 : memref<!tpu.dma_semaphore, #tpu.memory_space<semaphore_mem>>) src(%arg10 : memref<128x64xf32, #tpu.memory_space<vmem>>) dst(%dma_wait3A_176 : memref<10112x64xf32, #tpu.memory_space<vmem_shared>>)
          } else {
          }
          %add3A_162 = arith.constant 5 : i32
          %add3A_163 = arith.addi %scan3A_95, %add3A_162 : i32
          %dma_start3A_164 = arith.constant 0 : i32
          %dma_start3A_165 = tpu.memref_slice %arg7[%add3A_163, %dma_start3A_164] : memref<157x128xi32, #tpu.memory_space<vmem>> -> memref<1x128xi32, #tpu.memory_space<vmem>>
          %dma_start3A_166 = tpu.memref_squeeze %dma_start3A_165 : memref<1x128xi32, #tpu.memory_space<vmem>> -> memref<128xi32, #tpu.memory_space<vmem>>
          %dma_start3A_167 = arith.constant 0 : i32
          %dma_start3A_168 = arith.constant 0 : i32
          %dma_start3A_169 = tpu.memref_slice %arg2[%dma_start3A_167, %dma_start3A_168] : memref<20000x64xf32, #tpu.memory_space<hbm>> -> memref<20000x64xf32, #tpu.memory_space<hbm>>
          tpu.enqueue_indirect_dma source(%dma_start3A_169 : memref<20000x64xf32, #tpu.memory_space<hbm>>) target(%arg10 : memref<128x64xf32, #tpu.memory_space<vmem>>) offsets(%dma_start3A_166 : memref<128xi32, #tpu.memory_space<vmem>>) semaphore(%arg17 : memref<!tpu.dma_semaphore, #tpu.memory_space<semaphore_mem>>)
        } else {
        }
      } else {
      }
      %rem3A_117 = arith.constant 6 : i32
      %rem3A_118 = arith.remsi %scan3A_95, %rem3A_117 : i32
      %eq3A_119 = arith.constant 3 : i32
      %eq3A_120 = arith.cmpi eq, %rem3A_118, %eq3A_119 : i32
      %convert_element_type3A_121 = arith.extui %eq3A_120 : i1 to i32
      %cond3A_122 = arith.constant 0 : i32
      %cond3A_123 = arith.cmpi ne, %convert_element_type3A_121, %cond3A_122 : i32
      scf.if %cond3A_123 {
        %dma_wait3A_139 = arith.constant 0 : i32
        %dma_wait3A_140 = tpu.memref_slice %arg7[%scan3A_95, %dma_wait3A_139] : memref<157x128xi32, #tpu.memory_space<vmem>> -> memref<1x128xi32, #tpu.memory_space<vmem>>
        %dma_wait3A_141 = tpu.memref_squeeze %dma_wait3A_140 : memref<1x128xi32, #tpu.memory_space<vmem>> -> memref<128xi32, #tpu.memory_space<vmem>>
        %dma_wait3A_142 = arith.constant 0 : i32
        %dma_wait3A_143 = arith.constant 0 : i32
        %dma_wait3A_144 = tpu.memref_slice %arg2[%dma_wait3A_142, %dma_wait3A_143] : memref<20000x64xf32, #tpu.memory_space<hbm>> -> memref<20000x64xf32, #tpu.memory_space<hbm>>
        tpu.wait_indirect_dma semaphore(%arg19 : memref<!tpu.dma_semaphore, #tpu.memory_space<semaphore_mem>>) src(%dma_wait3A_144 : memref<20000x64xf32, #tpu.memory_space<hbm>>) dst(%arg12 : memref<128x64xf32, #tpu.memory_space<vmem>>)
        %dma_start3A_145 = arith.constant 0 : i32
        %dma_start3A_146 = tpu.memref_slice %arg8[%scan3A_95, %dma_start3A_145] : memref<157x128xi32, #tpu.memory_space<vmem>> -> memref<1x128xi32, #tpu.memory_space<vmem>>
        %dma_start3A_147 = tpu.memref_squeeze %dma_start3A_146 : memref<1x128xi32, #tpu.memory_space<vmem>> -> memref<128xi32, #tpu.memory_space<vmem>>
        %dma_start3A_148 = arith.constant 0 : i32
        %dma_start3A_149 = arith.constant 0 : i32
        %dma_start3A_150 = tpu.memref_slice %arg15[%dma_start3A_148, %dma_start3A_149] : memref<10112x64xf32, #tpu.memory_space<vmem_shared>> -> memref<10112x64xf32, #tpu.memory_space<vmem_shared>>
        tpu.enqueue_indirect_dma source(%arg12 : memref<128x64xf32, #tpu.memory_space<vmem>>) target(%dma_start3A_150 : memref<10112x64xf32, #tpu.memory_space<vmem_shared>>) offsets(%dma_start3A_147 : memref<128xi32, #tpu.memory_space<vmem>>) semaphore(%arg25 : memref<!tpu.dma_semaphore, #tpu.memory_space<semaphore_mem>>) {add = true}
        %add3A = arith.constant 5 : i32
        %add3A_151 = arith.addi %scan3A_95, %add3A : i32
        %lt3A = arith.constant 157 : i32
        %lt3A_152 = arith.cmpi slt, %add3A_151, %lt3A : i32
        %convert_element_type3A_153 = arith.extui %lt3A_152 : i1 to i32
        %cond3A_154 = arith.constant 0 : i32
        %cond3A_155 = arith.cmpi ne, %convert_element_type3A_153, %cond3A_154 : i32
        scf.if %cond3A_155 {
          %add3A_156 = arith.constant 5 : i32
          %add3A_157 = arith.addi %scan3A_95, %add3A_156 : i32
          %ge3A = arith.constant 6 : i32
          %ge3A_158 = arith.cmpi sge, %add3A_157, %ge3A : i32
          %convert_element_type3A_159 = arith.extui %ge3A_158 : i1 to i32
          %cond3A_160 = arith.constant 0 : i32
          %cond3A_161 = arith.cmpi ne, %convert_element_type3A_159, %cond3A_160 : i32
          scf.if %cond3A_161 {
            %dma_wait3A_170 = arith.constant 0 : i32
            %dma_wait3A_171 = arith.constant 0 : i32
            %dma_wait3A_172 = tpu.memref_slice %arg8[%dma_wait3A_170, %dma_wait3A_171] : memref<157x128xi32, #tpu.memory_space<vmem>> -> memref<1x128xi32, #tpu.memory_space<vmem>>
            %dma_wait3A_173 = tpu.memref_squeeze %dma_wait3A_172 : memref<1x128xi32, #tpu.memory_space<vmem>> -> memref<128xi32, #tpu.memory_space<vmem>>
            %dma_wait3A_174 = arith.constant 0 : i32
            %dma_wait3A_175 = arith.constant 0 : i32
            %dma_wait3A_176 = tpu.memref_slice %arg15[%dma_wait3A_174, %dma_wait3A_175] : memref<10112x64xf32, #tpu.memory_space<vmem_shared>> -> memref<10112x64xf32, #tpu.memory_space<vmem_shared>>
            tpu.wait_indirect_dma semaphore(%arg24 : memref<!tpu.dma_semaphore, #tpu.memory_space<semaphore_mem>>) src(%arg11 : memref<128x64xf32, #tpu.memory_space<vmem>>) dst(%dma_wait3A_176 : memref<10112x64xf32, #tpu.memory_space<vmem_shared>>)
          } else {
          }
          %add3A_162 = arith.constant 5 : i32
          %add3A_163 = arith.addi %scan3A_95, %add3A_162 : i32
          %dma_start3A_164 = arith.constant 0 : i32
          %dma_start3A_165 = tpu.memref_slice %arg7[%add3A_163, %dma_start3A_164] : memref<157x128xi32, #tpu.memory_space<vmem>> -> memref<1x128xi32, #tpu.memory_space<vmem>>
          %dma_start3A_166 = tpu.memref_squeeze %dma_start3A_165 : memref<1x128xi32, #tpu.memory_space<vmem>> -> memref<128xi32, #tpu.memory_space<vmem>>
          %dma_start3A_167 = arith.constant 0 : i32
          %dma_start3A_168 = arith.constant 0 : i32
          %dma_start3A_169 = tpu.memref_slice %arg2[%dma_start3A_167, %dma_start3A_168] : memref<20000x64xf32, #tpu.memory_space<hbm>> -> memref<20000x64xf32, #tpu.memory_space<hbm>>
          tpu.enqueue_indirect_dma source(%dma_start3A_169 : memref<20000x64xf32, #tpu.memory_space<hbm>>) target(%arg11 : memref<128x64xf32, #tpu.memory_space<vmem>>) offsets(%dma_start3A_166 : memref<128xi32, #tpu.memory_space<vmem>>) semaphore(%arg18 : memref<!tpu.dma_semaphore, #tpu.memory_space<semaphore_mem>>)
        } else {
        }
      } else {
      }
      %rem3A_124 = arith.constant 6 : i32
      %rem3A_125 = arith.remsi %scan3A_95, %rem3A_124 : i32
      %eq3A_126 = arith.constant 4 : i32
      %eq3A_127 = arith.cmpi eq, %rem3A_125, %eq3A_126 : i32
      %convert_element_type3A_128 = arith.extui %eq3A_127 : i1 to i32
      %cond3A_129 = arith.constant 0 : i32
      %cond3A_130 = arith.cmpi ne, %convert_element_type3A_128, %cond3A_129 : i32
      scf.if %cond3A_130 {
        %dma_wait3A_139 = arith.constant 0 : i32
        %dma_wait3A_140 = tpu.memref_slice %arg7[%scan3A_95, %dma_wait3A_139] : memref<157x128xi32, #tpu.memory_space<vmem>> -> memref<1x128xi32, #tpu.memory_space<vmem>>
        %dma_wait3A_141 = tpu.memref_squeeze %dma_wait3A_140 : memref<1x128xi32, #tpu.memory_space<vmem>> -> memref<128xi32, #tpu.memory_space<vmem>>
        %dma_wait3A_142 = arith.constant 0 : i32
        %dma_wait3A_143 = arith.constant 0 : i32
        %dma_wait3A_144 = tpu.memref_slice %arg2[%dma_wait3A_142, %dma_wait3A_143] : memref<20000x64xf32, #tpu.memory_space<hbm>> -> memref<20000x64xf32, #tpu.memory_space<hbm>>
        tpu.wait_indirect_dma semaphore(%arg20 : memref<!tpu.dma_semaphore, #tpu.memory_space<semaphore_mem>>) src(%dma_wait3A_144 : memref<20000x64xf32, #tpu.memory_space<hbm>>) dst(%arg13 : memref<128x64xf32, #tpu.memory_space<vmem>>)
        %dma_start3A_145 = arith.constant 0 : i32
        %dma_start3A_146 = tpu.memref_slice %arg8[%scan3A_95, %dma_start3A_145] : memref<157x128xi32, #tpu.memory_space<vmem>> -> memref<1x128xi32, #tpu.memory_space<vmem>>
        %dma_start3A_147 = tpu.memref_squeeze %dma_start3A_146 : memref<1x128xi32, #tpu.memory_space<vmem>> -> memref<128xi32, #tpu.memory_space<vmem>>
        %dma_start3A_148 = arith.constant 0 : i32
        %dma_start3A_149 = arith.constant 0 : i32
        %dma_start3A_150 = tpu.memref_slice %arg15[%dma_start3A_148, %dma_start3A_149] : memref<10112x64xf32, #tpu.memory_space<vmem_shared>> -> memref<10112x64xf32, #tpu.memory_space<vmem_shared>>
        tpu.enqueue_indirect_dma source(%arg13 : memref<128x64xf32, #tpu.memory_space<vmem>>) target(%dma_start3A_150 : memref<10112x64xf32, #tpu.memory_space<vmem_shared>>) offsets(%dma_start3A_147 : memref<128xi32, #tpu.memory_space<vmem>>) semaphore(%arg26 : memref<!tpu.dma_semaphore, #tpu.memory_space<semaphore_mem>>) {add = true}
        %add3A = arith.constant 5 : i32
        %add3A_151 = arith.addi %scan3A_95, %add3A : i32
        %lt3A = arith.constant 157 : i32
        %lt3A_152 = arith.cmpi slt, %add3A_151, %lt3A : i32
        %convert_element_type3A_153 = arith.extui %lt3A_152 : i1 to i32
        %cond3A_154 = arith.constant 0 : i32
        %cond3A_155 = arith.cmpi ne, %convert_element_type3A_153, %cond3A_154 : i32
        scf.if %cond3A_155 {
          %add3A_156 = arith.constant 5 : i32
          %add3A_157 = arith.addi %scan3A_95, %add3A_156 : i32
          %ge3A = arith.constant 6 : i32
          %ge3A_158 = arith.cmpi sge, %add3A_157, %ge3A : i32
          %convert_element_type3A_159 = arith.extui %ge3A_158 : i1 to i32
          %cond3A_160 = arith.constant 0 : i32
          %cond3A_161 = arith.cmpi ne, %convert_element_type3A_159, %cond3A_160 : i32
          scf.if %cond3A_161 {
            %dma_wait3A_170 = arith.constant 0 : i32
            %dma_wait3A_171 = arith.constant 0 : i32
            %dma_wait3A_172 = tpu.memref_slice %arg8[%dma_wait3A_170, %dma_wait3A_171] : memref<157x128xi32, #tpu.memory_space<vmem>> -> memref<1x128xi32, #tpu.memory_space<vmem>>
            %dma_wait3A_173 = tpu.memref_squeeze %dma_wait3A_172 : memref<1x128xi32, #tpu.memory_space<vmem>> -> memref<128xi32, #tpu.memory_space<vmem>>
            %dma_wait3A_174 = arith.constant 0 : i32
            %dma_wait3A_175 = arith.constant 0 : i32
            %dma_wait3A_176 = tpu.memref_slice %arg15[%dma_wait3A_174, %dma_wait3A_175] : memref<10112x64xf32, #tpu.memory_space<vmem_shared>> -> memref<10112x64xf32, #tpu.memory_space<vmem_shared>>
            tpu.wait_indirect_dma semaphore(%arg25 : memref<!tpu.dma_semaphore, #tpu.memory_space<semaphore_mem>>) src(%arg12 : memref<128x64xf32, #tpu.memory_space<vmem>>) dst(%dma_wait3A_176 : memref<10112x64xf32, #tpu.memory_space<vmem_shared>>)
          } else {
          }
          %add3A_162 = arith.constant 5 : i32
          %add3A_163 = arith.addi %scan3A_95, %add3A_162 : i32
          %dma_start3A_164 = arith.constant 0 : i32
          %dma_start3A_165 = tpu.memref_slice %arg7[%add3A_163, %dma_start3A_164] : memref<157x128xi32, #tpu.memory_space<vmem>> -> memref<1x128xi32, #tpu.memory_space<vmem>>
          %dma_start3A_166 = tpu.memref_squeeze %dma_start3A_165 : memref<1x128xi32, #tpu.memory_space<vmem>> -> memref<128xi32, #tpu.memory_space<vmem>>
          %dma_start3A_167 = arith.constant 0 : i32
          %dma_start3A_168 = arith.constant 0 : i32
          %dma_start3A_169 = tpu.memref_slice %arg2[%dma_start3A_167, %dma_start3A_168] : memref<20000x64xf32, #tpu.memory_space<hbm>> -> memref<20000x64xf32, #tpu.memory_space<hbm>>
          tpu.enqueue_indirect_dma source(%dma_start3A_169 : memref<20000x64xf32, #tpu.memory_space<hbm>>) target(%arg12 : memref<128x64xf32, #tpu.memory_space<vmem>>) offsets(%dma_start3A_166 : memref<128xi32, #tpu.memory_space<vmem>>) semaphore(%arg19 : memref<!tpu.dma_semaphore, #tpu.memory_space<semaphore_mem>>)
        } else {
        }
      } else {
      }
      %rem3A_131 = arith.constant 6 : i32
      %rem3A_132 = arith.remsi %scan3A_95, %rem3A_131 : i32
      %eq3A_133 = arith.constant 5 : i32
      %eq3A_134 = arith.cmpi eq, %rem3A_132, %eq3A_133 : i32
      %convert_element_type3A_135 = arith.extui %eq3A_134 : i1 to i32
      %cond3A_136 = arith.constant 0 : i32
      %cond3A_137 = arith.cmpi ne, %convert_element_type3A_135, %cond3A_136 : i32
      scf.if %cond3A_137 {
        %dma_wait3A_139 = arith.constant 0 : i32
        %dma_wait3A_140 = tpu.memref_slice %arg7[%scan3A_95, %dma_wait3A_139] : memref<157x128xi32, #tpu.memory_space<vmem>> -> memref<1x128xi32, #tpu.memory_space<vmem>>
        %dma_wait3A_141 = tpu.memref_squeeze %dma_wait3A_140 : memref<1x128xi32, #tpu.memory_space<vmem>> -> memref<128xi32, #tpu.memory_space<vmem>>
        %dma_wait3A_142 = arith.constant 0 : i32
        %dma_wait3A_143 = arith.constant 0 : i32
        %dma_wait3A_144 = tpu.memref_slice %arg2[%dma_wait3A_142, %dma_wait3A_143] : memref<20000x64xf32, #tpu.memory_space<hbm>> -> memref<20000x64xf32, #tpu.memory_space<hbm>>
        tpu.wait_indirect_dma semaphore(%arg21 : memref<!tpu.dma_semaphore, #tpu.memory_space<semaphore_mem>>) src(%dma_wait3A_144 : memref<20000x64xf32, #tpu.memory_space<hbm>>) dst(%arg14 : memref<128x64xf32, #tpu.memory_space<vmem>>)
        %dma_start3A_145 = arith.constant 0 : i32
        %dma_start3A_146 = tpu.memref_slice %arg8[%scan3A_95, %dma_start3A_145] : memref<157x128xi32, #tpu.memory_space<vmem>> -> memref<1x128xi32, #tpu.memory_space<vmem>>
        %dma_start3A_147 = tpu.memref_squeeze %dma_start3A_146 : memref<1x128xi32, #tpu.memory_space<vmem>> -> memref<128xi32, #tpu.memory_space<vmem>>
        %dma_start3A_148 = arith.constant 0 : i32
        %dma_start3A_149 = arith.constant 0 : i32
        %dma_start3A_150 = tpu.memref_slice %arg15[%dma_start3A_148, %dma_start3A_149] : memref<10112x64xf32, #tpu.memory_space<vmem_shared>> -> memref<10112x64xf32, #tpu.memory_space<vmem_shared>>
        tpu.enqueue_indirect_dma source(%arg14 : memref<128x64xf32, #tpu.memory_space<vmem>>) target(%dma_start3A_150 : memref<10112x64xf32, #tpu.memory_space<vmem_shared>>) offsets(%dma_start3A_147 : memref<128xi32, #tpu.memory_space<vmem>>) semaphore(%arg27 : memref<!tpu.dma_semaphore, #tpu.memory_space<semaphore_mem>>) {add = true}
        %add3A = arith.constant 5 : i32
        %add3A_151 = arith.addi %scan3A_95, %add3A : i32
        %lt3A = arith.constant 157 : i32
        %lt3A_152 = arith.cmpi slt, %add3A_151, %lt3A : i32
        %convert_element_type3A_153 = arith.extui %lt3A_152 : i1 to i32
        %cond3A_154 = arith.constant 0 : i32
        %cond3A_155 = arith.cmpi ne, %convert_element_type3A_153, %cond3A_154 : i32
        scf.if %cond3A_155 {
          %add3A_156 = arith.constant 5 : i32
          %add3A_157 = arith.addi %scan3A_95, %add3A_156 : i32
          %ge3A = arith.constant 6 : i32
          %ge3A_158 = arith.cmpi sge, %add3A_157, %ge3A : i32
          %convert_element_type3A_159 = arith.extui %ge3A_158 : i1 to i32
          %cond3A_160 = arith.constant 0 : i32
          %cond3A_161 = arith.cmpi ne, %convert_element_type3A_159, %cond3A_160 : i32
          scf.if %cond3A_161 {
            %dma_wait3A_170 = arith.constant 0 : i32
            %dma_wait3A_171 = arith.constant 0 : i32
            %dma_wait3A_172 = tpu.memref_slice %arg8[%dma_wait3A_170, %dma_wait3A_171] : memref<157x128xi32, #tpu.memory_space<vmem>> -> memref<1x128xi32, #tpu.memory_space<vmem>>
            %dma_wait3A_173 = tpu.memref_squeeze %dma_wait3A_172 : memref<1x128xi32, #tpu.memory_space<vmem>> -> memref<128xi32, #tpu.memory_space<vmem>>
            %dma_wait3A_174 = arith.constant 0 : i32
            %dma_wait3A_175 = arith.constant 0 : i32
            %dma_wait3A_176 = tpu.memref_slice %arg15[%dma_wait3A_174, %dma_wait3A_175] : memref<10112x64xf32, #tpu.memory_space<vmem_shared>> -> memref<10112x64xf32, #tpu.memory_space<vmem_shared>>
            tpu.wait_indirect_dma semaphore(%arg26 : memref<!tpu.dma_semaphore, #tpu.memory_space<semaphore_mem>>) src(%arg13 : memref<128x64xf32, #tpu.memory_space<vmem>>) dst(%dma_wait3A_176 : memref<10112x64xf32, #tpu.memory_space<vmem_shared>>)
          } else {
          }
          %add3A_162 = arith.constant 5 : i32
          %add3A_163 = arith.addi %scan3A_95, %add3A_162 : i32
          %dma_start3A_164 = arith.constant 0 : i32
          %dma_start3A_165 = tpu.memref_slice %arg7[%add3A_163, %dma_start3A_164] : memref<157x128xi32, #tpu.memory_space<vmem>> -> memref<1x128xi32, #tpu.memory_space<vmem>>
          %dma_start3A_166 = tpu.memref_squeeze %dma_start3A_165 : memref<1x128xi32, #tpu.memory_space<vmem>> -> memref<128xi32, #tpu.memory_space<vmem>>
          %dma_start3A_167 = arith.constant 0 : i32
          %dma_start3A_168 = arith.constant 0 : i32
          %dma_start3A_169 = tpu.memref_slice %arg2[%dma_start3A_167, %dma_start3A_168] : memref<20000x64xf32, #tpu.memory_space<hbm>> -> memref<20000x64xf32, #tpu.memory_space<hbm>>
          tpu.enqueue_indirect_dma source(%dma_start3A_169 : memref<20000x64xf32, #tpu.memory_space<hbm>>) target(%arg13 : memref<128x64xf32, #tpu.memory_space<vmem>>) offsets(%dma_start3A_166 : memref<128xi32, #tpu.memory_space<vmem>>) semaphore(%arg20 : memref<!tpu.dma_semaphore, #tpu.memory_space<semaphore_mem>>)
        } else {
        }
      } else {
      }
      %scan3A_138 = arith.constant 0 : i32
      scf.yield %scan3A_138 : i32
    }
    %scan3A_46 = arith.constant 157 : i32
    %dma_wait3A = arith.constant 0 : i32
    %dma_wait3A_47 = arith.constant 0 : i32
    %dma_wait3A_48 = tpu.memref_slice %arg8[%dma_wait3A, %dma_wait3A_47] : memref<157x128xi32, #tpu.memory_space<vmem>> -> memref<1x128xi32, #tpu.memory_space<vmem>>
    %dma_wait3A_49 = tpu.memref_squeeze %dma_wait3A_48 : memref<1x128xi32, #tpu.memory_space<vmem>> -> memref<128xi32, #tpu.memory_space<vmem>>
    %dma_wait3A_50 = arith.constant 0 : i32
    %dma_wait3A_51 = arith.constant 0 : i32
    %dma_wait3A_52 = tpu.memref_slice %arg15[%dma_wait3A_50, %dma_wait3A_51] : memref<10112x64xf32, #tpu.memory_space<vmem_shared>> -> memref<10112x64xf32, #tpu.memory_space<vmem_shared>>
    tpu.wait_indirect_dma semaphore(%arg22 : memref<!tpu.dma_semaphore, #tpu.memory_space<semaphore_mem>>) src(%arg9 : memref<128x64xf32, #tpu.memory_space<vmem>>) dst(%dma_wait3A_52 : memref<10112x64xf32, #tpu.memory_space<vmem_shared>>)
    %dma_wait3A_53 = arith.constant 0 : i32
    %dma_wait3A_54 = arith.constant 0 : i32
    %dma_wait3A_55 = tpu.memref_slice %arg8[%dma_wait3A_53, %dma_wait3A_54] : memref<157x128xi32, #tpu.memory_space<vmem>> -> memref<1x128xi32, #tpu.memory_space<vmem>>
    %dma_wait3A_56 = tpu.memref_squeeze %dma_wait3A_55 : memref<1x128xi32, #tpu.memory_space<vmem>> -> memref<128xi32, #tpu.memory_space<vmem>>
    %dma_wait3A_57 = arith.constant 0 : i32
    %dma_wait3A_58 = arith.constant 0 : i32
    %dma_wait3A_59 = tpu.memref_slice %arg15[%dma_wait3A_57, %dma_wait3A_58] : memref<10112x64xf32, #tpu.memory_space<vmem_shared>> -> memref<10112x64xf32, #tpu.memory_space<vmem_shared>>
    tpu.wait_indirect_dma semaphore(%arg23 : memref<!tpu.dma_semaphore, #tpu.memory_space<semaphore_mem>>) src(%arg10 : memref<128x64xf32, #tpu.memory_space<vmem>>) dst(%dma_wait3A_59 : memref<10112x64xf32, #tpu.memory_space<vmem_shared>>)
    %dma_wait3A_60 = arith.constant 0 : i32
    %dma_wait3A_61 = arith.constant 0 : i32
    %dma_wait3A_62 = tpu.memref_slice %arg8[%dma_wait3A_60, %dma_wait3A_61] : memref<157x128xi32, #tpu.memory_space<vmem>> -> memref<1x128xi32, #tpu.memory_space<vmem>>
    %dma_wait3A_63 = tpu.memref_squeeze %dma_wait3A_62 : memref<1x128xi32, #tpu.memory_space<vmem>> -> memref<128xi32, #tpu.memory_space<vmem>>
    %dma_wait3A_64 = arith.constant 0 : i32
    %dma_wait3A_65 = arith.constant 0 : i32
    %dma_wait3A_66 = tpu.memref_slice %arg15[%dma_wait3A_64, %dma_wait3A_65] : memref<10112x64xf32, #tpu.memory_space<vmem_shared>> -> memref<10112x64xf32, #tpu.memory_space<vmem_shared>>
    tpu.wait_indirect_dma semaphore(%arg24 : memref<!tpu.dma_semaphore, #tpu.memory_space<semaphore_mem>>) src(%arg11 : memref<128x64xf32, #tpu.memory_space<vmem>>) dst(%dma_wait3A_66 : memref<10112x64xf32, #tpu.memory_space<vmem_shared>>)
    %dma_wait3A_67 = arith.constant 0 : i32
    %dma_wait3A_68 = arith.constant 0 : i32
    %dma_wait3A_69 = tpu.memref_slice %arg8[%dma_wait3A_67, %dma_wait3A_68] : memref<157x128xi32, #tpu.memory_space<vmem>> -> memref<1x128xi32, #tpu.memory_space<vmem>>
    %dma_wait3A_70 = tpu.memref_squeeze %dma_wait3A_69 : memref<1x128xi32, #tpu.memory_space<vmem>> -> memref<128xi32, #tpu.memory_space<vmem>>
    %dma_wait3A_71 = arith.constant 0 : i32
    %dma_wait3A_72 = arith.constant 0 : i32
    %dma_wait3A_73 = tpu.memref_slice %arg15[%dma_wait3A_71, %dma_wait3A_72] : memref<10112x64xf32, #tpu.memory_space<vmem_shared>> -> memref<10112x64xf32, #tpu.memory_space<vmem_shared>>
    tpu.wait_indirect_dma semaphore(%arg25 : memref<!tpu.dma_semaphore, #tpu.memory_space<semaphore_mem>>) src(%arg12 : memref<128x64xf32, #tpu.memory_space<vmem>>) dst(%dma_wait3A_73 : memref<10112x64xf32, #tpu.memory_space<vmem_shared>>)
    %dma_wait3A_74 = arith.constant 0 : i32
    %dma_wait3A_75 = arith.constant 0 : i32
    %dma_wait3A_76 = tpu.memref_slice %arg8[%dma_wait3A_74, %dma_wait3A_75] : memref<157x128xi32, #tpu.memory_space<vmem>> -> memref<1x128xi32, #tpu.memory_space<vmem>>
    %dma_wait3A_77 = tpu.memref_squeeze %dma_wait3A_76 : memref<1x128xi32, #tpu.memory_space<vmem>> -> memref<128xi32, #tpu.memory_space<vmem>>
    %dma_wait3A_78 = arith.constant 0 : i32
    %dma_wait3A_79 = arith.constant 0 : i32
    %dma_wait3A_80 = tpu.memref_slice %arg15[%dma_wait3A_78, %dma_wait3A_79] : memref<10112x64xf32, #tpu.memory_space<vmem_shared>> -> memref<10112x64xf32, #tpu.memory_space<vmem_shared>>
    tpu.wait_indirect_dma semaphore(%arg26 : memref<!tpu.dma_semaphore, #tpu.memory_space<semaphore_mem>>) src(%arg13 : memref<128x64xf32, #tpu.memory_space<vmem>>) dst(%dma_wait3A_80 : memref<10112x64xf32, #tpu.memory_space<vmem_shared>>)
    %dma_wait3A_81 = arith.constant 0 : i32
    %dma_wait3A_82 = arith.constant 0 : i32
    %dma_wait3A_83 = tpu.memref_slice %arg8[%dma_wait3A_81, %dma_wait3A_82] : memref<157x128xi32, #tpu.memory_space<vmem>> -> memref<1x128xi32, #tpu.memory_space<vmem>>
    %dma_wait3A_84 = tpu.memref_squeeze %dma_wait3A_83 : memref<1x128xi32, #tpu.memory_space<vmem>> -> memref<128xi32, #tpu.memory_space<vmem>>
    %dma_wait3A_85 = arith.constant 0 : i32
    %dma_wait3A_86 = arith.constant 0 : i32
    %dma_wait3A_87 = tpu.memref_slice %arg15[%dma_wait3A_85, %dma_wait3A_86] : memref<10112x64xf32, #tpu.memory_space<vmem_shared>> -> memref<10112x64xf32, #tpu.memory_space<vmem_shared>>
    tpu.wait_indirect_dma semaphore(%arg27 : memref<!tpu.dma_semaphore, #tpu.memory_space<semaphore_mem>>) src(%arg14 : memref<128x64xf32, #tpu.memory_space<vmem>>) dst(%dma_wait3A_87 : memref<10112x64xf32, #tpu.memory_space<vmem_shared>>)
    %barrier3A_88 = arith.constant 0 : index
    tpu.barrier barrier_id(%barrier3A_88)
    %mul3A_89 = arith.constant 632 : i32
    %mul3A_90 = arith.muli %arg1, %mul3A_89 : i32
    %mul3A_91 = arith.constant 632 : i32
    %mul3A_92 = arith.muli %arg1, %mul3A_91 : i32
    %mul3A_93 = arith.constant 64 : i32
    %mul3A_94 = arith.muli %arg0, %mul3A_93 : i32
    "tpu.region"() ({
      %run_scoped3A = tpu.sem_alloc : memref<!tpu.dma_semaphore, #tpu.memory_space<semaphore_mem>>
      %dma_start3A_95 = tpu.memref_slice %arg6[%mul3A_92, %mul3A_94] : memref<10112x128xf32, #tpu.memory_space<hbm>> -> memref<632x64xf32, #tpu.memory_space<hbm>>
      %dma_start3A_96 = arith.constant 0 : i32
      %dma_start3A_97 = tpu.memref_slice %arg15[%mul3A_90, %dma_start3A_96] : memref<10112x64xf32, #tpu.memory_space<vmem_shared>> -> memref<632x64xf32, #tpu.memory_space<vmem_shared>>
      tpu.enqueue_dma source(%dma_start3A_97 : memref<632x64xf32, #tpu.memory_space<vmem_shared>>) target(%dma_start3A_95 : memref<632x64xf32, #tpu.memory_space<hbm>>) target_semaphore(%run_scoped3A : memref<!tpu.dma_semaphore, #tpu.memory_space<semaphore_mem>>)
      %dma_wait3A_98 = tpu.memref_slice %arg6[%mul3A_92, %mul3A_94] : memref<10112x128xf32, #tpu.memory_space<hbm>> -> memref<632x64xf32, #tpu.memory_space<hbm>>
      %dma_wait3A_99 = arith.constant 0 : i32
      %dma_wait3A_100 = tpu.memref_slice %arg15[%mul3A_90, %dma_wait3A_99] : memref<10112x64xf32, #tpu.memory_space<vmem_shared>> -> memref<632x64xf32, #tpu.memory_space<vmem_shared>>
      tpu.wait_dma2 semaphore(%run_scoped3A : memref<!tpu.dma_semaphore, #tpu.memory_space<semaphore_mem>>) src(%dma_wait3A_100 : memref<632x64xf32, #tpu.memory_space<vmem_shared>>) dst(%dma_wait3A_98 : memref<632x64xf32, #tpu.memory_space<hbm>>)
      tpu.yield
    }) : () -> ()
    return
  }
}

#map = affine_map<(d0, d1) -> (0, 0)>
module attributes {stable_mosaic.version = 14 : i64} {
  func.func @body(%arg0: i32, %arg1: i32, %arg2: memref<20000x64xf32, #tpu.memory_space<hbm>>, %arg3: memref<2512x128xi32, #tpu.memory_space<hbm>>, %arg4: memref<2512x128xi32, #tpu.memory_space<hbm>>, %arg5: memref<632x64xf32, #tpu.memory_space<hbm>>, %arg6: memref<10112x128xf32, #tpu.memory_space<hbm>>, %arg7: memref<157x128xi32, #tpu.memory_space<vmem>>, %arg8: memref<157x128xi32, #tpu.memory_space<vmem>>, %arg9: memref<128x64xf32, #tpu.memory_space<vmem>>, %arg10: memref<128x64xf32, #tpu.memory_space<vmem>>, %arg11: memref<128x64xf32, #tpu.memory_space<vmem>>, %arg12: memref<128x64xf32, #tpu.memory_space<vmem>>, %arg13: memref<128x64xf32, #tpu.memory_space<vmem>>, %arg14: memref<128x64xf32, #tpu.memory_space<vmem>>, %arg15: memref<10112x64xf32, #tpu.memory_space<vmem_shared>>, %arg16: memref<!tpu.dma_semaphore, #tpu.memory_space<semaphore_mem>>, %arg17: memref<!tpu.dma_semaphore, #tpu.memory_space<semaphore_mem>>, %arg18: memref<!tpu.dma_semaphore, #tpu.memory_space<semaphore_mem>>, %arg19: memref<!tpu.dma_semaphore, #tpu.memory_space<semaphore_mem>>, %arg20: memref<!tpu.dma_semaphore, #tpu.memory_space<semaphore_mem>>, %arg21: memref<!tpu.dma_semaphore, #tpu.memory_space<semaphore_mem>>, %arg22: memref<!tpu.dma_semaphore, #tpu.memory_space<semaphore_mem>>, %arg23: memref<!tpu.dma_semaphore, #tpu.memory_space<semaphore_mem>>, %arg24: memref<!tpu.dma_semaphore, #tpu.memory_space<semaphore_mem>>, %arg25: memref<!tpu.dma_semaphore, #tpu.memory_space<semaphore_mem>>, %arg26: memref<!tpu.dma_semaphore, #tpu.memory_space<semaphore_mem>>, %arg27: memref<!tpu.dma_semaphore, #tpu.memory_space<semaphore_mem>>) attributes {dimension_semantics = [#tpu.dimension_semantics<core_parallel>, #tpu.dimension_semantics<subcore_parallel>], iteration_bounds = array<i64: 2, 16>, scalar_prefetch = 0 : i64, scratch_operands = 21 : i64, tpu.core_type = #tpu.core_type<sc_vector_subcore>, window_params = [{transform_indices = #map}, {transform_indices = #map}, {transform_indices = #map}, {transform_indices = #map}, {transform_indices = #map}]} {
    %mul3A = arith.constant 157 : i32
    %mul3A_0 = arith.muli %arg1, %mul3A : i32
    "tpu.region"() ({
      %run_scoped3A = tpu.sem_alloc : memref<!tpu.dma_semaphore, #tpu.memory_space<semaphore_mem>>
      %dma_start3A_95 = arith.constant 0 : i32
      %dma_start3A_96 = tpu.memref_slice %arg3[%mul3A_0, %dma_start3A_95] : memref<2512x128xi32, #tpu.memory_space<hbm>> -> memref<157x128xi32, #tpu.memory_space<hbm>>
      %dma_start3A_97 = arith.constant 0 : i32
      %dma_start3A_98 = tpu.memref_slice %arg3[%mul3A_0, %dma_start3A_97] : memref<2512x128xi32, #tpu.memory_space<hbm>> -> memref<157x128xi32, #tpu.memory_space<hbm>>
      tpu.enqueue_dma source(%dma_start3A_98 : memref<157x128xi32, #tpu.memory_space<hbm>>) target(%arg7 : memref<157x128xi32, #tpu.memory_space<vmem>>) target_semaphore(%run_scoped3A : memref<!tpu.dma_semaphore, #tpu.memory_space<semaphore_mem>>)
      %dma_wait3A_99 = arith.constant 0 : i32
      %dma_wait3A_100 = tpu.memref_slice %arg3[%mul3A_0, %dma_wait3A_99] : memref<2512x128xi32, #tpu.memory_space<hbm>> -> memref<157x128xi32, #tpu.memory_space<hbm>>
      %dma_wait3A_101 = arith.constant 0 : i32
      %dma_wait3A_102 = tpu.memref_slice %arg3[%mul3A_0, %dma_wait3A_101] : memref<2512x128xi32, #tpu.memory_space<hbm>> -> memref<157x128xi32, #tpu.memory_space<hbm>>
      tpu.wait_dma2 semaphore(%run_scoped3A : memref<!tpu.dma_semaphore, #tpu.memory_space<semaphore_mem>>) src(%dma_wait3A_102 : memref<157x128xi32, #tpu.memory_space<hbm>>) dst(%arg7 : memref<157x128xi32, #tpu.memory_space<vmem>>)
      tpu.yield
    }) : () -> ()
    %mul3A_1 = arith.constant 157 : i32
    %mul3A_2 = arith.muli %arg1, %mul3A_1 : i32
    "tpu.region"() ({
      %run_scoped3A = tpu.sem_alloc : memref<!tpu.dma_semaphore, #tpu.memory_space<semaphore_mem>>
      %dma_start3A_95 = arith.constant 0 : i32
      %dma_start3A_96 = tpu.memref_slice %arg4[%mul3A_2, %dma_start3A_95] : memref<2512x128xi32, #tpu.memory_space<hbm>> -> memref<157x128xi32, #tpu.memory_space<hbm>>
      %dma_start3A_97 = arith.constant 0 : i32
      %dma_start3A_98 = tpu.memref_slice %arg4[%mul3A_2, %dma_start3A_97] : memref<2512x128xi32, #tpu.memory_space<hbm>> -> memref<157x128xi32, #tpu.memory_space<hbm>>
      tpu.enqueue_dma source(%dma_start3A_98 : memref<157x128xi32, #tpu.memory_space<hbm>>) target(%arg8 : memref<157x128xi32, #tpu.memory_space<vmem>>) target_semaphore(%run_scoped3A : memref<!tpu.dma_semaphore, #tpu.memory_space<semaphore_mem>>)
      %dma_wait3A_99 = arith.constant 0 : i32
      %dma_wait3A_100 = tpu.memref_slice %arg4[%mul3A_2, %dma_wait3A_99] : memref<2512x128xi32, #tpu.memory_space<hbm>> -> memref<157x128xi32, #tpu.memory_space<hbm>>
      %dma_wait3A_101 = arith.constant 0 : i32
      %dma_wait3A_102 = tpu.memref_slice %arg4[%mul3A_2, %dma_wait3A_101] : memref<2512x128xi32, #tpu.memory_space<hbm>> -> memref<157x128xi32, #tpu.memory_space<hbm>>
      tpu.wait_dma2 semaphore(%run_scoped3A : memref<!tpu.dma_semaphore, #tpu.memory_space<semaphore_mem>>) src(%dma_wait3A_102 : memref<157x128xi32, #tpu.memory_space<hbm>>) dst(%arg8 : memref<157x128xi32, #tpu.memory_space<vmem>>)
      tpu.yield
    }) : () -> ()
    %mul3A_3 = arith.constant 632 : i32
    %mul3A_4 = arith.muli %arg1, %mul3A_3 : i32
    "tpu.region"() ({
      %run_scoped3A = tpu.sem_alloc : memref<!tpu.dma_semaphore, #tpu.memory_space<semaphore_mem>>
      %dma_start3A_95 = arith.constant 0 : i32
      %dma_start3A_96 = tpu.memref_slice %arg15[%mul3A_4, %dma_start3A_95] : memref<10112x64xf32, #tpu.memory_space<vmem_shared>> -> memref<632x64xf32, #tpu.memory_space<vmem_shared>>
      tpu.enqueue_dma source(%arg5 : memref<632x64xf32, #tpu.memory_space<hbm>>) target(%dma_start3A_96 : memref<632x64xf32, #tpu.memory_space<vmem_shared>>) target_semaphore(%run_scoped3A : memref<!tpu.dma_semaphore, #tpu.memory_space<semaphore_mem>>)
      %dma_wait3A_97 = arith.constant 0 : i32
      %dma_wait3A_98 = tpu.memref_slice %arg15[%mul3A_4, %dma_wait3A_97] : memref<10112x64xf32, #tpu.memory_space<vmem_shared>> -> memref<632x64xf32, #tpu.memory_space<vmem_shared>>
      tpu.wait_dma2 semaphore(%run_scoped3A : memref<!tpu.dma_semaphore, #tpu.memory_space<semaphore_mem>>) src(%arg5 : memref<632x64xf32, #tpu.memory_space<hbm>>) dst(%dma_wait3A_98 : memref<632x64xf32, #tpu.memory_space<vmem_shared>>)
      tpu.yield
    }) : () -> ()
    %eq3A = arith.constant 1 : i32
    %eq3A_5 = arith.cmpi eq, %arg0, %eq3A : i32
    %convert_element_type3A = arith.extui %eq3A_5 : i1 to i32
    %cond3A = arith.constant 0 : i32
    %cond3A_6 = arith.cmpi ne, %convert_element_type3A, %cond3A : i32
    scf.if %cond3A_6 {
      %scan3A_95 = arith.constant 0 : i32
      %scan3A_96 = arith.constant 0 : i32
      %scan3A_97 = arith.constant 157 : i32
      %scan3A_98 = arith.addi %scan3A_96, %scan3A_97 : i32
      %scan3A_99 = arith.constant 1 : i32
      %scan3A_100 = scf.for %scan3A_102 = %scan3A_96 to %scan3A_98 step %scan3A_99 iter_args(%scan3A_103 = %scan3A_95) -> (i32)  : i32 {
        %get3A = arith.index_cast %scan3A_102 : i32 to index
        %get3A_104 = arith.constant 0 : index
        %get3A_105 = tpu.vector_load %arg7[%get3A, %get3A_104] {strides = array<i32>} : memref<157x128xi32, #tpu.memory_space<vmem>>, vector<1x16xi32>,
        %get3A_106 = vector.shape_cast %get3A_105 : vector<1x16xi32> to vector<16xi32>
        %add3A = arith.constant 1 : i32
        %add3A_107 = vector.broadcast %add3A : i32 to vector<16xi32>
        %add3A_108 = arith.addi %get3A_106, %add3A_107 : vector<16xi32>
        %swap3A = arith.index_cast %scan3A_102 : i32 to index
        %swap3A_109 = arith.constant 0 : index
        %swap3A_110 = tpu.vector_load %arg7[%swap3A, %swap3A_109] {strides = array<i32>} : memref<157x128xi32, #tpu.memory_space<vmem>>, vector<1x16xi32>,
        %swap3A_111 = vector.shape_cast %swap3A_110 : vector<1x16xi32> to vector<16xi32>
        %swap3A_112 = vector.shape_cast %add3A_108 : vector<16xi32> to vector<1x16xi32>
        tpu.vector_store %arg7[%swap3A, %swap3A_109], %swap3A_112 {strides = array<i32>} : memref<157x128xi32, #tpu.memory_space<vmem>>, vector<1x16xi32>,
        %get3A_113 = arith.index_cast %scan3A_102 : i32 to index
        %get3A_114 = arith.constant 16 : index
        %get3A_115 = tpu.vector_load %arg7[%get3A_113, %get3A_114] {strides = array<i32>} : memref<157x128xi32, #tpu.memory_space<vmem>>, vector<1x16xi32>,
        %get3A_116 = vector.shape_cast %get3A_115 : vector<1x16xi32> to vector<16xi32>
        %add3A_117 = arith.constant 1 : i32
        %add3A_118 = vector.broadcast %add3A_117 : i32 to vector<16xi32>
        %add3A_119 = arith.addi %get3A_116, %add3A_118 : vector<16xi32>
        %swap3A_120 = arith.index_cast %scan3A_102 : i32 to index
        %swap3A_121 = arith.constant 16 : index
        %swap3A_122 = tpu.vector_load %arg7[%swap3A_120, %swap3A_121] {strides = array<i32>} : memref<157x128xi32, #tpu.memory_space<vmem>>, vector<1x16xi32>,
        %swap3A_123 = vector.shape_cast %swap3A_122 : vector<1x16xi32> to vector<16xi32>
        %swap3A_124 = vector.shape_cast %add3A_119 : vector<16xi32> to vector<1x16xi32>
        tpu.vector_store %arg7[%swap3A_120, %swap3A_121], %swap3A_124 {strides = array<i32>} : memref<157x128xi32, #tpu.memory_space<vmem>>, vector<1x16xi32>,
        %get3A_125 = arith.index_cast %scan3A_102 : i32 to index
        %get3A_126 = arith.constant 32 : index
        %get3A_127 = tpu.vector_load %arg7[%get3A_125, %get3A_126] {strides = array<i32>} : memref<157x128xi32, #tpu.memory_space<vmem>>, vector<1x16xi32>,
        %get3A_128 = vector.shape_cast %get3A_127 : vector<1x16xi32> to vector<16xi32>
        %add3A_129 = arith.constant 1 : i32
        %add3A_130 = vector.broadcast %add3A_129 : i32 to vector<16xi32>
        %add3A_131 = arith.addi %get3A_128, %add3A_130 : vector<16xi32>
        %swap3A_132 = arith.index_cast %scan3A_102 : i32 to index
        %swap3A_133 = arith.constant 32 : index
        %swap3A_134 = tpu.vector_load %arg7[%swap3A_132, %swap3A_133] {strides = array<i32>} : memref<157x128xi32, #tpu.memory_space<vmem>>, vector<1x16xi32>,
        %swap3A_135 = vector.shape_cast %swap3A_134 : vector<1x16xi32> to vector<16xi32>
        %swap3A_136 = vector.shape_cast %add3A_131 : vector<16xi32> to vector<1x16xi32>
        tpu.vector_store %arg7[%swap3A_132, %swap3A_133], %swap3A_136 {strides = array<i32>} : memref<157x128xi32, #tpu.memory_space<vmem>>, vector<1x16xi32>,
        %get3A_137 = arith.index_cast %scan3A_102 : i32 to index
        %get3A_138 = arith.constant 48 : index
        %get3A_139 = tpu.vector_load %arg7[%get3A_137, %get3A_138] {strides = array<i32>} : memref<157x128xi32, #tpu.memory_space<vmem>>, vector<1x16xi32>,
        %get3A_140 = vector.shape_cast %get3A_139 : vector<1x16xi32> to vector<16xi32>
        %add3A_141 = arith.constant 1 : i32
        %add3A_142 = vector.broadcast %add3A_141 : i32 to vector<16xi32>
        %add3A_143 = arith.addi %get3A_140, %add3A_142 : vector<16xi32>
        %swap3A_144 = arith.index_cast %scan3A_102 : i32 to index
        %swap3A_145 = arith.constant 48 : index
        %swap3A_146 = tpu.vector_load %arg7[%swap3A_144, %swap3A_145] {strides = array<i32>} : memref<157x128xi32, #tpu.memory_space<vmem>>, vector<1x16xi32>,
        %swap3A_147 = vector.shape_cast %swap3A_146 : vector<1x16xi32> to vector<16xi32>
        %swap3A_148 = vector.shape_cast %add3A_143 : vector<16xi32> to vector<1x16xi32>
        tpu.vector_store %arg7[%swap3A_144, %swap3A_145], %swap3A_148 {strides = array<i32>} : memref<157x128xi32, #tpu.memory_space<vmem>>, vector<1x16xi32>,
        %get3A_149 = arith.index_cast %scan3A_102 : i32 to index
        %get3A_150 = arith.constant 64 : index
        %get3A_151 = tpu.vector_load %arg7[%get3A_149, %get3A_150] {strides = array<i32>} : memref<157x128xi32, #tpu.memory_space<vmem>>, vector<1x16xi32>,
        %get3A_152 = vector.shape_cast %get3A_151 : vector<1x16xi32> to vector<16xi32>
        %add3A_153 = arith.constant 1 : i32
        %add3A_154 = vector.broadcast %add3A_153 : i32 to vector<16xi32>
        %add3A_155 = arith.addi %get3A_152, %add3A_154 : vector<16xi32>
        %swap3A_156 = arith.index_cast %scan3A_102 : i32 to index
        %swap3A_157 = arith.constant 64 : index
        %swap3A_158 = tpu.vector_load %arg7[%swap3A_156, %swap3A_157] {strides = array<i32>} : memref<157x128xi32, #tpu.memory_space<vmem>>, vector<1x16xi32>,
        %swap3A_159 = vector.shape_cast %swap3A_158 : vector<1x16xi32> to vector<16xi32>
        %swap3A_160 = vector.shape_cast %add3A_155 : vector<16xi32> to vector<1x16xi32>
        tpu.vector_store %arg7[%swap3A_156, %swap3A_157], %swap3A_160 {strides = array<i32>} : memref<157x128xi32, #tpu.memory_space<vmem>>, vector<1x16xi32>,
        %get3A_161 = arith.index_cast %scan3A_102 : i32 to index
        %get3A_162 = arith.constant 80 : index
        %get3A_163 = tpu.vector_load %arg7[%get3A_161, %get3A_162] {strides = array<i32>} : memref<157x128xi32, #tpu.memory_space<vmem>>, vector<1x16xi32>,
        %get3A_164 = vector.shape_cast %get3A_163 : vector<1x16xi32> to vector<16xi32>
        %add3A_165 = arith.constant 1 : i32
        %add3A_166 = vector.broadcast %add3A_165 : i32 to vector<16xi32>
        %add3A_167 = arith.addi %get3A_164, %add3A_166 : vector<16xi32>
        %swap3A_168 = arith.index_cast %scan3A_102 : i32 to index
        %swap3A_169 = arith.constant 80 : index
        %swap3A_170 = tpu.vector_load %arg7[%swap3A_168, %swap3A_169] {strides = array<i32>} : memref<157x128xi32, #tpu.memory_space<vmem>>, vector<1x16xi32>,
        %swap3A_171 = vector.shape_cast %swap3A_170 : vector<1x16xi32> to vector<16xi32>
        %swap3A_172 = vector.shape_cast %add3A_167 : vector<16xi32> to vector<1x16xi32>
        tpu.vector_store %arg7[%swap3A_168, %swap3A_169], %swap3A_172 {strides = array<i32>} : memref<157x128xi32, #tpu.memory_space<vmem>>, vector<1x16xi32>,
        %get3A_173 = arith.index_cast %scan3A_102 : i32 to index
        %get3A_174 = arith.constant 96 : index
        %get3A_175 = tpu.vector_load %arg7[%get3A_173, %get3A_174] {strides = array<i32>} : memref<157x128xi32, #tpu.memory_space<vmem>>, vector<1x16xi32>,
        %get3A_176 = vector.shape_cast %get3A_175 : vector<1x16xi32> to vector<16xi32>
        %add3A_177 = arith.constant 1 : i32
        %add3A_178 = vector.broadcast %add3A_177 : i32 to vector<16xi32>
        %add3A_179 = arith.addi %get3A_176, %add3A_178 : vector<16xi32>
        %swap3A_180 = arith.index_cast %scan3A_102 : i32 to index
        %swap3A_181 = arith.constant 96 : index
        %swap3A_182 = tpu.vector_load %arg7[%swap3A_180, %swap3A_181] {strides = array<i32>} : memref<157x128xi32, #tpu.memory_space<vmem>>, vector<1x16xi32>,
        %swap3A_183 = vector.shape_cast %swap3A_182 : vector<1x16xi32> to vector<16xi32>
        %swap3A_184 = vector.shape_cast %add3A_179 : vector<16xi32> to vector<1x16xi32>
        tpu.vector_store %arg7[%swap3A_180, %swap3A_181], %swap3A_184 {strides = array<i32>} : memref<157x128xi32, #tpu.memory_space<vmem>>, vector<1x16xi32>,
        %get3A_185 = arith.index_cast %scan3A_102 : i32 to index
        %get3A_186 = arith.constant 112 : index
        %get3A_187 = tpu.vector_load %arg7[%get3A_185, %get3A_186] {strides = array<i32>} : memref<157x128xi32, #tpu.memory_space<vmem>>, vector<1x16xi32>,
        %get3A_188 = vector.shape_cast %get3A_187 : vector<1x16xi32> to vector<16xi32>
        %add3A_189 = arith.constant 1 : i32
        %add3A_190 = vector.broadcast %add3A_189 : i32 to vector<16xi32>
        %add3A_191 = arith.addi %get3A_188, %add3A_190 : vector<16xi32>
        %swap3A_192 = arith.index_cast %scan3A_102 : i32 to index
        %swap3A_193 = arith.constant 112 : index
        %swap3A_194 = tpu.vector_load %arg7[%swap3A_192, %swap3A_193] {strides = array<i32>} : memref<157x128xi32, #tpu.memory_space<vmem>>, vector<1x16xi32>,
        %swap3A_195 = vector.shape_cast %swap3A_194 : vector<1x16xi32> to vector<16xi32>
        %swap3A_196 = vector.shape_cast %add3A_191 : vector<16xi32> to vector<1x16xi32>
        tpu.vector_store %arg7[%swap3A_192, %swap3A_193], %swap3A_196 {strides = array<i32>} : memref<157x128xi32, #tpu.memory_space<vmem>>, vector<1x16xi32>,
        %scan3A_197 = arith.constant 0 : i32
        scf.yield %scan3A_197 : i32
      }
      %scan3A_101 = arith.constant 157 : i32
    } else {
    }
    %barrier3A = arith.constant 0 : index
    tpu.barrier barrier_id(%barrier3A)
    %dma_start3A = arith.constant 0 : i32
    %dma_start3A_7 = arith.constant 0 : i32
    %dma_start3A_8 = tpu.memref_slice %arg7[%dma_start3A, %dma_start3A_7] : memref<157x128xi32, #tpu.memory_space<vmem>> -> memref<1x128xi32, #tpu.memory_space<vmem>>
    %dma_start3A_9 = tpu.memref_squeeze %dma_start3A_8 : memref<1x128xi32, #tpu.memory_space<vmem>> -> memref<128xi32, #tpu.memory_space<vmem>>
    %dma_start3A_10 = arith.constant 0 : i32
    %dma_start3A_11 = arith.constant 0 : i32
    %dma_start3A_12 = tpu.memref_slice %arg2[%dma_start3A_10, %dma_start3A_11] : memref<20000x64xf32, #tpu.memory_space<hbm>> -> memref<20000x64xf32, #tpu.memory_space<hbm>>
    tpu.enqueue_indirect_dma source(%dma_start3A_12 : memref<20000x64xf32, #tpu.memory_space<hbm>>) target(%arg9 : memref<128x64xf32, #tpu.memory_space<vmem>>) offsets(%dma_start3A_9 : memref<128xi32, #tpu.memory_space<vmem>>) semaphore(%arg16 : memref<!tpu.dma_semaphore, #tpu.memory_space<semaphore_mem>>)
    %dma_start3A_13 = arith.constant 1 : i32
    %dma_start3A_14 = arith.constant 0 : i32
    %dma_start3A_15 = tpu.memref_slice %arg7[%dma_start3A_13, %dma_start3A_14] : memref<157x128xi32, #tpu.memory_space<vmem>> -> memref<1x128xi32, #tpu.memory_space<vmem>>
    %dma_start3A_16 = tpu.memref_squeeze %dma_start3A_15 : memref<1x128xi32, #tpu.memory_space<vmem>> -> memref<128xi32, #tpu.memory_space<vmem>>
    %dma_start3A_17 = arith.constant 0 : i32
    %dma_start3A_18 = arith.constant 0 : i32
    %dma_start3A_19 = tpu.memref_slice %arg2[%dma_start3A_17, %dma_start3A_18] : memref<20000x64xf32, #tpu.memory_space<hbm>> -> memref<20000x64xf32, #tpu.memory_space<hbm>>
    tpu.enqueue_indirect_dma source(%dma_start3A_19 : memref<20000x64xf32, #tpu.memory_space<hbm>>) target(%arg10 : memref<128x64xf32, #tpu.memory_space<vmem>>) offsets(%dma_start3A_16 : memref<128xi32, #tpu.memory_space<vmem>>) semaphore(%arg17 : memref<!tpu.dma_semaphore, #tpu.memory_space<semaphore_mem>>)
    %dma_start3A_20 = arith.constant 2 : i32
    %dma_start3A_21 = arith.constant 0 : i32
    %dma_start3A_22 = tpu.memref_slice %arg7[%dma_start3A_20, %dma_start3A_21] : memref<157x128xi32, #tpu.memory_space<vmem>> -> memref<1x128xi32, #tpu.memory_space<vmem>>
    %dma_start3A_23 = tpu.memref_squeeze %dma_start3A_22 : memref<1x128xi32, #tpu.memory_space<vmem>> -> memref<128xi32, #tpu.memory_space<vmem>>
    %dma_start3A_24 = arith.constant 0 : i32
    %dma_start3A_25 = arith.constant 0 : i32
    %dma_start3A_26 = tpu.memref_slice %arg2[%dma_start3A_24, %dma_start3A_25] : memref<20000x64xf32, #tpu.memory_space<hbm>> -> memref<20000x64xf32, #tpu.memory_space<hbm>>
    tpu.enqueue_indirect_dma source(%dma_start3A_26 : memref<20000x64xf32, #tpu.memory_space<hbm>>) target(%arg11 : memref<128x64xf32, #tpu.memory_space<vmem>>) offsets(%dma_start3A_23 : memref<128xi32, #tpu.memory_space<vmem>>) semaphore(%arg18 : memref<!tpu.dma_semaphore, #tpu.memory_space<semaphore_mem>>)
    %dma_start3A_27 = arith.constant 3 : i32
    %dma_start3A_28 = arith.constant 0 : i32
    %dma_start3A_29 = tpu.memref_slice %arg7[%dma_start3A_27, %dma_start3A_28] : memref<157x128xi32, #tpu.memory_space<vmem>> -> memref<1x128xi32, #tpu.memory_space<vmem>>
    %dma_start3A_30 = tpu.memref_squeeze %dma_start3A_29 : memref<1x128xi32, #tpu.memory_space<vmem>> -> memref<128xi32, #tpu.memory_space<vmem>>
    %dma_start3A_31 = arith.constant 0 : i32
    %dma_start3A_32 = arith.constant 0 : i32
    %dma_start3A_33 = tpu.memref_slice %arg2[%dma_start3A_31, %dma_start3A_32] : memref<20000x64xf32, #tpu.memory_space<hbm>> -> memref<20000x64xf32, #tpu.memory_space<hbm>>
    tpu.enqueue_indirect_dma source(%dma_start3A_33 : memref<20000x64xf32, #tpu.memory_space<hbm>>) target(%arg12 : memref<128x64xf32, #tpu.memory_space<vmem>>) offsets(%dma_start3A_30 : memref<128xi32, #tpu.memory_space<vmem>>) semaphore(%arg19 : memref<!tpu.dma_semaphore, #tpu.memory_space<semaphore_mem>>)
    %dma_start3A_34 = arith.constant 4 : i32
    %dma_start3A_35 = arith.constant 0 : i32
    %dma_start3A_36 = tpu.memref_slice %arg7[%dma_start3A_34, %dma_start3A_35] : memref<157x128xi32, #tpu.memory_space<vmem>> -> memref<1x128xi32, #tpu.memory_space<vmem>>
    %dma_start3A_37 = tpu.memref_squeeze %dma_start3A_36 : memref<1x128xi32, #tpu.memory_space<vmem>> -> memref<128xi32, #tpu.memory_space<vmem>>
    %dma_start3A_38 = arith.constant 0 : i32
    %dma_start3A_39 = arith.constant 0 : i32
    %dma_start3A_40 = tpu.memref_slice %arg2[%dma_start3A_38, %dma_start3A_39] : memref<20000x64xf32, #tpu.memory_space<hbm>> -> memref<20000x64xf32, #tpu.memory_space<hbm>>
    tpu.enqueue_indirect_dma source(%dma_start3A_40 : memref<20000x64xf32, #tpu.memory_space<hbm>>) target(%arg13 : memref<128x64xf32, #tpu.memory_space<vmem>>) offsets(%dma_start3A_37 : memref<128xi32, #tpu.memory_space<vmem>>) semaphore(%arg20 : memref<!tpu.dma_semaphore, #tpu.memory_space<semaphore_mem>>)
    %scan3A = arith.constant 0 : i32
    %scan3A_41 = arith.constant 0 : i32
    %scan3A_42 = arith.constant 157 : i32
    %scan3A_43 = arith.addi %scan3A_41, %scan3A_42 : i32
    %scan3A_44 = arith.constant 1 : i32
    %scan3A_45 = scf.for %scan3A_95 = %scan3A_41 to %scan3A_43 step %scan3A_44 iter_args(%scan3A_96 = %scan3A) -> (i32)  : i32 {
      %rem3A = arith.constant 6 : i32
      %rem3A_97 = arith.remsi %scan3A_95, %rem3A : i32
      %eq3A_98 = arith.constant 0 : i32
      %eq3A_99 = arith.cmpi eq, %rem3A_97, %eq3A_98 : i32
      %convert_element_type3A_100 = arith.extui %eq3A_99 : i1 to i32
      %cond3A_101 = arith.constant 0 : i32
      %cond3A_102 = arith.cmpi ne, %convert_element_type3A_100, %cond3A_101 : i32
      scf.if %cond3A_102 {
        %dma_wait3A_139 = arith.constant 0 : i32
        %dma_wait3A_140 = tpu.memref_slice %arg7[%scan3A_95, %dma_wait3A_139] : memref<157x128xi32, #tpu.memory_space<vmem>> -> memref<1x128xi32, #tpu.memory_space<vmem>>
        %dma_wait3A_141 = tpu.memref_squeeze %dma_wait3A_140 : memref<1x128xi32, #tpu.memory_space<vmem>> -> memref<128xi32, #tpu.memory_space<vmem>>
        %dma_wait3A_142 = arith.constant 0 : i32
        %dma_wait3A_143 = arith.constant 0 : i32
        %dma_wait3A_144 = tpu.memref_slice %arg2[%dma_wait3A_142, %dma_wait3A_143] : memref<20000x64xf32, #tpu.memory_space<hbm>> -> memref<20000x64xf32, #tpu.memory_space<hbm>>
        tpu.wait_indirect_dma semaphore(%arg16 : memref<!tpu.dma_semaphore, #tpu.memory_space<semaphore_mem>>) src(%dma_wait3A_144 : memref<20000x64xf32, #tpu.memory_space<hbm>>) dst(%arg9 : memref<128x64xf32, #tpu.memory_space<vmem>>)
        %dma_start3A_145 = arith.constant 0 : i32
        %dma_start3A_146 = tpu.memref_slice %arg8[%scan3A_95, %dma_start3A_145] : memref<157x128xi32, #tpu.memory_space<vmem>> -> memref<1x128xi32, #tpu.memory_space<vmem>>
        %dma_start3A_147 = tpu.memref_squeeze %dma_start3A_146 : memref<1x128xi32, #tpu.memory_space<vmem>> -> memref<128xi32, #tpu.memory_space<vmem>>
        %dma_start3A_148 = arith.constant 0 : i32
        %dma_start3A_149 = arith.constant 0 : i32
        %dma_start3A_150 = tpu.memref_slice %arg15[%dma_start3A_148, %dma_start3A_149] : memref<10112x64xf32, #tpu.memory_space<vmem_shared>> -> memref<10112x64xf32, #tpu.memory_space<vmem_shared>>
        tpu.enqueue_indirect_dma source(%arg9 : memref<128x64xf32, #tpu.memory_space<vmem>>) target(%dma_start3A_150 : memref<10112x64xf32, #tpu.memory_space<vmem_shared>>) offsets(%dma_start3A_147 : memref<128xi32, #tpu.memory_space<vmem>>) semaphore(%arg22 : memref<!tpu.dma_semaphore, #tpu.memory_space<semaphore_mem>>) {add = true}
        %add3A = arith.constant 5 : i32
        %add3A_151 = arith.addi %scan3A_95, %add3A : i32
        %lt3A = arith.constant 157 : i32
        %lt3A_152 = arith.cmpi slt, %add3A_151, %lt3A : i32
        %convert_element_type3A_153 = arith.extui %lt3A_152 : i1 to i32
        %cond3A_154 = arith.constant 0 : i32
        %cond3A_155 = arith.cmpi ne, %convert_element_type3A_153, %cond3A_154 : i32
        scf.if %cond3A_155 {
          %add3A_156 = arith.constant 5 : i32
          %add3A_157 = arith.addi %scan3A_95, %add3A_156 : i32
          %ge3A = arith.constant 6 : i32
          %ge3A_158 = arith.cmpi sge, %add3A_157, %ge3A : i32
          %convert_element_type3A_159 = arith.extui %ge3A_158 : i1 to i32
          %cond3A_160 = arith.constant 0 : i32
          %cond3A_161 = arith.cmpi ne, %convert_element_type3A_159, %cond3A_160 : i32
          scf.if %cond3A_161 {
            %dma_wait3A_170 = arith.constant 0 : i32
            %dma_wait3A_171 = arith.constant 0 : i32
            %dma_wait3A_172 = tpu.memref_slice %arg8[%dma_wait3A_170, %dma_wait3A_171] : memref<157x128xi32, #tpu.memory_space<vmem>> -> memref<1x128xi32, #tpu.memory_space<vmem>>
            %dma_wait3A_173 = tpu.memref_squeeze %dma_wait3A_172 : memref<1x128xi32, #tpu.memory_space<vmem>> -> memref<128xi32, #tpu.memory_space<vmem>>
            %dma_wait3A_174 = arith.constant 0 : i32
            %dma_wait3A_175 = arith.constant 0 : i32
            %dma_wait3A_176 = tpu.memref_slice %arg15[%dma_wait3A_174, %dma_wait3A_175] : memref<10112x64xf32, #tpu.memory_space<vmem_shared>> -> memref<10112x64xf32, #tpu.memory_space<vmem_shared>>
            tpu.wait_indirect_dma semaphore(%arg27 : memref<!tpu.dma_semaphore, #tpu.memory_space<semaphore_mem>>) src(%arg14 : memref<128x64xf32, #tpu.memory_space<vmem>>) dst(%dma_wait3A_176 : memref<10112x64xf32, #tpu.memory_space<vmem_shared>>)
          } else {
          }
          %add3A_162 = arith.constant 5 : i32
          %add3A_163 = arith.addi %scan3A_95, %add3A_162 : i32
          %dma_start3A_164 = arith.constant 0 : i32
          %dma_start3A_165 = tpu.memref_slice %arg7[%add3A_163, %dma_start3A_164] : memref<157x128xi32, #tpu.memory_space<vmem>> -> memref<1x128xi32, #tpu.memory_space<vmem>>
          %dma_start3A_166 = tpu.memref_squeeze %dma_start3A_165 : memref<1x128xi32, #tpu.memory_space<vmem>> -> memref<128xi32, #tpu.memory_space<vmem>>
          %dma_start3A_167 = arith.constant 0 : i32
          %dma_start3A_168 = arith.constant 0 : i32
          %dma_start3A_169 = tpu.memref_slice %arg2[%dma_start3A_167, %dma_start3A_168] : memref<20000x64xf32, #tpu.memory_space<hbm>> -> memref<20000x64xf32, #tpu.memory_space<hbm>>
          tpu.enqueue_indirect_dma source(%dma_start3A_169 : memref<20000x64xf32, #tpu.memory_space<hbm>>) target(%arg14 : memref<128x64xf32, #tpu.memory_space<vmem>>) offsets(%dma_start3A_166 : memref<128xi32, #tpu.memory_space<vmem>>) semaphore(%arg21 : memref<!tpu.dma_semaphore, #tpu.memory_space<semaphore_mem>>)
        } else {
        }
      } else {
      }
      %rem3A_103 = arith.constant 6 : i32
      %rem3A_104 = arith.remsi %scan3A_95, %rem3A_103 : i32
      %eq3A_105 = arith.constant 1 : i32
      %eq3A_106 = arith.cmpi eq, %rem3A_104, %eq3A_105 : i32
      %convert_element_type3A_107 = arith.extui %eq3A_106 : i1 to i32
      %cond3A_108 = arith.constant 0 : i32
      %cond3A_109 = arith.cmpi ne, %convert_element_type3A_107, %cond3A_108 : i32
      scf.if %cond3A_109 {
        %dma_wait3A_139 = arith.constant 0 : i32
        %dma_wait3A_140 = tpu.memref_slice %arg7[%scan3A_95, %dma_wait3A_139] : memref<157x128xi32, #tpu.memory_space<vmem>> -> memref<1x128xi32, #tpu.memory_space<vmem>>
        %dma_wait3A_141 = tpu.memref_squeeze %dma_wait3A_140 : memref<1x128xi32, #tpu.memory_space<vmem>> -> memref<128xi32, #tpu.memory_space<vmem>>
        %dma_wait3A_142 = arith.constant 0 : i32
        %dma_wait3A_143 = arith.constant 0 : i32
        %dma_wait3A_144 = tpu.memref_slice %arg2[%dma_wait3A_142, %dma_wait3A_143] : memref<20000x64xf32, #tpu.memory_space<hbm>> -> memref<20000x64xf32, #tpu.memory_space<hbm>>
        tpu.wait_indirect_dma semaphore(%arg17 : memref<!tpu.dma_semaphore, #tpu.memory_space<semaphore_mem>>) src(%dma_wait3A_144 : memref<20000x64xf32, #tpu.memory_space<hbm>>) dst(%arg10 : memref<128x64xf32, #tpu.memory_space<vmem>>)
        %dma_start3A_145 = arith.constant 0 : i32
        %dma_start3A_146 = tpu.memref_slice %arg8[%scan3A_95, %dma_start3A_145] : memref<157x128xi32, #tpu.memory_space<vmem>> -> memref<1x128xi32, #tpu.memory_space<vmem>>
        %dma_start3A_147 = tpu.memref_squeeze %dma_start3A_146 : memref<1x128xi32, #tpu.memory_space<vmem>> -> memref<128xi32, #tpu.memory_space<vmem>>
        %dma_start3A_148 = arith.constant 0 : i32
        %dma_start3A_149 = arith.constant 0 : i32
        %dma_start3A_150 = tpu.memref_slice %arg15[%dma_start3A_148, %dma_start3A_149] : memref<10112x64xf32, #tpu.memory_space<vmem_shared>> -> memref<10112x64xf32, #tpu.memory_space<vmem_shared>>
        tpu.enqueue_indirect_dma source(%arg10 : memref<128x64xf32, #tpu.memory_space<vmem>>) target(%dma_start3A_150 : memref<10112x64xf32, #tpu.memory_space<vmem_shared>>) offsets(%dma_start3A_147 : memref<128xi32, #tpu.memory_space<vmem>>) semaphore(%arg23 : memref<!tpu.dma_semaphore, #tpu.memory_space<semaphore_mem>>) {add = true}
        %add3A = arith.constant 5 : i32
        %add3A_151 = arith.addi %scan3A_95, %add3A : i32
        %lt3A = arith.constant 157 : i32
        %lt3A_152 = arith.cmpi slt, %add3A_151, %lt3A : i32
        %convert_element_type3A_153 = arith.extui %lt3A_152 : i1 to i32
        %cond3A_154 = arith.constant 0 : i32
        %cond3A_155 = arith.cmpi ne, %convert_element_type3A_153, %cond3A_154 : i32
        scf.if %cond3A_155 {
          %add3A_156 = arith.constant 5 : i32
          %add3A_157 = arith.addi %scan3A_95, %add3A_156 : i32
          %ge3A = arith.constant 6 : i32
          %ge3A_158 = arith.cmpi sge, %add3A_157, %ge3A : i32
          %convert_element_type3A_159 = arith.extui %ge3A_158 : i1 to i32
          %cond3A_160 = arith.constant 0 : i32
          %cond3A_161 = arith.cmpi ne, %convert_element_type3A_159, %cond3A_160 : i32
          scf.if %cond3A_161 {
            %dma_wait3A_170 = arith.constant 0 : i32
            %dma_wait3A_171 = arith.constant 0 : i32
            %dma_wait3A_172 = tpu.memref_slice %arg8[%dma_wait3A_170, %dma_wait3A_171] : memref<157x128xi32, #tpu.memory_space<vmem>> -> memref<1x128xi32, #tpu.memory_space<vmem>>
            %dma_wait3A_173 = tpu.memref_squeeze %dma_wait3A_172 : memref<1x128xi32, #tpu.memory_space<vmem>> -> memref<128xi32, #tpu.memory_space<vmem>>
            %dma_wait3A_174 = arith.constant 0 : i32
            %dma_wait3A_175 = arith.constant 0 : i32
            %dma_wait3A_176 = tpu.memref_slice %arg15[%dma_wait3A_174, %dma_wait3A_175] : memref<10112x64xf32, #tpu.memory_space<vmem_shared>> -> memref<10112x64xf32, #tpu.memory_space<vmem_shared>>
            tpu.wait_indirect_dma semaphore(%arg22 : memref<!tpu.dma_semaphore, #tpu.memory_space<semaphore_mem>>) src(%arg9 : memref<128x64xf32, #tpu.memory_space<vmem>>) dst(%dma_wait3A_176 : memref<10112x64xf32, #tpu.memory_space<vmem_shared>>)
          } else {
          }
          %add3A_162 = arith.constant 5 : i32
          %add3A_163 = arith.addi %scan3A_95, %add3A_162 : i32
          %dma_start3A_164 = arith.constant 0 : i32
          %dma_start3A_165 = tpu.memref_slice %arg7[%add3A_163, %dma_start3A_164] : memref<157x128xi32, #tpu.memory_space<vmem>> -> memref<1x128xi32, #tpu.memory_space<vmem>>
          %dma_start3A_166 = tpu.memref_squeeze %dma_start3A_165 : memref<1x128xi32, #tpu.memory_space<vmem>> -> memref<128xi32, #tpu.memory_space<vmem>>
          %dma_start3A_167 = arith.constant 0 : i32
          %dma_start3A_168 = arith.constant 0 : i32
          %dma_start3A_169 = tpu.memref_slice %arg2[%dma_start3A_167, %dma_start3A_168] : memref<20000x64xf32, #tpu.memory_space<hbm>> -> memref<20000x64xf32, #tpu.memory_space<hbm>>
          tpu.enqueue_indirect_dma source(%dma_start3A_169 : memref<20000x64xf32, #tpu.memory_space<hbm>>) target(%arg9 : memref<128x64xf32, #tpu.memory_space<vmem>>) offsets(%dma_start3A_166 : memref<128xi32, #tpu.memory_space<vmem>>) semaphore(%arg16 : memref<!tpu.dma_semaphore, #tpu.memory_space<semaphore_mem>>)
        } else {
        }
      } else {
      }
      %rem3A_110 = arith.constant 6 : i32
      %rem3A_111 = arith.remsi %scan3A_95, %rem3A_110 : i32
      %eq3A_112 = arith.constant 2 : i32
      %eq3A_113 = arith.cmpi eq, %rem3A_111, %eq3A_112 : i32
      %convert_element_type3A_114 = arith.extui %eq3A_113 : i1 to i32
      %cond3A_115 = arith.constant 0 : i32
      %cond3A_116 = arith.cmpi ne, %convert_element_type3A_114, %cond3A_115 : i32
      scf.if %cond3A_116 {
        %dma_wait3A_139 = arith.constant 0 : i32
        %dma_wait3A_140 = tpu.memref_slice %arg7[%scan3A_95, %dma_wait3A_139] : memref<157x128xi32, #tpu.memory_space<vmem>> -> memref<1x128xi32, #tpu.memory_space<vmem>>
        %dma_wait3A_141 = tpu.memref_squeeze %dma_wait3A_140 : memref<1x128xi32, #tpu.memory_space<vmem>> -> memref<128xi32, #tpu.memory_space<vmem>>
        %dma_wait3A_142 = arith.constant 0 : i32
        %dma_wait3A_143 = arith.constant 0 : i32
        %dma_wait3A_144 = tpu.memref_slice %arg2[%dma_wait3A_142, %dma_wait3A_143] : memref<20000x64xf32, #tpu.memory_space<hbm>> -> memref<20000x64xf32, #tpu.memory_space<hbm>>
        tpu.wait_indirect_dma semaphore(%arg18 : memref<!tpu.dma_semaphore, #tpu.memory_space<semaphore_mem>>) src(%dma_wait3A_144 : memref<20000x64xf32, #tpu.memory_space<hbm>>) dst(%arg11 : memref<128x64xf32, #tpu.memory_space<vmem>>)
        %dma_start3A_145 = arith.constant 0 : i32
        %dma_start3A_146 = tpu.memref_slice %arg8[%scan3A_95, %dma_start3A_145] : memref<157x128xi32, #tpu.memory_space<vmem>> -> memref<1x128xi32, #tpu.memory_space<vmem>>
        %dma_start3A_147 = tpu.memref_squeeze %dma_start3A_146 : memref<1x128xi32, #tpu.memory_space<vmem>> -> memref<128xi32, #tpu.memory_space<vmem>>
        %dma_start3A_148 = arith.constant 0 : i32
        %dma_start3A_149 = arith.constant 0 : i32
        %dma_start3A_150 = tpu.memref_slice %arg15[%dma_start3A_148, %dma_start3A_149] : memref<10112x64xf32, #tpu.memory_space<vmem_shared>> -> memref<10112x64xf32, #tpu.memory_space<vmem_shared>>
        tpu.enqueue_indirect_dma source(%arg11 : memref<128x64xf32, #tpu.memory_space<vmem>>) target(%dma_start3A_150 : memref<10112x64xf32, #tpu.memory_space<vmem_shared>>) offsets(%dma_start3A_147 : memref<128xi32, #tpu.memory_space<vmem>>) semaphore(%arg24 : memref<!tpu.dma_semaphore, #tpu.memory_space<semaphore_mem>>) {add = true}
        %add3A = arith.constant 5 : i32
        %add3A_151 = arith.addi %scan3A_95, %add3A : i32
        %lt3A = arith.constant 157 : i32
        %lt3A_152 = arith.cmpi slt, %add3A_151, %lt3A : i32
        %convert_element_type3A_153 = arith.extui %lt3A_152 : i1 to i32
        %cond3A_154 = arith.constant 0 : i32
        %cond3A_155 = arith.cmpi ne, %convert_element_type3A_153, %cond3A_154 : i32
        scf.if %cond3A_155 {
          %add3A_156 = arith.constant 5 : i32
          %add3A_157 = arith.addi %scan3A_95, %add3A_156 : i32
          %ge3A = arith.constant 6 : i32
          %ge3A_158 = arith.cmpi sge, %add3A_157, %ge3A : i32
          %convert_element_type3A_159 = arith.extui %ge3A_158 : i1 to i32
          %cond3A_160 = arith.constant 0 : i32
          %cond3A_161 = arith.cmpi ne, %convert_element_type3A_159, %cond3A_160 : i32
          scf.if %cond3A_161 {
            %dma_wait3A_170 = arith.constant 0 : i32
            %dma_wait3A_171 = arith.constant 0 : i32
            %dma_wait3A_172 = tpu.memref_slice %arg8[%dma_wait3A_170, %dma_wait3A_171] : memref<157x128xi32, #tpu.memory_space<vmem>> -> memref<1x128xi32, #tpu.memory_space<vmem>>
            %dma_wait3A_173 = tpu.memref_squeeze %dma_wait3A_172 : memref<1x128xi32, #tpu.memory_space<vmem>> -> memref<128xi32, #tpu.memory_space<vmem>>
            %dma_wait3A_174 = arith.constant 0 : i32
            %dma_wait3A_175 = arith.constant 0 : i32
            %dma_wait3A_176 = tpu.memref_slice %arg15[%dma_wait3A_174, %dma_wait3A_175] : memref<10112x64xf32, #tpu.memory_space<vmem_shared>> -> memref<10112x64xf32, #tpu.memory_space<vmem_shared>>
            tpu.wait_indirect_dma semaphore(%arg23 : memref<!tpu.dma_semaphore, #tpu.memory_space<semaphore_mem>>) src(%arg10 : memref<128x64xf32, #tpu.memory_space<vmem>>) dst(%dma_wait3A_176 : memref<10112x64xf32, #tpu.memory_space<vmem_shared>>)
          } else {
          }
          %add3A_162 = arith.constant 5 : i32
          %add3A_163 = arith.addi %scan3A_95, %add3A_162 : i32
          %dma_start3A_164 = arith.constant 0 : i32
          %dma_start3A_165 = tpu.memref_slice %arg7[%add3A_163, %dma_start3A_164] : memref<157x128xi32, #tpu.memory_space<vmem>> -> memref<1x128xi32, #tpu.memory_space<vmem>>
          %dma_start3A_166 = tpu.memref_squeeze %dma_start3A_165 : memref<1x128xi32, #tpu.memory_space<vmem>> -> memref<128xi32, #tpu.memory_space<vmem>>
          %dma_start3A_167 = arith.constant 0 : i32
          %dma_start3A_168 = arith.constant 0 : i32
          %dma_start3A_169 = tpu.memref_slice %arg2[%dma_start3A_167, %dma_start3A_168] : memref<20000x64xf32, #tpu.memory_space<hbm>> -> memref<20000x64xf32, #tpu.memory_space<hbm>>
          tpu.enqueue_indirect_dma source(%dma_start3A_169 : memref<20000x64xf32, #tpu.memory_space<hbm>>) target(%arg10 : memref<128x64xf32, #tpu.memory_space<vmem>>) offsets(%dma_start3A_166 : memref<128xi32, #tpu.memory_space<vmem>>) semaphore(%arg17 : memref<!tpu.dma_semaphore, #tpu.memory_space<semaphore_mem>>)
        } else {
        }
      } else {
      }
      %rem3A_117 = arith.constant 6 : i32
      %rem3A_118 = arith.remsi %scan3A_95, %rem3A_117 : i32
      %eq3A_119 = arith.constant 3 : i32
      %eq3A_120 = arith.cmpi eq, %rem3A_118, %eq3A_119 : i32
      %convert_element_type3A_121 = arith.extui %eq3A_120 : i1 to i32
      %cond3A_122 = arith.constant 0 : i32
      %cond3A_123 = arith.cmpi ne, %convert_element_type3A_121, %cond3A_122 : i32
      scf.if %cond3A_123 {
        %dma_wait3A_139 = arith.constant 0 : i32
        %dma_wait3A_140 = tpu.memref_slice %arg7[%scan3A_95, %dma_wait3A_139] : memref<157x128xi32, #tpu.memory_space<vmem>> -> memref<1x128xi32, #tpu.memory_space<vmem>>
        %dma_wait3A_141 = tpu.memref_squeeze %dma_wait3A_140 : memref<1x128xi32, #tpu.memory_space<vmem>> -> memref<128xi32, #tpu.memory_space<vmem>>
        %dma_wait3A_142 = arith.constant 0 : i32
        %dma_wait3A_143 = arith.constant 0 : i32
        %dma_wait3A_144 = tpu.memref_slice %arg2[%dma_wait3A_142, %dma_wait3A_143] : memref<20000x64xf32, #tpu.memory_space<hbm>> -> memref<20000x64xf32, #tpu.memory_space<hbm>>
        tpu.wait_indirect_dma semaphore(%arg19 : memref<!tpu.dma_semaphore, #tpu.memory_space<semaphore_mem>>) src(%dma_wait3A_144 : memref<20000x64xf32, #tpu.memory_space<hbm>>) dst(%arg12 : memref<128x64xf32, #tpu.memory_space<vmem>>)
        %dma_start3A_145 = arith.constant 0 : i32
        %dma_start3A_146 = tpu.memref_slice %arg8[%scan3A_95, %dma_start3A_145] : memref<157x128xi32, #tpu.memory_space<vmem>> -> memref<1x128xi32, #tpu.memory_space<vmem>>
        %dma_start3A_147 = tpu.memref_squeeze %dma_start3A_146 : memref<1x128xi32, #tpu.memory_space<vmem>> -> memref<128xi32, #tpu.memory_space<vmem>>
        %dma_start3A_148 = arith.constant 0 : i32
        %dma_start3A_149 = arith.constant 0 : i32
        %dma_start3A_150 = tpu.memref_slice %arg15[%dma_start3A_148, %dma_start3A_149] : memref<10112x64xf32, #tpu.memory_space<vmem_shared>> -> memref<10112x64xf32, #tpu.memory_space<vmem_shared>>
        tpu.enqueue_indirect_dma source(%arg12 : memref<128x64xf32, #tpu.memory_space<vmem>>) target(%dma_start3A_150 : memref<10112x64xf32, #tpu.memory_space<vmem_shared>>) offsets(%dma_start3A_147 : memref<128xi32, #tpu.memory_space<vmem>>) semaphore(%arg25 : memref<!tpu.dma_semaphore, #tpu.memory_space<semaphore_mem>>) {add = true}
        %add3A = arith.constant 5 : i32
        %add3A_151 = arith.addi %scan3A_95, %add3A : i32
        %lt3A = arith.constant 157 : i32
        %lt3A_152 = arith.cmpi slt, %add3A_151, %lt3A : i32
        %convert_element_type3A_153 = arith.extui %lt3A_152 : i1 to i32
        %cond3A_154 = arith.constant 0 : i32
        %cond3A_155 = arith.cmpi ne, %convert_element_type3A_153, %cond3A_154 : i32
        scf.if %cond3A_155 {
          %add3A_156 = arith.constant 5 : i32
          %add3A_157 = arith.addi %scan3A_95, %add3A_156 : i32
          %ge3A = arith.constant 6 : i32
          %ge3A_158 = arith.cmpi sge, %add3A_157, %ge3A : i32
          %convert_element_type3A_159 = arith.extui %ge3A_158 : i1 to i32
          %cond3A_160 = arith.constant 0 : i32
          %cond3A_161 = arith.cmpi ne, %convert_element_type3A_159, %cond3A_160 : i32
          scf.if %cond3A_161 {
            %dma_wait3A_170 = arith.constant 0 : i32
            %dma_wait3A_171 = arith.constant 0 : i32
            %dma_wait3A_172 = tpu.memref_slice %arg8[%dma_wait3A_170, %dma_wait3A_171] : memref<157x128xi32, #tpu.memory_space<vmem>> -> memref<1x128xi32, #tpu.memory_space<vmem>>
            %dma_wait3A_173 = tpu.memref_squeeze %dma_wait3A_172 : memref<1x128xi32, #tpu.memory_space<vmem>> -> memref<128xi32, #tpu.memory_space<vmem>>
            %dma_wait3A_174 = arith.constant 0 : i32
            %dma_wait3A_175 = arith.constant 0 : i32
            %dma_wait3A_176 = tpu.memref_slice %arg15[%dma_wait3A_174, %dma_wait3A_175] : memref<10112x64xf32, #tpu.memory_space<vmem_shared>> -> memref<10112x64xf32, #tpu.memory_space<vmem_shared>>
            tpu.wait_indirect_dma semaphore(%arg24 : memref<!tpu.dma_semaphore, #tpu.memory_space<semaphore_mem>>) src(%arg11 : memref<128x64xf32, #tpu.memory_space<vmem>>) dst(%dma_wait3A_176 : memref<10112x64xf32, #tpu.memory_space<vmem_shared>>)
          } else {
          }
          %add3A_162 = arith.constant 5 : i32
          %add3A_163 = arith.addi %scan3A_95, %add3A_162 : i32
          %dma_start3A_164 = arith.constant 0 : i32
          %dma_start3A_165 = tpu.memref_slice %arg7[%add3A_163, %dma_start3A_164] : memref<157x128xi32, #tpu.memory_space<vmem>> -> memref<1x128xi32, #tpu.memory_space<vmem>>
          %dma_start3A_166 = tpu.memref_squeeze %dma_start3A_165 : memref<1x128xi32, #tpu.memory_space<vmem>> -> memref<128xi32, #tpu.memory_space<vmem>>
          %dma_start3A_167 = arith.constant 0 : i32
          %dma_start3A_168 = arith.constant 0 : i32
          %dma_start3A_169 = tpu.memref_slice %arg2[%dma_start3A_167, %dma_start3A_168] : memref<20000x64xf32, #tpu.memory_space<hbm>> -> memref<20000x64xf32, #tpu.memory_space<hbm>>
          tpu.enqueue_indirect_dma source(%dma_start3A_169 : memref<20000x64xf32, #tpu.memory_space<hbm>>) target(%arg11 : memref<128x64xf32, #tpu.memory_space<vmem>>) offsets(%dma_start3A_166 : memref<128xi32, #tpu.memory_space<vmem>>) semaphore(%arg18 : memref<!tpu.dma_semaphore, #tpu.memory_space<semaphore_mem>>)
        } else {
        }
      } else {
      }
      %rem3A_124 = arith.constant 6 : i32
      %rem3A_125 = arith.remsi %scan3A_95, %rem3A_124 : i32
      %eq3A_126 = arith.constant 4 : i32
      %eq3A_127 = arith.cmpi eq, %rem3A_125, %eq3A_126 : i32
      %convert_element_type3A_128 = arith.extui %eq3A_127 : i1 to i32
      %cond3A_129 = arith.constant 0 : i32
      %cond3A_130 = arith.cmpi ne, %convert_element_type3A_128, %cond3A_129 : i32
      scf.if %cond3A_130 {
        %dma_wait3A_139 = arith.constant 0 : i32
        %dma_wait3A_140 = tpu.memref_slice %arg7[%scan3A_95, %dma_wait3A_139] : memref<157x128xi32, #tpu.memory_space<vmem>> -> memref<1x128xi32, #tpu.memory_space<vmem>>
        %dma_wait3A_141 = tpu.memref_squeeze %dma_wait3A_140 : memref<1x128xi32, #tpu.memory_space<vmem>> -> memref<128xi32, #tpu.memory_space<vmem>>
        %dma_wait3A_142 = arith.constant 0 : i32
        %dma_wait3A_143 = arith.constant 0 : i32
        %dma_wait3A_144 = tpu.memref_slice %arg2[%dma_wait3A_142, %dma_wait3A_143] : memref<20000x64xf32, #tpu.memory_space<hbm>> -> memref<20000x64xf32, #tpu.memory_space<hbm>>
        tpu.wait_indirect_dma semaphore(%arg20 : memref<!tpu.dma_semaphore, #tpu.memory_space<semaphore_mem>>) src(%dma_wait3A_144 : memref<20000x64xf32, #tpu.memory_space<hbm>>) dst(%arg13 : memref<128x64xf32, #tpu.memory_space<vmem>>)
        %dma_start3A_145 = arith.constant 0 : i32
        %dma_start3A_146 = tpu.memref_slice %arg8[%scan3A_95, %dma_start3A_145] : memref<157x128xi32, #tpu.memory_space<vmem>> -> memref<1x128xi32, #tpu.memory_space<vmem>>
        %dma_start3A_147 = tpu.memref_squeeze %dma_start3A_146 : memref<1x128xi32, #tpu.memory_space<vmem>> -> memref<128xi32, #tpu.memory_space<vmem>>
        %dma_start3A_148 = arith.constant 0 : i32
        %dma_start3A_149 = arith.constant 0 : i32
        %dma_start3A_150 = tpu.memref_slice %arg15[%dma_start3A_148, %dma_start3A_149] : memref<10112x64xf32, #tpu.memory_space<vmem_shared>> -> memref<10112x64xf32, #tpu.memory_space<vmem_shared>>
        tpu.enqueue_indirect_dma source(%arg13 : memref<128x64xf32, #tpu.memory_space<vmem>>) target(%dma_start3A_150 : memref<10112x64xf32, #tpu.memory_space<vmem_shared>>) offsets(%dma_start3A_147 : memref<128xi32, #tpu.memory_space<vmem>>) semaphore(%arg26 : memref<!tpu.dma_semaphore, #tpu.memory_space<semaphore_mem>>) {add = true}
        %add3A = arith.constant 5 : i32
        %add3A_151 = arith.addi %scan3A_95, %add3A : i32
        %lt3A = arith.constant 157 : i32
        %lt3A_152 = arith.cmpi slt, %add3A_151, %lt3A : i32
        %convert_element_type3A_153 = arith.extui %lt3A_152 : i1 to i32
        %cond3A_154 = arith.constant 0 : i32
        %cond3A_155 = arith.cmpi ne, %convert_element_type3A_153, %cond3A_154 : i32
        scf.if %cond3A_155 {
          %add3A_156 = arith.constant 5 : i32
          %add3A_157 = arith.addi %scan3A_95, %add3A_156 : i32
          %ge3A = arith.constant 6 : i32
          %ge3A_158 = arith.cmpi sge, %add3A_157, %ge3A : i32
          %convert_element_type3A_159 = arith.extui %ge3A_158 : i1 to i32
          %cond3A_160 = arith.constant 0 : i32
          %cond3A_161 = arith.cmpi ne, %convert_element_type3A_159, %cond3A_160 : i32
          scf.if %cond3A_161 {
            %dma_wait3A_170 = arith.constant 0 : i32
            %dma_wait3A_171 = arith.constant 0 : i32
            %dma_wait3A_172 = tpu.memref_slice %arg8[%dma_wait3A_170, %dma_wait3A_171] : memref<157x128xi32, #tpu.memory_space<vmem>> -> memref<1x128xi32, #tpu.memory_space<vmem>>
            %dma_wait3A_173 = tpu.memref_squeeze %dma_wait3A_172 : memref<1x128xi32, #tpu.memory_space<vmem>> -> memref<128xi32, #tpu.memory_space<vmem>>
            %dma_wait3A_174 = arith.constant 0 : i32
            %dma_wait3A_175 = arith.constant 0 : i32
            %dma_wait3A_176 = tpu.memref_slice %arg15[%dma_wait3A_174, %dma_wait3A_175] : memref<10112x64xf32, #tpu.memory_space<vmem_shared>> -> memref<10112x64xf32, #tpu.memory_space<vmem_shared>>
            tpu.wait_indirect_dma semaphore(%arg25 : memref<!tpu.dma_semaphore, #tpu.memory_space<semaphore_mem>>) src(%arg12 : memref<128x64xf32, #tpu.memory_space<vmem>>) dst(%dma_wait3A_176 : memref<10112x64xf32, #tpu.memory_space<vmem_shared>>)
          } else {
          }
          %add3A_162 = arith.constant 5 : i32
          %add3A_163 = arith.addi %scan3A_95, %add3A_162 : i32
          %dma_start3A_164 = arith.constant 0 : i32
          %dma_start3A_165 = tpu.memref_slice %arg7[%add3A_163, %dma_start3A_164] : memref<157x128xi32, #tpu.memory_space<vmem>> -> memref<1x128xi32, #tpu.memory_space<vmem>>
          %dma_start3A_166 = tpu.memref_squeeze %dma_start3A_165 : memref<1x128xi32, #tpu.memory_space<vmem>> -> memref<128xi32, #tpu.memory_space<vmem>>
          %dma_start3A_167 = arith.constant 0 : i32
          %dma_start3A_168 = arith.constant 0 : i32
          %dma_start3A_169 = tpu.memref_slice %arg2[%dma_start3A_167, %dma_start3A_168] : memref<20000x64xf32, #tpu.memory_space<hbm>> -> memref<20000x64xf32, #tpu.memory_space<hbm>>
          tpu.enqueue_indirect_dma source(%dma_start3A_169 : memref<20000x64xf32, #tpu.memory_space<hbm>>) target(%arg12 : memref<128x64xf32, #tpu.memory_space<vmem>>) offsets(%dma_start3A_166 : memref<128xi32, #tpu.memory_space<vmem>>) semaphore(%arg19 : memref<!tpu.dma_semaphore, #tpu.memory_space<semaphore_mem>>)
        } else {
        }
      } else {
      }
      %rem3A_131 = arith.constant 6 : i32
      %rem3A_132 = arith.remsi %scan3A_95, %rem3A_131 : i32
      %eq3A_133 = arith.constant 5 : i32
      %eq3A_134 = arith.cmpi eq, %rem3A_132, %eq3A_133 : i32
      %convert_element_type3A_135 = arith.extui %eq3A_134 : i1 to i32
      %cond3A_136 = arith.constant 0 : i32
      %cond3A_137 = arith.cmpi ne, %convert_element_type3A_135, %cond3A_136 : i32
      scf.if %cond3A_137 {
        %dma_wait3A_139 = arith.constant 0 : i32
        %dma_wait3A_140 = tpu.memref_slice %arg7[%scan3A_95, %dma_wait3A_139] : memref<157x128xi32, #tpu.memory_space<vmem>> -> memref<1x128xi32, #tpu.memory_space<vmem>>
        %dma_wait3A_141 = tpu.memref_squeeze %dma_wait3A_140 : memref<1x128xi32, #tpu.memory_space<vmem>> -> memref<128xi32, #tpu.memory_space<vmem>>
        %dma_wait3A_142 = arith.constant 0 : i32
        %dma_wait3A_143 = arith.constant 0 : i32
        %dma_wait3A_144 = tpu.memref_slice %arg2[%dma_wait3A_142, %dma_wait3A_143] : memref<20000x64xf32, #tpu.memory_space<hbm>> -> memref<20000x64xf32, #tpu.memory_space<hbm>>
        tpu.wait_indirect_dma semaphore(%arg21 : memref<!tpu.dma_semaphore, #tpu.memory_space<semaphore_mem>>) src(%dma_wait3A_144 : memref<20000x64xf32, #tpu.memory_space<hbm>>) dst(%arg14 : memref<128x64xf32, #tpu.memory_space<vmem>>)
        %dma_start3A_145 = arith.constant 0 : i32
        %dma_start3A_146 = tpu.memref_slice %arg8[%scan3A_95, %dma_start3A_145] : memref<157x128xi32, #tpu.memory_space<vmem>> -> memref<1x128xi32, #tpu.memory_space<vmem>>
        %dma_start3A_147 = tpu.memref_squeeze %dma_start3A_146 : memref<1x128xi32, #tpu.memory_space<vmem>> -> memref<128xi32, #tpu.memory_space<vmem>>
        %dma_start3A_148 = arith.constant 0 : i32
        %dma_start3A_149 = arith.constant 0 : i32
        %dma_start3A_150 = tpu.memref_slice %arg15[%dma_start3A_148, %dma_start3A_149] : memref<10112x64xf32, #tpu.memory_space<vmem_shared>> -> memref<10112x64xf32, #tpu.memory_space<vmem_shared>>
        tpu.enqueue_indirect_dma source(%arg14 : memref<128x64xf32, #tpu.memory_space<vmem>>) target(%dma_start3A_150 : memref<10112x64xf32, #tpu.memory_space<vmem_shared>>) offsets(%dma_start3A_147 : memref<128xi32, #tpu.memory_space<vmem>>) semaphore(%arg27 : memref<!tpu.dma_semaphore, #tpu.memory_space<semaphore_mem>>) {add = true}
        %add3A = arith.constant 5 : i32
        %add3A_151 = arith.addi %scan3A_95, %add3A : i32
        %lt3A = arith.constant 157 : i32
        %lt3A_152 = arith.cmpi slt, %add3A_151, %lt3A : i32
        %convert_element_type3A_153 = arith.extui %lt3A_152 : i1 to i32
        %cond3A_154 = arith.constant 0 : i32
        %cond3A_155 = arith.cmpi ne, %convert_element_type3A_153, %cond3A_154 : i32
        scf.if %cond3A_155 {
          %add3A_156 = arith.constant 5 : i32
          %add3A_157 = arith.addi %scan3A_95, %add3A_156 : i32
          %ge3A = arith.constant 6 : i32
          %ge3A_158 = arith.cmpi sge, %add3A_157, %ge3A : i32
          %convert_element_type3A_159 = arith.extui %ge3A_158 : i1 to i32
          %cond3A_160 = arith.constant 0 : i32
          %cond3A_161 = arith.cmpi ne, %convert_element_type3A_159, %cond3A_160 : i32
          scf.if %cond3A_161 {
            %dma_wait3A_170 = arith.constant 0 : i32
            %dma_wait3A_171 = arith.constant 0 : i32
            %dma_wait3A_172 = tpu.memref_slice %arg8[%dma_wait3A_170, %dma_wait3A_171] : memref<157x128xi32, #tpu.memory_space<vmem>> -> memref<1x128xi32, #tpu.memory_space<vmem>>
            %dma_wait3A_173 = tpu.memref_squeeze %dma_wait3A_172 : memref<1x128xi32, #tpu.memory_space<vmem>> -> memref<128xi32, #tpu.memory_space<vmem>>
            %dma_wait3A_174 = arith.constant 0 : i32
            %dma_wait3A_175 = arith.constant 0 : i32
            %dma_wait3A_176 = tpu.memref_slice %arg15[%dma_wait3A_174, %dma_wait3A_175] : memref<10112x64xf32, #tpu.memory_space<vmem_shared>> -> memref<10112x64xf32, #tpu.memory_space<vmem_shared>>
            tpu.wait_indirect_dma semaphore(%arg26 : memref<!tpu.dma_semaphore, #tpu.memory_space<semaphore_mem>>) src(%arg13 : memref<128x64xf32, #tpu.memory_space<vmem>>) dst(%dma_wait3A_176 : memref<10112x64xf32, #tpu.memory_space<vmem_shared>>)
          } else {
          }
          %add3A_162 = arith.constant 5 : i32
          %add3A_163 = arith.addi %scan3A_95, %add3A_162 : i32
          %dma_start3A_164 = arith.constant 0 : i32
          %dma_start3A_165 = tpu.memref_slice %arg7[%add3A_163, %dma_start3A_164] : memref<157x128xi32, #tpu.memory_space<vmem>> -> memref<1x128xi32, #tpu.memory_space<vmem>>
          %dma_start3A_166 = tpu.memref_squeeze %dma_start3A_165 : memref<1x128xi32, #tpu.memory_space<vmem>> -> memref<128xi32, #tpu.memory_space<vmem>>
          %dma_start3A_167 = arith.constant 0 : i32
          %dma_start3A_168 = arith.constant 0 : i32
          %dma_start3A_169 = tpu.memref_slice %arg2[%dma_start3A_167, %dma_start3A_168] : memref<20000x64xf32, #tpu.memory_space<hbm>> -> memref<20000x64xf32, #tpu.memory_space<hbm>>
          tpu.enqueue_indirect_dma source(%dma_start3A_169 : memref<20000x64xf32, #tpu.memory_space<hbm>>) target(%arg13 : memref<128x64xf32, #tpu.memory_space<vmem>>) offsets(%dma_start3A_166 : memref<128xi32, #tpu.memory_space<vmem>>) semaphore(%arg20 : memref<!tpu.dma_semaphore, #tpu.memory_space<semaphore_mem>>)
        } else {
        }
      } else {
      }
      %scan3A_138 = arith.constant 0 : i32
      scf.yield %scan3A_138 : i32
    }
    %scan3A_46 = arith.constant 157 : i32
    %dma_wait3A = arith.constant 0 : i32
    %dma_wait3A_47 = arith.constant 0 : i32
    %dma_wait3A_48 = tpu.memref_slice %arg8[%dma_wait3A, %dma_wait3A_47] : memref<157x128xi32, #tpu.memory_space<vmem>> -> memref<1x128xi32, #tpu.memory_space<vmem>>
    %dma_wait3A_49 = tpu.memref_squeeze %dma_wait3A_48 : memref<1x128xi32, #tpu.memory_space<vmem>> -> memref<128xi32, #tpu.memory_space<vmem>>
    %dma_wait3A_50 = arith.constant 0 : i32
    %dma_wait3A_51 = arith.constant 0 : i32
    %dma_wait3A_52 = tpu.memref_slice %arg15[%dma_wait3A_50, %dma_wait3A_51] : memref<10112x64xf32, #tpu.memory_space<vmem_shared>> -> memref<10112x64xf32, #tpu.memory_space<vmem_shared>>
    tpu.wait_indirect_dma semaphore(%arg22 : memref<!tpu.dma_semaphore, #tpu.memory_space<semaphore_mem>>) src(%arg9 : memref<128x64xf32, #tpu.memory_space<vmem>>) dst(%dma_wait3A_52 : memref<10112x64xf32, #tpu.memory_space<vmem_shared>>)
    %dma_wait3A_53 = arith.constant 0 : i32
    %dma_wait3A_54 = arith.constant 0 : i32
    %dma_wait3A_55 = tpu.memref_slice %arg8[%dma_wait3A_53, %dma_wait3A_54] : memref<157x128xi32, #tpu.memory_space<vmem>> -> memref<1x128xi32, #tpu.memory_space<vmem>>
    %dma_wait3A_56 = tpu.memref_squeeze %dma_wait3A_55 : memref<1x128xi32, #tpu.memory_space<vmem>> -> memref<128xi32, #tpu.memory_space<vmem>>
    %dma_wait3A_57 = arith.constant 0 : i32
    %dma_wait3A_58 = arith.constant 0 : i32
    %dma_wait3A_59 = tpu.memref_slice %arg15[%dma_wait3A_57, %dma_wait3A_58] : memref<10112x64xf32, #tpu.memory_space<vmem_shared>> -> memref<10112x64xf32, #tpu.memory_space<vmem_shared>>
    tpu.wait_indirect_dma semaphore(%arg23 : memref<!tpu.dma_semaphore, #tpu.memory_space<semaphore_mem>>) src(%arg10 : memref<128x64xf32, #tpu.memory_space<vmem>>) dst(%dma_wait3A_59 : memref<10112x64xf32, #tpu.memory_space<vmem_shared>>)
    %dma_wait3A_60 = arith.constant 0 : i32
    %dma_wait3A_61 = arith.constant 0 : i32
    %dma_wait3A_62 = tpu.memref_slice %arg8[%dma_wait3A_60, %dma_wait3A_61] : memref<157x128xi32, #tpu.memory_space<vmem>> -> memref<1x128xi32, #tpu.memory_space<vmem>>
    %dma_wait3A_63 = tpu.memref_squeeze %dma_wait3A_62 : memref<1x128xi32, #tpu.memory_space<vmem>> -> memref<128xi32, #tpu.memory_space<vmem>>
    %dma_wait3A_64 = arith.constant 0 : i32
    %dma_wait3A_65 = arith.constant 0 : i32
    %dma_wait3A_66 = tpu.memref_slice %arg15[%dma_wait3A_64, %dma_wait3A_65] : memref<10112x64xf32, #tpu.memory_space<vmem_shared>> -> memref<10112x64xf32, #tpu.memory_space<vmem_shared>>
    tpu.wait_indirect_dma semaphore(%arg24 : memref<!tpu.dma_semaphore, #tpu.memory_space<semaphore_mem>>) src(%arg11 : memref<128x64xf32, #tpu.memory_space<vmem>>) dst(%dma_wait3A_66 : memref<10112x64xf32, #tpu.memory_space<vmem_shared>>)
    %dma_wait3A_67 = arith.constant 0 : i32
    %dma_wait3A_68 = arith.constant 0 : i32
    %dma_wait3A_69 = tpu.memref_slice %arg8[%dma_wait3A_67, %dma_wait3A_68] : memref<157x128xi32, #tpu.memory_space<vmem>> -> memref<1x128xi32, #tpu.memory_space<vmem>>
    %dma_wait3A_70 = tpu.memref_squeeze %dma_wait3A_69 : memref<1x128xi32, #tpu.memory_space<vmem>> -> memref<128xi32, #tpu.memory_space<vmem>>
    %dma_wait3A_71 = arith.constant 0 : i32
    %dma_wait3A_72 = arith.constant 0 : i32
    %dma_wait3A_73 = tpu.memref_slice %arg15[%dma_wait3A_71, %dma_wait3A_72] : memref<10112x64xf32, #tpu.memory_space<vmem_shared>> -> memref<10112x64xf32, #tpu.memory_space<vmem_shared>>
    tpu.wait_indirect_dma semaphore(%arg25 : memref<!tpu.dma_semaphore, #tpu.memory_space<semaphore_mem>>) src(%arg12 : memref<128x64xf32, #tpu.memory_space<vmem>>) dst(%dma_wait3A_73 : memref<10112x64xf32, #tpu.memory_space<vmem_shared>>)
    %dma_wait3A_74 = arith.constant 0 : i32
    %dma_wait3A_75 = arith.constant 0 : i32
    %dma_wait3A_76 = tpu.memref_slice %arg8[%dma_wait3A_74, %dma_wait3A_75] : memref<157x128xi32, #tpu.memory_space<vmem>> -> memref<1x128xi32, #tpu.memory_space<vmem>>
    %dma_wait3A_77 = tpu.memref_squeeze %dma_wait3A_76 : memref<1x128xi32, #tpu.memory_space<vmem>> -> memref<128xi32, #tpu.memory_space<vmem>>
    %dma_wait3A_78 = arith.constant 0 : i32
    %dma_wait3A_79 = arith.constant 0 : i32
    %dma_wait3A_80 = tpu.memref_slice %arg15[%dma_wait3A_78, %dma_wait3A_79] : memref<10112x64xf32, #tpu.memory_space<vmem_shared>> -> memref<10112x64xf32, #tpu.memory_space<vmem_shared>>
    tpu.wait_indirect_dma semaphore(%arg26 : memref<!tpu.dma_semaphore, #tpu.memory_space<semaphore_mem>>) src(%arg13 : memref<128x64xf32, #tpu.memory_space<vmem>>) dst(%dma_wait3A_80 : memref<10112x64xf32, #tpu.memory_space<vmem_shared>>)
    %dma_wait3A_81 = arith.constant 0 : i32
    %dma_wait3A_82 = arith.constant 0 : i32
    %dma_wait3A_83 = tpu.memref_slice %arg8[%dma_wait3A_81, %dma_wait3A_82] : memref<157x128xi32, #tpu.memory_space<vmem>> -> memref<1x128xi32, #tpu.memory_space<vmem>>
    %dma_wait3A_84 = tpu.memref_squeeze %dma_wait3A_83 : memref<1x128xi32, #tpu.memory_space<vmem>> -> memref<128xi32, #tpu.memory_space<vmem>>
    %dma_wait3A_85 = arith.constant 0 : i32
    %dma_wait3A_86 = arith.constant 0 : i32
    %dma_wait3A_87 = tpu.memref_slice %arg15[%dma_wait3A_85, %dma_wait3A_86] : memref<10112x64xf32, #tpu.memory_space<vmem_shared>> -> memref<10112x64xf32, #tpu.memory_space<vmem_shared>>
    tpu.wait_indirect_dma semaphore(%arg27 : memref<!tpu.dma_semaphore, #tpu.memory_space<semaphore_mem>>) src(%arg14 : memref<128x64xf32, #tpu.memory_space<vmem>>) dst(%dma_wait3A_87 : memref<10112x64xf32, #tpu.memory_space<vmem_shared>>)
    %barrier3A_88 = arith.constant 0 : index
    tpu.barrier barrier_id(%barrier3A_88)
    %mul3A_89 = arith.constant 632 : i32
    %mul3A_90 = arith.muli %arg1, %mul3A_89 : i32
    %mul3A_91 = arith.constant 632 : i32
    %mul3A_92 = arith.muli %arg1, %mul3A_91 : i32
    %mul3A_93 = arith.constant 64 : i32
    %mul3A_94 = arith.muli %arg0, %mul3A_93 : i32
    "tpu.region"() ({
      %run_scoped3A = tpu.sem_alloc : memref<!tpu.dma_semaphore, #tpu.memory_space<semaphore_mem>>
      %dma_start3A_95 = tpu.memref_slice %arg6[%mul3A_92, %mul3A_94] : memref<10112x128xf32, #tpu.memory_space<hbm>> -> memref<632x64xf32, #tpu.memory_space<hbm>>
      %dma_start3A_96 = arith.constant 0 : i32
      %dma_start3A_97 = tpu.memref_slice %arg15[%mul3A_90, %dma_start3A_96] : memref<10112x64xf32, #tpu.memory_space<vmem_shared>> -> memref<632x64xf32, #tpu.memory_space<vmem_shared>>
      tpu.enqueue_dma source(%dma_start3A_97 : memref<632x64xf32, #tpu.memory_space<vmem_shared>>) target(%dma_start3A_95 : memref<632x64xf32, #tpu.memory_space<hbm>>) target_semaphore(%run_scoped3A : memref<!tpu.dma_semaphore, #tpu.memory_space<semaphore_mem>>)
      %dma_wait3A_98 = tpu.memref_slice %arg6[%mul3A_92, %mul3A_94] : memref<10112x128xf32, #tpu.memory_space<hbm>> -> memref<632x64xf32, #tpu.memory_space<hbm>>
      %dma_wait3A_99 = arith.constant 0 : i32
      %dma_wait3A_100 = tpu.memref_slice %arg15[%mul3A_90, %dma_wait3A_99] : memref<10112x64xf32, #tpu.memory_space<vmem_shared>> -> memref<632x64xf32, #tpu.memory_space<vmem_shared>>
      tpu.wait_dma2 semaphore(%run_scoped3A : memref<!tpu.dma_semaphore, #tpu.memory_space<semaphore_mem>>) src(%dma_wait3A_100 : memref<632x64xf32, #tpu.memory_space<vmem_shared>>) dst(%dma_wait3A_98 : memref<632x64xf32, #tpu.memory_space<hbm>>)
      tpu.yield
    }) : () -> ()
    return
  }
}

#map = affine_map<(d0, d1) -> (0, 0)>
module attributes {stable_mosaic.version = 14 : i64} {
  func.func @body(%arg0: i32, %arg1: i32, %arg2: memref<20000x64xf32, #tpu.memory_space<hbm>>, %arg3: memref<2512x128xi32, #tpu.memory_space<hbm>>, %arg4: memref<2512x128xi32, #tpu.memory_space<hbm>>, %arg5: memref<632x64xf32, #tpu.memory_space<hbm>>, %arg6: memref<10112x128xf32, #tpu.memory_space<hbm>>, %arg7: memref<157x128xi32, #tpu.memory_space<vmem>>, %arg8: memref<157x128xi32, #tpu.memory_space<vmem>>, %arg9: memref<128x64xf32, #tpu.memory_space<vmem>>, %arg10: memref<128x64xf32, #tpu.memory_space<vmem>>, %arg11: memref<128x64xf32, #tpu.memory_space<vmem>>, %arg12: memref<128x64xf32, #tpu.memory_space<vmem>>, %arg13: memref<128x64xf32, #tpu.memory_space<vmem>>, %arg14: memref<128x64xf32, #tpu.memory_space<vmem>>, %arg15: memref<10112x64xf32, #tpu.memory_space<vmem_shared>>, %arg16: memref<!tpu.dma_semaphore, #tpu.memory_space<semaphore_mem>>, %arg17: memref<!tpu.dma_semaphore, #tpu.memory_space<semaphore_mem>>, %arg18: memref<!tpu.dma_semaphore, #tpu.memory_space<semaphore_mem>>, %arg19: memref<!tpu.dma_semaphore, #tpu.memory_space<semaphore_mem>>, %arg20: memref<!tpu.dma_semaphore, #tpu.memory_space<semaphore_mem>>, %arg21: memref<!tpu.dma_semaphore, #tpu.memory_space<semaphore_mem>>, %arg22: memref<!tpu.dma_semaphore, #tpu.memory_space<semaphore_mem>>, %arg23: memref<!tpu.dma_semaphore, #tpu.memory_space<semaphore_mem>>, %arg24: memref<!tpu.dma_semaphore, #tpu.memory_space<semaphore_mem>>, %arg25: memref<!tpu.dma_semaphore, #tpu.memory_space<semaphore_mem>>, %arg26: memref<!tpu.dma_semaphore, #tpu.memory_space<semaphore_mem>>, %arg27: memref<!tpu.dma_semaphore, #tpu.memory_space<semaphore_mem>>) attributes {dimension_semantics = [#tpu.dimension_semantics<core_parallel>, #tpu.dimension_semantics<subcore_parallel>], iteration_bounds = array<i64: 2, 16>, scalar_prefetch = 0 : i64, scratch_operands = 21 : i64, tpu.core_type = #tpu.core_type<sc_vector_subcore>, window_params = [{transform_indices = #map}, {transform_indices = #map}, {transform_indices = #map}, {transform_indices = #map}, {transform_indices = #map}]} {
    %mul3A = arith.constant 157 : i32
    %mul3A_0 = arith.muli %arg1, %mul3A : i32
    "tpu.region"() ({
      %run_scoped3A = tpu.sem_alloc : memref<!tpu.dma_semaphore, #tpu.memory_space<semaphore_mem>>
      %dma_start3A_95 = arith.constant 0 : i32
      %dma_start3A_96 = tpu.memref_slice %arg3[%mul3A_0, %dma_start3A_95] : memref<2512x128xi32, #tpu.memory_space<hbm>> -> memref<157x128xi32, #tpu.memory_space<hbm>>
      %dma_start3A_97 = arith.constant 0 : i32
      %dma_start3A_98 = tpu.memref_slice %arg3[%mul3A_0, %dma_start3A_97] : memref<2512x128xi32, #tpu.memory_space<hbm>> -> memref<157x128xi32, #tpu.memory_space<hbm>>
      tpu.enqueue_dma source(%dma_start3A_98 : memref<157x128xi32, #tpu.memory_space<hbm>>) target(%arg7 : memref<157x128xi32, #tpu.memory_space<vmem>>) target_semaphore(%run_scoped3A : memref<!tpu.dma_semaphore, #tpu.memory_space<semaphore_mem>>)
      %dma_wait3A_99 = arith.constant 0 : i32
      %dma_wait3A_100 = tpu.memref_slice %arg3[%mul3A_0, %dma_wait3A_99] : memref<2512x128xi32, #tpu.memory_space<hbm>> -> memref<157x128xi32, #tpu.memory_space<hbm>>
      %dma_wait3A_101 = arith.constant 0 : i32
      %dma_wait3A_102 = tpu.memref_slice %arg3[%mul3A_0, %dma_wait3A_101] : memref<2512x128xi32, #tpu.memory_space<hbm>> -> memref<157x128xi32, #tpu.memory_space<hbm>>
      tpu.wait_dma2 semaphore(%run_scoped3A : memref<!tpu.dma_semaphore, #tpu.memory_space<semaphore_mem>>) src(%dma_wait3A_102 : memref<157x128xi32, #tpu.memory_space<hbm>>) dst(%arg7 : memref<157x128xi32, #tpu.memory_space<vmem>>)
      tpu.yield
    }) : () -> ()
    %mul3A_1 = arith.constant 157 : i32
    %mul3A_2 = arith.muli %arg1, %mul3A_1 : i32
    "tpu.region"() ({
      %run_scoped3A = tpu.sem_alloc : memref<!tpu.dma_semaphore, #tpu.memory_space<semaphore_mem>>
      %dma_start3A_95 = arith.constant 0 : i32
      %dma_start3A_96 = tpu.memref_slice %arg4[%mul3A_2, %dma_start3A_95] : memref<2512x128xi32, #tpu.memory_space<hbm>> -> memref<157x128xi32, #tpu.memory_space<hbm>>
      %dma_start3A_97 = arith.constant 0 : i32
      %dma_start3A_98 = tpu.memref_slice %arg4[%mul3A_2, %dma_start3A_97] : memref<2512x128xi32, #tpu.memory_space<hbm>> -> memref<157x128xi32, #tpu.memory_space<hbm>>
      tpu.enqueue_dma source(%dma_start3A_98 : memref<157x128xi32, #tpu.memory_space<hbm>>) target(%arg8 : memref<157x128xi32, #tpu.memory_space<vmem>>) target_semaphore(%run_scoped3A : memref<!tpu.dma_semaphore, #tpu.memory_space<semaphore_mem>>)
      %dma_wait3A_99 = arith.constant 0 : i32
      %dma_wait3A_100 = tpu.memref_slice %arg4[%mul3A_2, %dma_wait3A_99] : memref<2512x128xi32, #tpu.memory_space<hbm>> -> memref<157x128xi32, #tpu.memory_space<hbm>>
      %dma_wait3A_101 = arith.constant 0 : i32
      %dma_wait3A_102 = tpu.memref_slice %arg4[%mul3A_2, %dma_wait3A_101] : memref<2512x128xi32, #tpu.memory_space<hbm>> -> memref<157x128xi32, #tpu.memory_space<hbm>>
      tpu.wait_dma2 semaphore(%run_scoped3A : memref<!tpu.dma_semaphore, #tpu.memory_space<semaphore_mem>>) src(%dma_wait3A_102 : memref<157x128xi32, #tpu.memory_space<hbm>>) dst(%arg8 : memref<157x128xi32, #tpu.memory_space<vmem>>)
      tpu.yield
    }) : () -> ()
    %mul3A_3 = arith.constant 632 : i32
    %mul3A_4 = arith.muli %arg1, %mul3A_3 : i32
    "tpu.region"() ({
      %run_scoped3A = tpu.sem_alloc : memref<!tpu.dma_semaphore, #tpu.memory_space<semaphore_mem>>
      %dma_start3A_95 = arith.constant 0 : i32
      %dma_start3A_96 = tpu.memref_slice %arg15[%mul3A_4, %dma_start3A_95] : memref<10112x64xf32, #tpu.memory_space<vmem_shared>> -> memref<632x64xf32, #tpu.memory_space<vmem_shared>>
      tpu.enqueue_dma source(%arg5 : memref<632x64xf32, #tpu.memory_space<hbm>>) target(%dma_start3A_96 : memref<632x64xf32, #tpu.memory_space<vmem_shared>>) target_semaphore(%run_scoped3A : memref<!tpu.dma_semaphore, #tpu.memory_space<semaphore_mem>>)
      %dma_wait3A_97 = arith.constant 0 : i32
      %dma_wait3A_98 = tpu.memref_slice %arg15[%mul3A_4, %dma_wait3A_97] : memref<10112x64xf32, #tpu.memory_space<vmem_shared>> -> memref<632x64xf32, #tpu.memory_space<vmem_shared>>
      tpu.wait_dma2 semaphore(%run_scoped3A : memref<!tpu.dma_semaphore, #tpu.memory_space<semaphore_mem>>) src(%arg5 : memref<632x64xf32, #tpu.memory_space<hbm>>) dst(%dma_wait3A_98 : memref<632x64xf32, #tpu.memory_space<vmem_shared>>)
      tpu.yield
    }) : () -> ()
    %eq3A = arith.constant 1 : i32
    %eq3A_5 = arith.cmpi eq, %arg0, %eq3A : i32
    %convert_element_type3A = arith.extui %eq3A_5 : i1 to i32
    %cond3A = arith.constant 0 : i32
    %cond3A_6 = arith.cmpi ne, %convert_element_type3A, %cond3A : i32
    scf.if %cond3A_6 {
      %scan3A_95 = arith.constant 0 : i32
      %scan3A_96 = arith.constant 0 : i32
      %scan3A_97 = arith.constant 157 : i32
      %scan3A_98 = arith.addi %scan3A_96, %scan3A_97 : i32
      %scan3A_99 = arith.constant 1 : i32
      %scan3A_100 = scf.for %scan3A_102 = %scan3A_96 to %scan3A_98 step %scan3A_99 iter_args(%scan3A_103 = %scan3A_95) -> (i32)  : i32 {
        %get3A = arith.index_cast %scan3A_102 : i32 to index
        %get3A_104 = arith.constant 0 : index
        %get3A_105 = tpu.vector_load %arg7[%get3A, %get3A_104] {strides = array<i32>} : memref<157x128xi32, #tpu.memory_space<vmem>>, vector<1x16xi32>,
        %get3A_106 = vector.shape_cast %get3A_105 : vector<1x16xi32> to vector<16xi32>
        %add3A = arith.constant 1 : i32
        %add3A_107 = vector.broadcast %add3A : i32 to vector<16xi32>
        %add3A_108 = arith.addi %get3A_106, %add3A_107 : vector<16xi32>
        %swap3A = arith.index_cast %scan3A_102 : i32 to index
        %swap3A_109 = arith.constant 0 : index
        %swap3A_110 = tpu.vector_load %arg7[%swap3A, %swap3A_109] {strides = array<i32>} : memref<157x128xi32, #tpu.memory_space<vmem>>, vector<1x16xi32>,
        %swap3A_111 = vector.shape_cast %swap3A_110 : vector<1x16xi32> to vector<16xi32>
        %swap3A_112 = vector.shape_cast %add3A_108 : vector<16xi32> to vector<1x16xi32>
        tpu.vector_store %arg7[%swap3A, %swap3A_109], %swap3A_112 {strides = array<i32>} : memref<157x128xi32, #tpu.memory_space<vmem>>, vector<1x16xi32>,
        %get3A_113 = arith.index_cast %scan3A_102 : i32 to index
        %get3A_114 = arith.constant 16 : index
        %get3A_115 = tpu.vector_load %arg7[%get3A_113, %get3A_114] {strides = array<i32>} : memref<157x128xi32, #tpu.memory_space<vmem>>, vector<1x16xi32>,
        %get3A_116 = vector.shape_cast %get3A_115 : vector<1x16xi32> to vector<16xi32>
        %add3A_117 = arith.constant 1 : i32
        %add3A_118 = vector.broadcast %add3A_117 : i32 to vector<16xi32>
        %add3A_119 = arith.addi %get3A_116, %add3A_118 : vector<16xi32>
        %swap3A_120 = arith.index_cast %scan3A_102 : i32 to index
        %swap3A_121 = arith.constant 16 : index
        %swap3A_122 = tpu.vector_load %arg7[%swap3A_120, %swap3A_121] {strides = array<i32>} : memref<157x128xi32, #tpu.memory_space<vmem>>, vector<1x16xi32>,
        %swap3A_123 = vector.shape_cast %swap3A_122 : vector<1x16xi32> to vector<16xi32>
        %swap3A_124 = vector.shape_cast %add3A_119 : vector<16xi32> to vector<1x16xi32>
        tpu.vector_store %arg7[%swap3A_120, %swap3A_121], %swap3A_124 {strides = array<i32>} : memref<157x128xi32, #tpu.memory_space<vmem>>, vector<1x16xi32>,
        %get3A_125 = arith.index_cast %scan3A_102 : i32 to index
        %get3A_126 = arith.constant 32 : index
        %get3A_127 = tpu.vector_load %arg7[%get3A_125, %get3A_126] {strides = array<i32>} : memref<157x128xi32, #tpu.memory_space<vmem>>, vector<1x16xi32>,
        %get3A_128 = vector.shape_cast %get3A_127 : vector<1x16xi32> to vector<16xi32>
        %add3A_129 = arith.constant 1 : i32
        %add3A_130 = vector.broadcast %add3A_129 : i32 to vector<16xi32>
        %add3A_131 = arith.addi %get3A_128, %add3A_130 : vector<16xi32>
        %swap3A_132 = arith.index_cast %scan3A_102 : i32 to index
        %swap3A_133 = arith.constant 32 : index
        %swap3A_134 = tpu.vector_load %arg7[%swap3A_132, %swap3A_133] {strides = array<i32>} : memref<157x128xi32, #tpu.memory_space<vmem>>, vector<1x16xi32>,
        %swap3A_135 = vector.shape_cast %swap3A_134 : vector<1x16xi32> to vector<16xi32>
        %swap3A_136 = vector.shape_cast %add3A_131 : vector<16xi32> to vector<1x16xi32>
        tpu.vector_store %arg7[%swap3A_132, %swap3A_133], %swap3A_136 {strides = array<i32>} : memref<157x128xi32, #tpu.memory_space<vmem>>, vector<1x16xi32>,
        %get3A_137 = arith.index_cast %scan3A_102 : i32 to index
        %get3A_138 = arith.constant 48 : index
        %get3A_139 = tpu.vector_load %arg7[%get3A_137, %get3A_138] {strides = array<i32>} : memref<157x128xi32, #tpu.memory_space<vmem>>, vector<1x16xi32>,
        %get3A_140 = vector.shape_cast %get3A_139 : vector<1x16xi32> to vector<16xi32>
        %add3A_141 = arith.constant 1 : i32
        %add3A_142 = vector.broadcast %add3A_141 : i32 to vector<16xi32>
        %add3A_143 = arith.addi %get3A_140, %add3A_142 : vector<16xi32>
        %swap3A_144 = arith.index_cast %scan3A_102 : i32 to index
        %swap3A_145 = arith.constant 48 : index
        %swap3A_146 = tpu.vector_load %arg7[%swap3A_144, %swap3A_145] {strides = array<i32>} : memref<157x128xi32, #tpu.memory_space<vmem>>, vector<1x16xi32>,
        %swap3A_147 = vector.shape_cast %swap3A_146 : vector<1x16xi32> to vector<16xi32>
        %swap3A_148 = vector.shape_cast %add3A_143 : vector<16xi32> to vector<1x16xi32>
        tpu.vector_store %arg7[%swap3A_144, %swap3A_145], %swap3A_148 {strides = array<i32>} : memref<157x128xi32, #tpu.memory_space<vmem>>, vector<1x16xi32>,
        %get3A_149 = arith.index_cast %scan3A_102 : i32 to index
        %get3A_150 = arith.constant 64 : index
        %get3A_151 = tpu.vector_load %arg7[%get3A_149, %get3A_150] {strides = array<i32>} : memref<157x128xi32, #tpu.memory_space<vmem>>, vector<1x16xi32>,
        %get3A_152 = vector.shape_cast %get3A_151 : vector<1x16xi32> to vector<16xi32>
        %add3A_153 = arith.constant 1 : i32
        %add3A_154 = vector.broadcast %add3A_153 : i32 to vector<16xi32>
        %add3A_155 = arith.addi %get3A_152, %add3A_154 : vector<16xi32>
        %swap3A_156 = arith.index_cast %scan3A_102 : i32 to index
        %swap3A_157 = arith.constant 64 : index
        %swap3A_158 = tpu.vector_load %arg7[%swap3A_156, %swap3A_157] {strides = array<i32>} : memref<157x128xi32, #tpu.memory_space<vmem>>, vector<1x16xi32>,
        %swap3A_159 = vector.shape_cast %swap3A_158 : vector<1x16xi32> to vector<16xi32>
        %swap3A_160 = vector.shape_cast %add3A_155 : vector<16xi32> to vector<1x16xi32>
        tpu.vector_store %arg7[%swap3A_156, %swap3A_157], %swap3A_160 {strides = array<i32>} : memref<157x128xi32, #tpu.memory_space<vmem>>, vector<1x16xi32>,
        %get3A_161 = arith.index_cast %scan3A_102 : i32 to index
        %get3A_162 = arith.constant 80 : index
        %get3A_163 = tpu.vector_load %arg7[%get3A_161, %get3A_162] {strides = array<i32>} : memref<157x128xi32, #tpu.memory_space<vmem>>, vector<1x16xi32>,
        %get3A_164 = vector.shape_cast %get3A_163 : vector<1x16xi32> to vector<16xi32>
        %add3A_165 = arith.constant 1 : i32
        %add3A_166 = vector.broadcast %add3A_165 : i32 to vector<16xi32>
        %add3A_167 = arith.addi %get3A_164, %add3A_166 : vector<16xi32>
        %swap3A_168 = arith.index_cast %scan3A_102 : i32 to index
        %swap3A_169 = arith.constant 80 : index
        %swap3A_170 = tpu.vector_load %arg7[%swap3A_168, %swap3A_169] {strides = array<i32>} : memref<157x128xi32, #tpu.memory_space<vmem>>, vector<1x16xi32>,
        %swap3A_171 = vector.shape_cast %swap3A_170 : vector<1x16xi32> to vector<16xi32>
        %swap3A_172 = vector.shape_cast %add3A_167 : vector<16xi32> to vector<1x16xi32>
        tpu.vector_store %arg7[%swap3A_168, %swap3A_169], %swap3A_172 {strides = array<i32>} : memref<157x128xi32, #tpu.memory_space<vmem>>, vector<1x16xi32>,
        %get3A_173 = arith.index_cast %scan3A_102 : i32 to index
        %get3A_174 = arith.constant 96 : index
        %get3A_175 = tpu.vector_load %arg7[%get3A_173, %get3A_174] {strides = array<i32>} : memref<157x128xi32, #tpu.memory_space<vmem>>, vector<1x16xi32>,
        %get3A_176 = vector.shape_cast %get3A_175 : vector<1x16xi32> to vector<16xi32>
        %add3A_177 = arith.constant 1 : i32
        %add3A_178 = vector.broadcast %add3A_177 : i32 to vector<16xi32>
        %add3A_179 = arith.addi %get3A_176, %add3A_178 : vector<16xi32>
        %swap3A_180 = arith.index_cast %scan3A_102 : i32 to index
        %swap3A_181 = arith.constant 96 : index
        %swap3A_182 = tpu.vector_load %arg7[%swap3A_180, %swap3A_181] {strides = array<i32>} : memref<157x128xi32, #tpu.memory_space<vmem>>, vector<1x16xi32>,
        %swap3A_183 = vector.shape_cast %swap3A_182 : vector<1x16xi32> to vector<16xi32>
        %swap3A_184 = vector.shape_cast %add3A_179 : vector<16xi32> to vector<1x16xi32>
        tpu.vector_store %arg7[%swap3A_180, %swap3A_181], %swap3A_184 {strides = array<i32>} : memref<157x128xi32, #tpu.memory_space<vmem>>, vector<1x16xi32>,
        %get3A_185 = arith.index_cast %scan3A_102 : i32 to index
        %get3A_186 = arith.constant 112 : index
        %get3A_187 = tpu.vector_load %arg7[%get3A_185, %get3A_186] {strides = array<i32>} : memref<157x128xi32, #tpu.memory_space<vmem>>, vector<1x16xi32>,
        %get3A_188 = vector.shape_cast %get3A_187 : vector<1x16xi32> to vector<16xi32>
        %add3A_189 = arith.constant 1 : i32
        %add3A_190 = vector.broadcast %add3A_189 : i32 to vector<16xi32>
        %add3A_191 = arith.addi %get3A_188, %add3A_190 : vector<16xi32>
        %swap3A_192 = arith.index_cast %scan3A_102 : i32 to index
        %swap3A_193 = arith.constant 112 : index
        %swap3A_194 = tpu.vector_load %arg7[%swap3A_192, %swap3A_193] {strides = array<i32>} : memref<157x128xi32, #tpu.memory_space<vmem>>, vector<1x16xi32>,
        %swap3A_195 = vector.shape_cast %swap3A_194 : vector<1x16xi32> to vector<16xi32>
        %swap3A_196 = vector.shape_cast %add3A_191 : vector<16xi32> to vector<1x16xi32>
        tpu.vector_store %arg7[%swap3A_192, %swap3A_193], %swap3A_196 {strides = array<i32>} : memref<157x128xi32, #tpu.memory_space<vmem>>, vector<1x16xi32>,
        %scan3A_197 = arith.constant 0 : i32
        scf.yield %scan3A_197 : i32
      }
      %scan3A_101 = arith.constant 157 : i32
    } else {
    }
    %barrier3A = arith.constant 0 : index
    tpu.barrier barrier_id(%barrier3A)
    %dma_start3A = arith.constant 0 : i32
    %dma_start3A_7 = arith.constant 0 : i32
    %dma_start3A_8 = tpu.memref_slice %arg7[%dma_start3A, %dma_start3A_7] : memref<157x128xi32, #tpu.memory_space<vmem>> -> memref<1x128xi32, #tpu.memory_space<vmem>>
    %dma_start3A_9 = tpu.memref_squeeze %dma_start3A_8 : memref<1x128xi32, #tpu.memory_space<vmem>> -> memref<128xi32, #tpu.memory_space<vmem>>
    %dma_start3A_10 = arith.constant 0 : i32
    %dma_start3A_11 = arith.constant 0 : i32
    %dma_start3A_12 = tpu.memref_slice %arg2[%dma_start3A_10, %dma_start3A_11] : memref<20000x64xf32, #tpu.memory_space<hbm>> -> memref<20000x64xf32, #tpu.memory_space<hbm>>
    tpu.enqueue_indirect_dma source(%dma_start3A_12 : memref<20000x64xf32, #tpu.memory_space<hbm>>) target(%arg9 : memref<128x64xf32, #tpu.memory_space<vmem>>) offsets(%dma_start3A_9 : memref<128xi32, #tpu.memory_space<vmem>>) semaphore(%arg16 : memref<!tpu.dma_semaphore, #tpu.memory_space<semaphore_mem>>)
    %dma_start3A_13 = arith.constant 1 : i32
    %dma_start3A_14 = arith.constant 0 : i32
    %dma_start3A_15 = tpu.memref_slice %arg7[%dma_start3A_13, %dma_start3A_14] : memref<157x128xi32, #tpu.memory_space<vmem>> -> memref<1x128xi32, #tpu.memory_space<vmem>>
    %dma_start3A_16 = tpu.memref_squeeze %dma_start3A_15 : memref<1x128xi32, #tpu.memory_space<vmem>> -> memref<128xi32, #tpu.memory_space<vmem>>
    %dma_start3A_17 = arith.constant 0 : i32
    %dma_start3A_18 = arith.constant 0 : i32
    %dma_start3A_19 = tpu.memref_slice %arg2[%dma_start3A_17, %dma_start3A_18] : memref<20000x64xf32, #tpu.memory_space<hbm>> -> memref<20000x64xf32, #tpu.memory_space<hbm>>
    tpu.enqueue_indirect_dma source(%dma_start3A_19 : memref<20000x64xf32, #tpu.memory_space<hbm>>) target(%arg10 : memref<128x64xf32, #tpu.memory_space<vmem>>) offsets(%dma_start3A_16 : memref<128xi32, #tpu.memory_space<vmem>>) semaphore(%arg17 : memref<!tpu.dma_semaphore, #tpu.memory_space<semaphore_mem>>)
    %dma_start3A_20 = arith.constant 2 : i32
    %dma_start3A_21 = arith.constant 0 : i32
    %dma_start3A_22 = tpu.memref_slice %arg7[%dma_start3A_20, %dma_start3A_21] : memref<157x128xi32, #tpu.memory_space<vmem>> -> memref<1x128xi32, #tpu.memory_space<vmem>>
    %dma_start3A_23 = tpu.memref_squeeze %dma_start3A_22 : memref<1x128xi32, #tpu.memory_space<vmem>> -> memref<128xi32, #tpu.memory_space<vmem>>
    %dma_start3A_24 = arith.constant 0 : i32
    %dma_start3A_25 = arith.constant 0 : i32
    %dma_start3A_26 = tpu.memref_slice %arg2[%dma_start3A_24, %dma_start3A_25] : memref<20000x64xf32, #tpu.memory_space<hbm>> -> memref<20000x64xf32, #tpu.memory_space<hbm>>
    tpu.enqueue_indirect_dma source(%dma_start3A_26 : memref<20000x64xf32, #tpu.memory_space<hbm>>) target(%arg11 : memref<128x64xf32, #tpu.memory_space<vmem>>) offsets(%dma_start3A_23 : memref<128xi32, #tpu.memory_space<vmem>>) semaphore(%arg18 : memref<!tpu.dma_semaphore, #tpu.memory_space<semaphore_mem>>)
    %dma_start3A_27 = arith.constant 3 : i32
    %dma_start3A_28 = arith.constant 0 : i32
    %dma_start3A_29 = tpu.memref_slice %arg7[%dma_start3A_27, %dma_start3A_28] : memref<157x128xi32, #tpu.memory_space<vmem>> -> memref<1x128xi32, #tpu.memory_space<vmem>>
    %dma_start3A_30 = tpu.memref_squeeze %dma_start3A_29 : memref<1x128xi32, #tpu.memory_space<vmem>> -> memref<128xi32, #tpu.memory_space<vmem>>
    %dma_start3A_31 = arith.constant 0 : i32
    %dma_start3A_32 = arith.constant 0 : i32
    %dma_start3A_33 = tpu.memref_slice %arg2[%dma_start3A_31, %dma_start3A_32] : memref<20000x64xf32, #tpu.memory_space<hbm>> -> memref<20000x64xf32, #tpu.memory_space<hbm>>
    tpu.enqueue_indirect_dma source(%dma_start3A_33 : memref<20000x64xf32, #tpu.memory_space<hbm>>) target(%arg12 : memref<128x64xf32, #tpu.memory_space<vmem>>) offsets(%dma_start3A_30 : memref<128xi32, #tpu.memory_space<vmem>>) semaphore(%arg19 : memref<!tpu.dma_semaphore, #tpu.memory_space<semaphore_mem>>)
    %dma_start3A_34 = arith.constant 4 : i32
    %dma_start3A_35 = arith.constant 0 : i32
    %dma_start3A_36 = tpu.memref_slice %arg7[%dma_start3A_34, %dma_start3A_35] : memref<157x128xi32, #tpu.memory_space<vmem>> -> memref<1x128xi32, #tpu.memory_space<vmem>>
    %dma_start3A_37 = tpu.memref_squeeze %dma_start3A_36 : memref<1x128xi32, #tpu.memory_space<vmem>> -> memref<128xi32, #tpu.memory_space<vmem>>
    %dma_start3A_38 = arith.constant 0 : i32
    %dma_start3A_39 = arith.constant 0 : i32
    %dma_start3A_40 = tpu.memref_slice %arg2[%dma_start3A_38, %dma_start3A_39] : memref<20000x64xf32, #tpu.memory_space<hbm>> -> memref<20000x64xf32, #tpu.memory_space<hbm>>
    tpu.enqueue_indirect_dma source(%dma_start3A_40 : memref<20000x64xf32, #tpu.memory_space<hbm>>) target(%arg13 : memref<128x64xf32, #tpu.memory_space<vmem>>) offsets(%dma_start3A_37 : memref<128xi32, #tpu.memory_space<vmem>>) semaphore(%arg20 : memref<!tpu.dma_semaphore, #tpu.memory_space<semaphore_mem>>)
    %scan3A = arith.constant 0 : i32
    %scan3A_41 = arith.constant 0 : i32
    %scan3A_42 = arith.constant 157 : i32
    %scan3A_43 = arith.addi %scan3A_41, %scan3A_42 : i32
    %scan3A_44 = arith.constant 1 : i32
    %scan3A_45 = scf.for %scan3A_95 = %scan3A_41 to %scan3A_43 step %scan3A_44 iter_args(%scan3A_96 = %scan3A) -> (i32)  : i32 {
      %rem3A = arith.constant 6 : i32
      %rem3A_97 = arith.remsi %scan3A_95, %rem3A : i32
      %eq3A_98 = arith.constant 0 : i32
      %eq3A_99 = arith.cmpi eq, %rem3A_97, %eq3A_98 : i32
      %convert_element_type3A_100 = arith.extui %eq3A_99 : i1 to i32
      %cond3A_101 = arith.constant 0 : i32
      %cond3A_102 = arith.cmpi ne, %convert_element_type3A_100, %cond3A_101 : i32
      scf.if %cond3A_102 {
        %dma_wait3A_139 = arith.constant 0 : i32
        %dma_wait3A_140 = tpu.memref_slice %arg7[%scan3A_95, %dma_wait3A_139] : memref<157x128xi32, #tpu.memory_space<vmem>> -> memref<1x128xi32, #tpu.memory_space<vmem>>
        %dma_wait3A_141 = tpu.memref_squeeze %dma_wait3A_140 : memref<1x128xi32, #tpu.memory_space<vmem>> -> memref<128xi32, #tpu.memory_space<vmem>>
        %dma_wait3A_142 = arith.constant 0 : i32
        %dma_wait3A_143 = arith.constant 0 : i32
        %dma_wait3A_144 = tpu.memref_slice %arg2[%dma_wait3A_142, %dma_wait3A_143] : memref<20000x64xf32, #tpu.memory_space<hbm>> -> memref<20000x64xf32, #tpu.memory_space<hbm>>
        tpu.wait_indirect_dma semaphore(%arg16 : memref<!tpu.dma_semaphore, #tpu.memory_space<semaphore_mem>>) src(%dma_wait3A_144 : memref<20000x64xf32, #tpu.memory_space<hbm>>) dst(%arg9 : memref<128x64xf32, #tpu.memory_space<vmem>>)
        %dma_start3A_145 = arith.constant 0 : i32
        %dma_start3A_146 = tpu.memref_slice %arg8[%scan3A_95, %dma_start3A_145] : memref<157x128xi32, #tpu.memory_space<vmem>> -> memref<1x128xi32, #tpu.memory_space<vmem>>
        %dma_start3A_147 = tpu.memref_squeeze %dma_start3A_146 : memref<1x128xi32, #tpu.memory_space<vmem>> -> memref<128xi32, #tpu.memory_space<vmem>>
        %dma_start3A_148 = arith.constant 0 : i32
        %dma_start3A_149 = arith.constant 0 : i32
        %dma_start3A_150 = tpu.memref_slice %arg15[%dma_start3A_148, %dma_start3A_149] : memref<10112x64xf32, #tpu.memory_space<vmem_shared>> -> memref<10112x64xf32, #tpu.memory_space<vmem_shared>>
        tpu.enqueue_indirect_dma source(%arg9 : memref<128x64xf32, #tpu.memory_space<vmem>>) target(%dma_start3A_150 : memref<10112x64xf32, #tpu.memory_space<vmem_shared>>) offsets(%dma_start3A_147 : memref<128xi32, #tpu.memory_space<vmem>>) semaphore(%arg22 : memref<!tpu.dma_semaphore, #tpu.memory_space<semaphore_mem>>) {add = true}
        %add3A = arith.constant 5 : i32
        %add3A_151 = arith.addi %scan3A_95, %add3A : i32
        %lt3A = arith.constant 157 : i32
        %lt3A_152 = arith.cmpi slt, %add3A_151, %lt3A : i32
        %convert_element_type3A_153 = arith.extui %lt3A_152 : i1 to i32
        %cond3A_154 = arith.constant 0 : i32
        %cond3A_155 = arith.cmpi ne, %convert_element_type3A_153, %cond3A_154 : i32
        scf.if %cond3A_155 {
          %add3A_156 = arith.constant 5 : i32
          %add3A_157 = arith.addi %scan3A_95, %add3A_156 : i32
          %ge3A = arith.constant 6 : i32
          %ge3A_158 = arith.cmpi sge, %add3A_157, %ge3A : i32
          %convert_element_type3A_159 = arith.extui %ge3A_158 : i1 to i32
          %cond3A_160 = arith.constant 0 : i32
          %cond3A_161 = arith.cmpi ne, %convert_element_type3A_159, %cond3A_160 : i32
          scf.if %cond3A_161 {
            %dma_wait3A_170 = arith.constant 0 : i32
            %dma_wait3A_171 = arith.constant 0 : i32
            %dma_wait3A_172 = tpu.memref_slice %arg8[%dma_wait3A_170, %dma_wait3A_171] : memref<157x128xi32, #tpu.memory_space<vmem>> -> memref<1x128xi32, #tpu.memory_space<vmem>>
            %dma_wait3A_173 = tpu.memref_squeeze %dma_wait3A_172 : memref<1x128xi32, #tpu.memory_space<vmem>> -> memref<128xi32, #tpu.memory_space<vmem>>
            %dma_wait3A_174 = arith.constant 0 : i32
            %dma_wait3A_175 = arith.constant 0 : i32
            %dma_wait3A_176 = tpu.memref_slice %arg15[%dma_wait3A_174, %dma_wait3A_175] : memref<10112x64xf32, #tpu.memory_space<vmem_shared>> -> memref<10112x64xf32, #tpu.memory_space<vmem_shared>>
            tpu.wait_indirect_dma semaphore(%arg27 : memref<!tpu.dma_semaphore, #tpu.memory_space<semaphore_mem>>) src(%arg14 : memref<128x64xf32, #tpu.memory_space<vmem>>) dst(%dma_wait3A_176 : memref<10112x64xf32, #tpu.memory_space<vmem_shared>>)
          } else {
          }
          %add3A_162 = arith.constant 5 : i32
          %add3A_163 = arith.addi %scan3A_95, %add3A_162 : i32
          %dma_start3A_164 = arith.constant 0 : i32
          %dma_start3A_165 = tpu.memref_slice %arg7[%add3A_163, %dma_start3A_164] : memref<157x128xi32, #tpu.memory_space<vmem>> -> memref<1x128xi32, #tpu.memory_space<vmem>>
          %dma_start3A_166 = tpu.memref_squeeze %dma_start3A_165 : memref<1x128xi32, #tpu.memory_space<vmem>> -> memref<128xi32, #tpu.memory_space<vmem>>
          %dma_start3A_167 = arith.constant 0 : i32
          %dma_start3A_168 = arith.constant 0 : i32
          %dma_start3A_169 = tpu.memref_slice %arg2[%dma_start3A_167, %dma_start3A_168] : memref<20000x64xf32, #tpu.memory_space<hbm>> -> memref<20000x64xf32, #tpu.memory_space<hbm>>
          tpu.enqueue_indirect_dma source(%dma_start3A_169 : memref<20000x64xf32, #tpu.memory_space<hbm>>) target(%arg14 : memref<128x64xf32, #tpu.memory_space<vmem>>) offsets(%dma_start3A_166 : memref<128xi32, #tpu.memory_space<vmem>>) semaphore(%arg21 : memref<!tpu.dma_semaphore, #tpu.memory_space<semaphore_mem>>)
        } else {
        }
      } else {
      }
      %rem3A_103 = arith.constant 6 : i32
      %rem3A_104 = arith.remsi %scan3A_95, %rem3A_103 : i32
      %eq3A_105 = arith.constant 1 : i32
      %eq3A_106 = arith.cmpi eq, %rem3A_104, %eq3A_105 : i32
      %convert_element_type3A_107 = arith.extui %eq3A_106 : i1 to i32
      %cond3A_108 = arith.constant 0 : i32
      %cond3A_109 = arith.cmpi ne, %convert_element_type3A_107, %cond3A_108 : i32
      scf.if %cond3A_109 {
        %dma_wait3A_139 = arith.constant 0 : i32
        %dma_wait3A_140 = tpu.memref_slice %arg7[%scan3A_95, %dma_wait3A_139] : memref<157x128xi32, #tpu.memory_space<vmem>> -> memref<1x128xi32, #tpu.memory_space<vmem>>
        %dma_wait3A_141 = tpu.memref_squeeze %dma_wait3A_140 : memref<1x128xi32, #tpu.memory_space<vmem>> -> memref<128xi32, #tpu.memory_space<vmem>>
        %dma_wait3A_142 = arith.constant 0 : i32
        %dma_wait3A_143 = arith.constant 0 : i32
        %dma_wait3A_144 = tpu.memref_slice %arg2[%dma_wait3A_142, %dma_wait3A_143] : memref<20000x64xf32, #tpu.memory_space<hbm>> -> memref<20000x64xf32, #tpu.memory_space<hbm>>
        tpu.wait_indirect_dma semaphore(%arg17 : memref<!tpu.dma_semaphore, #tpu.memory_space<semaphore_mem>>) src(%dma_wait3A_144 : memref<20000x64xf32, #tpu.memory_space<hbm>>) dst(%arg10 : memref<128x64xf32, #tpu.memory_space<vmem>>)
        %dma_start3A_145 = arith.constant 0 : i32
        %dma_start3A_146 = tpu.memref_slice %arg8[%scan3A_95, %dma_start3A_145] : memref<157x128xi32, #tpu.memory_space<vmem>> -> memref<1x128xi32, #tpu.memory_space<vmem>>
        %dma_start3A_147 = tpu.memref_squeeze %dma_start3A_146 : memref<1x128xi32, #tpu.memory_space<vmem>> -> memref<128xi32, #tpu.memory_space<vmem>>
        %dma_start3A_148 = arith.constant 0 : i32
        %dma_start3A_149 = arith.constant 0 : i32
        %dma_start3A_150 = tpu.memref_slice %arg15[%dma_start3A_148, %dma_start3A_149] : memref<10112x64xf32, #tpu.memory_space<vmem_shared>> -> memref<10112x64xf32, #tpu.memory_space<vmem_shared>>
        tpu.enqueue_indirect_dma source(%arg10 : memref<128x64xf32, #tpu.memory_space<vmem>>) target(%dma_start3A_150 : memref<10112x64xf32, #tpu.memory_space<vmem_shared>>) offsets(%dma_start3A_147 : memref<128xi32, #tpu.memory_space<vmem>>) semaphore(%arg23 : memref<!tpu.dma_semaphore, #tpu.memory_space<semaphore_mem>>) {add = true}
        %add3A = arith.constant 5 : i32
        %add3A_151 = arith.addi %scan3A_95, %add3A : i32
        %lt3A = arith.constant 157 : i32
        %lt3A_152 = arith.cmpi slt, %add3A_151, %lt3A : i32
        %convert_element_type3A_153 = arith.extui %lt3A_152 : i1 to i32
        %cond3A_154 = arith.constant 0 : i32
        %cond3A_155 = arith.cmpi ne, %convert_element_type3A_153, %cond3A_154 : i32
        scf.if %cond3A_155 {
          %add3A_156 = arith.constant 5 : i32
          %add3A_157 = arith.addi %scan3A_95, %add3A_156 : i32
          %ge3A = arith.constant 6 : i32
          %ge3A_158 = arith.cmpi sge, %add3A_157, %ge3A : i32
          %convert_element_type3A_159 = arith.extui %ge3A_158 : i1 to i32
          %cond3A_160 = arith.constant 0 : i32
          %cond3A_161 = arith.cmpi ne, %convert_element_type3A_159, %cond3A_160 : i32
          scf.if %cond3A_161 {
            %dma_wait3A_170 = arith.constant 0 : i32
            %dma_wait3A_171 = arith.constant 0 : i32
            %dma_wait3A_172 = tpu.memref_slice %arg8[%dma_wait3A_170, %dma_wait3A_171] : memref<157x128xi32, #tpu.memory_space<vmem>> -> memref<1x128xi32, #tpu.memory_space<vmem>>
            %dma_wait3A_173 = tpu.memref_squeeze %dma_wait3A_172 : memref<1x128xi32, #tpu.memory_space<vmem>> -> memref<128xi32, #tpu.memory_space<vmem>>
            %dma_wait3A_174 = arith.constant 0 : i32
            %dma_wait3A_175 = arith.constant 0 : i32
            %dma_wait3A_176 = tpu.memref_slice %arg15[%dma_wait3A_174, %dma_wait3A_175] : memref<10112x64xf32, #tpu.memory_space<vmem_shared>> -> memref<10112x64xf32, #tpu.memory_space<vmem_shared>>
            tpu.wait_indirect_dma semaphore(%arg22 : memref<!tpu.dma_semaphore, #tpu.memory_space<semaphore_mem>>) src(%arg9 : memref<128x64xf32, #tpu.memory_space<vmem>>) dst(%dma_wait3A_176 : memref<10112x64xf32, #tpu.memory_space<vmem_shared>>)
          } else {
          }
          %add3A_162 = arith.constant 5 : i32
          %add3A_163 = arith.addi %scan3A_95, %add3A_162 : i32
          %dma_start3A_164 = arith.constant 0 : i32
          %dma_start3A_165 = tpu.memref_slice %arg7[%add3A_163, %dma_start3A_164] : memref<157x128xi32, #tpu.memory_space<vmem>> -> memref<1x128xi32, #tpu.memory_space<vmem>>
          %dma_start3A_166 = tpu.memref_squeeze %dma_start3A_165 : memref<1x128xi32, #tpu.memory_space<vmem>> -> memref<128xi32, #tpu.memory_space<vmem>>
          %dma_start3A_167 = arith.constant 0 : i32
          %dma_start3A_168 = arith.constant 0 : i32
          %dma_start3A_169 = tpu.memref_slice %arg2[%dma_start3A_167, %dma_start3A_168] : memref<20000x64xf32, #tpu.memory_space<hbm>> -> memref<20000x64xf32, #tpu.memory_space<hbm>>
          tpu.enqueue_indirect_dma source(%dma_start3A_169 : memref<20000x64xf32, #tpu.memory_space<hbm>>) target(%arg9 : memref<128x64xf32, #tpu.memory_space<vmem>>) offsets(%dma_start3A_166 : memref<128xi32, #tpu.memory_space<vmem>>) semaphore(%arg16 : memref<!tpu.dma_semaphore, #tpu.memory_space<semaphore_mem>>)
        } else {
        }
      } else {
      }
      %rem3A_110 = arith.constant 6 : i32
      %rem3A_111 = arith.remsi %scan3A_95, %rem3A_110 : i32
      %eq3A_112 = arith.constant 2 : i32
      %eq3A_113 = arith.cmpi eq, %rem3A_111, %eq3A_112 : i32
      %convert_element_type3A_114 = arith.extui %eq3A_113 : i1 to i32
      %cond3A_115 = arith.constant 0 : i32
      %cond3A_116 = arith.cmpi ne, %convert_element_type3A_114, %cond3A_115 : i32
      scf.if %cond3A_116 {
        %dma_wait3A_139 = arith.constant 0 : i32
        %dma_wait3A_140 = tpu.memref_slice %arg7[%scan3A_95, %dma_wait3A_139] : memref<157x128xi32, #tpu.memory_space<vmem>> -> memref<1x128xi32, #tpu.memory_space<vmem>>
        %dma_wait3A_141 = tpu.memref_squeeze %dma_wait3A_140 : memref<1x128xi32, #tpu.memory_space<vmem>> -> memref<128xi32, #tpu.memory_space<vmem>>
        %dma_wait3A_142 = arith.constant 0 : i32
        %dma_wait3A_143 = arith.constant 0 : i32
        %dma_wait3A_144 = tpu.memref_slice %arg2[%dma_wait3A_142, %dma_wait3A_143] : memref<20000x64xf32, #tpu.memory_space<hbm>> -> memref<20000x64xf32, #tpu.memory_space<hbm>>
        tpu.wait_indirect_dma semaphore(%arg18 : memref<!tpu.dma_semaphore, #tpu.memory_space<semaphore_mem>>) src(%dma_wait3A_144 : memref<20000x64xf32, #tpu.memory_space<hbm>>) dst(%arg11 : memref<128x64xf32, #tpu.memory_space<vmem>>)
        %dma_start3A_145 = arith.constant 0 : i32
        %dma_start3A_146 = tpu.memref_slice %arg8[%scan3A_95, %dma_start3A_145] : memref<157x128xi32, #tpu.memory_space<vmem>> -> memref<1x128xi32, #tpu.memory_space<vmem>>
        %dma_start3A_147 = tpu.memref_squeeze %dma_start3A_146 : memref<1x128xi32, #tpu.memory_space<vmem>> -> memref<128xi32, #tpu.memory_space<vmem>>
        %dma_start3A_148 = arith.constant 0 : i32
        %dma_start3A_149 = arith.constant 0 : i32
        %dma_start3A_150 = tpu.memref_slice %arg15[%dma_start3A_148, %dma_start3A_149] : memref<10112x64xf32, #tpu.memory_space<vmem_shared>> -> memref<10112x64xf32, #tpu.memory_space<vmem_shared>>
        tpu.enqueue_indirect_dma source(%arg11 : memref<128x64xf32, #tpu.memory_space<vmem>>) target(%dma_start3A_150 : memref<10112x64xf32, #tpu.memory_space<vmem_shared>>) offsets(%dma_start3A_147 : memref<128xi32, #tpu.memory_space<vmem>>) semaphore(%arg24 : memref<!tpu.dma_semaphore, #tpu.memory_space<semaphore_mem>>) {add = true}
        %add3A = arith.constant 5 : i32
        %add3A_151 = arith.addi %scan3A_95, %add3A : i32
        %lt3A = arith.constant 157 : i32
        %lt3A_152 = arith.cmpi slt, %add3A_151, %lt3A : i32
        %convert_element_type3A_153 = arith.extui %lt3A_152 : i1 to i32
        %cond3A_154 = arith.constant 0 : i32
        %cond3A_155 = arith.cmpi ne, %convert_element_type3A_153, %cond3A_154 : i32
        scf.if %cond3A_155 {
          %add3A_156 = arith.constant 5 : i32
          %add3A_157 = arith.addi %scan3A_95, %add3A_156 : i32
          %ge3A = arith.constant 6 : i32
          %ge3A_158 = arith.cmpi sge, %add3A_157, %ge3A : i32
          %convert_element_type3A_159 = arith.extui %ge3A_158 : i1 to i32
          %cond3A_160 = arith.constant 0 : i32
          %cond3A_161 = arith.cmpi ne, %convert_element_type3A_159, %cond3A_160 : i32
          scf.if %cond3A_161 {
            %dma_wait3A_170 = arith.constant 0 : i32
            %dma_wait3A_171 = arith.constant 0 : i32
            %dma_wait3A_172 = tpu.memref_slice %arg8[%dma_wait3A_170, %dma_wait3A_171] : memref<157x128xi32, #tpu.memory_space<vmem>> -> memref<1x128xi32, #tpu.memory_space<vmem>>
            %dma_wait3A_173 = tpu.memref_squeeze %dma_wait3A_172 : memref<1x128xi32, #tpu.memory_space<vmem>> -> memref<128xi32, #tpu.memory_space<vmem>>
            %dma_wait3A_174 = arith.constant 0 : i32
            %dma_wait3A_175 = arith.constant 0 : i32
            %dma_wait3A_176 = tpu.memref_slice %arg15[%dma_wait3A_174, %dma_wait3A_175] : memref<10112x64xf32, #tpu.memory_space<vmem_shared>> -> memref<10112x64xf32, #tpu.memory_space<vmem_shared>>
            tpu.wait_indirect_dma semaphore(%arg23 : memref<!tpu.dma_semaphore, #tpu.memory_space<semaphore_mem>>) src(%arg10 : memref<128x64xf32, #tpu.memory_space<vmem>>) dst(%dma_wait3A_176 : memref<10112x64xf32, #tpu.memory_space<vmem_shared>>)
          } else {
          }
          %add3A_162 = arith.constant 5 : i32
          %add3A_163 = arith.addi %scan3A_95, %add3A_162 : i32
          %dma_start3A_164 = arith.constant 0 : i32
          %dma_start3A_165 = tpu.memref_slice %arg7[%add3A_163, %dma_start3A_164] : memref<157x128xi32, #tpu.memory_space<vmem>> -> memref<1x128xi32, #tpu.memory_space<vmem>>
          %dma_start3A_166 = tpu.memref_squeeze %dma_start3A_165 : memref<1x128xi32, #tpu.memory_space<vmem>> -> memref<128xi32, #tpu.memory_space<vmem>>
          %dma_start3A_167 = arith.constant 0 : i32
          %dma_start3A_168 = arith.constant 0 : i32
          %dma_start3A_169 = tpu.memref_slice %arg2[%dma_start3A_167, %dma_start3A_168] : memref<20000x64xf32, #tpu.memory_space<hbm>> -> memref<20000x64xf32, #tpu.memory_space<hbm>>
          tpu.enqueue_indirect_dma source(%dma_start3A_169 : memref<20000x64xf32, #tpu.memory_space<hbm>>) target(%arg10 : memref<128x64xf32, #tpu.memory_space<vmem>>) offsets(%dma_start3A_166 : memref<128xi32, #tpu.memory_space<vmem>>) semaphore(%arg17 : memref<!tpu.dma_semaphore, #tpu.memory_space<semaphore_mem>>)
        } else {
        }
      } else {
      }
      %rem3A_117 = arith.constant 6 : i32
      %rem3A_118 = arith.remsi %scan3A_95, %rem3A_117 : i32
      %eq3A_119 = arith.constant 3 : i32
      %eq3A_120 = arith.cmpi eq, %rem3A_118, %eq3A_119 : i32
      %convert_element_type3A_121 = arith.extui %eq3A_120 : i1 to i32
      %cond3A_122 = arith.constant 0 : i32
      %cond3A_123 = arith.cmpi ne, %convert_element_type3A_121, %cond3A_122 : i32
      scf.if %cond3A_123 {
        %dma_wait3A_139 = arith.constant 0 : i32
        %dma_wait3A_140 = tpu.memref_slice %arg7[%scan3A_95, %dma_wait3A_139] : memref<157x128xi32, #tpu.memory_space<vmem>> -> memref<1x128xi32, #tpu.memory_space<vmem>>
        %dma_wait3A_141 = tpu.memref_squeeze %dma_wait3A_140 : memref<1x128xi32, #tpu.memory_space<vmem>> -> memref<128xi32, #tpu.memory_space<vmem>>
        %dma_wait3A_142 = arith.constant 0 : i32
        %dma_wait3A_143 = arith.constant 0 : i32
        %dma_wait3A_144 = tpu.memref_slice %arg2[%dma_wait3A_142, %dma_wait3A_143] : memref<20000x64xf32, #tpu.memory_space<hbm>> -> memref<20000x64xf32, #tpu.memory_space<hbm>>
        tpu.wait_indirect_dma semaphore(%arg19 : memref<!tpu.dma_semaphore, #tpu.memory_space<semaphore_mem>>) src(%dma_wait3A_144 : memref<20000x64xf32, #tpu.memory_space<hbm>>) dst(%arg12 : memref<128x64xf32, #tpu.memory_space<vmem>>)
        %dma_start3A_145 = arith.constant 0 : i32
        %dma_start3A_146 = tpu.memref_slice %arg8[%scan3A_95, %dma_start3A_145] : memref<157x128xi32, #tpu.memory_space<vmem>> -> memref<1x128xi32, #tpu.memory_space<vmem>>
        %dma_start3A_147 = tpu.memref_squeeze %dma_start3A_146 : memref<1x128xi32, #tpu.memory_space<vmem>> -> memref<128xi32, #tpu.memory_space<vmem>>
        %dma_start3A_148 = arith.constant 0 : i32
        %dma_start3A_149 = arith.constant 0 : i32
        %dma_start3A_150 = tpu.memref_slice %arg15[%dma_start3A_148, %dma_start3A_149] : memref<10112x64xf32, #tpu.memory_space<vmem_shared>> -> memref<10112x64xf32, #tpu.memory_space<vmem_shared>>
        tpu.enqueue_indirect_dma source(%arg12 : memref<128x64xf32, #tpu.memory_space<vmem>>) target(%dma_start3A_150 : memref<10112x64xf32, #tpu.memory_space<vmem_shared>>) offsets(%dma_start3A_147 : memref<128xi32, #tpu.memory_space<vmem>>) semaphore(%arg25 : memref<!tpu.dma_semaphore, #tpu.memory_space<semaphore_mem>>) {add = true}
        %add3A = arith.constant 5 : i32
        %add3A_151 = arith.addi %scan3A_95, %add3A : i32
        %lt3A = arith.constant 157 : i32
        %lt3A_152 = arith.cmpi slt, %add3A_151, %lt3A : i32
        %convert_element_type3A_153 = arith.extui %lt3A_152 : i1 to i32
        %cond3A_154 = arith.constant 0 : i32
        %cond3A_155 = arith.cmpi ne, %convert_element_type3A_153, %cond3A_154 : i32
        scf.if %cond3A_155 {
          %add3A_156 = arith.constant 5 : i32
          %add3A_157 = arith.addi %scan3A_95, %add3A_156 : i32
          %ge3A = arith.constant 6 : i32
          %ge3A_158 = arith.cmpi sge, %add3A_157, %ge3A : i32
          %convert_element_type3A_159 = arith.extui %ge3A_158 : i1 to i32
          %cond3A_160 = arith.constant 0 : i32
          %cond3A_161 = arith.cmpi ne, %convert_element_type3A_159, %cond3A_160 : i32
          scf.if %cond3A_161 {
            %dma_wait3A_170 = arith.constant 0 : i32
            %dma_wait3A_171 = arith.constant 0 : i32
            %dma_wait3A_172 = tpu.memref_slice %arg8[%dma_wait3A_170, %dma_wait3A_171] : memref<157x128xi32, #tpu.memory_space<vmem>> -> memref<1x128xi32, #tpu.memory_space<vmem>>
            %dma_wait3A_173 = tpu.memref_squeeze %dma_wait3A_172 : memref<1x128xi32, #tpu.memory_space<vmem>> -> memref<128xi32, #tpu.memory_space<vmem>>
            %dma_wait3A_174 = arith.constant 0 : i32
            %dma_wait3A_175 = arith.constant 0 : i32
            %dma_wait3A_176 = tpu.memref_slice %arg15[%dma_wait3A_174, %dma_wait3A_175] : memref<10112x64xf32, #tpu.memory_space<vmem_shared>> -> memref<10112x64xf32, #tpu.memory_space<vmem_shared>>
            tpu.wait_indirect_dma semaphore(%arg24 : memref<!tpu.dma_semaphore, #tpu.memory_space<semaphore_mem>>) src(%arg11 : memref<128x64xf32, #tpu.memory_space<vmem>>) dst(%dma_wait3A_176 : memref<10112x64xf32, #tpu.memory_space<vmem_shared>>)
          } else {
          }
          %add3A_162 = arith.constant 5 : i32
          %add3A_163 = arith.addi %scan3A_95, %add3A_162 : i32
          %dma_start3A_164 = arith.constant 0 : i32
          %dma_start3A_165 = tpu.memref_slice %arg7[%add3A_163, %dma_start3A_164] : memref<157x128xi32, #tpu.memory_space<vmem>> -> memref<1x128xi32, #tpu.memory_space<vmem>>
          %dma_start3A_166 = tpu.memref_squeeze %dma_start3A_165 : memref<1x128xi32, #tpu.memory_space<vmem>> -> memref<128xi32, #tpu.memory_space<vmem>>
          %dma_start3A_167 = arith.constant 0 : i32
          %dma_start3A_168 = arith.constant 0 : i32
          %dma_start3A_169 = tpu.memref_slice %arg2[%dma_start3A_167, %dma_start3A_168] : memref<20000x64xf32, #tpu.memory_space<hbm>> -> memref<20000x64xf32, #tpu.memory_space<hbm>>
          tpu.enqueue_indirect_dma source(%dma_start3A_169 : memref<20000x64xf32, #tpu.memory_space<hbm>>) target(%arg11 : memref<128x64xf32, #tpu.memory_space<vmem>>) offsets(%dma_start3A_166 : memref<128xi32, #tpu.memory_space<vmem>>) semaphore(%arg18 : memref<!tpu.dma_semaphore, #tpu.memory_space<semaphore_mem>>)
        } else {
        }
      } else {
      }
      %rem3A_124 = arith.constant 6 : i32
      %rem3A_125 = arith.remsi %scan3A_95, %rem3A_124 : i32
      %eq3A_126 = arith.constant 4 : i32
      %eq3A_127 = arith.cmpi eq, %rem3A_125, %eq3A_126 : i32
      %convert_element_type3A_128 = arith.extui %eq3A_127 : i1 to i32
      %cond3A_129 = arith.constant 0 : i32
      %cond3A_130 = arith.cmpi ne, %convert_element_type3A_128, %cond3A_129 : i32
      scf.if %cond3A_130 {
        %dma_wait3A_139 = arith.constant 0 : i32
        %dma_wait3A_140 = tpu.memref_slice %arg7[%scan3A_95, %dma_wait3A_139] : memref<157x128xi32, #tpu.memory_space<vmem>> -> memref<1x128xi32, #tpu.memory_space<vmem>>
        %dma_wait3A_141 = tpu.memref_squeeze %dma_wait3A_140 : memref<1x128xi32, #tpu.memory_space<vmem>> -> memref<128xi32, #tpu.memory_space<vmem>>
        %dma_wait3A_142 = arith.constant 0 : i32
        %dma_wait3A_143 = arith.constant 0 : i32
        %dma_wait3A_144 = tpu.memref_slice %arg2[%dma_wait3A_142, %dma_wait3A_143] : memref<20000x64xf32, #tpu.memory_space<hbm>> -> memref<20000x64xf32, #tpu.memory_space<hbm>>
        tpu.wait_indirect_dma semaphore(%arg20 : memref<!tpu.dma_semaphore, #tpu.memory_space<semaphore_mem>>) src(%dma_wait3A_144 : memref<20000x64xf32, #tpu.memory_space<hbm>>) dst(%arg13 : memref<128x64xf32, #tpu.memory_space<vmem>>)
        %dma_start3A_145 = arith.constant 0 : i32
        %dma_start3A_146 = tpu.memref_slice %arg8[%scan3A_95, %dma_start3A_145] : memref<157x128xi32, #tpu.memory_space<vmem>> -> memref<1x128xi32, #tpu.memory_space<vmem>>
        %dma_start3A_147 = tpu.memref_squeeze %dma_start3A_146 : memref<1x128xi32, #tpu.memory_space<vmem>> -> memref<128xi32, #tpu.memory_space<vmem>>
        %dma_start3A_148 = arith.constant 0 : i32
        %dma_start3A_149 = arith.constant 0 : i32
        %dma_start3A_150 = tpu.memref_slice %arg15[%dma_start3A_148, %dma_start3A_149] : memref<10112x64xf32, #tpu.memory_space<vmem_shared>> -> memref<10112x64xf32, #tpu.memory_space<vmem_shared>>
        tpu.enqueue_indirect_dma source(%arg13 : memref<128x64xf32, #tpu.memory_space<vmem>>) target(%dma_start3A_150 : memref<10112x64xf32, #tpu.memory_space<vmem_shared>>) offsets(%dma_start3A_147 : memref<128xi32, #tpu.memory_space<vmem>>) semaphore(%arg26 : memref<!tpu.dma_semaphore, #tpu.memory_space<semaphore_mem>>) {add = true}
        %add3A = arith.constant 5 : i32
        %add3A_151 = arith.addi %scan3A_95, %add3A : i32
        %lt3A = arith.constant 157 : i32
        %lt3A_152 = arith.cmpi slt, %add3A_151, %lt3A : i32
        %convert_element_type3A_153 = arith.extui %lt3A_152 : i1 to i32
        %cond3A_154 = arith.constant 0 : i32
        %cond3A_155 = arith.cmpi ne, %convert_element_type3A_153, %cond3A_154 : i32
        scf.if %cond3A_155 {
          %add3A_156 = arith.constant 5 : i32
          %add3A_157 = arith.addi %scan3A_95, %add3A_156 : i32
          %ge3A = arith.constant 6 : i32
          %ge3A_158 = arith.cmpi sge, %add3A_157, %ge3A : i32
          %convert_element_type3A_159 = arith.extui %ge3A_158 : i1 to i32
          %cond3A_160 = arith.constant 0 : i32
          %cond3A_161 = arith.cmpi ne, %convert_element_type3A_159, %cond3A_160 : i32
          scf.if %cond3A_161 {
            %dma_wait3A_170 = arith.constant 0 : i32
            %dma_wait3A_171 = arith.constant 0 : i32
            %dma_wait3A_172 = tpu.memref_slice %arg8[%dma_wait3A_170, %dma_wait3A_171] : memref<157x128xi32, #tpu.memory_space<vmem>> -> memref<1x128xi32, #tpu.memory_space<vmem>>
            %dma_wait3A_173 = tpu.memref_squeeze %dma_wait3A_172 : memref<1x128xi32, #tpu.memory_space<vmem>> -> memref<128xi32, #tpu.memory_space<vmem>>
            %dma_wait3A_174 = arith.constant 0 : i32
            %dma_wait3A_175 = arith.constant 0 : i32
            %dma_wait3A_176 = tpu.memref_slice %arg15[%dma_wait3A_174, %dma_wait3A_175] : memref<10112x64xf32, #tpu.memory_space<vmem_shared>> -> memref<10112x64xf32, #tpu.memory_space<vmem_shared>>
            tpu.wait_indirect_dma semaphore(%arg25 : memref<!tpu.dma_semaphore, #tpu.memory_space<semaphore_mem>>) src(%arg12 : memref<128x64xf32, #tpu.memory_space<vmem>>) dst(%dma_wait3A_176 : memref<10112x64xf32, #tpu.memory_space<vmem_shared>>)
          } else {
          }
          %add3A_162 = arith.constant 5 : i32
          %add3A_163 = arith.addi %scan3A_95, %add3A_162 : i32
          %dma_start3A_164 = arith.constant 0 : i32
          %dma_start3A_165 = tpu.memref_slice %arg7[%add3A_163, %dma_start3A_164] : memref<157x128xi32, #tpu.memory_space<vmem>> -> memref<1x128xi32, #tpu.memory_space<vmem>>
          %dma_start3A_166 = tpu.memref_squeeze %dma_start3A_165 : memref<1x128xi32, #tpu.memory_space<vmem>> -> memref<128xi32, #tpu.memory_space<vmem>>
          %dma_start3A_167 = arith.constant 0 : i32
          %dma_start3A_168 = arith.constant 0 : i32
          %dma_start3A_169 = tpu.memref_slice %arg2[%dma_start3A_167, %dma_start3A_168] : memref<20000x64xf32, #tpu.memory_space<hbm>> -> memref<20000x64xf32, #tpu.memory_space<hbm>>
          tpu.enqueue_indirect_dma source(%dma_start3A_169 : memref<20000x64xf32, #tpu.memory_space<hbm>>) target(%arg12 : memref<128x64xf32, #tpu.memory_space<vmem>>) offsets(%dma_start3A_166 : memref<128xi32, #tpu.memory_space<vmem>>) semaphore(%arg19 : memref<!tpu.dma_semaphore, #tpu.memory_space<semaphore_mem>>)
        } else {
        }
      } else {
      }
      %rem3A_131 = arith.constant 6 : i32
      %rem3A_132 = arith.remsi %scan3A_95, %rem3A_131 : i32
      %eq3A_133 = arith.constant 5 : i32
      %eq3A_134 = arith.cmpi eq, %rem3A_132, %eq3A_133 : i32
      %convert_element_type3A_135 = arith.extui %eq3A_134 : i1 to i32
      %cond3A_136 = arith.constant 0 : i32
      %cond3A_137 = arith.cmpi ne, %convert_element_type3A_135, %cond3A_136 : i32
      scf.if %cond3A_137 {
        %dma_wait3A_139 = arith.constant 0 : i32
        %dma_wait3A_140 = tpu.memref_slice %arg7[%scan3A_95, %dma_wait3A_139] : memref<157x128xi32, #tpu.memory_space<vmem>> -> memref<1x128xi32, #tpu.memory_space<vmem>>
        %dma_wait3A_141 = tpu.memref_squeeze %dma_wait3A_140 : memref<1x128xi32, #tpu.memory_space<vmem>> -> memref<128xi32, #tpu.memory_space<vmem>>
        %dma_wait3A_142 = arith.constant 0 : i32
        %dma_wait3A_143 = arith.constant 0 : i32
        %dma_wait3A_144 = tpu.memref_slice %arg2[%dma_wait3A_142, %dma_wait3A_143] : memref<20000x64xf32, #tpu.memory_space<hbm>> -> memref<20000x64xf32, #tpu.memory_space<hbm>>
        tpu.wait_indirect_dma semaphore(%arg21 : memref<!tpu.dma_semaphore, #tpu.memory_space<semaphore_mem>>) src(%dma_wait3A_144 : memref<20000x64xf32, #tpu.memory_space<hbm>>) dst(%arg14 : memref<128x64xf32, #tpu.memory_space<vmem>>)
        %dma_start3A_145 = arith.constant 0 : i32
        %dma_start3A_146 = tpu.memref_slice %arg8[%scan3A_95, %dma_start3A_145] : memref<157x128xi32, #tpu.memory_space<vmem>> -> memref<1x128xi32, #tpu.memory_space<vmem>>
        %dma_start3A_147 = tpu.memref_squeeze %dma_start3A_146 : memref<1x128xi32, #tpu.memory_space<vmem>> -> memref<128xi32, #tpu.memory_space<vmem>>
        %dma_start3A_148 = arith.constant 0 : i32
        %dma_start3A_149 = arith.constant 0 : i32
        %dma_start3A_150 = tpu.memref_slice %arg15[%dma_start3A_148, %dma_start3A_149] : memref<10112x64xf32, #tpu.memory_space<vmem_shared>> -> memref<10112x64xf32, #tpu.memory_space<vmem_shared>>
        tpu.enqueue_indirect_dma source(%arg14 : memref<128x64xf32, #tpu.memory_space<vmem>>) target(%dma_start3A_150 : memref<10112x64xf32, #tpu.memory_space<vmem_shared>>) offsets(%dma_start3A_147 : memref<128xi32, #tpu.memory_space<vmem>>) semaphore(%arg27 : memref<!tpu.dma_semaphore, #tpu.memory_space<semaphore_mem>>) {add = true}
        %add3A = arith.constant 5 : i32
        %add3A_151 = arith.addi %scan3A_95, %add3A : i32
        %lt3A = arith.constant 157 : i32
        %lt3A_152 = arith.cmpi slt, %add3A_151, %lt3A : i32
        %convert_element_type3A_153 = arith.extui %lt3A_152 : i1 to i32
        %cond3A_154 = arith.constant 0 : i32
        %cond3A_155 = arith.cmpi ne, %convert_element_type3A_153, %cond3A_154 : i32
        scf.if %cond3A_155 {
          %add3A_156 = arith.constant 5 : i32
          %add3A_157 = arith.addi %scan3A_95, %add3A_156 : i32
          %ge3A = arith.constant 6 : i32
          %ge3A_158 = arith.cmpi sge, %add3A_157, %ge3A : i32
          %convert_element_type3A_159 = arith.extui %ge3A_158 : i1 to i32
          %cond3A_160 = arith.constant 0 : i32
          %cond3A_161 = arith.cmpi ne, %convert_element_type3A_159, %cond3A_160 : i32
          scf.if %cond3A_161 {
            %dma_wait3A_170 = arith.constant 0 : i32
            %dma_wait3A_171 = arith.constant 0 : i32
            %dma_wait3A_172 = tpu.memref_slice %arg8[%dma_wait3A_170, %dma_wait3A_171] : memref<157x128xi32, #tpu.memory_space<vmem>> -> memref<1x128xi32, #tpu.memory_space<vmem>>
            %dma_wait3A_173 = tpu.memref_squeeze %dma_wait3A_172 : memref<1x128xi32, #tpu.memory_space<vmem>> -> memref<128xi32, #tpu.memory_space<vmem>>
            %dma_wait3A_174 = arith.constant 0 : i32
            %dma_wait3A_175 = arith.constant 0 : i32
            %dma_wait3A_176 = tpu.memref_slice %arg15[%dma_wait3A_174, %dma_wait3A_175] : memref<10112x64xf32, #tpu.memory_space<vmem_shared>> -> memref<10112x64xf32, #tpu.memory_space<vmem_shared>>
            tpu.wait_indirect_dma semaphore(%arg26 : memref<!tpu.dma_semaphore, #tpu.memory_space<semaphore_mem>>) src(%arg13 : memref<128x64xf32, #tpu.memory_space<vmem>>) dst(%dma_wait3A_176 : memref<10112x64xf32, #tpu.memory_space<vmem_shared>>)
          } else {
          }
          %add3A_162 = arith.constant 5 : i32
          %add3A_163 = arith.addi %scan3A_95, %add3A_162 : i32
          %dma_start3A_164 = arith.constant 0 : i32
          %dma_start3A_165 = tpu.memref_slice %arg7[%add3A_163, %dma_start3A_164] : memref<157x128xi32, #tpu.memory_space<vmem>> -> memref<1x128xi32, #tpu.memory_space<vmem>>
          %dma_start3A_166 = tpu.memref_squeeze %dma_start3A_165 : memref<1x128xi32, #tpu.memory_space<vmem>> -> memref<128xi32, #tpu.memory_space<vmem>>
          %dma_start3A_167 = arith.constant 0 : i32
          %dma_start3A_168 = arith.constant 0 : i32
          %dma_start3A_169 = tpu.memref_slice %arg2[%dma_start3A_167, %dma_start3A_168] : memref<20000x64xf32, #tpu.memory_space<hbm>> -> memref<20000x64xf32, #tpu.memory_space<hbm>>
          tpu.enqueue_indirect_dma source(%dma_start3A_169 : memref<20000x64xf32, #tpu.memory_space<hbm>>) target(%arg13 : memref<128x64xf32, #tpu.memory_space<vmem>>) offsets(%dma_start3A_166 : memref<128xi32, #tpu.memory_space<vmem>>) semaphore(%arg20 : memref<!tpu.dma_semaphore, #tpu.memory_space<semaphore_mem>>)
        } else {
        }
      } else {
      }
      %scan3A_138 = arith.constant 0 : i32
      scf.yield %scan3A_138 : i32
    }
    %scan3A_46 = arith.constant 157 : i32
    %dma_wait3A = arith.constant 0 : i32
    %dma_wait3A_47 = arith.constant 0 : i32
    %dma_wait3A_48 = tpu.memref_slice %arg8[%dma_wait3A, %dma_wait3A_47] : memref<157x128xi32, #tpu.memory_space<vmem>> -> memref<1x128xi32, #tpu.memory_space<vmem>>
    %dma_wait3A_49 = tpu.memref_squeeze %dma_wait3A_48 : memref<1x128xi32, #tpu.memory_space<vmem>> -> memref<128xi32, #tpu.memory_space<vmem>>
    %dma_wait3A_50 = arith.constant 0 : i32
    %dma_wait3A_51 = arith.constant 0 : i32
    %dma_wait3A_52 = tpu.memref_slice %arg15[%dma_wait3A_50, %dma_wait3A_51] : memref<10112x64xf32, #tpu.memory_space<vmem_shared>> -> memref<10112x64xf32, #tpu.memory_space<vmem_shared>>
    tpu.wait_indirect_dma semaphore(%arg22 : memref<!tpu.dma_semaphore, #tpu.memory_space<semaphore_mem>>) src(%arg9 : memref<128x64xf32, #tpu.memory_space<vmem>>) dst(%dma_wait3A_52 : memref<10112x64xf32, #tpu.memory_space<vmem_shared>>)
    %dma_wait3A_53 = arith.constant 0 : i32
    %dma_wait3A_54 = arith.constant 0 : i32
    %dma_wait3A_55 = tpu.memref_slice %arg8[%dma_wait3A_53, %dma_wait3A_54] : memref<157x128xi32, #tpu.memory_space<vmem>> -> memref<1x128xi32, #tpu.memory_space<vmem>>
    %dma_wait3A_56 = tpu.memref_squeeze %dma_wait3A_55 : memref<1x128xi32, #tpu.memory_space<vmem>> -> memref<128xi32, #tpu.memory_space<vmem>>
    %dma_wait3A_57 = arith.constant 0 : i32
    %dma_wait3A_58 = arith.constant 0 : i32
    %dma_wait3A_59 = tpu.memref_slice %arg15[%dma_wait3A_57, %dma_wait3A_58] : memref<10112x64xf32, #tpu.memory_space<vmem_shared>> -> memref<10112x64xf32, #tpu.memory_space<vmem_shared>>
    tpu.wait_indirect_dma semaphore(%arg23 : memref<!tpu.dma_semaphore, #tpu.memory_space<semaphore_mem>>) src(%arg10 : memref<128x64xf32, #tpu.memory_space<vmem>>) dst(%dma_wait3A_59 : memref<10112x64xf32, #tpu.memory_space<vmem_shared>>)
    %dma_wait3A_60 = arith.constant 0 : i32
    %dma_wait3A_61 = arith.constant 0 : i32
    %dma_wait3A_62 = tpu.memref_slice %arg8[%dma_wait3A_60, %dma_wait3A_61] : memref<157x128xi32, #tpu.memory_space<vmem>> -> memref<1x128xi32, #tpu.memory_space<vmem>>
    %dma_wait3A_63 = tpu.memref_squeeze %dma_wait3A_62 : memref<1x128xi32, #tpu.memory_space<vmem>> -> memref<128xi32, #tpu.memory_space<vmem>>
    %dma_wait3A_64 = arith.constant 0 : i32
    %dma_wait3A_65 = arith.constant 0 : i32
    %dma_wait3A_66 = tpu.memref_slice %arg15[%dma_wait3A_64, %dma_wait3A_65] : memref<10112x64xf32, #tpu.memory_space<vmem_shared>> -> memref<10112x64xf32, #tpu.memory_space<vmem_shared>>
    tpu.wait_indirect_dma semaphore(%arg24 : memref<!tpu.dma_semaphore, #tpu.memory_space<semaphore_mem>>) src(%arg11 : memref<128x64xf32, #tpu.memory_space<vmem>>) dst(%dma_wait3A_66 : memref<10112x64xf32, #tpu.memory_space<vmem_shared>>)
    %dma_wait3A_67 = arith.constant 0 : i32
    %dma_wait3A_68 = arith.constant 0 : i32
    %dma_wait3A_69 = tpu.memref_slice %arg8[%dma_wait3A_67, %dma_wait3A_68] : memref<157x128xi32, #tpu.memory_space<vmem>> -> memref<1x128xi32, #tpu.memory_space<vmem>>
    %dma_wait3A_70 = tpu.memref_squeeze %dma_wait3A_69 : memref<1x128xi32, #tpu.memory_space<vmem>> -> memref<128xi32, #tpu.memory_space<vmem>>
    %dma_wait3A_71 = arith.constant 0 : i32
    %dma_wait3A_72 = arith.constant 0 : i32
    %dma_wait3A_73 = tpu.memref_slice %arg15[%dma_wait3A_71, %dma_wait3A_72] : memref<10112x64xf32, #tpu.memory_space<vmem_shared>> -> memref<10112x64xf32, #tpu.memory_space<vmem_shared>>
    tpu.wait_indirect_dma semaphore(%arg25 : memref<!tpu.dma_semaphore, #tpu.memory_space<semaphore_mem>>) src(%arg12 : memref<128x64xf32, #tpu.memory_space<vmem>>) dst(%dma_wait3A_73 : memref<10112x64xf32, #tpu.memory_space<vmem_shared>>)
    %dma_wait3A_74 = arith.constant 0 : i32
    %dma_wait3A_75 = arith.constant 0 : i32
    %dma_wait3A_76 = tpu.memref_slice %arg8[%dma_wait3A_74, %dma_wait3A_75] : memref<157x128xi32, #tpu.memory_space<vmem>> -> memref<1x128xi32, #tpu.memory_space<vmem>>
    %dma_wait3A_77 = tpu.memref_squeeze %dma_wait3A_76 : memref<1x128xi32, #tpu.memory_space<vmem>> -> memref<128xi32, #tpu.memory_space<vmem>>
    %dma_wait3A_78 = arith.constant 0 : i32
    %dma_wait3A_79 = arith.constant 0 : i32
    %dma_wait3A_80 = tpu.memref_slice %arg15[%dma_wait3A_78, %dma_wait3A_79] : memref<10112x64xf32, #tpu.memory_space<vmem_shared>> -> memref<10112x64xf32, #tpu.memory_space<vmem_shared>>
    tpu.wait_indirect_dma semaphore(%arg26 : memref<!tpu.dma_semaphore, #tpu.memory_space<semaphore_mem>>) src(%arg13 : memref<128x64xf32, #tpu.memory_space<vmem>>) dst(%dma_wait3A_80 : memref<10112x64xf32, #tpu.memory_space<vmem_shared>>)
    %dma_wait3A_81 = arith.constant 0 : i32
    %dma_wait3A_82 = arith.constant 0 : i32
    %dma_wait3A_83 = tpu.memref_slice %arg8[%dma_wait3A_81, %dma_wait3A_82] : memref<157x128xi32, #tpu.memory_space<vmem>> -> memref<1x128xi32, #tpu.memory_space<vmem>>
    %dma_wait3A_84 = tpu.memref_squeeze %dma_wait3A_83 : memref<1x128xi32, #tpu.memory_space<vmem>> -> memref<128xi32, #tpu.memory_space<vmem>>
    %dma_wait3A_85 = arith.constant 0 : i32
    %dma_wait3A_86 = arith.constant 0 : i32
    %dma_wait3A_87 = tpu.memref_slice %arg15[%dma_wait3A_85, %dma_wait3A_86] : memref<10112x64xf32, #tpu.memory_space<vmem_shared>> -> memref<10112x64xf32, #tpu.memory_space<vmem_shared>>
    tpu.wait_indirect_dma semaphore(%arg27 : memref<!tpu.dma_semaphore, #tpu.memory_space<semaphore_mem>>) src(%arg14 : memref<128x64xf32, #tpu.memory_space<vmem>>) dst(%dma_wait3A_87 : memref<10112x64xf32, #tpu.memory_space<vmem_shared>>)
    %barrier3A_88 = arith.constant 0 : index
    tpu.barrier barrier_id(%barrier3A_88)
    %mul3A_89 = arith.constant 632 : i32
    %mul3A_90 = arith.muli %arg1, %mul3A_89 : i32
    %mul3A_91 = arith.constant 632 : i32
    %mul3A_92 = arith.muli %arg1, %mul3A_91 : i32
    %mul3A_93 = arith.constant 64 : i32
    %mul3A_94 = arith.muli %arg0, %mul3A_93 : i32
    "tpu.region"() ({
      %run_scoped3A = tpu.sem_alloc : memref<!tpu.dma_semaphore, #tpu.memory_space<semaphore_mem>>
      %dma_start3A_95 = tpu.memref_slice %arg6[%mul3A_92, %mul3A_94] : memref<10112x128xf32, #tpu.memory_space<hbm>> -> memref<632x64xf32, #tpu.memory_space<hbm>>
      %dma_start3A_96 = arith.constant 0 : i32
      %dma_start3A_97 = tpu.memref_slice %arg15[%mul3A_90, %dma_start3A_96] : memref<10112x64xf32, #tpu.memory_space<vmem_shared>> -> memref<632x64xf32, #tpu.memory_space<vmem_shared>>
      tpu.enqueue_dma source(%dma_start3A_97 : memref<632x64xf32, #tpu.memory_space<vmem_shared>>) target(%dma_start3A_95 : memref<632x64xf32, #tpu.memory_space<hbm>>) target_semaphore(%run_scoped3A : memref<!tpu.dma_semaphore, #tpu.memory_space<semaphore_mem>>)
      %dma_wait3A_98 = tpu.memref_slice %arg6[%mul3A_92, %mul3A_94] : memref<10112x128xf32, #tpu.memory_space<hbm>> -> memref<632x64xf32, #tpu.memory_space<hbm>>
      %dma_wait3A_99 = arith.constant 0 : i32
      %dma_wait3A_100 = tpu.memref_slice %arg15[%mul3A_90, %dma_wait3A_99] : memref<10112x64xf32, #tpu.memory_space<vmem_shared>> -> memref<632x64xf32, #tpu.memory_space<vmem_shared>>
      tpu.wait_dma2 semaphore(%run_scoped3A : memref<!tpu.dma_semaphore, #tpu.memory_space<semaphore_mem>>) src(%dma_wait3A_100 : memref<632x64xf32, #tpu.memory_space<vmem_shared>>) dst(%dma_wait3A_98 : memref<632x64xf32, #tpu.memory_space<hbm>>)
      tpu.yield
    }) : () -> ()
    return
  }
}

module attributes {stable_mosaic.version = 14 : i64} {
  func.func @body(%arg0: memref<10112x128xf32, #tpu.memory_space<vmem>>, %arg1: memref<2x10112x16xf32, #tpu.memory_space<vmem>>, %arg2: memref<128x128xf32, #tpu.memory_space<vmem>>, %arg3: memref<1x128xf32, #tpu.memory_space<vmem>>, %arg4: memref<1x128xf32, #tpu.memory_space<vmem>>, %arg5: memref<1x128xf32, #tpu.memory_space<vmem>>, %arg6: memref<10000x128xf32, #tpu.memory_space<vmem>>, %arg7: memref<10000x1xf32, #tpu.memory_space<vmem>>) attributes {dimension_semantics = [], scalar_prefetch = 0 : i64, scratch_operands = 0 : i64, tpu.core_type = #tpu.core_type<tc>} {
    %get3A = arith.constant 0 : index
    %get3A_0 = arith.constant 0 : index
    %get3A_1 = vector.load %arg0[%get3A, %get3A_0] : memref<10112x128xf32, #tpu.memory_space<vmem>>, vector<10000x128xf32>
    %get3A_2 = arith.constant 0 : index
    %get3A_3 = arith.constant 0 : index
    %get3A_4 = arith.constant 0 : index
    %get3A_5 = vector.load %arg1[%get3A_2, %get3A_3, %get3A_4] : memref<2x10112x16xf32, #tpu.memory_space<vmem>>, vector<1x10000x1xf32>
    %get3A_6 = vector.shape_cast %get3A_5 : vector<1x10000x1xf32> to vector<10000x1xf32>
    %get3A_7 = arith.constant 1 : index
    %get3A_8 = arith.constant 0 : index
    %get3A_9 = arith.constant 0 : index
    %get3A_10 = vector.load %arg1[%get3A_7, %get3A_8, %get3A_9] : memref<2x10112x16xf32, #tpu.memory_space<vmem>>, vector<1x10000x1xf32>
    %get3A_11 = vector.shape_cast %get3A_10 : vector<1x10000x1xf32> to vector<10000x1xf32>
    %add3A = arith.addf %get3A_6, %get3A_11 : vector<10000x1xf32>
    %max3A = arith.constant 1.000000e+00 : f32
    %max3A_12 = vector.broadcast %max3A : f32 to vector<10000x1xf32>
    %max3A_13 = arith.maximumf %add3A, %max3A_12 : vector<10000x1xf32>
    %swap3A = arith.constant 0 : index
    %swap3A_14 = arith.constant 0 : index
    %swap3A_15 = vector.load %arg7[%swap3A, %swap3A_14] : memref<10000x1xf32, #tpu.memory_space<vmem>>, vector<10000x1xf32>
    tpu.vector_store %arg7[%swap3A, %swap3A_14], %max3A_13 {strides = array<i32>} : memref<10000x1xf32, #tpu.memory_space<vmem>>, vector<10000x1xf32>,
    %div3A = vector.broadcast %max3A_13 : vector<10000x1xf32> to vector<10000x128xf32>
    %div3A_16 = arith.divf %get3A_1, %div3A : vector<10000x128xf32>
    %get3A_17 = arith.constant 0 : index
    %get3A_18 = arith.constant 0 : index
    %get3A_19 = vector.load %arg2[%get3A_17, %get3A_18] : memref<128x128xf32, #tpu.memory_space<vmem>>, vector<128x128xf32>
    %dot_general3A = arith.constant dense<0.000000e+00> : vector<10000x128xf32>
    %dot_general3A_20 = tpu.matmul %div3A_16, %get3A_19, %dot_general3A {dimension_numbers = #tpu.dot_dimension_numbers<[1], [0], [0], [1], [0, 0, 1, 1], [], []>, transpose_lhs_hint = false} : vector<10000x128xf32>, vector<128x128xf32>, vector<10000x128xf32> -> vector<10000x128xf32>
    %reduce_sum3A = arith.constant dense<0.000000e+00> : vector<128xf32>
    %reduce_sum3A_21 = vector.multi_reduction <add>, %dot_general3A_20, %reduce_sum3A [0] : vector<10000x128xf32> to vector<128xf32>
    %broadcast_in_dim3A = vector.shape_cast %reduce_sum3A_21 : vector<128xf32> to vector<1x128xf32>
    %div3A_22 = arith.constant 1.000000e+04 : f32
    %div3A_23 = vector.broadcast %div3A_22 : f32 to vector<1x128xf32>
    %div3A_24 = arith.divf %broadcast_in_dim3A, %div3A_23 : vector<1x128xf32>
    %get3A_25 = arith.constant 0 : index
    %get3A_26 = arith.constant 0 : index
    %get3A_27 = vector.load %arg5[%get3A_25, %get3A_26] : memref<1x128xf32, #tpu.memory_space<vmem>>, vector<1x128xf32>
    %mul3A = arith.mulf %get3A_27, %div3A_24 : vector<1x128xf32>
    %sub3A = vector.broadcast %mul3A : vector<1x128xf32> to vector<10000x128xf32>
    %sub3A_28 = arith.subf %dot_general3A_20, %sub3A : vector<10000x128xf32>
    %mul3A_29 = arith.mulf %sub3A_28, %sub3A_28 : vector<10000x128xf32>
    %reduce_sum3A_30 = arith.constant dense<0.000000e+00> : vector<128xf32>
    %reduce_sum3A_31 = vector.multi_reduction <add>, %mul3A_29, %reduce_sum3A_30 [0] : vector<10000x128xf32> to vector<128xf32>
    %broadcast_in_dim3A_32 = vector.shape_cast %reduce_sum3A_31 : vector<128xf32> to vector<1x128xf32>
    %div3A_33 = arith.constant 1.000000e+04 : f32
    %div3A_34 = vector.broadcast %div3A_33 : f32 to vector<1x128xf32>
    %div3A_35 = arith.divf %broadcast_in_dim3A_32, %div3A_34 : vector<1x128xf32>
    %add3A_36 = arith.constant 9.99999974E-6 : f32
    %add3A_37 = vector.broadcast %add3A_36 : f32 to vector<1x128xf32>
    %add3A_38 = arith.addf %div3A_35, %add3A_37 : vector<1x128xf32>
    %rsqrt3A = math.rsqrt %add3A_38 : vector<1x128xf32>
    %mul3A_39 = vector.broadcast %rsqrt3A : vector<1x128xf32> to vector<10000x128xf32>
    %mul3A_40 = arith.mulf %sub3A_28, %mul3A_39 : vector<10000x128xf32>
    %get3A_41 = arith.constant 0 : index
    %get3A_42 = arith.constant 0 : index
    %get3A_43 = vector.load %arg3[%get3A_41, %get3A_42] : memref<1x128xf32, #tpu.memory_space<vmem>>, vector<1x128xf32>
    %mul3A_44 = vector.broadcast %get3A_43 : vector<1x128xf32> to vector<10000x128xf32>
    %mul3A_45 = arith.mulf %mul3A_40, %mul3A_44 : vector<10000x128xf32>
    %get3A_46 = arith.constant 0 : index
    %get3A_47 = arith.constant 0 : index
    %get3A_48 = vector.load %arg4[%get3A_46, %get3A_47] : memref<1x128xf32, #tpu.memory_space<vmem>>, vector<1x128xf32>
    %add3A_49 = vector.broadcast %get3A_48 : vector<1x128xf32> to vector<10000x128xf32>
    %add3A_50 = arith.addf %mul3A_45, %add3A_49 : vector<10000x128xf32>
    %max3A_51 = arith.constant 0.000000e+00 : f32
    %max3A_52 = vector.broadcast %max3A_51 : f32 to vector<10000x128xf32>
    %max3A_53 = arith.maximumf %add3A_50, %max3A_52 : vector<10000x128xf32>
    %swap3A_54 = arith.constant 0 : index
    %swap3A_55 = arith.constant 0 : index
    %swap3A_56 = vector.load %arg6[%swap3A_54, %swap3A_55] : memref<10000x128xf32, #tpu.memory_space<vmem>>, vector<10000x128xf32>
    tpu.vector_store %arg6[%swap3A_54, %swap3A_55], %max3A_53 {strides = array<i32>} : memref<10000x128xf32, #tpu.memory_space<vmem>>, vector<10000x128xf32>,
    return
  }
}

module attributes {stable_mosaic.version = 14 : i64} {
  func.func @body(%arg0: memref<10112x128xf32, #tpu.memory_space<vmem>>, %arg1: memref<10000x1xf32, #tpu.memory_space<vmem>>, %arg2: memref<128x128xf32, #tpu.memory_space<vmem>>, %arg3: memref<1x128xf32, #tpu.memory_space<vmem>>, %arg4: memref<1x128xf32, #tpu.memory_space<vmem>>, %arg5: memref<1x128xf32, #tpu.memory_space<vmem>>, %arg6: memref<10000x128xf32, #tpu.memory_space<vmem>>) attributes {dimension_semantics = [], scalar_prefetch = 0 : i64, scratch_operands = 0 : i64, tpu.core_type = #tpu.core_type<tc>} {
    %get3A = arith.constant 0 : index
    %get3A_0 = arith.constant 0 : index
    %get3A_1 = vector.load %arg0[%get3A, %get3A_0] : memref<10112x128xf32, #tpu.memory_space<vmem>>, vector<10000x128xf32>
    %get3A_2 = arith.constant 0 : index
    %get3A_3 = arith.constant 0 : index
    %get3A_4 = vector.load %arg1[%get3A_2, %get3A_3] : memref<10000x1xf32, #tpu.memory_space<vmem>>, vector<10000x1xf32>
    %div3A = vector.broadcast %get3A_4 : vector<10000x1xf32> to vector<10000x128xf32>
    %div3A_5 = arith.divf %get3A_1, %div3A : vector<10000x128xf32>
    %get3A_6 = arith.constant 0 : index
    %get3A_7 = arith.constant 0 : index
    %get3A_8 = vector.load %arg2[%get3A_6, %get3A_7] : memref<128x128xf32, #tpu.memory_space<vmem>>, vector<128x128xf32>
    %dot_general3A = arith.constant dense<0.000000e+00> : vector<10000x128xf32>
    %dot_general3A_9 = tpu.matmul %div3A_5, %get3A_8, %dot_general3A {dimension_numbers = #tpu.dot_dimension_numbers<[1], [0], [0], [1], [0, 0, 1, 1], [], []>, transpose_lhs_hint = false} : vector<10000x128xf32>, vector<128x128xf32>, vector<10000x128xf32> -> vector<10000x128xf32>
    %reduce_sum3A = arith.constant dense<0.000000e+00> : vector<128xf32>
    %reduce_sum3A_10 = vector.multi_reduction <add>, %dot_general3A_9, %reduce_sum3A [0] : vector<10000x128xf32> to vector<128xf32>
    %broadcast_in_dim3A = vector.shape_cast %reduce_sum3A_10 : vector<128xf32> to vector<1x128xf32>
    %div3A_11 = arith.constant 1.000000e+04 : f32
    %div3A_12 = vector.broadcast %div3A_11 : f32 to vector<1x128xf32>
    %div3A_13 = arith.divf %broadcast_in_dim3A, %div3A_12 : vector<1x128xf32>
    %get3A_14 = arith.constant 0 : index
    %get3A_15 = arith.constant 0 : index
    %get3A_16 = vector.load %arg5[%get3A_14, %get3A_15] : memref<1x128xf32, #tpu.memory_space<vmem>>, vector<1x128xf32>
    %mul3A = arith.mulf %get3A_16, %div3A_13 : vector<1x128xf32>
    %sub3A = vector.broadcast %mul3A : vector<1x128xf32> to vector<10000x128xf32>
    %sub3A_17 = arith.subf %dot_general3A_9, %sub3A : vector<10000x128xf32>
    %mul3A_18 = arith.mulf %sub3A_17, %sub3A_17 : vector<10000x128xf32>
    %reduce_sum3A_19 = arith.constant dense<0.000000e+00> : vector<128xf32>
    %reduce_sum3A_20 = vector.multi_reduction <add>, %mul3A_18, %reduce_sum3A_19 [0] : vector<10000x128xf32> to vector<128xf32>
    %broadcast_in_dim3A_21 = vector.shape_cast %reduce_sum3A_20 : vector<128xf32> to vector<1x128xf32>
    %div3A_22 = arith.constant 1.000000e+04 : f32
    %div3A_23 = vector.broadcast %div3A_22 : f32 to vector<1x128xf32>
    %div3A_24 = arith.divf %broadcast_in_dim3A_21, %div3A_23 : vector<1x128xf32>
    %add3A = arith.constant 9.99999974E-6 : f32
    %add3A_25 = vector.broadcast %add3A : f32 to vector<1x128xf32>
    %add3A_26 = arith.addf %div3A_24, %add3A_25 : vector<1x128xf32>
    %rsqrt3A = math.rsqrt %add3A_26 : vector<1x128xf32>
    %mul3A_27 = vector.broadcast %rsqrt3A : vector<1x128xf32> to vector<10000x128xf32>
    %mul3A_28 = arith.mulf %sub3A_17, %mul3A_27 : vector<10000x128xf32>
    %get3A_29 = arith.constant 0 : index
    %get3A_30 = arith.constant 0 : index
    %get3A_31 = vector.load %arg3[%get3A_29, %get3A_30] : memref<1x128xf32, #tpu.memory_space<vmem>>, vector<1x128xf32>
    %mul3A_32 = vector.broadcast %get3A_31 : vector<1x128xf32> to vector<10000x128xf32>
    %mul3A_33 = arith.mulf %mul3A_28, %mul3A_32 : vector<10000x128xf32>
    %get3A_34 = arith.constant 0 : index
    %get3A_35 = arith.constant 0 : index
    %get3A_36 = vector.load %arg4[%get3A_34, %get3A_35] : memref<1x128xf32, #tpu.memory_space<vmem>>, vector<1x128xf32>
    %add3A_37 = vector.broadcast %get3A_36 : vector<1x128xf32> to vector<10000x128xf32>
    %add3A_38 = arith.addf %mul3A_33, %add3A_37 : vector<10000x128xf32>
    %max3A = arith.constant 0.000000e+00 : f32
    %max3A_39 = vector.broadcast %max3A : f32 to vector<10000x128xf32>
    %max3A_40 = arith.maximumf %add3A_38, %max3A_39 : vector<10000x128xf32>
    %swap3A = arith.constant 0 : index
    %swap3A_41 = arith.constant 0 : index
    %swap3A_42 = vector.load %arg6[%swap3A, %swap3A_41] : memref<10000x128xf32, #tpu.memory_space<vmem>>, vector<10000x128xf32>
    tpu.vector_store %arg6[%swap3A, %swap3A_41], %max3A_40 {strides = array<i32>} : memref<10000x128xf32, #tpu.memory_space<vmem>>, vector<10000x128xf32>,
    return
  }
}

module attributes {stable_mosaic.version = 14 : i64} {
  func.func @body(%arg0: memref<10112x128xf32, #tpu.memory_space<vmem>>, %arg1: memref<10000x1xf32, #tpu.memory_space<vmem>>, %arg2: memref<128x128xf32, #tpu.memory_space<vmem>>, %arg3: memref<1x128xf32, #tpu.memory_space<vmem>>, %arg4: memref<1x128xf32, #tpu.memory_space<vmem>>, %arg5: memref<1x128xf32, #tpu.memory_space<vmem>>, %arg6: memref<10000x128xf32, #tpu.memory_space<vmem>>) attributes {dimension_semantics = [], scalar_prefetch = 0 : i64, scratch_operands = 0 : i64, tpu.core_type = #tpu.core_type<tc>} {
    %get3A = arith.constant 0 : index
    %get3A_0 = arith.constant 0 : index
    %get3A_1 = vector.load %arg0[%get3A, %get3A_0] : memref<10112x128xf32, #tpu.memory_space<vmem>>, vector<10000x128xf32>
    %get3A_2 = arith.constant 0 : index
    %get3A_3 = arith.constant 0 : index
    %get3A_4 = vector.load %arg1[%get3A_2, %get3A_3] : memref<10000x1xf32, #tpu.memory_space<vmem>>, vector<10000x1xf32>
    %div3A = vector.broadcast %get3A_4 : vector<10000x1xf32> to vector<10000x128xf32>
    %div3A_5 = arith.divf %get3A_1, %div3A : vector<10000x128xf32>
    %get3A_6 = arith.constant 0 : index
    %get3A_7 = arith.constant 0 : index
    %get3A_8 = vector.load %arg2[%get3A_6, %get3A_7] : memref<128x128xf32, #tpu.memory_space<vmem>>, vector<128x128xf32>
    %dot_general3A = arith.constant dense<0.000000e+00> : vector<10000x128xf32>
    %dot_general3A_9 = tpu.matmul %div3A_5, %get3A_8, %dot_general3A {dimension_numbers = #tpu.dot_dimension_numbers<[1], [0], [0], [1], [0, 0, 1, 1], [], []>, transpose_lhs_hint = false} : vector<10000x128xf32>, vector<128x128xf32>, vector<10000x128xf32> -> vector<10000x128xf32>
    %reduce_sum3A = arith.constant dense<0.000000e+00> : vector<128xf32>
    %reduce_sum3A_10 = vector.multi_reduction <add>, %dot_general3A_9, %reduce_sum3A [0] : vector<10000x128xf32> to vector<128xf32>
    %broadcast_in_dim3A = vector.shape_cast %reduce_sum3A_10 : vector<128xf32> to vector<1x128xf32>
    %div3A_11 = arith.constant 1.000000e+04 : f32
    %div3A_12 = vector.broadcast %div3A_11 : f32 to vector<1x128xf32>
    %div3A_13 = arith.divf %broadcast_in_dim3A, %div3A_12 : vector<1x128xf32>
    %get3A_14 = arith.constant 0 : index
    %get3A_15 = arith.constant 0 : index
    %get3A_16 = vector.load %arg5[%get3A_14, %get3A_15] : memref<1x128xf32, #tpu.memory_space<vmem>>, vector<1x128xf32>
    %mul3A = arith.mulf %get3A_16, %div3A_13 : vector<1x128xf32>
    %sub3A = vector.broadcast %mul3A : vector<1x128xf32> to vector<10000x128xf32>
    %sub3A_17 = arith.subf %dot_general3A_9, %sub3A : vector<10000x128xf32>
    %mul3A_18 = arith.mulf %sub3A_17, %sub3A_17 : vector<10000x128xf32>
    %reduce_sum3A_19 = arith.constant dense<0.000000e+00> : vector<128xf32>
    %reduce_sum3A_20 = vector.multi_reduction <add>, %mul3A_18, %reduce_sum3A_19 [0] : vector<10000x128xf32> to vector<128xf32>
    %broadcast_in_dim3A_21 = vector.shape_cast %reduce_sum3A_20 : vector<128xf32> to vector<1x128xf32>
    %div3A_22 = arith.constant 1.000000e+04 : f32
    %div3A_23 = vector.broadcast %div3A_22 : f32 to vector<1x128xf32>
    %div3A_24 = arith.divf %broadcast_in_dim3A_21, %div3A_23 : vector<1x128xf32>
    %add3A = arith.constant 9.99999974E-6 : f32
    %add3A_25 = vector.broadcast %add3A : f32 to vector<1x128xf32>
    %add3A_26 = arith.addf %div3A_24, %add3A_25 : vector<1x128xf32>
    %rsqrt3A = math.rsqrt %add3A_26 : vector<1x128xf32>
    %mul3A_27 = vector.broadcast %rsqrt3A : vector<1x128xf32> to vector<10000x128xf32>
    %mul3A_28 = arith.mulf %sub3A_17, %mul3A_27 : vector<10000x128xf32>
    %get3A_29 = arith.constant 0 : index
    %get3A_30 = arith.constant 0 : index
    %get3A_31 = vector.load %arg3[%get3A_29, %get3A_30] : memref<1x128xf32, #tpu.memory_space<vmem>>, vector<1x128xf32>
    %mul3A_32 = vector.broadcast %get3A_31 : vector<1x128xf32> to vector<10000x128xf32>
    %mul3A_33 = arith.mulf %mul3A_28, %mul3A_32 : vector<10000x128xf32>
    %get3A_34 = arith.constant 0 : index
    %get3A_35 = arith.constant 0 : index
    %get3A_36 = vector.load %arg4[%get3A_34, %get3A_35] : memref<1x128xf32, #tpu.memory_space<vmem>>, vector<1x128xf32>
    %add3A_37 = vector.broadcast %get3A_36 : vector<1x128xf32> to vector<10000x128xf32>
    %add3A_38 = arith.addf %mul3A_33, %add3A_37 : vector<10000x128xf32>
    %max3A = arith.constant 0.000000e+00 : f32
    %max3A_39 = vector.broadcast %max3A : f32 to vector<10000x128xf32>
    %max3A_40 = arith.maximumf %add3A_38, %max3A_39 : vector<10000x128xf32>
    %mul3A_41 = arith.mulf %max3A_40, %max3A_40 : vector<10000x128xf32>
    %reduce_sum3A_42 = arith.constant dense<0.000000e+00> : vector<10000xf32>
    %reduce_sum3A_43 = vector.multi_reduction <add>, %mul3A_41, %reduce_sum3A_42 [1] : vector<10000x128xf32> to vector<10000xf32>
    %broadcast_in_dim3A_44 = vector.shape_cast %reduce_sum3A_43 : vector<10000xf32> to vector<10000x1xf32>
    %sqrt3A = math.sqrt %broadcast_in_dim3A_44 : vector<10000x1xf32>
    %max3A_45 = arith.constant 9.99999996E-13 : f32
    %max3A_46 = vector.broadcast %max3A_45 : f32 to vector<10000x1xf32>
    %max3A_47 = arith.maximumf %sqrt3A, %max3A_46 : vector<10000x1xf32>
    %div3A_48 = vector.broadcast %max3A_47 : vector<10000x1xf32> to vector<10000x128xf32>
    %div3A_49 = arith.divf %max3A_40, %div3A_48 : vector<10000x128xf32>
    %swap3A = arith.constant 0 : index
    %swap3A_50 = arith.constant 0 : index
    %swap3A_51 = vector.load %arg6[%swap3A, %swap3A_50] : memref<10000x128xf32, #tpu.memory_space<vmem>>, vector<10000x128xf32>
    tpu.vector_store %arg6[%swap3A, %swap3A_50], %div3A_49 {strides = array<i32>} : memref<10000x128xf32, #tpu.memory_space<vmem>>, vector<10000x128xf32>,
    return
  }
}

</mosaic_0001>

<sc_bundles>
// kernel: kernel.12.cloned.1.call-start
scs
__scs_entry_jumppad:
0x0: {  	(pc) =	sbr.rel $0x88, $3  }
0x1: {  	(tag) =	ssettag $0x0;
	lr =	simm.s32 $0x1  }
0x2: {  	[smem:$0x3F9B] =	sst lr;
	_ =	strace $0xD0000000  }
0x3: {  	_ = 	snop  }
0x4: {  	_ = 	snop  }
0x5: {  	_ = 	snop  }
0x6: {  	_ = 	snop  }
0x7: {  	_ = 	snop  }
__scs_overlays_trampoline_lowered:
0x8: {  	[smem:$0x3FAA] =	sst s0  }
0x9: {  	[smem:$0x3FAB] =	sst s1  }
0xa: {  	[smem:$0x3FAC] =	sst s2  }
0xb: {  	[smem:$0x3FAD] =	sst s3  }
0xc: {  	[smem:$0x3FAE] =	sst s4  }
0xd: {  	[smem:$0x3FAF] =	sst s5  }
0xe: {  	[smem:$0x3FB0] =	sst s6  }
0xf: {  	[smem:$0x3FB1] =	sst s7  }
0x10: {  	[smem:$0x3FB2] =	sst s8  }
0x11: {  	[smem:$0x3FB3] =	sst s9;
	s0 =	simm.s32 @!p0 $0x0  }
0x12: {  	s1 =	sld [smem:$0x3F99];
	s0 =	simm.s32 @p0 $0x1  }
0x13: {  	[smem:$0x3FB4] =	sst s0;
	s0 =	simm.s32 @!p1 $0x0  }
0x14: {  	s2 =	sld [smem:$0x3F98];
	s0 =	simm.s32 @p1 $0x1  }
0x15: {  	[smem:$0x3FB5] =	sst s0;
	s0 =	simm.s32 @!p2 $0x0  }
0x16: {  	s3 =	sld [smem:$0x3FDB];
	s0 =	simm.s32 @p2 $0x1  }
0x17: {  	s4 =	simm.s32 $0x1BF5;
	[smem:$0x3FB7] =	sst s0  }
0x18: {  	s0 =	sld [smem:$0x3F9A];
	_ =	swait.ge [sflag:s4], $0x0  }
0x19: {  	s7 =	sld [smem:$0x3F9B]  }
0x1a: {  	s8 =	sadd.s32 $0xFFFFE003, lr  }
0x1b: {  	s9 =	sadd.s32 $0xFFFFFEF7, lr;
	s5 =	simm.s32 $0xFFFFFFFF;
	p2 =	slt.u32 s8, $0xFFFFF086  }
0x1c: {  	p1 =	slt.u32 s9, $0xF7A;
	s5 =	simm.s32 @!p2 $0x0  }
0x1d: {  	s5 =	simm.s32 @p1 $0x1;
	p0 =	seq.s32 s7, s2  }
0x1e: {  	s7 =	smul.u32 @!p0 $0xF7A, s2;
	p2 =	seq.s32 @!p0 s5, $0x0  }
0x1f: {  	s9 =	smul.u32 $0xF7A, s1;
	s8 =	simm.s32 @!p0 $0x1BF5;
	p2 =	por !p2, p0  }
0x20: {  	[sflag:s8] =	ssyncset.s32 @!p0 $0xFFFFF086;
	s6 =	sadd.s32 @!p0 s3, s7;
	s7 =	simm.s32 @!p0 $0x108  }
0x21: {  	s3 =	sadd.s32 s3, s9;
	s6 =	sadd.s32 @!p0 $0x88, s6;
	s7 =	simm.s32 @p2 $0x1082  }
0x22: {  	[simem:s7], [sflag:s8] =	dma.local @!p0 [hbm:s6], $0xF7A  }
0x23: {  	s9 =	sor.u32 $0xD0000000, s2;
	s6 =	simm.s32 $0x108;
	_ =	swait.ge @!p0 [sflag:s8], $0x0  }
0x24: {  	s3 =	sadd.s32 $0x88, s3;
	s6 =	simm.s32 @!p1 $0x1082;
	[sflag:s4] =	ssyncset.s32 $0xFFFFF086  }
0x25: {  	[simem:s6], [sflag:s4] =	dma.local [hbm:s3], $0xF7A  }
0x26: {  	[smem:$0x3F9B] =	sst s1;
	(tag) =	ssettag s2;
	_ =	strace s9  }
0x27: {  	s1 =	sld [smem:$0x3FAB]  }
0x28: {  	s2 =	sld [smem:$0x3FAC]  }
0x29: {  	s4 =	sld [smem:$0x3FAE]  }
0x2a: {  	p0 =	seq.s32 s5, $0x0;
	s5 =	sld [smem:$0x3FAF]  }
0x2b: {  	s6 =	sld [smem:$0x3FB0]  }
0x2c: {  	s7 =	sld [smem:$0x3FB1]  }
0x2d: {  	s3 =	simm.s32 $0x108;
	s8 =	sld [smem:$0x3FB2]  }
0x2e: {  	s3 =	simm.s32 @!p0 $0x1082;
	s9 =	sld [smem:$0x3FB3]  }
0x2f: {  	lr =	sadd.s32 s0, s3;
	s0 =	sld [smem:$0x3FAA]  }
0x30: {  	s3 =	sld [smem:$0x3FAD]  }
0x31: {  	[smem:$0x3FB6] =	sst s10  }
0x32: {  	s10 =	sld [smem:$0x3FB4];
	_ =	sdelay $0x3  }
0x33: {  	p0 =	seq.s32 s10, $0x1;
	s10 =	sld [smem:$0x3FB6];
	_ =	sdelay $0x3  }
0x34: {  	[smem:$0x3FB6] =	sst s10  }
0x35: {  	s10 =	sld [smem:$0x3FB5];
	_ =	sdelay $0x3  }
0x36: {  	p1 =	seq.s32 s10, $0x1;
	s10 =	sld [smem:$0x3FB6];
	_ =	sdelay $0x3  }
0x37: {  	[smem:$0x3FB6] =	sst s10  }
0x38: {  	s10 =	sld [smem:$0x3FB7]  }
0x39: {  	_ = 	snop;
	(pc) =	sbr.ind lr, $3  }
0x3a: {  	_ = 	snop  }
0x3b: {  	_ = 	snop  }
0x3c: {  	p2 =	seq.s32 s10, $0x1;
	s10 =	sld [smem:$0x3FB6]  }
0x3d: {  	_ =	shalt  }
0x3e: {  	_ =	shalt  }
0x3f: {  	_ =	shalt  }
0x40: {  	_ =	shalt  }
0x41: {  	_ =	shalt  }
0x42: {  	_ =	shalt  }
0x43: {  	_ =	shalt  }
0x44: {  	_ =	shalt  }
0x45: {  	_ =	shalt  }
0x46: {  	_ =	shalt  }
0x47: {  	_ =	shalt  }
0x48: {  	_ =	shalt  }
0x49: {  	_ =	shalt  }
0x4a: {  	_ =	shalt  }
0x4b: {  	_ =	shalt  }
0x4c: {  	_ =	shalt  }
0x4d: {  	_ =	shalt  }
0x4e: {  	_ =	shalt  }
0x4f: {  	_ =	shalt  }
0x50: {  	_ =	shalt  }
0x51: {  	_ =	shalt  }
0x52: {  	_ =	shalt  }
0x53: {  	_ =	shalt  }
0x54: {  	_ =	shalt  }
0x55: {  	_ =	shalt  }
0x56: {  	_ =	shalt  }
0x57: {  	_ =	shalt  }
0x58: {  	_ =	shalt  }
0x59: {  	_ =	shalt  }
0x5a: {  	_ =	shalt  }
0x5b: {  	_ =	shalt  }
0x5c: {  	_ =	shalt  }
0x5d: {  	_ =	shalt  }
0x5e: {  	_ =	shalt  }
0x5f: {  	_ =	shalt  }
0x60: {  	_ =	shalt  }
0x61: {  	_ =	shalt  }
0x62: {  	_ =	shalt  }
0x63: {  	_ =	shalt  }
0x64: {  	_ =	shalt  }
0x65: {  	_ =	shalt  }
0x66: {  	_ =	shalt  }
0x67: {  	_ =	shalt  }
0x68: {  	_ =	shalt  }
0x69: {  	_ =	shalt  }
0x6a: {  	_ =	shalt  }
0x6b: {  	_ =	shalt  }
0x6c: {  	_ =	shalt  }
0x6d: {  	_ =	shalt  }
0x6e: {  	_ =	shalt  }
0x6f: {  	_ =	shalt  }
0x70: {  	_ =	shalt  }
0x71: {  	_ =	shalt  }
0x72: {  	_ =	shalt  }
0x73: {  	_ =	shalt  }
0x74: {  	_ =	shalt  }
0x75: {  	_ =	shalt  }
0x76: {  	_ =	shalt  }
0x77: {  	_ =	shalt  }
0x78: {  	_ =	shalt  }
0x79: {  	_ =	shalt  }
0x7a: {  	_ =	shalt  }
0x7b: {  	_ =	shalt  }
0x7c: {  	_ =	shalt  }
0x7d: {  	_ =	shalt  }
0x7e: {  	_ =	shalt  }
0x7f: {  	_ =	shalt  }
0x80: {  	_ =	shalt  }
0x81: {  	_ =	shalt  }
0x82: {  	_ =	shalt  }
0x83: {  	_ =	shalt  }
0x84: {  	_ =	shalt  }
0x85: {  	_ =	shalt  }
0x86: {  	_ =	shalt  }
0x87: {  	_ =	shalt  }
.Lfunc_end0:
.L_simem_size_0:
called_computation.1_lowered:
.L_overlay_start_0:
0x88: {  	s2 =	sld [smem:$0x3FD9]  }
0x89: {  	s3 =	sld [smem:$0x3FFE];
	_ =	sdelay $0x1  }
0x8a: {  	s1 =	srdreg.scid  }
0x8b: {  	s0 =	sand.u32 $0x1, s1  }
0x8c: {  	s17 =	sshll.u32 s0, $0xA;
	s2 =	sadd.s32 s3, s2  }
0x8d: {  	s2 =	sadd.s32 s2, s17  }
0x8e: {  	[smem:$0x3FC2] =	sst s2  }
0x8f: {  	_ = 	snop  }
0x90: {  	s18 =	sld [smem:$0x3FC9];
	(tm) =	ssettm $0x1  }
0x91: {  	s19 =	sld [smem:$0x3FFB];
	_ =	sdelay $0x3  }
0x92: {  	_ =	strace s19  }
0x93: {  	s2 =	sld [smem:$0x3FFC];
	_ =	sdelay $0x3  }
0x94: {  	_ =	strace s2  }
0x95: {  	s2 =	sld [smem:$0x3FFD];
	_ =	sdelay $0x3  }
0x96: {  	_ =	strace s2  }
0x97: {  	_ =	strace $0x8FFFFFFF  }
0x98: {  	s20 =	sld [smem:$0x3FDB];
	_ =	sdelay $0x1  }
0x99: {  	s4 =	simm.s32 $_scs_section_size  }
0x9a: {  	s5 =	simm.s32 $_size__tile_overlayer_lowered;
	s6 =	simm.s32 $_tile_overlayer_lowered  }
0x9b: {  	s7 =	simm.s32 $0x1BFF;
	s21 =	sshll.u32 s6, $0x1;
	s4 =	sadd.s32 s4, s20  }
0x9c: {  	s22 =	simm.s32 $0x0;
	s5 =	sshll.u32 s5, $0x1;
	s6 =	sadd.s32 s21, s4  }
0x9d: {  	[timem:s22], [sflag:s7] =	dma.local [hbm:s6], s5  }
0x9e: {  	_ =	swait.ge [sflag:s7], s5  }
0x9f: {  	s5 =	ssub.s32 $0x0, s5;
	[sflag:s7] =	ssyncset.done $0x0  }
0xa0: {  	[sflag:s7] =	ssyncadd.s32 s5;
	_ =	sdelay $0x1  }
0xa1: {  	s23 =	simm.s32 $0x1B8B  }
0xa2: {  	_ =	swait.ge [sflag:s23], $0x1  }
0xa3: {  	[sflag:s23] =	ssyncset.done $0x0  }
0xa4: {  	[sflag:s23] =	ssyncadd.s32 $0xFFFFFFFF  }
0xa5: {  	s5 =	sld [smem:$0x0]  }
0xa6: {  	s6 =	sand.u32 $0xFFFFFFFE, s1  }
0xa7: {  	p0 =	sne.s32 s1, s6  }
0xa8: {  	s6 =	sshll.u32 @p0 s6, $0xE  }
0xa9: {  	s6 =	sadd.s32 @p0 $0x11B8D, s6;
	s7 =	sshll.u32 @p0 s5, $0x11  }
0xaa: {  	s6 =	sor.u32 @p0 s7, s6  }
0xab: {  	[sflag:s6] =	ssyncadd.remote.s32 @p0 $0x1;
	_ =	sdelay $0x1  }
0xac: {  	s6 =	simm.s32 @p0 $0x1B8D  }
0xad: {  	_ =	swait.eq @p0 [sflag:s6], $0x1  }
0xae: {  	[sflag:s6] =	ssyncadd.s32 @p0 $0xFFFFFFFF  }
0xaf: {  	s7 =	sshll.u32 @!p0 s1, $0xE  }
0xb0: {  	s7 =	sor.u32 @!p0 $0x4000, s7;
	s6 =	simm.s32 @!p0 $0x1B8D  }
0xb1: {  	s5 =	sshll.u32 @!p0 s5, $0x11;
	s7 =	sadd.s32 @!p0 $0x11B8D, s7;
	_ =	swait.eq @!p0 [sflag:s6], $0x1  }
0xb2: {  	s5 =	sor.u32 @!p0 s5, s7;
	[sflag:s6] =	ssyncadd.s32 @!p0 $0xFFFFFFFF  }
0xb3: {  	s25 =	simm.s32 $0x1B8E;
	s24 =	sld [smem:$0x3FFE];
	[sflag:s5] =	ssyncadd.remote.s32 @!p0 $0x1  }
0xb4: {  	s26 =	simm.s32 $execute0_lowered;
	[smem:$0x3FD2] =	sst s25  }
0xb5: {  	s6 =	sshll.u32 s26, $0x1;
	_ =	strace $0x80000049;
	[dreg:$0x1] =	wrdreg $0xFFFFFFFF  }
0xb6: {  	s28 =	simm.s32 $_size_execute0_lowered;
	s4 =	sadd.s32 s4, s6;
	[dreg:$0x0] =	wrdreg $0x0  }
0xb7: {  	s6 =	sshll.u32 s28, $0x1;
	[dreg:$0x2] =	wrdreg s4  }
0xb8: {  	[dreg:$0x3] =	wrdreg s6  }
0xb9: {  	[dreg:$0x4] =	wrdreg $0xC0  }
0xba: {  	_ =	task [dreg:s22], $0x5FFFF  }
0xbb: {  	[dreg:$0x1] =	wrdreg $0xFFFFFFFF  }
0xbc: {  	[dreg:$0x0] =	wrdreg $0x60  }
0xbd: {  	[dreg:$0x2] =	wrdreg s18  }
0xbe: {  	[dreg:$0x3] =	wrdreg s24  }
0xbf: {  	[dreg:$0x4] =	wrdreg $0x15D000  }
0xc0: {  	[dreg:$0x5] =	wrdreg $0xA  }
0xc1: {  	_ =	task.clear_ibuf [dreg:s22], $0x6FFFF;
	_ =	strace $0x90000049  }
0xc2: {  	s29 =	simm.s32 $0xA;
	_ =	strace $0x8000004B  }
0xc3: {  	_ =	swait.ge [sflag:s29], $0x1  }
0xc4: {  	[sflag:s29] =	ssyncadd.s32 $0xFFFFFFFF  }
0xc5: {  	_ =	strace $0x9000004B  }
0xc6: {  	_ =	sfence  }
0xc7: {  	s30 =	sld [smem:$0x0];
	_ =	sdelay $0x2  }
0xc8: {  	s31 =	sshll.u32 s1, $0xD;
	s1 =	sshrl.u32 s1, $0x2  }
0xc9: {  	s4 =	sand.u32 $0x4000, s31;
	s1 =	sadd.s32 s1, s30  }
0xca: {  	s0 =	sor.u32 s4, s0;
	s1 =	sshll.u32 s1, $0x11  }
0xcb: {  	s0 =	sor.u32 s1, s0  }
0xcc: {  	s0 =	sadd.s32 $0x8F2B, s0  }
0xcd: {  	[sflag:s0] =	ssyncadd.remote.s32 $0x1  }
0xce: {  	_ =	sfence.sel $0xFFFF  }
0xcf: {  	[dreg:$0x0] =	wrdreg $0xFFFFFFFF;
	(pc) =	sbr.abs _section_cstart, $3  }
0xd0: {  	[dreg:$0x1] =	wrdreg $0xFFFFFFFF  }
0xd1: {  	_ =	task.clear_ibuf [dreg:s22], $0x2FFFF;
	_ =	strace $0x9FFFFFFF  }
0xd2: {  	(tm) =	ssettm $0x7FFFFFFF  }
0xd3: {  	_ =	shalt  }
tec
execute0_lowered:
.L_overlay_start_1:
0x0: {  	(tag) =	ssettag $0x1  }
0x1: {  	s2 =	rddreg [dreg:$0x0]  }
0x2: {  	s0 =	rddreg [dreg:$0x1]  }
0x3: {  	s3 =	rddreg [dreg:$0x2];
	s12 =	stileid.u32;
	s4 =	simm.s32 $0x0  }
0x4: {  	s5 =	srdreg.scid;
	s14 =	simm.s32 $0x80;
	s19 =	simm.s32 $0x180  }
0x5: {  	s20 =	simm.s32 $0xFD00;
	s21 =	simm.s32 $0x200;
	s22 =	simm.s32 $0x11D00  }
0x6: {  	s28 =	simm.s32 $0xB;
	s29 =	simm.s32 $0xC;
	s1 =	smul.u32 $0x9D0, s12  }
0x7: {  	s30 =	simm.s32 $0x1;
	s31 =	simm.s32 $0x10;
	s23 =	smul.u32 $0x13C00, s12  }
0x8: {  	[smem:$0x7FF] =	sst s4;
	s10 =	sand.u32 $0x1, s5;
	s9 =	smul.u32 $0x27800, s12  }
0x9: {  	s26 =	sshll.u32 s12, $0x6;
	_ =	strace $0x8000004A;
	s6 =	sshll.u32 s10, $0x6  }
0xa: {  	s24 =	ssub.s32 $0x2, s10;
	p0 =	seq.s32 s10, $0x0;
	s10 =	simm.s32 $0xD  }
0xb: {  	s12 =	sor.u32 $0x1C0D, s26;
	s26 =	simm.s32 $0xA;
	s1 =	sadd.s32 s1, s0  }
0xc: {  	s5 =	sor.u32 s6, s23;
	s8 =	sshrl.u32 s24, $0x1;
	s25 =	sshrl.u32 s9, $0x2  }
.Ltmp0:
0xd: {  	s23 =	simm.s32 $0x7;
	s7 =	sshrl.u32 s5, $0x3;
	(pc) =	sbr.rel .LBB2_1-.Ltmp0, $4  }
0xe: {  	s5 =	sadd.s32 $0x16600, s0;
	s11 =	ssub.s32 s24, s8;
	s6 =	sadd.s32 $0xC800, s1  }
0xf: {  	s24 =	simm.s32 $0x8;
	s0 =	sadd.s32 s7, s0;
	s7 =	sadd.s32 $0x2200, s1  }
0x10: {  	s1 =	sadd.s32 s25, s3;
	s9 =	smax.u32 s11, $0x1;
	s25 =	simm.s32 $0x9  }
0x11: {  	s8 =	sadd.s32 $0x17A00, s0;
	s13 =	sshrl.u32 s1, $0x3;
	s0 =	simm.s32 $0x0  }
.LBB2_10:
0x12: {  	_ =	swait.ge [sflag:s23], $0x2000  }
0x13: {  	[sflag:s23] =	ssyncset.done $0x0  }
0x14: {  	[sflag:s23] =	ssyncadd.s32 $0xFFFFE000  }
0x15: {  	_ =	swait.ge [sflag:s24], $0x2000  }
0x16: {  	[sflag:s24] =	ssyncset.done $0x0  }
0x17: {  	[sflag:s24] =	ssyncadd.s32 $0xFFFFE000  }
0x18: {  	_ =	swait.ge [sflag:s25], $0x2000  }
0x19: {  	[sflag:s25] =	ssyncset.done $0x0  }
0x1a: {  	[sflag:s25] =	ssyncadd.s32 $0xFFFFE000  }
0x1b: {  	_ =	swait.ge [sflag:s26], $0x2000  }
0x1c: {  	[sflag:s26] =	ssyncset.done $0x0  }
0x1d: {  	[sflag:s26] =	ssyncadd.s32 $0xFFFFE000  }
0x1e: {  	_ =	swait.ge [sflag:s28], $0x2000  }
0x1f: {  	[sflag:s28] =	ssyncset.done $0x0  }
0x20: {  	[sflag:s28] =	ssyncadd.s32 $0xFFFFE000  }
0x21: {  	_ =	swait.ge [sflag:s29], $0x2000  }
0x22: {  	s0 =	sadd.s32 $0x1, s0;
	[sflag:s29] =	ssyncset.done $0x0  }
0x23: {  	p1 =	sne.s32 s0, s9;
	[sflag:s29] =	ssyncadd.s32 $0xFFFFE000  }
.Ltmp1:
0x24: {  	[bflag:$0x0] =	sbarrier.arrive $0xFFFF;
	(pc) =	sbr.rel @!p1 .LBB2_11-.Ltmp1, $4  }
0x25: {  	[hbm:s8@s31], [sflag:s12] =	dma.strided [spmem:s13@s24], $0x13C0, s30, $0x8   }
0x26: {  	_ =	swait.ge [sflag:s10], $0x13C0  }
0x27: {  	[sflag:s10] =	ssyncset.done $0x0  }
0x28: {  	[sflag:s10] =	ssyncadd.s32 $0xFFFFEC40  }
.LBB2_1:
0x29: {  	[tilespmem:s4], [sflag:$0xD] =	stream.linear.gather [hbm4b:s6+s4], $0x4E80, $0x38;
	[tilespmem:$0x1FB00] =	vst v63  }
0x2a: {  	_ =	swait.ge [sflag:s10], $0x4E80  }
0x2b: {  	[sflag:s10] =	ssyncset.done $0x0  }
0x2c: {  	s1 =	simm.s32 $0x4E80;
	[sflag:s10] =	ssyncadd.s32 $0xFFFFB180  }
0x2d: {  	[tilespmem:s1], [sflag:$0xD] =	stream.linear.gather [hbm4b:s7+s4], $0x4E80, $0x38;
	[tilespmem:$0x1FB00] =	vst v63  }
0x2e: {  	_ =	swait.ge [sflag:s10], $0x4E80  }
0x2f: {  	[sflag:s10] =	ssyncset.done $0x0  }
.Ltmp2:
0x30: {  	[sflag:s10] =	ssyncadd.s32 $0xFFFFB180;
	(pc) =	sbr.rel @p0 .LBB2_5-.Ltmp2, $4  }
0x31: {  	[spmem:s13], [sflag:s12] =	dma.local [hbm:s5], $0x13C0  }
0x32: {  	_ =	swait.ge [sflag:s10], $0x13C0  }
0x33: {  	[sflag:s10] =	ssyncset.done $0x0  }
0x34: {  	[sflag:s10] =	ssyncadd.s32 $0xFFFFEC40  }
0x35: {  	s1 =	simm.s32 $0x0  }
0x36: {  	v2 =	vld [tilespmem:s1+$0x0]  }
0x37: {  	v4 =	vld [tilespmem:s1+$0x10]  }
0x38: {  	v3 =	vld [tilespmem:s1+$0x20]  }
0x39: {  	v1 =	vld [tilespmem:s1+$0x30]  }
0x3a: {  	v0 =	vld [tilespmem:s1+$0x40]  }
0x3b: {  	v5 =	vadd.s32 $0x1, v2;
	v2 =	vld [tilespmem:s1+$0x50]  }
0x3c: {  	s11 =	simm.s32 $0x200;
	[tilespmem:s1+$0x0] =	vst v5;
	v5 =	vadd.s32 $0x1, v4;
	v4 =	vld [tilespmem:s1+$0x60]  }
.LBB2_3:
0x3d: {  	s15 =	sshra.s32 s11, $0x2;
	p1 =	sne.s32 s11, $0x13800;
	[tilespmem:s1+$0x10] =	vst v5;
	v3 =	vadd.s32 $0x1, v3;
	v5 =	vld [tilespmem:s1+$0x70]  }
0x3e: {  	v6 =	vld [tilespmem:s15+$0x0];
	[tilespmem:s1+$0x20] =	vst v3;
	v1 =	vadd.s32 $0x1, v1  }
0x3f: {  	v7 =	vld [tilespmem:s15+$0x10];
	[tilespmem:s1+$0x30] =	vst v1;
	v0 =	vadd.s32 $0x1, v0  }
.Ltmp3:
0x40: {  	v3 =	vld [tilespmem:s15+$0x20];
	[tilespmem:s1+$0x40] =	vst v0;
	v0 =	vadd.s32 $0x1, v2;
	(pc) =	sbr.rel @p1 .LBB2_3-.Ltmp3, $4  }
0x41: {  	v1 =	vld [tilespmem:s15+$0x30];
	[tilespmem:s1+$0x50] =	vst v0;
	v2 =	vadd.s32 $0x1, v4  }
0x42: {  	v0 =	vld [tilespmem:s15+$0x40];
	[tilespmem:s1+$0x60] =	vst v2;
	v4 =	vadd.s32 $0x1, v5  }
0x43: {  	v5 =	vadd.s32 $0x1, v6;
	v2 =	vld [tilespmem:s15+$0x50];
	[tilespmem:s1+$0x70] =	vst v4;
	s1 =	smov.u32 s15  }
0x44: {  	s11 =	sadd.s32 $0x200, s11;
	[tilespmem:s1+$0x0] =	vst v5;
	v5 =	vadd.s32 $0x1, v7;
	v4 =	vld [tilespmem:s1+$0x60]  }
0x45: {  	[tilespmem:s1+$0x10] =	vst v5;
	v3 =	vadd.s32 $0x1, v3;
	v60 =	vld [tilespmem:s1+$0x70]  }
0x46: {  	[tilespmem:s1+$0x20] =	vst v3;
	v1 =	vadd.s32 $0x1, v1  }
0x47: {  	[tilespmem:s1+$0x30] =	vst v1;
	v0 =	vadd.s32 $0x1, v0  }
0x48: {  	[tilespmem:s1+$0x40] =	vst v0;
	v61 =	vadd.s32 $0x1, v2  }
0x49: {  	[tilespmem:s1+$0x50] =	vst v61;
	v62 =	vadd.s32 $0x1, v4  }
0x4a: {  	[tilespmem:s1+$0x60] =	vst v62;
	v63 =	vadd.s32 $0x1, v60  }
0x4b: {  	[tilespmem:s1+$0x70] =	vst v63  }
.LBB2_5:
0x4c: {  	[bflag:$0x0] =	sbarrier.arrive $0xFFFF;
	s1 =	simm.s32 $0x0;
	s11 =	simm.s32 $0x9D00  }
0x4d: {  	[tilespmem:s11], [sflag:$0x1] =	stream.indirect.gather [hbm4b:s2+s14], $0x40, s1, s14, $0xb8;
	[tilespmem:$0x1FB00] =	vst v63  }
0x4e: {  	s17 =	simm.s32 $0xBD00  }
0x4f: {  	[tilespmem:s17], [sflag:$0x2] =	stream.indirect.gather [hbm4b:s2+s14], $0x40, s14, s14, $0xb8;
	[tilespmem:$0x1FB00] =	vst v63  }
0x50: {  	s18 =	simm.s32 $0x100;
	s15 =	simm.s32 $0xDD00  }
0x51: {  	[tilespmem:s15], [sflag:$0x3] =	stream.indirect.gather [hbm4b:s2+s14], $0x40, s18, s14, $0xb8;
	[tilespmem:$0x1FB00] =	vst v63  }
.Ltmp4:
0x52: {  	_ = 	snop;
	(pc) =	sbr.rel .LBB2_6-.Ltmp4, $4  }
0x53: {  	_ = 	snop  }
0x54: {  	[tilespmem:s20], [sflag:$0x4] =	stream.indirect.gather [hbm4b:s2+s14], $0x40, s19, s14, $0xb8;
	[tilespmem:$0x1FB00] =	vst v63  }
0x55: {  	s11 =	simm.s32 $0x280;
	s15 =	simm.s32 $0x4E80  }
0x56: {  	[tilespmem:s22], [sflag:$0x5] =	stream.indirect.gather [hbm4b:s2+s14], $0x40, s21, s14, $0xb8;
	[tilespmem:$0x1FB00] =	vst v63  }
.LBB2_8:
0x57: {  	p1 =	seq.s32 s16, $0x3  }
0x58: {  	s17 =	simm.s32 @p1 $0x4  }
0x59: {  	_ =	swait.ge @p1 [sflag:s17], $0x2000  }
0x5a: {  	p2 =	sgt.u32 @p1 s1, $0x97;
	s18 =	simm.s32 @p1 $0xFD00;
	[sflag:s17] =	ssyncset.done @p1 $0x0  }
0x5b: {  	p2 =	por p2, !p1;
	[sflag:s17] =	ssyncadd.s32 @p1 $0xFFFFE000;
	s17 =	simm.s32 @p1 $0x80  }
0x5c: {  	[spmem:s3] =	stream.indirect.scatter.add.f32 @p1 [tilespmem:s18], [sflag:$0xA], $0x40, s15, s17, $0xb8;
	[tilespmem:$0x1FB00] =	vst v63  }
0x5d: {  	s17 =	simm.s32 @!p2 $0x9  }
0x5e: {  	_ =	swait.ge @!p2 [sflag:s17], $0x2000  }
0x5f: {  	[sflag:s17] =	ssyncset.done @!p2 $0x0  }
0x60: {  	s18 =	simm.s32 @!p2 $0xDD00;
	[sflag:s17] =	ssyncadd.s32 @!p2 $0xFFFFE000;
	s17 =	simm.s32 @!p2 $0x80  }
0x61: {  	[tilespmem:s18], [sflag:$0x3] =	stream.indirect.gather @!p2 [hbm4b:s2+s17], $0x40, s11, s17, $0xb8;
	[tilespmem:$0x1FB00] =	vst v63  }
0x62: {  	p2 =	seq.s32 @!p1 s16, $0x4  }
0x63: {  	p3 =	por !p2, p1  }
0x64: {  	s16 =	simm.s32 @!p3 $0x5  }
0x65: {  	_ =	swait.ge @!p3 [sflag:s16], $0x2000  }
0x66: {  	p4 =	sgt.u32 @!p3 s1, $0x97;
	[sflag:s16] =	ssyncset.done @!p3 $0x0  }
0x67: {  	s17 =	simm.s32 @!p3 $0x11D00;
	[sflag:s16] =	ssyncadd.s32 @!p3 $0xFFFFE000;
	s16 =	simm.s32 @!p3 $0x80  }
0x68: {  	[spmem:s3] =	stream.indirect.scatter.add.f32 @!p3 [tilespmem:s17], [sflag:$0xB], $0x40, s15, s16, $0xb8;
	[tilespmem:$0x1FB00] =	vst v63  }
0x69: {  	p3 =	por @!p1 p4, !p2  }
0x6a: {  	p3 =	por p3, p1  }
0x6b: {  	s16 =	simm.s32 @!p3 $0xA  }
0x6c: {  	_ =	swait.ge @!p3 [sflag:s16], $0x2000  }
0x6d: {  	[sflag:s16] =	ssyncset.done @!p3 $0x0  }
0x6e: {  	s17 =	simm.s32 @!p3 $0xFD00;
	[sflag:s16] =	ssyncadd.s32 @!p3 $0xFFFFE000;
	s16 =	simm.s32 @!p3 $0x80  }
0x6f: {  	[tilespmem:s17], [sflag:$0x4] =	stream.indirect.gather @!p3 [hbm4b:s2+s16], $0x40, s11, s16, $0xb8;
	[tilespmem:$0x1FB00] =	vst v63  }
0x70: {  	p3 =	por p2, p1  }
0x71: {  	s16 =	simm.s32 @!p3 $0x6  }
0x72: {  	p4 =	sgt.u32 @!p3 s1, $0x97;
	_ =	swait.ge @!p3 [sflag:s16], $0x2000  }
0x73: {  	s17 =	simm.s32 @!p3 $0x13D00;
	p2 =	por @!p1 p4, p2;
	[sflag:s16] =	ssyncset.done @!p3 $0x0  }
0x74: {  	p1 =	por p2, p1;
	[sflag:s16] =	ssyncadd.s32 @!p3 $0xFFFFE000;
	s16 =	simm.s32 @!p3 $0x80  }
0x75: {  	[spmem:s3] =	stream.indirect.scatter.add.f32 @!p3 [tilespmem:s17], [sflag:$0xC], $0x40, s15, s16, $0xb8;
	[tilespmem:$0x1FB00] =	vst v63  }
0x76: {  	s16 =	simm.s32 @!p1 $0xB  }
0x77: {  	_ =	swait.ge @!p1 [sflag:s16], $0x2000  }
0x78: {  	[sflag:s16] =	ssyncset.done @!p1 $0x0  }
0x79: {  	s17 =	simm.s32 @!p1 $0x11D00;
	[sflag:s16] =	ssyncadd.s32 @!p1 $0xFFFFE000;
	s16 =	simm.s32 @!p1 $0x80  }
0x7a: {  	[tilespmem:s17], [sflag:$0x5] =	stream.indirect.gather @!p1 [hbm4b:s2+s16], $0x40, s11, s16, $0xb8;
	[tilespmem:$0x1FB00] =	vst v63  }
.LBB2_9:
0x7b: {  	s1 =	sadd.s32 $0x1, s1  }
0x7c: {  	p1 =	sne.s32 s1, $0x9D  }
.Ltmp5:
0x7d: {  	_ = 	snop;
	(pc) =	sbr.rel @!p1 .LBB2_10-.Ltmp5, $2  }
0x7e: {  	_ =	sdelay $0x2  }
0x7f: {  	s11 =	sadd.s32 $0x80, s11;
	s15 =	sadd.s32 $0x80, s15  }
.LBB2_6:
0x80: {  	s16 =	smul.u32 $0xAB, s1;
	_ =	sdelay $0x1  }
0x81: {  	s16 =	sshrl.u32 s16, $0xA  }
0x82: {  	s16 =	sand.u32 $0x3F, s16  }
0x83: {  	s16 =	smul.u32 $0x6, s16;
	_ =	sdelay $0x1  }
0x84: {  	s16 =	ssub.s32 s1, s16  }
0x85: {  	s16 =	sand.u32 $0xFF, s16  }
0x86: {  	p1 =	sgt.s32 s16, $0x2  }
.Ltmp6:
0x87: {  	_ = 	snop;
	(pc) =	sbr.rel @p1 .LBB2_8-.Ltmp6, $1  }
0x88: {  	_ =	sdelay $0x3  }
0x89: {  	p1 =	seq.s32 s16, $0x0  }
0x8a: {  	s17 =	simm.s32 @p1 $0x1;
	p2 =	sgt.u32 @p1 s1, $0x97  }
0x8b: {  	_ =	swait.ge @p1 [sflag:s17], $0x2000;
	p3 =	por p2, !p1  }
0x8c: {  	s18 =	simm.s32 @p1 $0x9D00;
	[sflag:s17] =	ssyncset.done @p1 $0x0;
	p4 =	seq.s32 @!p3 s1, $0x0  }
0x8d: {  	[sflag:s17] =	ssyncadd.s32 @p1 $0xFFFFE000;
	s17 =	simm.s32 @p1 $0x80;
	p2 =	por @p1 p4, p2  }
0x8e: {  	[spmem:s3] =	stream.indirect.scatter.add.f32 @p1 [tilespmem:s18], [sflag:$0x7], $0x40, s15, s17, $0xb8;
	[tilespmem:$0x1FB00] =	vst v63  }
0x8f: {  	p2 =	por p2, !p1  }
0x90: {  	s17 =	simm.s32 @!p2 $0xC  }
0x91: {  	_ =	swait.ge @!p2 [sflag:s17], $0x2000  }
0x92: {  	s18 =	simm.s32 @!p3 $0x13D00;
	[sflag:s17] =	ssyncset.done @!p2 $0x0  }
0x93: {  	[sflag:s17] =	ssyncadd.s32 @!p2 $0xFFFFE000;
	s17 =	simm.s32 @!p3 $0x80;
	p2 =	seq.s32 @!p1 s16, $0x1  }
0x94: {  	[tilespmem:s18], [sflag:$0x6] =	stream.indirect.gather @!p3 [hbm4b:s2+s17], $0x40, s11, s17, $0xb8;
	[tilespmem:$0x1FB00] =	vst v63  }
0x95: {  	p3 =	por !p2, p1  }
0x96: {  	s16 =	simm.s32 @!p3 $0x2  }
0x97: {  	_ =	swait.ge @!p3 [sflag:s16], $0x2000  }
0x98: {  	p4 =	sgt.u32 @!p3 s1, $0x97;
	[sflag:s16] =	ssyncset.done @!p3 $0x0  }
0x99: {  	s17 =	simm.s32 @!p3 $0xBD00;
	[sflag:s16] =	ssyncadd.s32 @!p3 $0xFFFFE000;
	s16 =	simm.s32 @!p3 $0x80  }
0x9a: {  	[spmem:s3] =	stream.indirect.scatter.add.f32 @!p3 [tilespmem:s17], [sflag:$0x8], $0x40, s15, s16, $0xb8;
	[tilespmem:$0x1FB00] =	vst v63  }
0x9b: {  	p3 =	por @!p1 p4, !p2  }
0x9c: {  	p3 =	por p3, p1  }
0x9d: {  	s16 =	simm.s32 @!p3 $0x7  }
0x9e: {  	_ =	swait.ge @!p3 [sflag:s16], $0x2000  }
0x9f: {  	[sflag:s16] =	ssyncset.done @!p3 $0x0  }
0xa0: {  	s17 =	simm.s32 @!p3 $0x9D00;
	[sflag:s16] =	ssyncadd.s32 @!p3 $0xFFFFE000;
	s16 =	simm.s32 @!p3 $0x80  }
0xa1: {  	[tilespmem:s17], [sflag:$0x1] =	stream.indirect.gather @!p3 [hbm4b:s2+s16], $0x40, s11, s16, $0xb8;
	[tilespmem:$0x1FB00] =	vst v63  }
0xa2: {  	p3 =	por p2, p1  }
0xa3: {  	s16 =	simm.s32 @!p3 $0x3  }
0xa4: {  	p4 =	sgt.u32 @!p3 s1, $0x97;
	_ =	swait.ge @!p3 [sflag:s16], $0x2000  }
0xa5: {  	s17 =	simm.s32 @!p3 $0xDD00;
	p2 =	por @!p1 p4, p2;
	[sflag:s16] =	ssyncset.done @!p3 $0x0  }
0xa6: {  	p1 =	por p2, p1;
	[sflag:s16] =	ssyncadd.s32 @!p3 $0xFFFFE000;
	s16 =	simm.s32 @!p3 $0x80  }
0xa7: {  	[spmem:s3] =	stream.indirect.scatter.add.f32 @!p3 [tilespmem:s17], [sflag:$0x9], $0x40, s15, s16, $0xb8;
	[tilespmem:$0x1FB00] =	vst v63  }
.Ltmp7:
0xa8: {  	s16 =	simm.s32 @!p1 $0x8;
	(pc) =	sbr.rel .LBB2_9-.Ltmp7, $4  }
0xa9: {  	_ =	swait.ge @!p1 [sflag:s16], $0x2000  }
0xaa: {  	[sflag:s16] =	ssyncset.done @!p1 $0x0  }
0xab: {  	s17 =	simm.s32 @!p1 $0xBD00;
	[sflag:s16] =	ssyncadd.s32 @!p1 $0xFFFFE000;
	s16 =	simm.s32 @!p1 $0x80  }
0xac: {  	[tilespmem:s17], [sflag:$0x2] =	stream.indirect.gather @!p1 [hbm4b:s2+s16], $0x40, s11, s16, $0xb8;
	[tilespmem:$0x1FB00] =	vst v63  }
.LBB2_11:
0xad: {  	_ =	sfence.sel $0x180000  }
0xae: {  	[bflag:$0x0] =	sbarrier.arrive $0xFFFF  }
0xaf: {  	_ =	strace $0x9000004A  }
0xb0: {  	s0 =	stileid.u32;
	[bflag:$0x2] =	sbarrier.arrive $0xFFFF  }
0xb1: {  	p0 =	sne.s32 s0, $0x0;
	s0 =	rddreg [dreg:$0x3]  }
0xb2: {  	s0 =	sadd.s32 @!p0 $0x100000, s0  }
0xb3: {  	[sflag:s0] =	ssyncadd.tile.s32 @!p0 $0x1;
	_ =	shalt  }
.Lfunc_end2:
_tile_overlayer_lowered:
.L_overlay_start_2:
0xb4: {  	(tag) =	ssettag $0x2  }
0xb5: {  	s0 =	rddreg [dreg:$0x0];
	s2 =	stileid.u32  }
0xb6: {  	s1 =	rddreg [dreg:$0x1];
	p0 =	sne.s32 s2, $0x0  }
0xb7: {  	s3 =	rddreg [dreg:$0x2];
	[bflag:$0x3] =	sbarrier.arrive $0xFFFF;
	s2 =	simm.s32 @!p0 $0x1C0D  }
0xb8: {  	[timem:s3], [sflag:s2] =	dma.local @!p0 [hbm:s0], s1  }
0xb9: {  	s0 =	simm.s32 @!p0 $0xD  }
0xba: {  	_ =	swait.ge @!p0 [sflag:s0], s1  }
0xbb: {  	s1 =	ssub.s32 @!p0 $0x0, s1;
	[sflag:s0] =	ssyncset.done @!p0 $0x0  }
0xbc: {  	[sflag:s0] =	ssyncadd.s32 @!p0 s1  }
0xbd: {  	[bflag:$0x3] =	sbarrier.arrive $0xFFFF  }
0xbe: {  	_ =	shalt  }

// kernel: kernel.15.cloned.1.call-start
scs
__scs_entry_jumppad:
0x0: {  	(pc) =	sbr.rel $0x88, $3  }
0x1: {  	(tag) =	ssettag $0x0;
	lr =	simm.s32 $0x1  }
0x2: {  	[smem:$0x3F9B] =	sst lr;
	_ =	strace $0xD0000000  }
0x3: {  	_ = 	snop  }
0x4: {  	_ = 	snop  }
0x5: {  	_ = 	snop  }
0x6: {  	_ = 	snop  }
0x7: {  	_ = 	snop  }
__scs_overlays_trampoline_lowered:
0x8: {  	[smem:$0x3FAA] =	sst s0  }
0x9: {  	[smem:$0x3FAB] =	sst s1  }
0xa: {  	[smem:$0x3FAC] =	sst s2  }
0xb: {  	[smem:$0x3FAD] =	sst s3  }
0xc: {  	[smem:$0x3FAE] =	sst s4  }
0xd: {  	[smem:$0x3FAF] =	sst s5  }
0xe: {  	[smem:$0x3FB0] =	sst s6  }
0xf: {  	[smem:$0x3FB1] =	sst s7  }
0x10: {  	[smem:$0x3FB2] =	sst s8  }
0x11: {  	[smem:$0x3FB3] =	sst s9;
	s0 =	simm.s32 @!p0 $0x0  }
0x12: {  	s1 =	sld [smem:$0x3F99];
	s0 =	simm.s32 @p0 $0x1  }
0x13: {  	[smem:$0x3FB4] =	sst s0;
	s0 =	simm.s32 @!p1 $0x0  }
0x14: {  	s2 =	sld [smem:$0x3F98];
	s0 =	simm.s32 @p1 $0x1  }
0x15: {  	[smem:$0x3FB5] =	sst s0;
	s0 =	simm.s32 @!p2 $0x0  }
0x16: {  	s3 =	sld [smem:$0x3FDB];
	s0 =	simm.s32 @p2 $0x1  }
0x17: {  	s4 =	simm.s32 $0x1BF5;
	[smem:$0x3FB7] =	sst s0  }
0x18: {  	s0 =	sld [smem:$0x3F9A];
	_ =	swait.ge [sflag:s4], $0x0  }
0x19: {  	s7 =	sld [smem:$0x3F9B]  }
0x1a: {  	s8 =	sadd.s32 $0xFFFFE003, lr  }
0x1b: {  	s9 =	sadd.s32 $0xFFFFFEF7, lr;
	s5 =	simm.s32 $0xFFFFFFFF;
	p2 =	slt.u32 s8, $0xFFFFF086  }
0x1c: {  	p1 =	slt.u32 s9, $0xF7A;
	s5 =	simm.s32 @!p2 $0x0  }
0x1d: {  	s5 =	simm.s32 @p1 $0x1;
	p0 =	seq.s32 s7, s2  }
0x1e: {  	s7 =	smul.u32 @!p0 $0xF7A, s2;
	p2 =	seq.s32 @!p0 s5, $0x0  }
0x1f: {  	s9 =	smul.u32 $0xF7A, s1;
	s8 =	simm.s32 @!p0 $0x1BF5;
	p2 =	por !p2, p0  }
0x20: {  	[sflag:s8] =	ssyncset.s32 @!p0 $0xFFFFF086;
	s6 =	sadd.s32 @!p0 s3, s7;
	s7 =	simm.s32 @!p0 $0x108  }
0x21: {  	s3 =	sadd.s32 s3, s9;
	s6 =	sadd.s32 @!p0 $0x88, s6;
	s7 =	simm.s32 @p2 $0x1082  }
0x22: {  	[simem:s7], [sflag:s8] =	dma.local @!p0 [hbm:s6], $0xF7A  }
0x23: {  	s9 =	sor.u32 $0xD0000000, s2;
	s6 =	simm.s32 $0x108;
	_ =	swait.ge @!p0 [sflag:s8], $0x0  }
0x24: {  	s3 =	sadd.s32 $0x88, s3;
	s6 =	simm.s32 @!p1 $0x1082;
	[sflag:s4] =	ssyncset.s32 $0xFFFFF086  }
0x25: {  	[simem:s6], [sflag:s4] =	dma.local [hbm:s3], $0xF7A  }
0x26: {  	[smem:$0x3F9B] =	sst s1;
	(tag) =	ssettag s2;
	_ =	strace s9  }
0x27: {  	s1 =	sld [smem:$0x3FAB]  }
0x28: {  	s2 =	sld [smem:$0x3FAC]  }
0x29: {  	s4 =	sld [smem:$0x3FAE]  }
0x2a: {  	p0 =	seq.s32 s5, $0x0;
	s5 =	sld [smem:$0x3FAF]  }
0x2b: {  	s6 =	sld [smem:$0x3FB0]  }
0x2c: {  	s7 =	sld [smem:$0x3FB1]  }
0x2d: {  	s3 =	simm.s32 $0x108;
	s8 =	sld [smem:$0x3FB2]  }
0x2e: {  	s3 =	simm.s32 @!p0 $0x1082;
	s9 =	sld [smem:$0x3FB3]  }
0x2f: {  	lr =	sadd.s32 s0, s3;
	s0 =	sld [smem:$0x3FAA]  }
0x30: {  	s3 =	sld [smem:$0x3FAD]  }
0x31: {  	[smem:$0x3FB6] =	sst s10  }
0x32: {  	s10 =	sld [smem:$0x3FB4];
	_ =	sdelay $0x3  }
0x33: {  	p0 =	seq.s32 s10, $0x1;
	s10 =	sld [smem:$0x3FB6];
	_ =	sdelay $0x3  }
0x34: {  	[smem:$0x3FB6] =	sst s10  }
0x35: {  	s10 =	sld [smem:$0x3FB5];
	_ =	sdelay $0x3  }
0x36: {  	p1 =	seq.s32 s10, $0x1;
	s10 =	sld [smem:$0x3FB6];
	_ =	sdelay $0x3  }
0x37: {  	[smem:$0x3FB6] =	sst s10  }
0x38: {  	s10 =	sld [smem:$0x3FB7]  }
0x39: {  	_ = 	snop;
	(pc) =	sbr.ind lr, $3  }
0x3a: {  	_ = 	snop  }
0x3b: {  	_ = 	snop  }
0x3c: {  	p2 =	seq.s32 s10, $0x1;
	s10 =	sld [smem:$0x3FB6]  }
0x3d: {  	_ =	shalt  }
0x3e: {  	_ =	shalt  }
0x3f: {  	_ =	shalt  }
0x40: {  	_ =	shalt  }
0x41: {  	_ =	shalt  }
0x42: {  	_ =	shalt  }
0x43: {  	_ =	shalt  }
0x44: {  	_ =	shalt  }
0x45: {  	_ =	shalt  }
0x46: {  	_ =	shalt  }
0x47: {  	_ =	shalt  }
0x48: {  	_ =	shalt  }
0x49: {  	_ =	shalt  }
0x4a: {  	_ =	shalt  }
0x4b: {  	_ =	shalt  }
0x4c: {  	_ =	shalt  }
0x4d: {  	_ =	shalt  }
0x4e: {  	_ =	shalt  }
0x4f: {  	_ =	shalt  }
0x50: {  	_ =	shalt  }
0x51: {  	_ =	shalt  }
0x52: {  	_ =	shalt  }
0x53: {  	_ =	shalt  }
0x54: {  	_ =	shalt  }
0x55: {  	_ =	shalt  }
0x56: {  	_ =	shalt  }
0x57: {  	_ =	shalt  }
0x58: {  	_ =	shalt  }
0x59: {  	_ =	shalt  }
0x5a: {  	_ =	shalt  }
0x5b: {  	_ =	shalt  }
0x5c: {  	_ =	shalt  }
0x5d: {  	_ =	shalt  }
0x5e: {  	_ =	shalt  }
0x5f: {  	_ =	shalt  }
0x60: {  	_ =	shalt  }
0x61: {  	_ =	shalt  }
0x62: {  	_ =	shalt  }
0x63: {  	_ =	shalt  }
0x64: {  	_ =	shalt  }
0x65: {  	_ =	shalt  }
0x66: {  	_ =	shalt  }
0x67: {  	_ =	shalt  }
0x68: {  	_ =	shalt  }
0x69: {  	_ =	shalt  }
0x6a: {  	_ =	shalt  }
0x6b: {  	_ =	shalt  }
0x6c: {  	_ =	shalt  }
0x6d: {  	_ =	shalt  }
0x6e: {  	_ =	shalt  }
0x6f: {  	_ =	shalt  }
0x70: {  	_ =	shalt  }
0x71: {  	_ =	shalt  }
0x72: {  	_ =	shalt  }
0x73: {  	_ =	shalt  }
0x74: {  	_ =	shalt  }
0x75: {  	_ =	shalt  }
0x76: {  	_ =	shalt  }
0x77: {  	_ =	shalt  }
0x78: {  	_ =	shalt  }
0x79: {  	_ =	shalt  }
0x7a: {  	_ =	shalt  }
0x7b: {  	_ =	shalt  }
0x7c: {  	_ =	shalt  }
0x7d: {  	_ =	shalt  }
0x7e: {  	_ =	shalt  }
0x7f: {  	_ =	shalt  }
0x80: {  	_ =	shalt  }
0x81: {  	_ =	shalt  }
0x82: {  	_ =	shalt  }
0x83: {  	_ =	shalt  }
0x84: {  	_ =	shalt  }
0x85: {  	_ =	shalt  }
0x86: {  	_ =	shalt  }
0x87: {  	_ =	shalt  }
.Lfunc_end0:
.L_simem_size_0:
called_computation.2_lowered:
.L_overlay_start_0:
0x88: {  	s2 =	sld [smem:$0x3FD9]  }
0x89: {  	s3 =	sld [smem:$0x3FFE];
	_ =	sdelay $0x1  }
0x8a: {  	s1 =	srdreg.scid  }
0x8b: {  	s0 =	sand.u32 $0x1, s1  }
0x8c: {  	s17 =	sshll.u32 s0, $0xA;
	s2 =	sadd.s32 s3, s2  }
0x8d: {  	s2 =	sadd.s32 s2, s17  }
0x8e: {  	[smem:$0x3FC2] =	sst s2  }
0x8f: {  	_ = 	snop  }
0x90: {  	s2 =	sld [smem:$0x3FD0];
	(tm) =	ssettm $0x1  }
0x91: {  	s18 =	sld [smem:$0x3FFB];
	_ =	sdelay $0x3  }
0x92: {  	_ =	strace s18  }
0x93: {  	s3 =	sld [smem:$0x3FFC];
	_ =	sdelay $0x3  }
0x94: {  	_ =	strace s3  }
0x95: {  	s3 =	sld [smem:$0x3FFD];
	_ =	sdelay $0x3  }
0x96: {  	_ =	strace s3  }
0x97: {  	_ =	strace $0x8FFFFFFF  }
0x98: {  	s19 =	sld [smem:$0x3FDB];
	_ =	sdelay $0x1  }
0x99: {  	s4 =	simm.s32 $_scs_section_size  }
0x9a: {  	s5 =	simm.s32 $_size__tile_overlayer_lowered;
	s6 =	simm.s32 $_tile_overlayer_lowered  }
0x9b: {  	s22 =	simm.s32 $0x1BFF;
	s21 =	sshll.u32 s6, $0x1;
	s3 =	sadd.s32 s4, s19  }
0x9c: {  	s7 =	simm.s32 $0x0;
	s20 =	sshll.u32 s5, $0x1;
	s5 =	sadd.s32 s21, s3  }
0x9d: {  	[timem:s7], [sflag:s22] =	dma.local [hbm:s5], s20  }
0x9e: {  	_ =	swait.ge [sflag:s22], s20  }
0x9f: {  	s4 =	ssub.s32 $0x0, s20;
	[sflag:s22] =	ssyncset.done $0x0  }
0xa0: {  	[sflag:s22] =	ssyncadd.s32 s4;
	_ =	sdelay $0x1  }
0xa1: {  	s23 =	simm.s32 $0x1B8B  }
0xa2: {  	_ =	swait.ge [sflag:s23], $0x1  }
0xa3: {  	[sflag:s23] =	ssyncset.done $0x0  }
0xa4: {  	s25 =	simm.s32 $0x1B8E;
	s24 =	sld [smem:$0x3FFE];
	[sflag:s23] =	ssyncadd.s32 $0xFFFFFFFF  }
0xa5: {  	s26 =	simm.s32 $execute0_lowered;
	[smem:$0x3FD2] =	sst s25  }
0xa6: {  	s5 =	sshll.u32 s26, $0x1;
	_ =	strace $0x8000004C;
	[dreg:$0x1] =	wrdreg $0xFFFFFFFF  }
0xa7: {  	s28 =	simm.s32 $_size_execute0_lowered;
	s3 =	sadd.s32 s3, s5;
	[dreg:$0x0] =	wrdreg $0x0  }
0xa8: {  	s5 =	sshll.u32 s28, $0x1;
	[dreg:$0x2] =	wrdreg s3  }
0xa9: {  	[dreg:$0x3] =	wrdreg s5  }
0xaa: {  	[dreg:$0x4] =	wrdreg $0xC0  }
0xab: {  	_ =	task [dreg:s7], $0x5FFFF  }
0xac: {  	[dreg:$0x1] =	wrdreg $0xFFFFFFFF  }
0xad: {  	[dreg:$0x0] =	wrdreg $0x60  }
0xae: {  	[dreg:$0x2] =	wrdreg s2  }
0xaf: {  	[dreg:$0x3] =	wrdreg s24  }
0xb0: {  	[dreg:$0x4] =	wrdreg $0x15D000  }
0xb1: {  	[dreg:$0x5] =	wrdreg $0x9  }
0xb2: {  	_ =	task.clear_ibuf [dreg:s7], $0x6FFFF;
	_ =	strace $0x9000004C  }
0xb3: {  	s29 =	simm.s32 $0x9;
	_ =	strace $0x8000004E  }
0xb4: {  	_ =	swait.ge [sflag:s29], $0x1  }
0xb5: {  	[sflag:s29] =	ssyncadd.s32 $0xFFFFFFFF  }
0xb6: {  	_ =	strace $0x9000004E  }
0xb7: {  	_ =	sfence  }
0xb8: {  	s30 =	sld [smem:$0x0];
	_ =	sdelay $0x2  }
0xb9: {  	s31 =	sshll.u32 s1, $0xD;
	s1 =	sshrl.u32 s1, $0x2  }
0xba: {  	s3 =	sand.u32 $0x4000, s31;
	s1 =	sadd.s32 s1, s30  }
0xbb: {  	s0 =	sor.u32 s3, s0;
	s1 =	sshll.u32 s1, $0x11  }
0xbc: {  	s0 =	sor.u32 s1, s0  }
0xbd: {  	s0 =	sadd.s32 $0x8F2B, s0  }
0xbe: {  	[sflag:s0] =	ssyncadd.remote.s32 $0x1  }
0xbf: {  	_ =	sfence.sel $0xFFFF  }
0xc0: {  	[dreg:$0x0] =	wrdreg $0xFFFFFFFF;
	(pc) =	sbr.abs _section_cstart, $3  }
0xc1: {  	[dreg:$0x1] =	wrdreg $0xFFFFFFFF  }
0xc2: {  	_ =	task.clear_ibuf [dreg:s7], $0x2FFFF;
	_ =	strace $0x9FFFFFFF  }
0xc3: {  	(tm) =	ssettm $0x7FFFFFFF  }
tec
execute0_lowered:
.L_overlay_start_1:
0x0: {  	(tag) =	ssettag $0x1  }
0x1: {  	s2 =	rddreg [dreg:$0x0]  }
0x2: {  	s0 =	rddreg [dreg:$0x1]  }
0x3: {  	s3 =	rddreg [dreg:$0x2];
	s12 =	stileid.u32;
	s4 =	simm.s32 $0x0  }
0x4: {  	s5 =	srdreg.scid;
	s14 =	simm.s32 $0x80;
	s19 =	simm.s32 $0x180  }
0x5: {  	s20 =	simm.s32 $0xFD00;
	s21 =	simm.s32 $0x200;
	s22 =	simm.s32 $0x11D00  }
0x6: {  	s28 =	simm.s32 $0xB;
	s29 =	simm.s32 $0xC;
	s1 =	smul.u32 $0x9D0, s12  }
0x7: {  	s30 =	simm.s32 $0x1;
	s31 =	simm.s32 $0x10;
	s23 =	smul.u32 $0x13C00, s12  }
0x8: {  	[smem:$0x7FF] =	sst s4;
	s10 =	sand.u32 $0x1, s5;
	s9 =	smul.u32 $0x27800, s12  }
0x9: {  	s26 =	sshll.u32 s12, $0x6;
	_ =	strace $0x8000004D;
	s6 =	sshll.u32 s10, $0x6  }
0xa: {  	s24 =	ssub.s32 $0x2, s10;
	p0 =	seq.s32 s10, $0x0;
	s10 =	simm.s32 $0xD  }
0xb: {  	s12 =	sor.u32 $0x1C0D, s26;
	s26 =	simm.s32 $0xA;
	s1 =	sadd.s32 s1, s0  }
0xc: {  	s5 =	sor.u32 s6, s23;
	s8 =	sshrl.u32 s24, $0x1;
	s25 =	sshrl.u32 s9, $0x2  }
.Ltmp0:
0xd: {  	s23 =	simm.s32 $0x7;
	s7 =	sshrl.u32 s5, $0x3;
	(pc) =	sbr.rel .LBB2_1-.Ltmp0, $4  }
0xe: {  	s5 =	sadd.s32 $0x16600, s0;
	s11 =	ssub.s32 s24, s8;
	s6 =	sadd.s32 $0xC800, s1  }
0xf: {  	s24 =	simm.s32 $0x8;
	s0 =	sadd.s32 s7, s0;
	s7 =	sadd.s32 $0x2200, s1  }
0x10: {  	s1 =	sadd.s32 s25, s3;
	s9 =	smax.u32 s11, $0x1;
	s25 =	simm.s32 $0x9  }
0x11: {  	s8 =	sadd.s32 $0x17A00, s0;
	s13 =	sshrl.u32 s1, $0x3;
	s0 =	simm.s32 $0x0  }
.LBB2_10:
0x12: {  	_ =	swait.ge [sflag:s23], $0x2000  }
0x13: {  	[sflag:s23] =	ssyncset.done $0x0  }
0x14: {  	[sflag:s23] =	ssyncadd.s32 $0xFFFFE000  }
0x15: {  	_ =	swait.ge [sflag:s24], $0x2000  }
0x16: {  	[sflag:s24] =	ssyncset.done $0x0  }
0x17: {  	[sflag:s24] =	ssyncadd.s32 $0xFFFFE000  }
0x18: {  	_ =	swait.ge [sflag:s25], $0x2000  }
0x19: {  	[sflag:s25] =	ssyncset.done $0x0  }
0x1a: {  	[sflag:s25] =	ssyncadd.s32 $0xFFFFE000  }
0x1b: {  	_ =	swait.ge [sflag:s26], $0x2000  }
0x1c: {  	[sflag:s26] =	ssyncset.done $0x0  }
0x1d: {  	[sflag:s26] =	ssyncadd.s32 $0xFFFFE000  }
0x1e: {  	_ =	swait.ge [sflag:s28], $0x2000  }
0x1f: {  	[sflag:s28] =	ssyncset.done $0x0  }
0x20: {  	[sflag:s28] =	ssyncadd.s32 $0xFFFFE000  }
0x21: {  	_ =	swait.ge [sflag:s29], $0x2000  }
0x22: {  	s0 =	sadd.s32 $0x1, s0;
	[sflag:s29] =	ssyncset.done $0x0  }
0x23: {  	p1 =	sne.s32 s0, s9;
	[sflag:s29] =	ssyncadd.s32 $0xFFFFE000  }
.Ltmp1:
0x24: {  	[bflag:$0x0] =	sbarrier.arrive $0xFFFF;
	(pc) =	sbr.rel @!p1 .LBB2_11-.Ltmp1, $4  }
0x25: {  	[hbm:s8@s31], [sflag:s12] =	dma.strided [spmem:s13@s24], $0x13C0, s30, $0x8   }
0x26: {  	_ =	swait.ge [sflag:s10], $0x13C0  }
0x27: {  	[sflag:s10] =	ssyncset.done $0x0  }
0x28: {  	[sflag:s10] =	ssyncadd.s32 $0xFFFFEC40  }
.LBB2_1:
0x29: {  	[tilespmem:s4], [sflag:$0xD] =	stream.linear.gather [hbm4b:s6+s4], $0x4E80, $0x38;
	[tilespmem:$0x1FB00] =	vst v63  }
0x2a: {  	_ =	swait.ge [sflag:s10], $0x4E80  }
0x2b: {  	[sflag:s10] =	ssyncset.done $0x0  }
0x2c: {  	s1 =	simm.s32 $0x4E80;
	[sflag:s10] =	ssyncadd.s32 $0xFFFFB180  }
0x2d: {  	[tilespmem:s1], [sflag:$0xD] =	stream.linear.gather [hbm4b:s7+s4], $0x4E80, $0x38;
	[tilespmem:$0x1FB00] =	vst v63  }
0x2e: {  	_ =	swait.ge [sflag:s10], $0x4E80  }
0x2f: {  	[sflag:s10] =	ssyncset.done $0x0  }
.Ltmp2:
0x30: {  	[sflag:s10] =	ssyncadd.s32 $0xFFFFB180;
	(pc) =	sbr.rel @p0 .LBB2_5-.Ltmp2, $4  }
0x31: {  	[spmem:s13], [sflag:s12] =	dma.local [hbm:s5], $0x13C0  }
0x32: {  	_ =	swait.ge [sflag:s10], $0x13C0  }
0x33: {  	[sflag:s10] =	ssyncset.done $0x0  }
0x34: {  	[sflag:s10] =	ssyncadd.s32 $0xFFFFEC40  }
0x35: {  	s1 =	simm.s32 $0x0  }
0x36: {  	v2 =	vld [tilespmem:s1+$0x0]  }
0x37: {  	v4 =	vld [tilespmem:s1+$0x10]  }
0x38: {  	v3 =	vld [tilespmem:s1+$0x20]  }
0x39: {  	v1 =	vld [tilespmem:s1+$0x30]  }
0x3a: {  	v0 =	vld [tilespmem:s1+$0x40]  }
0x3b: {  	v5 =	vadd.s32 $0x1, v2;
	v2 =	vld [tilespmem:s1+$0x50]  }
0x3c: {  	s11 =	simm.s32 $0x200;
	[tilespmem:s1+$0x0] =	vst v5;
	v5 =	vadd.s32 $0x1, v4;
	v4 =	vld [tilespmem:s1+$0x60]  }
.LBB2_3:
0x3d: {  	s15 =	sshra.s32 s11, $0x2;
	p1 =	sne.s32 s11, $0x13800;
	[tilespmem:s1+$0x10] =	vst v5;
	v3 =	vadd.s32 $0x1, v3;
	v5 =	vld [tilespmem:s1+$0x70]  }
0x3e: {  	v6 =	vld [tilespmem:s15+$0x0];
	[tilespmem:s1+$0x20] =	vst v3;
	v1 =	vadd.s32 $0x1, v1  }
0x3f: {  	v7 =	vld [tilespmem:s15+$0x10];
	[tilespmem:s1+$0x30] =	vst v1;
	v0 =	vadd.s32 $0x1, v0  }
.Ltmp3:
0x40: {  	v3 =	vld [tilespmem:s15+$0x20];
	[tilespmem:s1+$0x40] =	vst v0;
	v0 =	vadd.s32 $0x1, v2;
	(pc) =	sbr.rel @p1 .LBB2_3-.Ltmp3, $4  }
0x41: {  	v1 =	vld [tilespmem:s15+$0x30];
	[tilespmem:s1+$0x50] =	vst v0;
	v2 =	vadd.s32 $0x1, v4  }
0x42: {  	v0 =	vld [tilespmem:s15+$0x40];
	[tilespmem:s1+$0x60] =	vst v2;
	v4 =	vadd.s32 $0x1, v5  }
0x43: {  	v5 =	vadd.s32 $0x1, v6;
	v2 =	vld [tilespmem:s15+$0x50];
	[tilespmem:s1+$0x70] =	vst v4;
	s1 =	smov.u32 s15  }
0x44: {  	s11 =	sadd.s32 $0x200, s11;
	[tilespmem:s1+$0x0] =	vst v5;
	v5 =	vadd.s32 $0x1, v7;
	v4 =	vld [tilespmem:s1+$0x60]  }
0x45: {  	[tilespmem:s1+$0x10] =	vst v5;
	v3 =	vadd.s32 $0x1, v3;
	v60 =	vld [tilespmem:s1+$0x70]  }
0x46: {  	[tilespmem:s1+$0x20] =	vst v3;
	v1 =	vadd.s32 $0x1, v1  }
0x47: {  	[tilespmem:s1+$0x30] =	vst v1;
	v0 =	vadd.s32 $0x1, v0  }
0x48: {  	[tilespmem:s1+$0x40] =	vst v0;
	v61 =	vadd.s32 $0x1, v2  }
0x49: {  	[tilespmem:s1+$0x50] =	vst v61;
	v62 =	vadd.s32 $0x1, v4  }
0x4a: {  	[tilespmem:s1+$0x60] =	vst v62;
	v63 =	vadd.s32 $0x1, v60  }
0x4b: {  	[tilespmem:s1+$0x70] =	vst v63  }
.LBB2_5:
0x4c: {  	[bflag:$0x0] =	sbarrier.arrive $0xFFFF;
	s1 =	simm.s32 $0x0;
	s11 =	simm.s32 $0x9D00  }
0x4d: {  	[tilespmem:s11], [sflag:$0x1] =	stream.indirect.gather [hbm4b:s2+s14], $0x40, s1, s14, $0xb8;
	[tilespmem:$0x1FB00] =	vst v63  }
0x4e: {  	s17 =	simm.s32 $0xBD00  }
0x4f: {  	[tilespmem:s17], [sflag:$0x2] =	stream.indirect.gather [hbm4b:s2+s14], $0x40, s14, s14, $0xb8;
	[tilespmem:$0x1FB00] =	vst v63  }
0x50: {  	s18 =	simm.s32 $0x100;
	s15 =	simm.s32 $0xDD00  }
0x51: {  	[tilespmem:s15], [sflag:$0x3] =	stream.indirect.gather [hbm4b:s2+s14], $0x40, s18, s14, $0xb8;
	[tilespmem:$0x1FB00] =	vst v63  }
.Ltmp4:
0x52: {  	_ = 	snop;
	(pc) =	sbr.rel .LBB2_6-.Ltmp4, $4  }
0x53: {  	_ = 	snop  }
0x54: {  	[tilespmem:s20], [sflag:$0x4] =	stream.indirect.gather [hbm4b:s2+s14], $0x40, s19, s14, $0xb8;
	[tilespmem:$0x1FB00] =	vst v63  }
0x55: {  	s11 =	simm.s32 $0x280;
	s15 =	simm.s32 $0x4E80  }
0x56: {  	[tilespmem:s22], [sflag:$0x5] =	stream.indirect.gather [hbm4b:s2+s14], $0x40, s21, s14, $0xb8;
	[tilespmem:$0x1FB00] =	vst v63  }
.LBB2_8:
0x57: {  	p1 =	seq.s32 s16, $0x3  }
0x58: {  	s17 =	simm.s32 @p1 $0x4  }
0x59: {  	_ =	swait.ge @p1 [sflag:s17], $0x2000  }
0x5a: {  	p2 =	sgt.u32 @p1 s1, $0x97;
	s18 =	simm.s32 @p1 $0xFD00;
	[sflag:s17] =	ssyncset.done @p1 $0x0  }
0x5b: {  	p2 =	por p2, !p1;
	[sflag:s17] =	ssyncadd.s32 @p1 $0xFFFFE000;
	s17 =	simm.s32 @p1 $0x80  }
0x5c: {  	[spmem:s3] =	stream.indirect.scatter.add.f32 @p1 [tilespmem:s18], [sflag:$0xA], $0x40, s15, s17, $0xb8;
	[tilespmem:$0x1FB00] =	vst v63  }
0x5d: {  	s17 =	simm.s32 @!p2 $0x9  }
0x5e: {  	_ =	swait.ge @!p2 [sflag:s17], $0x2000  }
0x5f: {  	[sflag:s17] =	ssyncset.done @!p2 $0x0  }
0x60: {  	s18 =	simm.s32 @!p2 $0xDD00;
	[sflag:s17] =	ssyncadd.s32 @!p2 $0xFFFFE000;
	s17 =	simm.s32 @!p2 $0x80  }
0x61: {  	[tilespmem:s18], [sflag:$0x3] =	stream.indirect.gather @!p2 [hbm4b:s2+s17], $0x40, s11, s17, $0xb8;
	[tilespmem:$0x1FB00] =	vst v63  }
0x62: {  	p2 =	seq.s32 @!p1 s16, $0x4  }
0x63: {  	p3 =	por !p2, p1  }
0x64: {  	s16 =	simm.s32 @!p3 $0x5  }
0x65: {  	_ =	swait.ge @!p3 [sflag:s16], $0x2000  }
0x66: {  	p4 =	sgt.u32 @!p3 s1, $0x97;
	[sflag:s16] =	ssyncset.done @!p3 $0x0  }
0x67: {  	s17 =	simm.s32 @!p3 $0x11D00;
	[sflag:s16] =	ssyncadd.s32 @!p3 $0xFFFFE000;
	s16 =	simm.s32 @!p3 $0x80  }
0x68: {  	[spmem:s3] =	stream.indirect.scatter.add.f32 @!p3 [tilespmem:s17], [sflag:$0xB], $0x40, s15, s16, $0xb8;
	[tilespmem:$0x1FB00] =	vst v63  }
0x69: {  	p3 =	por @!p1 p4, !p2  }
0x6a: {  	p3 =	por p3, p1  }
0x6b: {  	s16 =	simm.s32 @!p3 $0xA  }
0x6c: {  	_ =	swait.ge @!p3 [sflag:s16], $0x2000  }
0x6d: {  	[sflag:s16] =	ssyncset.done @!p3 $0x0  }
0x6e: {  	s17 =	simm.s32 @!p3 $0xFD00;
	[sflag:s16] =	ssyncadd.s32 @!p3 $0xFFFFE000;
	s16 =	simm.s32 @!p3 $0x80  }
0x6f: {  	[tilespmem:s17], [sflag:$0x4] =	stream.indirect.gather @!p3 [hbm4b:s2+s16], $0x40, s11, s16, $0xb8;
	[tilespmem:$0x1FB00] =	vst v63  }
0x70: {  	p3 =	por p2, p1  }
0x71: {  	s16 =	simm.s32 @!p3 $0x6  }
0x72: {  	p4 =	sgt.u32 @!p3 s1, $0x97;
	_ =	swait.ge @!p3 [sflag:s16], $0x2000  }
0x73: {  	s17 =	simm.s32 @!p3 $0x13D00;
	p2 =	por @!p1 p4, p2;
	[sflag:s16] =	ssyncset.done @!p3 $0x0  }
0x74: {  	p1 =	por p2, p1;
	[sflag:s16] =	ssyncadd.s32 @!p3 $0xFFFFE000;
	s16 =	simm.s32 @!p3 $0x80  }
0x75: {  	[spmem:s3] =	stream.indirect.scatter.add.f32 @!p3 [tilespmem:s17], [sflag:$0xC], $0x40, s15, s16, $0xb8;
	[tilespmem:$0x1FB00] =	vst v63  }
0x76: {  	s16 =	simm.s32 @!p1 $0xB  }
0x77: {  	_ =	swait.ge @!p1 [sflag:s16], $0x2000  }
0x78: {  	[sflag:s16] =	ssyncset.done @!p1 $0x0  }
0x79: {  	s17 =	simm.s32 @!p1 $0x11D00;
	[sflag:s16] =	ssyncadd.s32 @!p1 $0xFFFFE000;
	s16 =	simm.s32 @!p1 $0x80  }
0x7a: {  	[tilespmem:s17], [sflag:$0x5] =	stream.indirect.gather @!p1 [hbm4b:s2+s16], $0x40, s11, s16, $0xb8;
	[tilespmem:$0x1FB00] =	vst v63  }
.LBB2_9:
0x7b: {  	s1 =	sadd.s32 $0x1, s1  }
0x7c: {  	p1 =	sne.s32 s1, $0x9D  }
.Ltmp5:
0x7d: {  	_ = 	snop;
	(pc) =	sbr.rel @!p1 .LBB2_10-.Ltmp5, $2  }
0x7e: {  	_ =	sdelay $0x2  }
0x7f: {  	s11 =	sadd.s32 $0x80, s11;
	s15 =	sadd.s32 $0x80, s15  }
.LBB2_6:
0x80: {  	s16 =	smul.u32 $0xAB, s1;
	_ =	sdelay $0x1  }
0x81: {  	s16 =	sshrl.u32 s16, $0xA  }
0x82: {  	s16 =	sand.u32 $0x3F, s16  }
0x83: {  	s16 =	smul.u32 $0x6, s16;
	_ =	sdelay $0x1  }
0x84: {  	s16 =	ssub.s32 s1, s16  }
0x85: {  	s16 =	sand.u32 $0xFF, s16  }
0x86: {  	p1 =	sgt.s32 s16, $0x2  }
.Ltmp6:
0x87: {  	_ = 	snop;
	(pc) =	sbr.rel @p1 .LBB2_8-.Ltmp6, $1  }
0x88: {  	_ =	sdelay $0x3  }
0x89: {  	p1 =	seq.s32 s16, $0x0  }
0x8a: {  	s17 =	simm.s32 @p1 $0x1;
	p2 =	sgt.u32 @p1 s1, $0x97  }
0x8b: {  	_ =	swait.ge @p1 [sflag:s17], $0x2000;
	p3 =	por p2, !p1  }
0x8c: {  	s18 =	simm.s32 @p1 $0x9D00;
	[sflag:s17] =	ssyncset.done @p1 $0x0;
	p4 =	seq.s32 @!p3 s1, $0x0  }
0x8d: {  	[sflag:s17] =	ssyncadd.s32 @p1 $0xFFFFE000;
	s17 =	simm.s32 @p1 $0x80;
	p2 =	por @p1 p4, p2  }
0x8e: {  	[spmem:s3] =	stream.indirect.scatter.add.f32 @p1 [tilespmem:s18], [sflag:$0x7], $0x40, s15, s17, $0xb8;
	[tilespmem:$0x1FB00] =	vst v63  }
0x8f: {  	p2 =	por p2, !p1  }
0x90: {  	s17 =	simm.s32 @!p2 $0xC  }
0x91: {  	_ =	swait.ge @!p2 [sflag:s17], $0x2000  }
0x92: {  	s18 =	simm.s32 @!p3 $0x13D00;
	[sflag:s17] =	ssyncset.done @!p2 $0x0  }
0x93: {  	[sflag:s17] =	ssyncadd.s32 @!p2 $0xFFFFE000;
	s17 =	simm.s32 @!p3 $0x80;
	p2 =	seq.s32 @!p1 s16, $0x1  }
0x94: {  	[tilespmem:s18], [sflag:$0x6] =	stream.indirect.gather @!p3 [hbm4b:s2+s17], $0x40, s11, s17, $0xb8;
	[tilespmem:$0x1FB00] =	vst v63  }
0x95: {  	p3 =	por !p2, p1  }
0x96: {  	s16 =	simm.s32 @!p3 $0x2  }
0x97: {  	_ =	swait.ge @!p3 [sflag:s16], $0x2000  }
0x98: {  	p4 =	sgt.u32 @!p3 s1, $0x97;
	[sflag:s16] =	ssyncset.done @!p3 $0x0  }
0x99: {  	s17 =	simm.s32 @!p3 $0xBD00;
	[sflag:s16] =	ssyncadd.s32 @!p3 $0xFFFFE000;
	s16 =	simm.s32 @!p3 $0x80  }
0x9a: {  	[spmem:s3] =	stream.indirect.scatter.add.f32 @!p3 [tilespmem:s17], [sflag:$0x8], $0x40, s15, s16, $0xb8;
	[tilespmem:$0x1FB00] =	vst v63  }
0x9b: {  	p3 =	por @!p1 p4, !p2  }
0x9c: {  	p3 =	por p3, p1  }
0x9d: {  	s16 =	simm.s32 @!p3 $0x7  }
0x9e: {  	_ =	swait.ge @!p3 [sflag:s16], $0x2000  }
0x9f: {  	[sflag:s16] =	ssyncset.done @!p3 $0x0  }
0xa0: {  	s17 =	simm.s32 @!p3 $0x9D00;
	[sflag:s16] =	ssyncadd.s32 @!p3 $0xFFFFE000;
	s16 =	simm.s32 @!p3 $0x80  }
0xa1: {  	[tilespmem:s17], [sflag:$0x1] =	stream.indirect.gather @!p3 [hbm4b:s2+s16], $0x40, s11, s16, $0xb8;
	[tilespmem:$0x1FB00] =	vst v63  }
0xa2: {  	p3 =	por p2, p1  }
0xa3: {  	s16 =	simm.s32 @!p3 $0x3  }
0xa4: {  	p4 =	sgt.u32 @!p3 s1, $0x97;
	_ =	swait.ge @!p3 [sflag:s16], $0x2000  }
0xa5: {  	s17 =	simm.s32 @!p3 $0xDD00;
	p2 =	por @!p1 p4, p2;
	[sflag:s16] =	ssyncset.done @!p3 $0x0  }
0xa6: {  	p1 =	por p2, p1;
	[sflag:s16] =	ssyncadd.s32 @!p3 $0xFFFFE000;
	s16 =	simm.s32 @!p3 $0x80  }
0xa7: {  	[spmem:s3] =	stream.indirect.scatter.add.f32 @!p3 [tilespmem:s17], [sflag:$0x9], $0x40, s15, s16, $0xb8;
	[tilespmem:$0x1FB00] =	vst v63  }
.Ltmp7:
0xa8: {  	s16 =	simm.s32 @!p1 $0x8;
	(pc) =	sbr.rel .LBB2_9-.Ltmp7, $4  }
0xa9: {  	_ =	swait.ge @!p1 [sflag:s16], $0x2000  }
0xaa: {  	[sflag:s16] =	ssyncset.done @!p1 $0x0  }
0xab: {  	s17 =	simm.s32 @!p1 $0xBD00;
	[sflag:s16] =	ssyncadd.s32 @!p1 $0xFFFFE000;
	s16 =	simm.s32 @!p1 $0x80  }
0xac: {  	[tilespmem:s17], [sflag:$0x2] =	stream.indirect.gather @!p1 [hbm4b:s2+s16], $0x40, s11, s16, $0xb8;
	[tilespmem:$0x1FB00] =	vst v63  }
.LBB2_11:
0xad: {  	_ =	sfence.sel $0x180000  }
0xae: {  	[bflag:$0x0] =	sbarrier.arrive $0xFFFF  }
0xaf: {  	_ =	strace $0x9000004D  }
0xb0: {  	s0 =	stileid.u32;
	[bflag:$0x2] =	sbarrier.arrive $0xFFFF  }
0xb1: {  	p0 =	sne.s32 s0, $0x0;
	s0 =	rddreg [dreg:$0x3]  }
0xb2: {  	s0 =	sadd.s32 @!p0 $0x100000, s0  }
0xb3: {  	[sflag:s0] =	ssyncadd.tile.s32 @!p0 $0x1;
	_ =	shalt  }
.Lfunc_end2:
_tile_overlayer_lowered:
.L_overlay_start_2:
0xb4: {  	(tag) =	ssettag $0x2  }
0xb5: {  	s0 =	rddreg [dreg:$0x0];
	s2 =	stileid.u32  }
0xb6: {  	s1 =	rddreg [dreg:$0x1];
	p0 =	sne.s32 s2, $0x0  }
0xb7: {  	s3 =	rddreg [dreg:$0x2];
	[bflag:$0x3] =	sbarrier.arrive $0xFFFF;
	s2 =	simm.s32 @!p0 $0x1C0D  }
0xb8: {  	[timem:s3], [sflag:s2] =	dma.local @!p0 [hbm:s0], s1  }
0xb9: {  	s0 =	simm.s32 @!p0 $0xD  }
0xba: {  	_ =	swait.ge @!p0 [sflag:s0], s1  }
0xbb: {  	s1 =	ssub.s32 @!p0 $0x0, s1;
	[sflag:s0] =	ssyncset.done @!p0 $0x0  }
0xbc: {  	[sflag:s0] =	ssyncadd.s32 @!p0 s1  }
0xbd: {  	[bflag:$0x3] =	sbarrier.arrive $0xFFFF  }
0xbe: {  	_ =	shalt  }

// kernel: kernel.18.cloned.1.call-start
scs
__scs_entry_jumppad:
0x0: {  	(pc) =	sbr.rel $0x88, $3  }
0x1: {  	(tag) =	ssettag $0x0;
	lr =	simm.s32 $0x1  }
0x2: {  	[smem:$0x3F9B] =	sst lr;
	_ =	strace $0xD0000000  }
0x3: {  	_ = 	snop  }
0x4: {  	_ = 	snop  }
0x5: {  	_ = 	snop  }
0x6: {  	_ = 	snop  }
0x7: {  	_ = 	snop  }
__scs_overlays_trampoline_lowered:
0x8: {  	[smem:$0x3FAA] =	sst s0  }
0x9: {  	[smem:$0x3FAB] =	sst s1  }
0xa: {  	[smem:$0x3FAC] =	sst s2  }
0xb: {  	[smem:$0x3FAD] =	sst s3  }
0xc: {  	[smem:$0x3FAE] =	sst s4  }
0xd: {  	[smem:$0x3FAF] =	sst s5  }
0xe: {  	[smem:$0x3FB0] =	sst s6  }
0xf: {  	[smem:$0x3FB1] =	sst s7  }
0x10: {  	[smem:$0x3FB2] =	sst s8  }
0x11: {  	[smem:$0x3FB3] =	sst s9;
	s0 =	simm.s32 @!p0 $0x0  }
0x12: {  	s1 =	sld [smem:$0x3F99];
	s0 =	simm.s32 @p0 $0x1  }
0x13: {  	[smem:$0x3FB4] =	sst s0;
	s0 =	simm.s32 @!p1 $0x0  }
0x14: {  	s2 =	sld [smem:$0x3F98];
	s0 =	simm.s32 @p1 $0x1  }
0x15: {  	[smem:$0x3FB5] =	sst s0;
	s0 =	simm.s32 @!p2 $0x0  }
0x16: {  	s3 =	sld [smem:$0x3FDB];
	s0 =	simm.s32 @p2 $0x1  }
0x17: {  	s4 =	simm.s32 $0x1BF5;
	[smem:$0x3FB7] =	sst s0  }
0x18: {  	s0 =	sld [smem:$0x3F9A];
	_ =	swait.ge [sflag:s4], $0x0  }
0x19: {  	s7 =	sld [smem:$0x3F9B]  }
0x1a: {  	s8 =	sadd.s32 $0xFFFFE003, lr  }
0x1b: {  	s9 =	sadd.s32 $0xFFFFFEF7, lr;
	s5 =	simm.s32 $0xFFFFFFFF;
	p2 =	slt.u32 s8, $0xFFFFF086  }
0x1c: {  	p1 =	slt.u32 s9, $0xF7A;
	s5 =	simm.s32 @!p2 $0x0  }
0x1d: {  	s5 =	simm.s32 @p1 $0x1;
	p0 =	seq.s32 s7, s2  }
0x1e: {  	s7 =	smul.u32 @!p0 $0xF7A, s2;
	p2 =	seq.s32 @!p0 s5, $0x0  }
0x1f: {  	s9 =	smul.u32 $0xF7A, s1;
	s8 =	simm.s32 @!p0 $0x1BF5;
	p2 =	por !p2, p0  }
0x20: {  	[sflag:s8] =	ssyncset.s32 @!p0 $0xFFFFF086;
	s6 =	sadd.s32 @!p0 s3, s7;
	s7 =	simm.s32 @!p0 $0x108  }
0x21: {  	s3 =	sadd.s32 s3, s9;
	s6 =	sadd.s32 @!p0 $0x88, s6;
	s7 =	simm.s32 @p2 $0x1082  }
0x22: {  	[simem:s7], [sflag:s8] =	dma.local @!p0 [hbm:s6], $0xF7A  }
0x23: {  	s9 =	sor.u32 $0xD0000000, s2;
	s6 =	simm.s32 $0x108;
	_ =	swait.ge @!p0 [sflag:s8], $0x0  }
0x24: {  	s3 =	sadd.s32 $0x88, s3;
	s6 =	simm.s32 @!p1 $0x1082;
	[sflag:s4] =	ssyncset.s32 $0xFFFFF086  }
0x25: {  	[simem:s6], [sflag:s4] =	dma.local [hbm:s3], $0xF7A  }
0x26: {  	[smem:$0x3F9B] =	sst s1;
	(tag) =	ssettag s2;
	_ =	strace s9  }
0x27: {  	s1 =	sld [smem:$0x3FAB]  }
0x28: {  	s2 =	sld [smem:$0x3FAC]  }
0x29: {  	s4 =	sld [smem:$0x3FAE]  }
0x2a: {  	p0 =	seq.s32 s5, $0x0;
	s5 =	sld [smem:$0x3FAF]  }
0x2b: {  	s6 =	sld [smem:$0x3FB0]  }
0x2c: {  	s7 =	sld [smem:$0x3FB1]  }
0x2d: {  	s3 =	simm.s32 $0x108;
	s8 =	sld [smem:$0x3FB2]  }
0x2e: {  	s3 =	simm.s32 @!p0 $0x1082;
	s9 =	sld [smem:$0x3FB3]  }
0x2f: {  	lr =	sadd.s32 s0, s3;
	s0 =	sld [smem:$0x3FAA]  }
0x30: {  	s3 =	sld [smem:$0x3FAD]  }
0x31: {  	[smem:$0x3FB6] =	sst s10  }
0x32: {  	s10 =	sld [smem:$0x3FB4];
	_ =	sdelay $0x3  }
0x33: {  	p0 =	seq.s32 s10, $0x1;
	s10 =	sld [smem:$0x3FB6];
	_ =	sdelay $0x3  }
0x34: {  	[smem:$0x3FB6] =	sst s10  }
0x35: {  	s10 =	sld [smem:$0x3FB5];
	_ =	sdelay $0x3  }
0x36: {  	p1 =	seq.s32 s10, $0x1;
	s10 =	sld [smem:$0x3FB6];
	_ =	sdelay $0x3  }
0x37: {  	[smem:$0x3FB6] =	sst s10  }
0x38: {  	s10 =	sld [smem:$0x3FB7]  }
0x39: {  	_ = 	snop;
	(pc) =	sbr.ind lr, $3  }
0x3a: {  	_ = 	snop  }
0x3b: {  	_ = 	snop  }
0x3c: {  	p2 =	seq.s32 s10, $0x1;
	s10 =	sld [smem:$0x3FB6]  }
0x3d: {  	_ =	shalt  }
0x3e: {  	_ =	shalt  }
0x3f: {  	_ =	shalt  }
0x40: {  	_ =	shalt  }
0x41: {  	_ =	shalt  }
0x42: {  	_ =	shalt  }
0x43: {  	_ =	shalt  }
0x44: {  	_ =	shalt  }
0x45: {  	_ =	shalt  }
0x46: {  	_ =	shalt  }
0x47: {  	_ =	shalt  }
0x48: {  	_ =	shalt  }
0x49: {  	_ =	shalt  }
0x4a: {  	_ =	shalt  }
0x4b: {  	_ =	shalt  }
0x4c: {  	_ =	shalt  }
0x4d: {  	_ =	shalt  }
0x4e: {  	_ =	shalt  }
0x4f: {  	_ =	shalt  }
0x50: {  	_ =	shalt  }
0x51: {  	_ =	shalt  }
0x52: {  	_ =	shalt  }
0x53: {  	_ =	shalt  }
0x54: {  	_ =	shalt  }
0x55: {  	_ =	shalt  }
0x56: {  	_ =	shalt  }
0x57: {  	_ =	shalt  }
0x58: {  	_ =	shalt  }
0x59: {  	_ =	shalt  }
0x5a: {  	_ =	shalt  }
0x5b: {  	_ =	shalt  }
0x5c: {  	_ =	shalt  }
0x5d: {  	_ =	shalt  }
0x5e: {  	_ =	shalt  }
0x5f: {  	_ =	shalt  }
0x60: {  	_ =	shalt  }
0x61: {  	_ =	shalt  }
0x62: {  	_ =	shalt  }
0x63: {  	_ =	shalt  }
0x64: {  	_ =	shalt  }
0x65: {  	_ =	shalt  }
0x66: {  	_ =	shalt  }
0x67: {  	_ =	shalt  }
0x68: {  	_ =	shalt  }
0x69: {  	_ =	shalt  }
0x6a: {  	_ =	shalt  }
0x6b: {  	_ =	shalt  }
0x6c: {  	_ =	shalt  }
0x6d: {  	_ =	shalt  }
0x6e: {  	_ =	shalt  }
0x6f: {  	_ =	shalt  }
0x70: {  	_ =	shalt  }
0x71: {  	_ =	shalt  }
0x72: {  	_ =	shalt  }
0x73: {  	_ =	shalt  }
0x74: {  	_ =	shalt  }
0x75: {  	_ =	shalt  }
0x76: {  	_ =	shalt  }
0x77: {  	_ =	shalt  }
0x78: {  	_ =	shalt  }
0x79: {  	_ =	shalt  }
0x7a: {  	_ =	shalt  }
0x7b: {  	_ =	shalt  }
0x7c: {  	_ =	shalt  }
0x7d: {  	_ =	shalt  }
0x7e: {  	_ =	shalt  }
0x7f: {  	_ =	shalt  }
0x80: {  	_ =	shalt  }
0x81: {  	_ =	shalt  }
0x82: {  	_ =	shalt  }
0x83: {  	_ =	shalt  }
0x84: {  	_ =	shalt  }
0x85: {  	_ =	shalt  }
0x86: {  	_ =	shalt  }
0x87: {  	_ =	shalt  }
.Lfunc_end0:
.L_simem_size_0:
called_computation.3_lowered:
.L_overlay_start_0:
0x88: {  	s2 =	sld [smem:$0x3FD9]  }
0x89: {  	s3 =	sld [smem:$0x3FFE];
	_ =	sdelay $0x1  }
0x8a: {  	s1 =	srdreg.scid  }
0x8b: {  	s0 =	sand.u32 $0x1, s1  }
0x8c: {  	s17 =	sshll.u32 s0, $0xA;
	s2 =	sadd.s32 s3, s2  }
0x8d: {  	s2 =	sadd.s32 s2, s17  }
0x8e: {  	[smem:$0x3FC2] =	sst s2  }
0x8f: {  	_ = 	snop  }
0x90: {  	s2 =	sld [smem:$0x3FD0];
	(tm) =	ssettm $0x1  }
0x91: {  	s18 =	sld [smem:$0x3FFB];
	_ =	sdelay $0x3  }
0x92: {  	_ =	strace s18  }
0x93: {  	s3 =	sld [smem:$0x3FFC];
	_ =	sdelay $0x3  }
0x94: {  	_ =	strace s3  }
0x95: {  	s3 =	sld [smem:$0x3FFD];
	_ =	sdelay $0x3  }
0x96: {  	_ =	strace s3  }
0x97: {  	_ =	strace $0x8FFFFFFF  }
0x98: {  	s19 =	sld [smem:$0x3FDB];
	_ =	sdelay $0x1  }
0x99: {  	s4 =	simm.s32 $_scs_section_size  }
0x9a: {  	s5 =	simm.s32 $_size__tile_overlayer_lowered;
	s6 =	simm.s32 $_tile_overlayer_lowered  }
0x9b: {  	s22 =	simm.s32 $0x1BFF;
	s21 =	sshll.u32 s6, $0x1;
	s3 =	sadd.s32 s4, s19  }
0x9c: {  	s7 =	simm.s32 $0x0;
	s20 =	sshll.u32 s5, $0x1;
	s5 =	sadd.s32 s21, s3  }
0x9d: {  	[timem:s7], [sflag:s22] =	dma.local [hbm:s5], s20  }
0x9e: {  	_ =	swait.ge [sflag:s22], s20  }
0x9f: {  	s4 =	ssub.s32 $0x0, s20;
	[sflag:s22] =	ssyncset.done $0x0  }
0xa0: {  	[sflag:s22] =	ssyncadd.s32 s4;
	_ =	sdelay $0x1  }
0xa1: {  	s23 =	simm.s32 $0x1B8B  }
0xa2: {  	_ =	swait.ge [sflag:s23], $0x1  }
0xa3: {  	[sflag:s23] =	ssyncset.done $0x0  }
0xa4: {  	s25 =	simm.s32 $0x1B8E;
	s24 =	sld [smem:$0x3FFE];
	[sflag:s23] =	ssyncadd.s32 $0xFFFFFFFF  }
0xa5: {  	s26 =	simm.s32 $execute0_lowered;
	[smem:$0x3FD2] =	sst s25  }
0xa6: {  	s5 =	sshll.u32 s26, $0x1;
	_ =	strace $0x8000004F;
	[dreg:$0x1] =	wrdreg $0xFFFFFFFF  }
0xa7: {  	s28 =	simm.s32 $_size_execute0_lowered;
	s3 =	sadd.s32 s3, s5;
	[dreg:$0x0] =	wrdreg $0x0  }
0xa8: {  	s5 =	sshll.u32 s28, $0x1;
	[dreg:$0x2] =	wrdreg s3  }
0xa9: {  	[dreg:$0x3] =	wrdreg s5  }
0xaa: {  	[dreg:$0x4] =	wrdreg $0xC0  }
0xab: {  	_ =	task [dreg:s7], $0x5FFFF  }
0xac: {  	[dreg:$0x1] =	wrdreg $0xFFFFFFFF  }
0xad: {  	[dreg:$0x0] =	wrdreg $0x60  }
0xae: {  	[dreg:$0x2] =	wrdreg s2  }
0xaf: {  	[dreg:$0x3] =	wrdreg s24  }
0xb0: {  	[dreg:$0x4] =	wrdreg $0x15D000  }
0xb1: {  	[dreg:$0x5] =	wrdreg $0x9  }
0xb2: {  	_ =	task.clear_ibuf [dreg:s7], $0x6FFFF;
	_ =	strace $0x9000004F  }
0xb3: {  	s29 =	simm.s32 $0x9;
	_ =	strace $0x80000051  }
0xb4: {  	_ =	swait.ge [sflag:s29], $0x1  }
0xb5: {  	[sflag:s29] =	ssyncadd.s32 $0xFFFFFFFF  }
0xb6: {  	_ =	strace $0x90000051  }
0xb7: {  	_ =	sfence  }
0xb8: {  	s30 =	sld [smem:$0x0];
	_ =	sdelay $0x2  }
0xb9: {  	s31 =	sshll.u32 s1, $0xD;
	s1 =	sshrl.u32 s1, $0x2  }
0xba: {  	s3 =	sand.u32 $0x4000, s31;
	s1 =	sadd.s32 s1, s30  }
0xbb: {  	s0 =	sor.u32 s3, s0;
	s1 =	sshll.u32 s1, $0x11  }
0xbc: {  	s0 =	sor.u32 s1, s0  }
0xbd: {  	s0 =	sadd.s32 $0x8F2B, s0  }
0xbe: {  	[sflag:s0] =	ssyncadd.remote.s32 $0x1  }
0xbf: {  	_ =	sfence.sel $0xFFFF  }
0xc0: {  	[dreg:$0x0] =	wrdreg $0xFFFFFFFF;
	(pc) =	sbr.abs _section_cstart, $3  }
0xc1: {  	[dreg:$0x1] =	wrdreg $0xFFFFFFFF  }
0xc2: {  	_ =	task.clear_ibuf [dreg:s7], $0x2FFFF;
	_ =	strace $0x9FFFFFFF  }
0xc3: {  	(tm) =	ssettm $0x7FFFFFFF  }
tec
execute0_lowered:
.L_overlay_start_1:
0x0: {  	(tag) =	ssettag $0x1  }
0x1: {  	s2 =	rddreg [dreg:$0x0]  }
0x2: {  	s0 =	rddreg [dreg:$0x1]  }
0x3: {  	s3 =	rddreg [dreg:$0x2];
	s12 =	stileid.u32;
	s4 =	simm.s32 $0x0  }
0x4: {  	s5 =	srdreg.scid;
	s14 =	simm.s32 $0x80;
	s19 =	simm.s32 $0x180  }
0x5: {  	s20 =	simm.s32 $0xFD00;
	s21 =	simm.s32 $0x200;
	s22 =	simm.s32 $0x11D00  }
0x6: {  	s28 =	simm.s32 $0xB;
	s29 =	simm.s32 $0xC;
	s1 =	smul.u32 $0x9D0, s12  }
0x7: {  	s30 =	simm.s32 $0x1;
	s31 =	simm.s32 $0x10;
	s23 =	smul.u32 $0x13C00, s12  }
0x8: {  	[smem:$0x7FF] =	sst s4;
	s10 =	sand.u32 $0x1, s5;
	s9 =	smul.u32 $0x27800, s12  }
0x9: {  	s26 =	sshll.u32 s12, $0x6;
	_ =	strace $0x80000050;
	s6 =	sshll.u32 s10, $0x6  }
0xa: {  	s24 =	ssub.s32 $0x2, s10;
	p0 =	seq.s32 s10, $0x0;
	s10 =	simm.s32 $0xD  }
0xb: {  	s12 =	sor.u32 $0x1C0D, s26;
	s26 =	simm.s32 $0xA;
	s1 =	sadd.s32 s1, s0  }
0xc: {  	s5 =	sor.u32 s6, s23;
	s8 =	sshrl.u32 s24, $0x1;
	s25 =	sshrl.u32 s9, $0x2  }
.Ltmp0:
0xd: {  	s23 =	simm.s32 $0x7;
	s7 =	sshrl.u32 s5, $0x3;
	(pc) =	sbr.rel .LBB2_1-.Ltmp0, $4  }
0xe: {  	s5 =	sadd.s32 $0x16600, s0;
	s11 =	ssub.s32 s24, s8;
	s6 =	sadd.s32 $0xC800, s1  }
0xf: {  	s24 =	simm.s32 $0x8;
	s0 =	sadd.s32 s7, s0;
	s7 =	sadd.s32 $0x2200, s1  }
0x10: {  	s1 =	sadd.s32 s25, s3;
	s9 =	smax.u32 s11, $0x1;
	s25 =	simm.s32 $0x9  }
0x11: {  	s8 =	sadd.s32 $0x17A00, s0;
	s13 =	sshrl.u32 s1, $0x3;
	s0 =	simm.s32 $0x0  }
.LBB2_10:
0x12: {  	_ =	swait.ge [sflag:s23], $0x2000  }
0x13: {  	[sflag:s23] =	ssyncset.done $0x0  }
0x14: {  	[sflag:s23] =	ssyncadd.s32 $0xFFFFE000  }
0x15: {  	_ =	swait.ge [sflag:s24], $0x2000  }
0x16: {  	[sflag:s24] =	ssyncset.done $0x0  }
0x17: {  	[sflag:s24] =	ssyncadd.s32 $0xFFFFE000  }
0x18: {  	_ =	swait.ge [sflag:s25], $0x2000  }
0x19: {  	[sflag:s25] =	ssyncset.done $0x0  }
0x1a: {  	[sflag:s25] =	ssyncadd.s32 $0xFFFFE000  }
0x1b: {  	_ =	swait.ge [sflag:s26], $0x2000  }
0x1c: {  	[sflag:s26] =	ssyncset.done $0x0  }
0x1d: {  	[sflag:s26] =	ssyncadd.s32 $0xFFFFE000  }
0x1e: {  	_ =	swait.ge [sflag:s28], $0x2000  }
0x1f: {  	[sflag:s28] =	ssyncset.done $0x0  }
0x20: {  	[sflag:s28] =	ssyncadd.s32 $0xFFFFE000  }
0x21: {  	_ =	swait.ge [sflag:s29], $0x2000  }
0x22: {  	s0 =	sadd.s32 $0x1, s0;
	[sflag:s29] =	ssyncset.done $0x0  }
0x23: {  	p1 =	sne.s32 s0, s9;
	[sflag:s29] =	ssyncadd.s32 $0xFFFFE000  }
.Ltmp1:
0x24: {  	[bflag:$0x0] =	sbarrier.arrive $0xFFFF;
	(pc) =	sbr.rel @!p1 .LBB2_11-.Ltmp1, $4  }
0x25: {  	[hbm:s8@s31], [sflag:s12] =	dma.strided [spmem:s13@s24], $0x13C0, s30, $0x8   }
0x26: {  	_ =	swait.ge [sflag:s10], $0x13C0  }
0x27: {  	[sflag:s10] =	ssyncset.done $0x0  }
0x28: {  	[sflag:s10] =	ssyncadd.s32 $0xFFFFEC40  }
.LBB2_1:
0x29: {  	[tilespmem:s4], [sflag:$0xD] =	stream.linear.gather [hbm4b:s6+s4], $0x4E80, $0x38;
	[tilespmem:$0x1FB00] =	vst v63  }
0x2a: {  	_ =	swait.ge [sflag:s10], $0x4E80  }
0x2b: {  	[sflag:s10] =	ssyncset.done $0x0  }
0x2c: {  	s1 =	simm.s32 $0x4E80;
	[sflag:s10] =	ssyncadd.s32 $0xFFFFB180  }
0x2d: {  	[tilespmem:s1], [sflag:$0xD] =	stream.linear.gather [hbm4b:s7+s4], $0x4E80, $0x38;
	[tilespmem:$0x1FB00] =	vst v63  }
0x2e: {  	_ =	swait.ge [sflag:s10], $0x4E80  }
0x2f: {  	[sflag:s10] =	ssyncset.done $0x0  }
.Ltmp2:
0x30: {  	[sflag:s10] =	ssyncadd.s32 $0xFFFFB180;
	(pc) =	sbr.rel @p0 .LBB2_5-.Ltmp2, $4  }
0x31: {  	[spmem:s13], [sflag:s12] =	dma.local [hbm:s5], $0x13C0  }
0x32: {  	_ =	swait.ge [sflag:s10], $0x13C0  }
0x33: {  	[sflag:s10] =	ssyncset.done $0x0  }
0x34: {  	[sflag:s10] =	ssyncadd.s32 $0xFFFFEC40  }
0x35: {  	s1 =	simm.s32 $0x0  }
0x36: {  	v2 =	vld [tilespmem:s1+$0x0]  }
0x37: {  	v4 =	vld [tilespmem:s1+$0x10]  }
0x38: {  	v3 =	vld [tilespmem:s1+$0x20]  }
0x39: {  	v1 =	vld [tilespmem:s1+$0x30]  }
0x3a: {  	v0 =	vld [tilespmem:s1+$0x40]  }
0x3b: {  	v5 =	vadd.s32 $0x1, v2;
	v2 =	vld [tilespmem:s1+$0x50]  }
0x3c: {  	s11 =	simm.s32 $0x200;
	[tilespmem:s1+$0x0] =	vst v5;
	v5 =	vadd.s32 $0x1, v4;
	v4 =	vld [tilespmem:s1+$0x60]  }
.LBB2_3:
0x3d: {  	s15 =	sshra.s32 s11, $0x2;
	p1 =	sne.s32 s11, $0x13800;
	[tilespmem:s1+$0x10] =	vst v5;
	v3 =	vadd.s32 $0x1, v3;
	v5 =	vld [tilespmem:s1+$0x70]  }
0x3e: {  	v6 =	vld [tilespmem:s15+$0x0];
	[tilespmem:s1+$0x20] =	vst v3;
	v1 =	vadd.s32 $0x1, v1  }
0x3f: {  	v7 =	vld [tilespmem:s15+$0x10];
	[tilespmem:s1+$0x30] =	vst v1;
	v0 =	vadd.s32 $0x1, v0  }
.Ltmp3:
0x40: {  	v3 =	vld [tilespmem:s15+$0x20];
	[tilespmem:s1+$0x40] =	vst v0;
	v0 =	vadd.s32 $0x1, v2;
	(pc) =	sbr.rel @p1 .LBB2_3-.Ltmp3, $4  }
0x41: {  	v1 =	vld [tilespmem:s15+$0x30];
	[tilespmem:s1+$0x50] =	vst v0;
	v2 =	vadd.s32 $0x1, v4  }
0x42: {  	v0 =	vld [tilespmem:s15+$0x40];
	[tilespmem:s1+$0x60] =	vst v2;
	v4 =	vadd.s32 $0x1, v5  }
0x43: {  	v5 =	vadd.s32 $0x1, v6;
	v2 =	vld [tilespmem:s15+$0x50];
	[tilespmem:s1+$0x70] =	vst v4;
	s1 =	smov.u32 s15  }
0x44: {  	s11 =	sadd.s32 $0x200, s11;
	[tilespmem:s1+$0x0] =	vst v5;
	v5 =	vadd.s32 $0x1, v7;
	v4 =	vld [tilespmem:s1+$0x60]  }
0x45: {  	[tilespmem:s1+$0x10] =	vst v5;
	v3 =	vadd.s32 $0x1, v3;
	v60 =	vld [tilespmem:s1+$0x70]  }
0x46: {  	[tilespmem:s1+$0x20] =	vst v3;
	v1 =	vadd.s32 $0x1, v1  }
0x47: {  	[tilespmem:s1+$0x30] =	vst v1;
	v0 =	vadd.s32 $0x1, v0  }
0x48: {  	[tilespmem:s1+$0x40] =	vst v0;
	v61 =	vadd.s32 $0x1, v2  }
0x49: {  	[tilespmem:s1+$0x50] =	vst v61;
	v62 =	vadd.s32 $0x1, v4  }
0x4a: {  	[tilespmem:s1+$0x60] =	vst v62;
	v63 =	vadd.s32 $0x1, v60  }
0x4b: {  	[tilespmem:s1+$0x70] =	vst v63  }
.LBB2_5:
0x4c: {  	[bflag:$0x0] =	sbarrier.arrive $0xFFFF;
	s1 =	simm.s32 $0x0;
	s11 =	simm.s32 $0x9D00  }
0x4d: {  	[tilespmem:s11], [sflag:$0x1] =	stream.indirect.gather [hbm4b:s2+s14], $0x40, s1, s14, $0xb8;
	[tilespmem:$0x1FB00] =	vst v63  }
0x4e: {  	s17 =	simm.s32 $0xBD00  }
0x4f: {  	[tilespmem:s17], [sflag:$0x2] =	stream.indirect.gather [hbm4b:s2+s14], $0x40, s14, s14, $0xb8;
	[tilespmem:$0x1FB00] =	vst v63  }
0x50: {  	s18 =	simm.s32 $0x100;
	s15 =	simm.s32 $0xDD00  }
0x51: {  	[tilespmem:s15], [sflag:$0x3] =	stream.indirect.gather [hbm4b:s2+s14], $0x40, s18, s14, $0xb8;
	[tilespmem:$0x1FB00] =	vst v63  }
.Ltmp4:
0x52: {  	_ = 	snop;
	(pc) =	sbr.rel .LBB2_6-.Ltmp4, $4  }
0x53: {  	_ = 	snop  }
0x54: {  	[tilespmem:s20], [sflag:$0x4] =	stream.indirect.gather [hbm4b:s2+s14], $0x40, s19, s14, $0xb8;
	[tilespmem:$0x1FB00] =	vst v63  }
0x55: {  	s11 =	simm.s32 $0x280;
	s15 =	simm.s32 $0x4E80  }
0x56: {  	[tilespmem:s22], [sflag:$0x5] =	stream.indirect.gather [hbm4b:s2+s14], $0x40, s21, s14, $0xb8;
	[tilespmem:$0x1FB00] =	vst v63  }
.LBB2_8:
0x57: {  	p1 =	seq.s32 s16, $0x3  }
0x58: {  	s17 =	simm.s32 @p1 $0x4  }
0x59: {  	_ =	swait.ge @p1 [sflag:s17], $0x2000  }
0x5a: {  	p2 =	sgt.u32 @p1 s1, $0x97;
	s18 =	simm.s32 @p1 $0xFD00;
	[sflag:s17] =	ssyncset.done @p1 $0x0  }
0x5b: {  	p2 =	por p2, !p1;
	[sflag:s17] =	ssyncadd.s32 @p1 $0xFFFFE000;
	s17 =	simm.s32 @p1 $0x80  }
0x5c: {  	[spmem:s3] =	stream.indirect.scatter.add.f32 @p1 [tilespmem:s18], [sflag:$0xA], $0x40, s15, s17, $0xb8;
	[tilespmem:$0x1FB00] =	vst v63  }
0x5d: {  	s17 =	simm.s32 @!p2 $0x9  }
0x5e: {  	_ =	swait.ge @!p2 [sflag:s17], $0x2000  }
0x5f: {  	[sflag:s17] =	ssyncset.done @!p2 $0x0  }
0x60: {  	s18 =	simm.s32 @!p2 $0xDD00;
	[sflag:s17] =	ssyncadd.s32 @!p2 $0xFFFFE000;
	s17 =	simm.s32 @!p2 $0x80  }
0x61: {  	[tilespmem:s18], [sflag:$0x3] =	stream.indirect.gather @!p2 [hbm4b:s2+s17], $0x40, s11, s17, $0xb8;
	[tilespmem:$0x1FB00] =	vst v63  }
0x62: {  	p2 =	seq.s32 @!p1 s16, $0x4  }
0x63: {  	p3 =	por !p2, p1  }
0x64: {  	s16 =	simm.s32 @!p3 $0x5  }
0x65: {  	_ =	swait.ge @!p3 [sflag:s16], $0x2000  }
0x66: {  	p4 =	sgt.u32 @!p3 s1, $0x97;
	[sflag:s16] =	ssyncset.done @!p3 $0x0  }
0x67: {  	s17 =	simm.s32 @!p3 $0x11D00;
	[sflag:s16] =	ssyncadd.s32 @!p3 $0xFFFFE000;
	s16 =	simm.s32 @!p3 $0x80  }
0x68: {  	[spmem:s3] =	stream.indirect.scatter.add.f32 @!p3 [tilespmem:s17], [sflag:$0xB], $0x40, s15, s16, $0xb8;
	[tilespmem:$0x1FB00] =	vst v63  }
0x69: {  	p3 =	por @!p1 p4, !p2  }
0x6a: {  	p3 =	por p3, p1  }
0x6b: {  	s16 =	simm.s32 @!p3 $0xA  }
0x6c: {  	_ =	swait.ge @!p3 [sflag:s16], $0x2000  }
0x6d: {  	[sflag:s16] =	ssyncset.done @!p3 $0x0  }
0x6e: {  	s17 =	simm.s32 @!p3 $0xFD00;
	[sflag:s16] =	ssyncadd.s32 @!p3 $0xFFFFE000;
	s16 =	simm.s32 @!p3 $0x80  }
0x6f: {  	[tilespmem:s17], [sflag:$0x4] =	stream.indirect.gather @!p3 [hbm4b:s2+s16], $0x40, s11, s16, $0xb8;
	[tilespmem:$0x1FB00] =	vst v63  }
0x70: {  	p3 =	por p2, p1  }
0x71: {  	s16 =	simm.s32 @!p3 $0x6  }
0x72: {  	p4 =	sgt.u32 @!p3 s1, $0x97;
	_ =	swait.ge @!p3 [sflag:s16], $0x2000  }
0x73: {  	s17 =	simm.s32 @!p3 $0x13D00;
	p2 =	por @!p1 p4, p2;
	[sflag:s16] =	ssyncset.done @!p3 $0x0  }
0x74: {  	p1 =	por p2, p1;
	[sflag:s16] =	ssyncadd.s32 @!p3 $0xFFFFE000;
	s16 =	simm.s32 @!p3 $0x80  }
0x75: {  	[spmem:s3] =	stream.indirect.scatter.add.f32 @!p3 [tilespmem:s17], [sflag:$0xC], $0x40, s15, s16, $0xb8;
	[tilespmem:$0x1FB00] =	vst v63  }
0x76: {  	s16 =	simm.s32 @!p1 $0xB  }
0x77: {  	_ =	swait.ge @!p1 [sflag:s16], $0x2000  }
0x78: {  	[sflag:s16] =	ssyncset.done @!p1 $0x0  }
0x79: {  	s17 =	simm.s32 @!p1 $0x11D00;
	[sflag:s16] =	ssyncadd.s32 @!p1 $0xFFFFE000;
	s16 =	simm.s32 @!p1 $0x80  }
0x7a: {  	[tilespmem:s17], [sflag:$0x5] =	stream.indirect.gather @!p1 [hbm4b:s2+s16], $0x40, s11, s16, $0xb8;
	[tilespmem:$0x1FB00] =	vst v63  }
.LBB2_9:
0x7b: {  	s1 =	sadd.s32 $0x1, s1  }
0x7c: {  	p1 =	sne.s32 s1, $0x9D  }
.Ltmp5:
0x7d: {  	_ = 	snop;
	(pc) =	sbr.rel @!p1 .LBB2_10-.Ltmp5, $2  }
0x7e: {  	_ =	sdelay $0x2  }
0x7f: {  	s11 =	sadd.s32 $0x80, s11;
	s15 =	sadd.s32 $0x80, s15  }
.LBB2_6:
0x80: {  	s16 =	smul.u32 $0xAB, s1;
	_ =	sdelay $0x1  }
0x81: {  	s16 =	sshrl.u32 s16, $0xA  }
0x82: {  	s16 =	sand.u32 $0x3F, s16  }
0x83: {  	s16 =	smul.u32 $0x6, s16;
	_ =	sdelay $0x1  }
0x84: {  	s16 =	ssub.s32 s1, s16  }
0x85: {  	s16 =	sand.u32 $0xFF, s16  }
0x86: {  	p1 =	sgt.s32 s16, $0x2  }
.Ltmp6:
0x87: {  	_ = 	snop;
	(pc) =	sbr.rel @p1 .LBB2_8-.Ltmp6, $1  }
0x88: {  	_ =	sdelay $0x3  }
0x89: {  	p1 =	seq.s32 s16, $0x0  }
0x8a: {  	s17 =	simm.s32 @p1 $0x1;
	p2 =	sgt.u32 @p1 s1, $0x97  }
0x8b: {  	_ =	swait.ge @p1 [sflag:s17], $0x2000;
	p3 =	por p2, !p1  }
0x8c: {  	s18 =	simm.s32 @p1 $0x9D00;
	[sflag:s17] =	ssyncset.done @p1 $0x0;
	p4 =	seq.s32 @!p3 s1, $0x0  }
0x8d: {  	[sflag:s17] =	ssyncadd.s32 @p1 $0xFFFFE000;
	s17 =	simm.s32 @p1 $0x80;
	p2 =	por @p1 p4, p2  }
0x8e: {  	[spmem:s3] =	stream.indirect.scatter.add.f32 @p1 [tilespmem:s18], [sflag:$0x7], $0x40, s15, s17, $0xb8;
	[tilespmem:$0x1FB00] =	vst v63  }
0x8f: {  	p2 =	por p2, !p1  }
0x90: {  	s17 =	simm.s32 @!p2 $0xC  }
0x91: {  	_ =	swait.ge @!p2 [sflag:s17], $0x2000  }
0x92: {  	s18 =	simm.s32 @!p3 $0x13D00;
	[sflag:s17] =	ssyncset.done @!p2 $0x0  }
0x93: {  	[sflag:s17] =	ssyncadd.s32 @!p2 $0xFFFFE000;
	s17 =	simm.s32 @!p3 $0x80;
	p2 =	seq.s32 @!p1 s16, $0x1  }
0x94: {  	[tilespmem:s18], [sflag:$0x6] =	stream.indirect.gather @!p3 [hbm4b:s2+s17], $0x40, s11, s17, $0xb8;
	[tilespmem:$0x1FB00] =	vst v63  }
0x95: {  	p3 =	por !p2, p1  }
0x96: {  	s16 =	simm.s32 @!p3 $0x2  }
0x97: {  	_ =	swait.ge @!p3 [sflag:s16], $0x2000  }
0x98: {  	p4 =	sgt.u32 @!p3 s1, $0x97;
	[sflag:s16] =	ssyncset.done @!p3 $0x0  }
0x99: {  	s17 =	simm.s32 @!p3 $0xBD00;
	[sflag:s16] =	ssyncadd.s32 @!p3 $0xFFFFE000;
	s16 =	simm.s32 @!p3 $0x80  }
0x9a: {  	[spmem:s3] =	stream.indirect.scatter.add.f32 @!p3 [tilespmem:s17], [sflag:$0x8], $0x40, s15, s16, $0xb8;
	[tilespmem:$0x1FB00] =	vst v63  }
0x9b: {  	p3 =	por @!p1 p4, !p2  }
0x9c: {  	p3 =	por p3, p1  }
0x9d: {  	s16 =	simm.s32 @!p3 $0x7  }
0x9e: {  	_ =	swait.ge @!p3 [sflag:s16], $0x2000  }
0x9f: {  	[sflag:s16] =	ssyncset.done @!p3 $0x0  }
0xa0: {  	s17 =	simm.s32 @!p3 $0x9D00;
	[sflag:s16] =	ssyncadd.s32 @!p3 $0xFFFFE000;
	s16 =	simm.s32 @!p3 $0x80  }
0xa1: {  	[tilespmem:s17], [sflag:$0x1] =	stream.indirect.gather @!p3 [hbm4b:s2+s16], $0x40, s11, s16, $0xb8;
	[tilespmem:$0x1FB00] =	vst v63  }
0xa2: {  	p3 =	por p2, p1  }
0xa3: {  	s16 =	simm.s32 @!p3 $0x3  }
0xa4: {  	p4 =	sgt.u32 @!p3 s1, $0x97;
	_ =	swait.ge @!p3 [sflag:s16], $0x2000  }
0xa5: {  	s17 =	simm.s32 @!p3 $0xDD00;
	p2 =	por @!p1 p4, p2;
	[sflag:s16] =	ssyncset.done @!p3 $0x0  }
0xa6: {  	p1 =	por p2, p1;
	[sflag:s16] =	ssyncadd.s32 @!p3 $0xFFFFE000;
	s16 =	simm.s32 @!p3 $0x80  }
0xa7: {  	[spmem:s3] =	stream.indirect.scatter.add.f32 @!p3 [tilespmem:s17], [sflag:$0x9], $0x40, s15, s16, $0xb8;
	[tilespmem:$0x1FB00] =	vst v63  }
.Ltmp7:
0xa8: {  	s16 =	simm.s32 @!p1 $0x8;
	(pc) =	sbr.rel .LBB2_9-.Ltmp7, $4  }
0xa9: {  	_ =	swait.ge @!p1 [sflag:s16], $0x2000  }
0xaa: {  	[sflag:s16] =	ssyncset.done @!p1 $0x0  }
0xab: {  	s17 =	simm.s32 @!p1 $0xBD00;
	[sflag:s16] =	ssyncadd.s32 @!p1 $0xFFFFE000;
	s16 =	simm.s32 @!p1 $0x80  }
0xac: {  	[tilespmem:s17], [sflag:$0x2] =	stream.indirect.gather @!p1 [hbm4b:s2+s16], $0x40, s11, s16, $0xb8;
	[tilespmem:$0x1FB00] =	vst v63  }
.LBB2_11:
0xad: {  	_ =	sfence.sel $0x180000  }
0xae: {  	[bflag:$0x0] =	sbarrier.arrive $0xFFFF  }
0xaf: {  	_ =	strace $0x90000050  }
0xb0: {  	s0 =	stileid.u32;
	[bflag:$0x2] =	sbarrier.arrive $0xFFFF  }
0xb1: {  	p0 =	sne.s32 s0, $0x0;
	s0 =	rddreg [dreg:$0x3]  }
0xb2: {  	s0 =	sadd.s32 @!p0 $0x100000, s0  }
0xb3: {  	[sflag:s0] =	ssyncadd.tile.s32 @!p0 $0x1;
	_ =	shalt  }
.Lfunc_end2:
_tile_overlayer_lowered:
.L_overlay_start_2:
0xb4: {  	(tag) =	ssettag $0x2  }
0xb5: {  	s0 =	rddreg [dreg:$0x0];
	s2 =	stileid.u32  }
0xb6: {  	s1 =	rddreg [dreg:$0x1];
	p0 =	sne.s32 s2, $0x0  }
0xb7: {  	s3 =	rddreg [dreg:$0x2];
	[bflag:$0x3] =	sbarrier.arrive $0xFFFF;
	s2 =	simm.s32 @!p0 $0x1C0D  }
0xb8: {  	[timem:s3], [sflag:s2] =	dma.local @!p0 [hbm:s0], s1  }
0xb9: {  	s0 =	simm.s32 @!p0 $0xD  }
0xba: {  	_ =	swait.ge @!p0 [sflag:s0], s1  }
0xbb: {  	s1 =	ssub.s32 @!p0 $0x0, s1;
	[sflag:s0] =	ssyncset.done @!p0 $0x0  }
0xbc: {  	[sflag:s0] =	ssyncadd.s32 @!p0 s1  }
0xbd: {  	[bflag:$0x3] =	sbarrier.arrive $0xFFFF  }
0xbe: {  	_ =	shalt  }

// kernel: kernel.9.cloned.1.call-start
scs
__scs_entry_jumppad:
0x0: {  	(pc) =	sbr.rel $0x88, $3  }
0x1: {  	(tag) =	ssettag $0x0;
	lr =	simm.s32 $0x1  }
0x2: {  	[smem:$0x3F9B] =	sst lr;
	_ =	strace $0xD0000000  }
0x3: {  	_ = 	snop  }
0x4: {  	_ = 	snop  }
0x5: {  	_ = 	snop  }
0x6: {  	_ = 	snop  }
0x7: {  	_ = 	snop  }
__scs_overlays_trampoline_lowered:
0x8: {  	[smem:$0x3FAA] =	sst s0  }
0x9: {  	[smem:$0x3FAB] =	sst s1  }
0xa: {  	[smem:$0x3FAC] =	sst s2  }
0xb: {  	[smem:$0x3FAD] =	sst s3  }
0xc: {  	[smem:$0x3FAE] =	sst s4  }
0xd: {  	[smem:$0x3FAF] =	sst s5  }
0xe: {  	[smem:$0x3FB0] =	sst s6  }
0xf: {  	[smem:$0x3FB1] =	sst s7  }
0x10: {  	[smem:$0x3FB2] =	sst s8  }
0x11: {  	[smem:$0x3FB3] =	sst s9;
	s0 =	simm.s32 @!p0 $0x0  }
0x12: {  	s1 =	sld [smem:$0x3F99];
	s0 =	simm.s32 @p0 $0x1  }
0x13: {  	[smem:$0x3FB4] =	sst s0;
	s0 =	simm.s32 @!p1 $0x0  }
0x14: {  	s2 =	sld [smem:$0x3F98];
	s0 =	simm.s32 @p1 $0x1  }
0x15: {  	[smem:$0x3FB5] =	sst s0;
	s0 =	simm.s32 @!p2 $0x0  }
0x16: {  	s3 =	sld [smem:$0x3FDB];
	s0 =	simm.s32 @p2 $0x1  }
0x17: {  	s4 =	simm.s32 $0x1BF5;
	[smem:$0x3FB7] =	sst s0  }
0x18: {  	s0 =	sld [smem:$0x3F9A];
	_ =	swait.ge [sflag:s4], $0x0  }
0x19: {  	s7 =	sld [smem:$0x3F9B]  }
0x1a: {  	s8 =	sadd.s32 $0xFFFFE003, lr  }
0x1b: {  	s9 =	sadd.s32 $0xFFFFFEF7, lr;
	s5 =	simm.s32 $0xFFFFFFFF;
	p2 =	slt.u32 s8, $0xFFFFF086  }
0x1c: {  	p1 =	slt.u32 s9, $0xF7A;
	s5 =	simm.s32 @!p2 $0x0  }
0x1d: {  	s5 =	simm.s32 @p1 $0x1;
	p0 =	seq.s32 s7, s2  }
0x1e: {  	s7 =	smul.u32 @!p0 $0xF7A, s2;
	p2 =	seq.s32 @!p0 s5, $0x0  }
0x1f: {  	s9 =	smul.u32 $0xF7A, s1;
	s8 =	simm.s32 @!p0 $0x1BF5;
	p2 =	por !p2, p0  }
0x20: {  	[sflag:s8] =	ssyncset.s32 @!p0 $0xFFFFF086;
	s6 =	sadd.s32 @!p0 s3, s7;
	s7 =	simm.s32 @!p0 $0x108  }
0x21: {  	s3 =	sadd.s32 s3, s9;
	s6 =	sadd.s32 @!p0 $0x88, s6;
	s7 =	simm.s32 @p2 $0x1082  }
0x22: {  	[simem:s7], [sflag:s8] =	dma.local @!p0 [hbm:s6], $0xF7A  }
0x23: {  	s9 =	sor.u32 $0xD0000000, s2;
	s6 =	simm.s32 $0x108;
	_ =	swait.ge @!p0 [sflag:s8], $0x0  }
0x24: {  	s3 =	sadd.s32 $0x88, s3;
	s6 =	simm.s32 @!p1 $0x1082;
	[sflag:s4] =	ssyncset.s32 $0xFFFFF086  }
0x25: {  	[simem:s6], [sflag:s4] =	dma.local [hbm:s3], $0xF7A  }
0x26: {  	[smem:$0x3F9B] =	sst s1;
	(tag) =	ssettag s2;
	_ =	strace s9  }
0x27: {  	s1 =	sld [smem:$0x3FAB]  }
0x28: {  	s2 =	sld [smem:$0x3FAC]  }
0x29: {  	s4 =	sld [smem:$0x3FAE]  }
0x2a: {  	p0 =	seq.s32 s5, $0x0;
	s5 =	sld [smem:$0x3FAF]  }
0x2b: {  	s6 =	sld [smem:$0x3FB0]  }
0x2c: {  	s7 =	sld [smem:$0x3FB1]  }
0x2d: {  	s3 =	simm.s32 $0x108;
	s8 =	sld [smem:$0x3FB2]  }
0x2e: {  	s3 =	simm.s32 @!p0 $0x1082;
	s9 =	sld [smem:$0x3FB3]  }
0x2f: {  	lr =	sadd.s32 s0, s3;
	s0 =	sld [smem:$0x3FAA]  }
0x30: {  	s3 =	sld [smem:$0x3FAD]  }
0x31: {  	[smem:$0x3FB6] =	sst s10  }
0x32: {  	s10 =	sld [smem:$0x3FB4];
	_ =	sdelay $0x3  }
0x33: {  	p0 =	seq.s32 s10, $0x1;
	s10 =	sld [smem:$0x3FB6];
	_ =	sdelay $0x3  }
0x34: {  	[smem:$0x3FB6] =	sst s10  }
0x35: {  	s10 =	sld [smem:$0x3FB5];
	_ =	sdelay $0x3  }
0x36: {  	p1 =	seq.s32 s10, $0x1;
	s10 =	sld [smem:$0x3FB6];
	_ =	sdelay $0x3  }
0x37: {  	[smem:$0x3FB6] =	sst s10  }
0x38: {  	s10 =	sld [smem:$0x3FB7]  }
0x39: {  	_ = 	snop;
	(pc) =	sbr.ind lr, $3  }
0x3a: {  	_ = 	snop  }
0x3b: {  	_ = 	snop  }
0x3c: {  	p2 =	seq.s32 s10, $0x1;
	s10 =	sld [smem:$0x3FB6]  }
0x3d: {  	_ =	shalt  }
0x3e: {  	_ =	shalt  }
0x3f: {  	_ =	shalt  }
0x40: {  	_ =	shalt  }
0x41: {  	_ =	shalt  }
0x42: {  	_ =	shalt  }
0x43: {  	_ =	shalt  }
0x44: {  	_ =	shalt  }
0x45: {  	_ =	shalt  }
0x46: {  	_ =	shalt  }
0x47: {  	_ =	shalt  }
0x48: {  	_ =	shalt  }
0x49: {  	_ =	shalt  }
0x4a: {  	_ =	shalt  }
0x4b: {  	_ =	shalt  }
0x4c: {  	_ =	shalt  }
0x4d: {  	_ =	shalt  }
0x4e: {  	_ =	shalt  }
0x4f: {  	_ =	shalt  }
0x50: {  	_ =	shalt  }
0x51: {  	_ =	shalt  }
0x52: {  	_ =	shalt  }
0x53: {  	_ =	shalt  }
0x54: {  	_ =	shalt  }
0x55: {  	_ =	shalt  }
0x56: {  	_ =	shalt  }
0x57: {  	_ =	shalt  }
0x58: {  	_ =	shalt  }
0x59: {  	_ =	shalt  }
0x5a: {  	_ =	shalt  }
0x5b: {  	_ =	shalt  }
0x5c: {  	_ =	shalt  }
0x5d: {  	_ =	shalt  }
0x5e: {  	_ =	shalt  }
0x5f: {  	_ =	shalt  }
0x60: {  	_ =	shalt  }
0x61: {  	_ =	shalt  }
0x62: {  	_ =	shalt  }
0x63: {  	_ =	shalt  }
0x64: {  	_ =	shalt  }
0x65: {  	_ =	shalt  }
0x66: {  	_ =	shalt  }
0x67: {  	_ =	shalt  }
0x68: {  	_ =	shalt  }
0x69: {  	_ =	shalt  }
0x6a: {  	_ =	shalt  }
0x6b: {  	_ =	shalt  }
0x6c: {  	_ =	shalt  }
0x6d: {  	_ =	shalt  }
0x6e: {  	_ =	shalt  }
0x6f: {  	_ =	shalt  }
0x70: {  	_ =	shalt  }
0x71: {  	_ =	shalt  }
0x72: {  	_ =	shalt  }
0x73: {  	_ =	shalt  }
0x74: {  	_ =	shalt  }
0x75: {  	_ =	shalt  }
0x76: {  	_ =	shalt  }
0x77: {  	_ =	shalt  }
0x78: {  	_ =	shalt  }
0x79: {  	_ =	shalt  }
0x7a: {  	_ =	shalt  }
0x7b: {  	_ =	shalt  }
0x7c: {  	_ =	shalt  }
0x7d: {  	_ =	shalt  }
0x7e: {  	_ =	shalt  }
0x7f: {  	_ =	shalt  }
0x80: {  	_ =	shalt  }
0x81: {  	_ =	shalt  }
0x82: {  	_ =	shalt  }
0x83: {  	_ =	shalt  }
0x84: {  	_ =	shalt  }
0x85: {  	_ =	shalt  }
0x86: {  	_ =	shalt  }
0x87: {  	_ =	shalt  }
.Lfunc_end0:
.L_simem_size_0:
called_computation_lowered:
.L_overlay_start_0:
0x88: {  	s2 =	sld [smem:$0x3FD9]  }
0x89: {  	s3 =	sld [smem:$0x3FFE];
	_ =	sdelay $0x1  }
0x8a: {  	s1 =	srdreg.scid  }
0x8b: {  	s0 =	sand.u32 $0x1, s1  }
0x8c: {  	s17 =	sshll.u32 s0, $0xA;
	s2 =	sadd.s32 s3, s2  }
0x8d: {  	s2 =	sadd.s32 s2, s17  }
0x8e: {  	[smem:$0x3FC2] =	sst s2  }
0x8f: {  	_ = 	snop  }
0x90: {  	s2 =	sld [smem:$0x3FD0];
	(tm) =	ssettm $0x1  }
0x91: {  	s18 =	sld [smem:$0x3FFB];
	_ =	sdelay $0x3  }
0x92: {  	_ =	strace s18  }
0x93: {  	s3 =	sld [smem:$0x3FFC];
	_ =	sdelay $0x3  }
0x94: {  	_ =	strace s3  }
0x95: {  	s3 =	sld [smem:$0x3FFD];
	_ =	sdelay $0x3  }
0x96: {  	_ =	strace s3  }
0x97: {  	_ =	strace $0x8FFFFFFF  }
0x98: {  	s19 =	sld [smem:$0x3FDB];
	_ =	sdelay $0x1  }
0x99: {  	s4 =	simm.s32 $_scs_section_size  }
0x9a: {  	s5 =	simm.s32 $_size__tile_overlayer_lowered;
	s6 =	simm.s32 $_tile_overlayer_lowered  }
0x9b: {  	s22 =	simm.s32 $0x1BFF;
	s21 =	sshll.u32 s6, $0x1;
	s3 =	sadd.s32 s4, s19  }
0x9c: {  	s7 =	simm.s32 $0x0;
	s20 =	sshll.u32 s5, $0x1;
	s5 =	sadd.s32 s21, s3  }
0x9d: {  	[timem:s7], [sflag:s22] =	dma.local [hbm:s5], s20  }
0x9e: {  	_ =	swait.ge [sflag:s22], s20  }
0x9f: {  	s4 =	ssub.s32 $0x0, s20;
	[sflag:s22] =	ssyncset.done $0x0  }
0xa0: {  	[sflag:s22] =	ssyncadd.s32 s4;
	_ =	sdelay $0x1  }
0xa1: {  	s23 =	simm.s32 $0x1B8B  }
0xa2: {  	_ =	swait.ge [sflag:s23], $0x1  }
0xa3: {  	[sflag:s23] =	ssyncset.done $0x0  }
0xa4: {  	s25 =	simm.s32 $0x1B8E;
	s24 =	sld [smem:$0x3FFE];
	[sflag:s23] =	ssyncadd.s32 $0xFFFFFFFF  }
0xa5: {  	s26 =	simm.s32 $execute0_lowered;
	[smem:$0x3FD2] =	sst s25  }
0xa6: {  	s5 =	sshll.u32 s26, $0x1;
	_ =	strace $0x80000046;
	[dreg:$0x1] =	wrdreg $0xFFFFFFFF  }
0xa7: {  	s28 =	simm.s32 $_size_execute0_lowered;
	s3 =	sadd.s32 s3, s5;
	[dreg:$0x0] =	wrdreg $0x0  }
0xa8: {  	s5 =	sshll.u32 s28, $0x1;
	[dreg:$0x2] =	wrdreg s3  }
0xa9: {  	[dreg:$0x3] =	wrdreg s5  }
0xaa: {  	[dreg:$0x4] =	wrdreg $0xC0  }
0xab: {  	_ =	task [dreg:s7], $0x5FFFF  }
0xac: {  	[dreg:$0x1] =	wrdreg $0xFFFFFFFF  }
0xad: {  	[dreg:$0x0] =	wrdreg $0x60  }
0xae: {  	[dreg:$0x2] =	wrdreg s24  }
0xaf: {  	[dreg:$0x3] =	wrdreg s2  }
0xb0: {  	[dreg:$0x4] =	wrdreg $0x56800  }
0xb1: {  	[dreg:$0x5] =	wrdreg $0x9  }
0xb2: {  	_ =	task.clear_ibuf [dreg:s7], $0x6FFFF;
	_ =	strace $0x90000046  }
0xb3: {  	s29 =	simm.s32 $0x9;
	_ =	strace $0x80000048  }
0xb4: {  	_ =	swait.ge [sflag:s29], $0x1  }
0xb5: {  	[sflag:s29] =	ssyncadd.s32 $0xFFFFFFFF  }
0xb6: {  	_ =	strace $0x90000048  }
0xb7: {  	_ =	sfence  }
0xb8: {  	s30 =	sld [smem:$0x0];
	_ =	sdelay $0x2  }
0xb9: {  	s31 =	sshll.u32 s1, $0xD;
	s1 =	sshrl.u32 s1, $0x2  }
0xba: {  	s3 =	sand.u32 $0x4000, s31;
	s1 =	sadd.s32 s1, s30  }
0xbb: {  	s0 =	sor.u32 s3, s0;
	s1 =	sshll.u32 s1, $0x11  }
0xbc: {  	s0 =	sor.u32 s1, s0  }
0xbd: {  	s0 =	sadd.s32 $0x8F2B, s0  }
0xbe: {  	[sflag:s0] =	ssyncadd.remote.s32 $0x1  }
0xbf: {  	_ =	sfence.sel $0xFFFF  }
0xc0: {  	[dreg:$0x0] =	wrdreg $0xFFFFFFFF;
	(pc) =	sbr.abs _section_cstart, $3  }
0xc1: {  	[dreg:$0x1] =	wrdreg $0xFFFFFFFF  }
0xc2: {  	_ =	task.clear_ibuf [dreg:s7], $0x2FFFF;
	_ =	strace $0x9FFFFFFF  }
0xc3: {  	(tm) =	ssettm $0x7FFFFFFF  }
tec
execute0_lowered:
.L_overlay_start_1:
0x0: {  	(tag) =	ssettag $0x1  }
0x1: {  	s5 =	rddreg [dreg:$0x0]  }
0x2: {  	s7 =	rddreg [dreg:$0x1]  }
0x3: {  	s2 =	rddreg [dreg:$0x2]  }
0x4: {  	s0 =	rddreg [dreg:$0x3];
	s1 =	stileid.u32  }
0x5: {  	s3 =	simm.s32 $0x0;
	s6 =	srdreg.scid;
	s13 =	simm.s32 $0x3  }
0x6: {  	s14 =	simm.s32 $0x4E80;
	s17 =	simm.s32 $0x80;
	s18 =	simm.s32 $0x1  }
0x7: {  	s19 =	simm.s32 $0x2;
	s20 =	simm.s32 $0x0;
	s4 =	smul.u32 $0x9D0, s1  }
0x8: {  	[smem:$0x7FF] =	sst s3;
	s12 =	sand.u32 $0x1, s6;
	s8 =	smul.u32 $0x2780, s1  }
0x9: {  	s15 =	sshll.u32 s1, $0x6;
	_ =	strace $0x80000047;
	s6 =	ssub.s32 $0x2, s12  }
0xa: {  	s9 =	smul.u32 $0x27800, s12;
	s15 =	sor.u32 $0x1C03, s15;
	s10 =	sadd.s32 s4, s5  }
0xb: {  	s4 =	sadd.s32 $0xC200, s5;
	s11 =	sshrl.u32 s6, $0x1;
	s5 =	sadd.s32 $0xC000, s5  }
0xc: {  	s16 =	sadd.s32 s8, s2;
	s11 =	ssub.s32 s6, s11;
	s9 =	sadd.s32 s8, s9  }
0xd: {  	s6 =	sadd.s32 $0x2200, s10;
	s16 =	sshrl.u32 s16, $0x3;
	s31 =	sshrl.u32 s9, $0x3  }
0xe: {  	s8 =	smax.u32 s11, $0x1;
	s9 =	sshll.u32 s12, $0x7;
	s12 =	sor.u32 $0x4, s12  }
0xf: {  	s7 =	sadd.s32 s7, s31;
	s10 =	sor.u32 $0x100, s9;
	s11 =	sor.u32 $0x200, s9  }
.LBB2_1:
0x10: {  	[tilespmem:s3], [sflag:$0x3] =	stream.linear.gather [hbm4b:s6+s3], $0x4E80, $0x38;
	[tilespmem:$0x7E00] =	vst v63  }
0x11: {  	_ =	swait.ge [sflag:s13], $0x4E80  }
0x12: {  	[sflag:s13] =	ssyncset.done $0x0  }
0x13: {  	[sflag:s13] =	ssyncadd.s32 $0xFFFFB180  }
0x14: {  	[tilespmem:s14], [sflag:$0x3] =	stream.linear.gather [hbm4b:s5+s3], $0x800, $0x38;
	[tilespmem:$0x7E00] =	vst v63  }
0x15: {  	_ =	swait.ge [sflag:s13], $0x800  }
0x16: {  	[sflag:s13] =	ssyncset.done $0x0  }
0x17: {  	p0 =	sgt.u32 s12, $0x9C;
	[sflag:s13] =	ssyncadd.s32 $0xFFFFF800  }
0x18: {  	[spmem:s16], [sflag:s15] =	dma.local [hbm:s4], $0x4F0  }
0x19: {  	p0 =	por p0, p0;
	_ =	swait.ge [sflag:s13], $0x4F0  }
0x1a: {  	s21 =	sand.u32 @!p0 $0x1, s19;
	[sflag:s13] =	ssyncset.done $0x0  }
0x1b: {  	s22 =	simm.s32 $0x3;
	p1 =	seq.s32 @!p0 s21, $0x1;
	[sflag:s13] =	ssyncadd.s32 $0xFFFFFB10  }
0x1c: {  	s25 =	simm.s32 @!p0 $0x2;
	p1 =	por !p1, p0;
	[bflag:$0x0] =	sbarrier.arrive $0xFFFF  }
0x1d: {  	[spmem:s2] =	stream.indirect.scatter.add.f32 [tilespmem:s14], [sflag:$0x1], $0x10, s9, s17, $0xb8;
	[tilespmem:$0x7E00] =	vst v63  }
0x1e: {  	s24 =	sadd.s32 $0x2, s12;
	s23 =	simm.s32 $0x4;
	s25 =	simm.s32 @p1 $0x1  }
0x1f: {  	[spmem:s2] =	stream.indirect.scatter.add.f32 [tilespmem:s14], [sflag:$0x2], $0x10, s10, s17, $0xb8;
	[tilespmem:$0x7E00] =	vst v63  }
0x20: {  	s26 =	smov.u32 s11;
	s28 =	simm.s32 @!p0 $0x4E80;
	_ =	swait.ge @!p0 [sflag:s25], $0x800  }
0x21: {  	s29 =	simm.s32 @!p0 $0x80;
	s21 =	sadd.s32 $0x100, s11;
	[sflag:s25] =	ssyncset.done @!p0 $0x0  }
0x22: {  	p1 =	sgt.u32 s24, $0x9C;
	s24 =	sadd.s32 $0x2, s24;
	[sflag:s25] =	ssyncadd.s32 @!p0 $0xFFFFF800  }
.LBB2_2:
0x23: {  	[spmem:s2] =	stream.indirect.scatter.add.f32 @!p0 [tilespmem:s28], [sflag:s25], $0x10, s26, s29, $0xb8;
	[tilespmem:$0x7E00] =	vst v63  }
0x24: {  	s25 =	smov.u32 s23;
	s26 =	smov.u32 s21;
	p0 =	por p1, p1  }
0x25: {  	p1 =	sgt.u32 s24, $0x9C;
	s23 =	sadd.s32 $0x1, s23;
	s22 =	sand.u32 @!p0 $0x1, s22  }
0x26: {  	p2 =	sne.s32 s23, $0x4F;
	p3 =	seq.s32 @!p0 s22, $0x1;
	s22 =	smov.u32 s25  }
.Ltmp0:
0x27: {  	s25 =	simm.s32 @!p0 $0x2;
	p3 =	por !p3, p0;
	(pc) =	sbr.rel @p2 .LBB2_2-.Ltmp0, $4  }
0x28: {  	s25 =	simm.s32 @p3 $0x1  }
0x29: {  	_ =	swait.ge @!p0 [sflag:s25], $0x800  }
0x2a: {  	s21 =	sadd.s32 $0x100, s21;
	s28 =	simm.s32 @!p0 $0x4E80;
	[sflag:s25] =	ssyncset.done @!p0 $0x0  }
0x2b: {  	s24 =	sadd.s32 $0x2, s24;
	s29 =	simm.s32 @!p0 $0x80;
	[sflag:s25] =	ssyncadd.s32 @!p0 $0xFFFFF800  }
0x2c: {  	[spmem:s2] =	stream.indirect.scatter.add.f32 @!p0 [tilespmem:s28], [sflag:s25], $0x10, s26, s29, $0xb8;
	[tilespmem:$0x7E00] =	vst v63  }
0x2d: {  	p0 =	por p1, p1  }
0x2e: {  	s22 =	sand.u32 @!p0 $0x1, s22  }
0x2f: {  	p1 =	seq.s32 @!p0 s22, $0x1  }
0x30: {  	s22 =	simm.s32 @!p0 $0x2;
	p1 =	por !p1, p0  }
0x31: {  	s22 =	simm.s32 @p1 $0x1  }
0x32: {  	_ =	swait.ge @!p0 [sflag:s22], $0x800  }
0x33: {  	[sflag:s22] =	ssyncset.done @!p0 $0x0  }
0x34: {  	s23 =	simm.s32 @!p0 $0x4E80;
	s24 =	simm.s32 @!p0 $0x80;
	[sflag:s22] =	ssyncadd.s32 @!p0 $0xFFFFF800  }
0x35: {  	[spmem:s2] =	stream.indirect.scatter.add.f32 @!p0 [tilespmem:s23], [sflag:s22], $0x10, s21, s24, $0xb8;
	[tilespmem:$0x7E00] =	vst v63  }
0x36: {  	_ =	swait.ge [sflag:s18], $0x800  }
0x37: {  	[sflag:s18] =	ssyncset.done $0x0  }
0x38: {  	[sflag:s18] =	ssyncadd.s32 $0xFFFFF800  }
0x39: {  	_ =	swait.ge [sflag:s19], $0x800  }
0x3a: {  	s20 =	sadd.s32 $0x1, s20;
	[sflag:s19] =	ssyncset.done $0x0  }
0x3b: {  	p0 =	sne.s32 s20, s8;
	[sflag:s19] =	ssyncadd.s32 $0xFFFFF800  }
.Ltmp1:
0x3c: {  	[bflag:$0x0] =	sbarrier.arrive $0xFFFF;
	(pc) =	sbr.rel @p0 .LBB2_1-.Ltmp1, $4  }
0x3d: {  	[hbm:s7], [sflag:s15] =	dma.local [spmem:s16], $0x4F0  }
0x3e: {  	_ =	swait.ge [sflag:s13], $0x4F0  }
0x3f: {  	[sflag:s13] =	ssyncset.done $0x0  }
0x40: {  	[sflag:s13] =	ssyncadd.s32 $0xFFFFFB10  }
0x41: {  	_ =	sfence.sel $0x180000  }
0x42: {  	[bflag:$0x0] =	sbarrier.arrive $0xFFFF  }
0x43: {  	p0 =	sne.s32 s1, $0x0;
	_ =	strace $0x90000047  }
0x44: {  	s0 =	sadd.s32 @!p0 $0x100000, s0;
	[bflag:$0x2] =	sbarrier.arrive $0xFFFF  }
0x45: {  	[sflag:s0] =	ssyncadd.tile.s32 @!p0 $0x1;
	_ =	shalt  }
.Lfunc_end2:
_tile_overlayer_lowered:
.L_overlay_start_2:
0x46: {  	(tag) =	ssettag $0x2  }
0x47: {  	s0 =	rddreg [dreg:$0x0];
	s2 =	stileid.u32  }
0x48: {  	s1 =	rddreg [dreg:$0x1];
	p0 =	sne.s32 s2, $0x0  }
0x49: {  	s3 =	rddreg [dreg:$0x2];
	[bflag:$0x3] =	sbarrier.arrive $0xFFFF;
	s2 =	simm.s32 @!p0 $0x1C03  }
0x4a: {  	[timem:s3], [sflag:s2] =	dma.local @!p0 [hbm:s0], s1  }
0x4b: {  	s0 =	simm.s32 @!p0 $0x3  }
0x4c: {  	_ =	swait.ge @!p0 [sflag:s0], s1  }
0x4d: {  	s1 =	ssub.s32 @!p0 $0x0, s1;
	[sflag:s0] =	ssyncset.done @!p0 $0x0  }
0x4e: {  	[sflag:s0] =	ssyncadd.s32 @!p0 s1  }
0x4f: {  	[bflag:$0x3] =	sbarrier.arrive $0xFFFF  }
0x50: {  	_ =	shalt  }

</sc_bundles>
